<compile_context>
chip_gen: v7x
topology: tpu7x:2x2x1
jax: 0.10.2.dev20260603
libtpu: 0.0.44.dev20260713+nightly
codegen_flags: <defaults>
</compile_context>

<pallas_src>
import functools

import jax
import jax.numpy as jnp
import numpy as np
from jax import lax
from jax.experimental import pallas as pl
from jax.experimental.pallas import tpu as pltpu
from jax.experimental.pallas import tpu_sc as plsc

_NUM_CLASSES = 16
_IMBALANCE_RATIO = 4.0
_T = 4194304

_WORKERS = 32
_PER_W = _T // _WORKERS
_CH = 8192
_NCH = _PER_W // _CH
_L = 16
_CAP = 16384


def _rank_constants():
    r = _IMBALANCE_RATIO ** (1.0 / (_NUM_CLASSES - 1))
    p = [r**i for i in range(_NUM_CLASSES)]
    s = sum(p)
    p = [x / s for x in p]
    p.reverse()
    cp = np.cumsum(np.asarray(p[:-1], np.float32), dtype=np.float32)
    return [int(v) for v in (cp * np.float32(_T)).astype(np.int32)]

_RANKS = _rank_constants()

_sc_mesh = plsc.VectorSubcoreMesh(core_axis_name="c", subcore_axis_name="s")
_sc_params = pltpu.CompilerParams(needs_layout_passes=False)


def _zero_ref(ref, n):
    z = jnp.zeros((_L,), jnp.int32)

    @plsc.parallel_loop(0, n // _L, unroll=8)
    def body(i):
        ref[pl.ds(i * _L, _L)] = z


@functools.partial(
    pl.kernel,
    out_type=jax.ShapeDtypeStruct((_WORKERS, 65536), jnp.int32),
    mesh=_sc_mesh,
    scratch_types=[pltpu.VMEM((_CH,), jnp.float32),
                   pltpu.VMEM((65536,), jnp.int32)],
    compiler_params=_sc_params,
)
def _hist1(x_hbm, o_hbm, xb, tab):
    wid = lax.axis_index("s") * 2 + lax.axis_index("c")
    _zero_ref(tab, 65536)
    ones = jnp.ones((_L,), jnp.int32)
    base = wid * _PER_W

    def chunk(c, _):
        pltpu.sync_copy(x_hbm.at[pl.ds(base + c * _CH, _CH)], xb)

        @plsc.parallel_loop(0, _CH // _L, unroll=8)
        def vbody(i):
            r = plsc.bitcast(xb[pl.ds(i * _L, _L)], jnp.int32)
            bucket = lax.shift_right_logical(r, 16)
            plsc.addupdate_scatter(tab, [bucket], ones)

        return 0

    lax.fori_loop(0, _NCH, chunk, 0)
    pltpu.sync_copy(tab, o_hbm.at[wid])


@functools.partial(
    pl.kernel,
    out_type=[jax.ShapeDtypeStruct((_WORKERS, 4096), jnp.int32),
              jax.ShapeDtypeStruct((_WORKERS, 16), jnp.int32),
              jax.ShapeDtypeStruct((_WORKERS, _CAP), jnp.int32)],
    mesh=_sc_mesh,
    scratch_types=[pltpu.VMEM((_CH,), jnp.float32),
                   pltpu.VMEM((65536,), jnp.int32),
                   pltpu.VMEM((4096,), jnp.int32),
                   pltpu.VMEM((_CAP + _L,), jnp.int32),
                   pltpu.VMEM((_L,), jnp.int32)],
    compiler_params=_sc_params,
)
def _hist2(x_hbm, lut_hbm, o_hbm, cnt_hbm, cand_hbm, xb, lut, tab, cand,
           cntv):
    wid = lax.axis_index("s") * 2 + lax.axis_index("c")
    pltpu.sync_copy(lut_hbm, lut)
    _zero_ref(tab, 4096)
    ones = jnp.ones((_L,), jnp.int32)
    base = wid * _PER_W

    def chunk(c, cnt):
        pltpu.sync_copy(x_hbm.at[pl.ds(base + c * _CH, _CH)], xb)

        @plsc.parallel_loop(0, _CH // _L, unroll=8, carry=cnt)
        def vbody(i, cnt):
            r = plsc.bitcast(xb[pl.ds(i * _L, _L)], jnp.int32)
            lutv = plsc.load_gather(lut, [lax.shift_right_logical(r, 16)])
            m = lutv > 0
            mono16 = (r ^ lax.shift_right_arithmetic(r, 31)) & 0xFFFF
            w = lutv | mono16
            plsc.addupdate_scatter(tab, [lax.shift_right_logical(w, 8)],
                                   ones, mask=m)
            off = jnp.minimum(cnt, jnp.int32(_CAP))
            plsc.store_compressed(cand.at[pl.ds(off, _L)], w, mask=m)
            return cnt + jnp.sum(m.astype(jnp.int32))

        return vbody

    cnt = lax.fori_loop(0, _NCH, chunk, jnp.int32(0))
    pltpu.sync_copy(tab, o_hbm.at[wid])
    cntv[...] = jnp.full((_L,), cnt, jnp.int32)
    pltpu.sync_copy(cntv, cnt_hbm.at[wid])

    nch = (jnp.minimum(cnt, jnp.int32(_CAP)) + (_CH - 1)) // _CH

    def wout(c, _):
        pltpu.sync_copy(cand.at[pl.ds(c * _CH, _CH)],
                        cand_hbm.at[wid, pl.ds(c * _CH, _CH)])
        return 0

    lax.fori_loop(0, nch, wout, 0)


@functools.partial(
    pl.kernel,
    out_type=jax.ShapeDtypeStruct((_WORKERS, 4096), jnp.int32),
    mesh=_sc_mesh,
    scratch_types=[pltpu.VMEM((_CH,), jnp.int32),
                   pltpu.VMEM((_L,), jnp.int32),
                   pltpu.VMEM((4096,), jnp.int32),
                   pltpu.VMEM((4096,), jnp.int32),
                   pltpu.VMEM((_CH,), jnp.float32),
                   pltpu.VMEM((65536,), jnp.int32)],
    compiler_params=_sc_params,
)
def _hist3(cand_hbm, cnt_hbm, lut2_hbm, x_hbm, lut_hbm, o_hbm,
           cb, cntv, lut2, tab, xb, lut):
    wid = lax.axis_index("s") * 2 + lax.axis_index("c")
    pltpu.sync_copy(lut2_hbm, lut2)
    _zero_ref(tab, 4096)
    pltpu.sync_copy(cnt_hbm.at[wid], cntv)
    cnt = cntv[...][0]
    ones = jnp.ones((_L,), jnp.int32)
    lane = lax.broadcasted_iota(jnp.int32, (_L,), 0)

    def cand_path():
        nch = (cnt + (_CH - 1)) // _CH

        def chunk(c, _):
            pltpu.sync_copy(cand_hbm.at[wid, pl.ds(c * _CH, _CH)], cb)
            cbase = c * _CH

            @plsc.parallel_loop(0, _CH // _L, unroll=8)
            def vbody(i):
                w = cb[pl.ds(i * _L, _L)]
                lm = (cbase + i * _L + lane) < cnt
                v256 = plsc.load_gather(
                    lut2, [lax.shift_right_logical(w, 8) & 0xFFF])
                plsc.addupdate_scatter(tab, [v256 + (w & 0xFF)], ones, mask=lm)

            return 0

        lax.fori_loop(0, nch, chunk, 0)

    def full_path():
        pltpu.sync_copy(lut_hbm, lut)
        base = wid * _PER_W

        def chunk(c, _):
            pltpu.sync_copy(x_hbm.at[pl.ds(base + c * _CH, _CH)], xb)

            @plsc.parallel_loop(0, _CH // _L, unroll=8)
            def vbody(i):
                r = plsc.bitcast(xb[pl.ds(i * _L, _L)], jnp.int32)
                lutv = plsc.load_gather(
                    lut, [lax.shift_right_logical(r, 16)])
                m = lutv > 0
                mono16 = (r ^ lax.shift_right_arithmetic(r, 31)) & 0xFFFF
                w = lutv | mono16
                v256 = plsc.load_gather(
                    lut2, [lax.shift_right_logical(w, 8) & 0xFFF])
                plsc.addupdate_scatter(tab, [v256 + (w & 0xFF)], ones, mask=m)

            return 0

        lax.fori_loop(0, _NCH, chunk, 0)

    lax.cond(cnt <= _CAP, cand_path, full_path)
    pltpu.sync_copy(tab, o_hbm.at[wid])


def _tri_le(n):
    a = lax.broadcasted_iota(jnp.int32, (n, n), 0)
    b = lax.broadcasted_iota(jnp.int32, (n, n), 1)
    return (a <= b).astype(jnp.float32)


def _rev_mat(n):
    a = lax.broadcasted_iota(jnp.int32, (n, n), 0)
    b = lax.broadcasted_iota(jnp.int32, (n, n), 1)
    return (a + b == n - 1).astype(jnp.float32)


def _find1_body(hist_ref, lut_ref, meta_ref):
    hraw = jnp.sum(hist_ref[...].astype(jnp.float32), axis=0)
    neg = jnp.dot(jnp.dot(_rev_mat(256), hraw[256:, :],
                          preferred_element_type=jnp.float32,
                          precision=lax.Precision.HIGHEST),
                  _rev_mat(128), preferred_element_type=jnp.float32,
                  precision=lax.Precision.HIGHEST)
    h = jnp.concatenate([neg, hraw[:256, :]], axis=0)
    rowcum = jnp.dot(h, _tri_le(128), preferred_element_type=jnp.float32,
                     precision=lax.Precision.HIGHEST)
    srow = rowcum[:, 127:128]
    a = lax.broadcasted_iota(jnp.int32, (512, 512), 0)
    b = lax.broadcasted_iota(jnp.int32, (512, 512), 1)
    strict = (b < a).astype(jnp.float32)
    coarse = jnp.dot(strict, srow, preferred_element_type=jnp.float32,
                     precision=lax.Precision.HIGHEST)
    cum = rowcum + coarse

    bs, rs, firsts = [], [], []
    prev_b = None
    for k in _RANKS:
        le = (cum <= float(k)).astype(jnp.float32)
        bj = jnp.sum(le).astype(jnp.int32)
        cumexcl = jnp.max(cum * le)
        rj = jnp.int32(k) - cumexcl.astype(jnp.int32)
        bs.append(bj)
        rs.append(rj)
        firsts.append(jnp.int32(1) if prev_b is None
                      else (bj != prev_b).astype(jnp.int32))
        prev_b = bj
    uplus = []
    acc = jnp.int32(0)
    for f in firsts:
        acc = acc + f
        uplus.append(acc)

    gi = lax.broadcasted_iota(jnp.int32, (512, 128), 0)
    gj = lax.broadcasted_iota(jnp.int32, (512, 128), 1)
    g = gi * 128 + gj
    eq_any = jnp.zeros((512, 128), jnp.bool_)
    lev = jnp.zeros((512, 128), jnp.int32)
    for j in range(15):
        eq_any = eq_any | (g == bs[j])
        lev = lev + firsts[j] * (g >= bs[j]).astype(jnp.int32)
    lut_s = jnp.where(eq_any, lev * 65536, 0)
    flipped = jnp.dot(
        jnp.dot(_rev_mat(256), lut_s[:256, :].astype(jnp.float32),
                preferred_element_type=jnp.float32,
                precision=lax.Precision.HIGHEST),
        _rev_mat(128), preferred_element_type=jnp.float32,
        precision=lax.Precision.HIGHEST).astype(jnp.int32)
    lut_ref[...] = jnp.concatenate([lut_s[256:, :], flipped], axis=0)

    ri = lax.broadcasted_iota(jnp.int32, (8, 128), 0)
    ci = lax.broadcasted_iota(jnp.int32, (8, 128), 1)
    meta = jnp.zeros((8, 128), jnp.int32)
    for j in range(15):
        cj = (ci == j)
        meta = meta + jnp.where((ri == 0) & cj, rs[j], 0)
        meta = meta + jnp.where((ri == 1) & cj, uplus[j], 0)
        meta = meta + jnp.where((ri == 2) & cj, bs[j], 0)
    meta_ref[...] = meta


def _rows16(hist_ref):
    hsum = jnp.sum(hist_ref[...].astype(jnp.float32), axis=0, keepdims=True)
    rows = [lax.slice(hsum, (0, j * 256), (1, (j + 1) * 256))
            for j in range(16)]
    return jnp.concatenate(rows, axis=0)


def _find2_body(hist_ref, meta_ref, lut2_ref, meta2_ref):
    h = _rows16(hist_ref)
    cum = jnp.dot(h, _tri_le(256), preferred_element_type=jnp.float32,
                  precision=lax.Precision.HIGHEST)
    rowid = lax.broadcasted_iota(jnp.int32, (16, 256), 0)

    ss, r2s, firsts, pairids = [], [], [], []
    prev_pair = None
    for j in range(15):
        rj = meta_ref[0, j]
        uj = meta_ref[1, j]
        rm = (rowid == uj).astype(jnp.float32)
        cumsel = cum * rm
        le = (cumsel <= rj.astype(jnp.float32)).astype(jnp.float32) * rm
        sj = jnp.sum(le).astype(jnp.int32)
        cumexcl = jnp.max(cumsel * le)
        r2j = rj - cumexcl.astype(jnp.int32)
        pairj = uj * 256 + sj
        ss.append(sj)
        r2s.append(r2j)
        pairids.append(pairj)
        firsts.append(jnp.int32(1) if prev_pair is None
                      else (pairj != prev_pair).astype(jnp.int32))
        prev_pair = pairj
    vplus = []
    acc = jnp.int32(0)
    for f in firsts:
        acc = acc + f
        vplus.append(acc)

    colid = lax.broadcasted_iota(jnp.int32, (16, 256), 1)
    g = rowid * 256 + colid
    eq_any = jnp.zeros((16, 256), jnp.bool_)
    lev = jnp.zeros((16, 256), jnp.int32)
    for j in range(15):
        eq_any = eq_any | (g == pairids[j])
        lev = lev + firsts[j] * (g >= pairids[j]).astype(jnp.int32)
    lut2_ref[...] = jnp.where(eq_any, lev * 256, 0)

    ri = lax.broadcasted_iota(jnp.int32, (8, 128), 0)
    ci = lax.broadcasted_iota(jnp.int32, (8, 128), 1)
    meta2 = jnp.zeros((8, 128), jnp.int32)
    for j in range(15):
        cj = (ci == j)
        meta2 = meta2 + jnp.where((ri == 0) & cj, r2s[j], 0)
        meta2 = meta2 + jnp.where((ri == 1) & cj, vplus[j], 0)
        meta2 = meta2 + jnp.where((ri == 2) & cj, meta_ref[2, j], 0)
        meta2 = meta2 + jnp.where((ri == 3) & cj, ss[j], 0)
    meta2_ref[...] = meta2


def _find3_body(hist_ref, meta2_ref, bnd_ref):
    h = _rows16(hist_ref)
    cum = jnp.dot(h, _tri_le(256), preferred_element_type=jnp.float32,
                  precision=lax.Precision.HIGHEST)
    rowid = lax.broadcasted_iota(jnp.int32, (16, 256), 0)

    ci = lax.broadcasted_iota(jnp.int32, (1, 128), 1)
    keyvec = jnp.zeros((1, 128), jnp.int32)
    for j in range(15):
        r2j = meta2_ref[0, j]
        vj = meta2_ref[1, j]
        bj = meta2_ref[2, j]
        sj = meta2_ref[3, j]
        rm = (rowid == vj).astype(jnp.float32)
        cumsel = cum * rm
        le = (cumsel <= r2j.astype(jnp.float32)).astype(jnp.float32) * rm
        fj = jnp.sum(le).astype(jnp.int32)
        keyj = (bj - 32768) * 65536 + sj * 256 + fj
        keyvec = keyvec + jnp.where(ci == j, keyj, 0)
    neg = lax.shift_right_arithmetic(keyvec, 31)
    fbits = keyvec ^ (neg & 0x7FFFFFFF)
    bnd_ref[...] = lax.bitcast_convert_type(fbits, jnp.float32)


def _classify_body(x_ref, bnd_ref, o_ref):
    xb = x_ref[...]
    acc = jnp.zeros(xb.shape, jnp.int32)
    for j in range(15):
        acc = acc + (xb > bnd_ref[0, j]).astype(jnp.int32)
    o_ref[...] = acc


def kernel(input):
    x = input
    assert x.shape == (_T,) and x.dtype == jnp.float32

    h1 = _hist1(x)
    lut16, meta = pl.pallas_call(
        _find1_body,
        out_shape=[jax.ShapeDtypeStruct((512, 128), jnp.int32),
                   jax.ShapeDtypeStruct((8, 128), jnp.int32)],
    )(h1.reshape(_WORKERS, 512, 128))

    h2, cnts, cand = _hist2(x, lut16.reshape(65536))
    lut2, meta2 = pl.pallas_call(
        _find2_body,
        out_shape=[jax.ShapeDtypeStruct((16, 256), jnp.int32),
                   jax.ShapeDtypeStruct((8, 128), jnp.int32)],
    )(h2, meta)

    h3 = _hist3(cand, cnts, lut2.reshape(4096), x, lut16.reshape(65536))
    bnd = pl.pallas_call(
        _find3_body,
        out_shape=jax.ShapeDtypeStruct((1, 128), jnp.float32),
    )(h3, meta2)

    rows, cols = 4096, 1024
    block = 512
    classes = pl.pallas_call(
        _classify_body,
        grid=(rows // block,),
        in_specs=[pl.BlockSpec((block, cols), lambda i: (i, 0)),
                  pl.BlockSpec((1, 128), lambda i: (0, 0))],
        out_specs=pl.BlockSpec((block, cols), lambda i: (i, 0)),
        out_shape=jax.ShapeDtypeStruct((rows, cols), jnp.int32),
    )(x.reshape(rows, cols), bnd)
    return classes.reshape(_T)

# --- scband reference (transcript-rebuilt; emitter-appended) ---
"""Pipeline reference for scband-imbalanced-multiclass-assigner-15917148799804 (READ-ONLY COPY).

The authoritative reference and input builder live on the scoring server;
editing this copy changes nothing except your own understanding.
"""

import jax, jax.numpy as jnp
import numpy as np

NUM_CLASSES = 16
IMBALANCE_RATIO = 4.0
T = 4194304


def _calculate_imbalanced_proportions():
    if IMBALANCE_RATIO == 1.0:
        return [1.0 / NUM_CLASSES] * NUM_CLASSES
    r = IMBALANCE_RATIO ** (1.0 / (NUM_CLASSES - 1))
    proportions = [r ** i for i in range(NUM_CLASSES)]
    total = sum(proportions)
    proportions = [p / total for p in proportions]
    proportions.reverse()
    return proportions


def setup_inputs(seed: int = 0) -> dict:
    key = jax.random.key(seed)
    x = jax.random.normal(key, (T,), dtype=jnp.float32)
    return {"input": x}


def reference(input):
    t = input.shape[0]
    proportions = _calculate_imbalanced_proportions()
    # mode == 'rank'
    sorted_input = jnp.sort(input)
    cumulative_props = jnp.cumsum(jnp.asarray(proportions[:-1], dtype=jnp.float32))
    boundary_indices = (cumulative_props * t).astype(jnp.int64 if jax.config.jax_enable_x64 else jnp.int32)
    boundaries = jnp.take(sorted_input, boundary_indices)
    classes = (input[:, None] > boundaries[None, :]).sum(axis=1)
    return classes

if __name__ == "__main__":
    import jax
    _d = setup_inputs()
    print(jax.jit(kernel)(*tuple(_d.values())))

</pallas_src>

<mosaic_0001>
#map = affine_map<(d0, d1) -> (0, 0)>
#map1 = affine_map<(d0, d1) -> (0)>
module attributes {stable_mosaic.version = 14 : i64} {
  func.func @_hist3(%arg0: i32, %arg1: i32, %arg2: memref<32x16384xi32, #tpu.memory_space<hbm>>, %arg3: memref<32x16xi32, #tpu.memory_space<hbm>>, %arg4: memref<4096xi32, #tpu.memory_space<hbm>>, %arg5: memref<4194304xf32, #tpu.memory_space<hbm>>, %arg6: memref<65536xi32, #tpu.memory_space<hbm>>, %arg7: memref<32x4096xi32, #tpu.memory_space<hbm>>, %arg8: memref<8192xi32, #tpu.memory_space<vmem>>, %arg9: memref<16xi32, #tpu.memory_space<vmem>>, %arg10: memref<4096xi32, #tpu.memory_space<vmem>>, %arg11: memref<4096xi32, #tpu.memory_space<vmem>>, %arg12: memref<8192xf32, #tpu.memory_space<vmem>>, %arg13: memref<65536xi32, #tpu.memory_space<vmem>>) attributes {dimension_semantics = [#tpu.dimension_semantics<core_parallel>, #tpu.dimension_semantics<subcore_parallel>], iteration_bounds = array<i64: 2, 16>, scalar_prefetch = 0 : i64, scratch_operands = 6 : i64, tpu.core_type = #tpu.core_type<sc_vector_subcore>, window_params = [{transform_indices = #map}, {transform_indices = #map}, {transform_indices = #map1}, {transform_indices = #map1}, {transform_indices = #map1}, {transform_indices = #map}]} {
    %mul3A = arith.constant 2 : i32
    %mul3A_0 = arith.muli %arg1, %mul3A : i32
    %add3A = arith.addi %mul3A_0, %arg0 : i32
    "tpu.region"() ({
      %run_scoped3A = tpu.sem_alloc : memref<!tpu.dma_semaphore, #tpu.memory_space<semaphore_mem>>
      tpu.enqueue_dma source(%arg4 : memref<4096xi32, #tpu.memory_space<hbm>>) target(%arg10 : memref<4096xi32, #tpu.memory_space<vmem>>) target_semaphore(%run_scoped3A : memref<!tpu.dma_semaphore, #tpu.memory_space<semaphore_mem>>)
      tpu.wait_dma2 semaphore(%run_scoped3A : memref<!tpu.dma_semaphore, #tpu.memory_space<semaphore_mem>>) src(%arg4 : memref<4096xi32, #tpu.memory_space<hbm>>) dst(%arg10 : memref<4096xi32, #tpu.memory_space<vmem>>)
      tpu.yield
    }) : () -> ()
    %broadcast_in_dim3A = arith.constant 0 : i32
    %broadcast_in_dim3A_1 = vector.broadcast %broadcast_in_dim3A : i32 to vector<16xi32>
    %parallel_loop3A = arith.constant 0 : i32
    %parallel_loop3A_2 = arith.constant 256 : i32
    %parallel_loop3A_3 = arith.constant 1 : i32
    scf.for %parallel_loop3A_9 = %parallel_loop3A to %parallel_loop3A_2 step %parallel_loop3A_3  : i32 {
      %parallel_loop3A_10 = arith.constant 16 : i32
      %parallel_loop3A_11 = arith.muli %parallel_loop3A_9, %parallel_loop3A_10 : i32
      %parallel_loop3A_12 = arith.index_cast %parallel_loop3A_11 : i32 to index
      %parallel_loop3A_13 = tpu.vector_load %arg11[%parallel_loop3A_12] {strides = array<i32>} : memref<4096xi32, #tpu.memory_space<vmem>>, vector<16xi32>,
      tpu.vector_store %arg11[%parallel_loop3A_12], %broadcast_in_dim3A_1 {strides = array<i32>} : memref<4096xi32, #tpu.memory_space<vmem>>, vector<16xi32>,
    } {sc.loop_unroll_factor = 8 : i64, sc.parallel_access}
    "tpu.region"() ({
      %run_scoped3A = tpu.sem_alloc : memref<!tpu.dma_semaphore, #tpu.memory_space<semaphore_mem>>
      %dma_start3A = arith.constant 0 : i32
      %dma_start3A_9 = tpu.memref_slice %arg3[%add3A, %dma_start3A] : memref<32x16xi32, #tpu.memory_space<hbm>> -> memref<1x16xi32, #tpu.memory_space<hbm>>
      %dma_start3A_10 = tpu.memref_squeeze %dma_start3A_9 : memref<1x16xi32, #tpu.memory_space<hbm>> -> memref<16xi32, #tpu.memory_space<hbm>>
      %dma_start3A_11 = arith.constant 0 : i32
      %dma_start3A_12 = tpu.memref_slice %arg3[%add3A, %dma_start3A_11] : memref<32x16xi32, #tpu.memory_space<hbm>> -> memref<1x16xi32, #tpu.memory_space<hbm>>
      %dma_start3A_13 = tpu.memref_squeeze %dma_start3A_12 : memref<1x16xi32, #tpu.memory_space<hbm>> -> memref<16xi32, #tpu.memory_space<hbm>>
      tpu.enqueue_dma source(%dma_start3A_13 : memref<16xi32, #tpu.memory_space<hbm>>) target(%arg9 : memref<16xi32, #tpu.memory_space<vmem>>) target_semaphore(%run_scoped3A : memref<!tpu.dma_semaphore, #tpu.memory_space<semaphore_mem>>)
      %dma_wait3A = arith.constant 0 : i32
      %dma_wait3A_14 = tpu.memref_slice %arg3[%add3A, %dma_wait3A] : memref<32x16xi32, #tpu.memory_space<hbm>> -> memref<1x16xi32, #tpu.memory_space<hbm>>
      %dma_wait3A_15 = tpu.memref_squeeze %dma_wait3A_14 : memref<1x16xi32, #tpu.memory_space<hbm>> -> memref<16xi32, #tpu.memory_space<hbm>>
      %dma_wait3A_16 = arith.constant 0 : i32
      %dma_wait3A_17 = tpu.memref_slice %arg3[%add3A, %dma_wait3A_16] : memref<32x16xi32, #tpu.memory_space<hbm>> -> memref<1x16xi32, #tpu.memory_space<hbm>>
      %dma_wait3A_18 = tpu.memref_squeeze %dma_wait3A_17 : memref<1x16xi32, #tpu.memory_space<hbm>> -> memref<16xi32, #tpu.memory_space<hbm>>
      tpu.wait_dma2 semaphore(%run_scoped3A : memref<!tpu.dma_semaphore, #tpu.memory_space<semaphore_mem>>) src(%dma_wait3A_18 : memref<16xi32, #tpu.memory_space<hbm>>) dst(%arg9 : memref<16xi32, #tpu.memory_space<vmem>>)
      tpu.yield
    }) : () -> ()
    %get3A = arith.constant 0 : index
    %get3A_4 = tpu.vector_load %arg9[%get3A] {strides = array<i32>} : memref<16xi32, #tpu.memory_space<vmem>>, vector<16xi32>,
    %slice3A = vector.extract_strided_slice %get3A_4 {offsets = [0], sizes = [1], strides = [1]} : vector<16xi32> to vector<1xi32>
    %squeeze3A = vector.extract %slice3A[0] : i32 from vector<1xi32>
    %broadcast_in_dim3A_5 = arith.constant 1 : i32
    %broadcast_in_dim3A_6 = vector.broadcast %broadcast_in_dim3A_5 : i32 to vector<16xi32>
    %iota3A = tpu.iota {dimensions = array<i32: 0>} : vector<16xi32>
    %le3A = arith.constant 16384 : i32
    %le3A_7 = arith.cmpi sle, %squeeze3A, %le3A : i32
    %convert_element_type3A = arith.extui %le3A_7 : i1 to i32
    %cond3A = arith.constant 0 : i32
    %cond3A_8 = arith.cmpi ne, %convert_element_type3A, %cond3A : i32
    scf.if %cond3A_8 {
      %add3A_9 = arith.constant 8191 : i32
      %add3A_10 = arith.addi %squeeze3A, %add3A_9 : i32
      %jit3A = arith.constant 8192 : i32
      %div3A = arith.divsi %add3A_10, %jit3A : i32
      %sign3A = arith.constant 0 : i32
      %sign3A_11 = arith.cmpi sgt, %add3A_10, %sign3A : i32
      %sign3A_12 = arith.extui %sign3A_11 : i1 to i32
      %sign3A_13 = arith.constant 0 : i32
      %sign3A_14 = arith.cmpi slt, %add3A_10, %sign3A_13 : i32
      %sign3A_15 = arith.extui %sign3A_14 : i1 to i32
      %sign3A_16 = arith.subi %sign3A_12, %sign3A_15 : i32
      %sign3A_17 = arith.constant 0 : i32
      %sign3A_18 = arith.cmpi sgt, %jit3A, %sign3A_17 : i32
      %sign3A_19 = arith.extui %sign3A_18 : i1 to i32
      %sign3A_20 = arith.constant 0 : i32
      %sign3A_21 = arith.cmpi slt, %jit3A, %sign3A_20 : i32
      %sign3A_22 = arith.extui %sign3A_21 : i1 to i32
      %sign3A_23 = arith.subi %sign3A_19, %sign3A_22 : i32
      %ne3A = arith.cmpi ne, %sign3A_16, %sign3A_23 : i32
      %rem3A = arith.remsi %add3A_10, %jit3A : i32
      %ne3A_24 = arith.constant 0 : i32
      %ne3A_25 = arith.cmpi ne, %rem3A, %ne3A_24 : i32
      %and3A = arith.andi %ne3A, %ne3A_25 : i1
      %sub3A = arith.constant 1 : i32
      %sub3A_26 = arith.subi %div3A, %sub3A : i32
      %select_n3A = arith.select %and3A, %sub3A_26, %div3A : i32
      %while3A = arith.constant 0 : i32
      %while3A_27 = arith.constant 0 : i32
      %while3A_28 = arith.subi %select_n3A, %while3A : i32
      %while3A_29 = arith.addi %while3A, %while3A_28 : i32
      %while3A_30 = arith.constant 1 : i32
      %while3A_31 = arith.divsi %while3A_28, %while3A_30 : i32
      %while3A_32 = arith.muli %while3A_31, %while3A_30 : i32
      %while3A_33 = arith.addi %while3A, %while3A_32 : i32
      %while3A_34 = arith.constant 1 : i32
      %while3A_35 = scf.for %while3A_38 = %while3A to %while3A_33 step %while3A_34 iter_args(%while3A_39 = %while3A_27) -> (i32)  : i32 {
        %mul3A_40 = arith.constant 8192 : i32
        %mul3A_41 = arith.muli %while3A_38, %mul3A_40 : i32
        "tpu.region"() ({
          %run_scoped3A = tpu.sem_alloc : memref<!tpu.dma_semaphore, #tpu.memory_space<semaphore_mem>>
          %dma_start3A = tpu.memref_slice %arg2[%add3A, %mul3A_41] : memref<32x16384xi32, #tpu.memory_space<hbm>> -> memref<1x8192xi32, #tpu.memory_space<hbm>>
          %dma_start3A_48 = tpu.memref_squeeze %dma_start3A : memref<1x8192xi32, #tpu.memory_space<hbm>> -> memref<8192xi32, #tpu.memory_space<hbm>>
          %dma_start3A_49 = tpu.memref_slice %arg2[%add3A, %mul3A_41] : memref<32x16384xi32, #tpu.memory_space<hbm>> -> memref<1x8192xi32, #tpu.memory_space<hbm>>
          %dma_start3A_50 = tpu.memref_squeeze %dma_start3A_49 : memref<1x8192xi32, #tpu.memory_space<hbm>> -> memref<8192xi32, #tpu.memory_space<hbm>>
          tpu.enqueue_dma source(%dma_start3A_50 : memref<8192xi32, #tpu.memory_space<hbm>>) target(%arg8 : memref<8192xi32, #tpu.memory_space<vmem>>) target_semaphore(%run_scoped3A : memref<!tpu.dma_semaphore, #tpu.memory_space<semaphore_mem>>)
          %dma_wait3A = tpu.memref_slice %arg2[%add3A, %mul3A_41] : memref<32x16384xi32, #tpu.memory_space<hbm>> -> memref<1x8192xi32, #tpu.memory_space<hbm>>
          %dma_wait3A_51 = tpu.memref_squeeze %dma_wait3A : memref<1x8192xi32, #tpu.memory_space<hbm>> -> memref<8192xi32, #tpu.memory_space<hbm>>
          %dma_wait3A_52 = tpu.memref_slice %arg2[%add3A, %mul3A_41] : memref<32x16384xi32, #tpu.memory_space<hbm>> -> memref<1x8192xi32, #tpu.memory_space<hbm>>
          %dma_wait3A_53 = tpu.memref_squeeze %dma_wait3A_52 : memref<1x8192xi32, #tpu.memory_space<hbm>> -> memref<8192xi32, #tpu.memory_space<hbm>>
          tpu.wait_dma2 semaphore(%run_scoped3A : memref<!tpu.dma_semaphore, #tpu.memory_space<semaphore_mem>>) src(%dma_wait3A_53 : memref<8192xi32, #tpu.memory_space<hbm>>) dst(%arg8 : memref<8192xi32, #tpu.memory_space<vmem>>)
          tpu.yield
        }) : () -> ()
        %mul3A_42 = arith.constant 8192 : i32
        %mul3A_43 = arith.muli %while3A_38, %mul3A_42 : i32
        %parallel_loop3A_44 = arith.constant 0 : i32
        %parallel_loop3A_45 = arith.constant 512 : i32
        %parallel_loop3A_46 = arith.constant 1 : i32
        scf.for %parallel_loop3A_48 = %parallel_loop3A_44 to %parallel_loop3A_45 step %parallel_loop3A_46  : i32 {
          %parallel_loop3A_49 = arith.constant 16 : i32
          %parallel_loop3A_50 = arith.muli %parallel_loop3A_48, %parallel_loop3A_49 : i32
          %parallel_loop3A_51 = arith.index_cast %parallel_loop3A_50 : i32 to index
          %parallel_loop3A_52 = tpu.vector_load %arg8[%parallel_loop3A_51] {strides = array<i32>} : memref<8192xi32, #tpu.memory_space<vmem>>, vector<16xi32>,
          %parallel_loop3A_53 = arith.constant 16 : i32
          %parallel_loop3A_54 = arith.muli %parallel_loop3A_48, %parallel_loop3A_53 : i32
          %parallel_loop3A_55 = arith.addi %mul3A_43, %parallel_loop3A_54 : i32
          %parallel_loop3A_56 = vector.broadcast %parallel_loop3A_55 : i32 to vector<16xi32>
          %parallel_loop3A_57 = arith.addi %parallel_loop3A_56, %iota3A : vector<16xi32>
          %parallel_loop3A_58 = vector.broadcast %squeeze3A : i32 to vector<16xi32>
          %parallel_loop3A_59 = arith.cmpi slt, %parallel_loop3A_57, %parallel_loop3A_58 : vector<16xi32>
          %parallel_loop3A_60 = arith.constant 8 : i32
          %parallel_loop3A_61 = vector.broadcast %parallel_loop3A_60 : i32 to vector<16xi32>
          %parallel_loop3A_62 = arith.shrui %parallel_loop3A_52, %parallel_loop3A_61 : vector<16xi32>
          %parallel_loop3A_63 = arith.constant 4095 : i32
          %parallel_loop3A_64 = vector.broadcast %parallel_loop3A_63 : i32 to vector<16xi32>
          %parallel_loop3A_65 = arith.andi %parallel_loop3A_62, %parallel_loop3A_64 : vector<16xi32>
          %parallel_loop3A_66 = tpu.vector_load_idx %arg10[%parallel_loop3A_65] : memref<4096xi32, #tpu.memory_space<vmem>>[vector<16xi32>], vector<16xi32>,
          %parallel_loop3A_67 = arith.constant 255 : i32
          %parallel_loop3A_68 = vector.broadcast %parallel_loop3A_67 : i32 to vector<16xi32>
          %parallel_loop3A_69 = arith.andi %parallel_loop3A_52, %parallel_loop3A_68 : vector<16xi32>
          %parallel_loop3A_70 = arith.addi %parallel_loop3A_66, %parallel_loop3A_69 : vector<16xi32>
          tpu.vector_store_idx %arg11[%parallel_loop3A_70], %broadcast_in_dim3A_6 masked %parallel_loop3A_59 {add = true} : memref<4096xi32, #tpu.memory_space<vmem>>[vector<16xi32>], vector<16xi32>, vector<16xi1>
        } {sc.loop_unroll_factor = 8 : i64, sc.parallel_access}
        %while3A_47 = arith.constant 0 : i32
        scf.yield %while3A_47 : i32
      }
      %while3A_36 = arith.constant 1 : i32
      %while3A_37 = scf.for %while3A_38 = %while3A_33 to %while3A_29 step %while3A_36 iter_args(%while3A_39 = %while3A_35) -> (i32)  : i32 {
        %mul3A_40 = arith.constant 8192 : i32
        %mul3A_41 = arith.muli %while3A_38, %mul3A_40 : i32
        "tpu.region"() ({
          %run_scoped3A = tpu.sem_alloc : memref<!tpu.dma_semaphore, #tpu.memory_space<semaphore_mem>>
          %dma_start3A = tpu.memref_slice %arg2[%add3A, %mul3A_41] : memref<32x16384xi32, #tpu.memory_space<hbm>> -> memref<1x8192xi32, #tpu.memory_space<hbm>>
          %dma_start3A_48 = tpu.memref_squeeze %dma_start3A : memref<1x8192xi32, #tpu.memory_space<hbm>> -> memref<8192xi32, #tpu.memory_space<hbm>>
          %dma_start3A_49 = tpu.memref_slice %arg2[%add3A, %mul3A_41] : memref<32x16384xi32, #tpu.memory_space<hbm>> -> memref<1x8192xi32, #tpu.memory_space<hbm>>
          %dma_start3A_50 = tpu.memref_squeeze %dma_start3A_49 : memref<1x8192xi32, #tpu.memory_space<hbm>> -> memref<8192xi32, #tpu.memory_space<hbm>>
          tpu.enqueue_dma source(%dma_start3A_50 : memref<8192xi32, #tpu.memory_space<hbm>>) target(%arg8 : memref<8192xi32, #tpu.memory_space<vmem>>) target_semaphore(%run_scoped3A : memref<!tpu.dma_semaphore, #tpu.memory_space<semaphore_mem>>)
          %dma_wait3A = tpu.memref_slice %arg2[%add3A, %mul3A_41] : memref<32x16384xi32, #tpu.memory_space<hbm>> -> memref<1x8192xi32, #tpu.memory_space<hbm>>
          %dma_wait3A_51 = tpu.memref_squeeze %dma_wait3A : memref<1x8192xi32, #tpu.memory_space<hbm>> -> memref<8192xi32, #tpu.memory_space<hbm>>
          %dma_wait3A_52 = tpu.memref_slice %arg2[%add3A, %mul3A_41] : memref<32x16384xi32, #tpu.memory_space<hbm>> -> memref<1x8192xi32, #tpu.memory_space<hbm>>
          %dma_wait3A_53 = tpu.memref_squeeze %dma_wait3A_52 : memref<1x8192xi32, #tpu.memory_space<hbm>> -> memref<8192xi32, #tpu.memory_space<hbm>>
          tpu.wait_dma2 semaphore(%run_scoped3A : memref<!tpu.dma_semaphore, #tpu.memory_space<semaphore_mem>>) src(%dma_wait3A_53 : memref<8192xi32, #tpu.memory_space<hbm>>) dst(%arg8 : memref<8192xi32, #tpu.memory_space<vmem>>)
          tpu.yield
        }) : () -> ()
        %mul3A_42 = arith.constant 8192 : i32
        %mul3A_43 = arith.muli %while3A_38, %mul3A_42 : i32
        %parallel_loop3A_44 = arith.constant 0 : i32
        %parallel_loop3A_45 = arith.constant 512 : i32
        %parallel_loop3A_46 = arith.constant 1 : i32
        scf.for %parallel_loop3A_48 = %parallel_loop3A_44 to %parallel_loop3A_45 step %parallel_loop3A_46  : i32 {
          %parallel_loop3A_49 = arith.constant 16 : i32
          %parallel_loop3A_50 = arith.muli %parallel_loop3A_48, %parallel_loop3A_49 : i32
          %parallel_loop3A_51 = arith.index_cast %parallel_loop3A_50 : i32 to index
          %parallel_loop3A_52 = tpu.vector_load %arg8[%parallel_loop3A_51] {strides = array<i32>} : memref<8192xi32, #tpu.memory_space<vmem>>, vector<16xi32>,
          %parallel_loop3A_53 = arith.constant 16 : i32
          %parallel_loop3A_54 = arith.muli %parallel_loop3A_48, %parallel_loop3A_53 : i32
          %parallel_loop3A_55 = arith.addi %mul3A_43, %parallel_loop3A_54 : i32
          %parallel_loop3A_56 = vector.broadcast %parallel_loop3A_55 : i32 to vector<16xi32>
          %parallel_loop3A_57 = arith.addi %parallel_loop3A_56, %iota3A : vector<16xi32>
          %parallel_loop3A_58 = vector.broadcast %squeeze3A : i32 to vector<16xi32>
          %parallel_loop3A_59 = arith.cmpi slt, %parallel_loop3A_57, %parallel_loop3A_58 : vector<16xi32>
          %parallel_loop3A_60 = arith.constant 8 : i32
          %parallel_loop3A_61 = vector.broadcast %parallel_loop3A_60 : i32 to vector<16xi32>
          %parallel_loop3A_62 = arith.shrui %parallel_loop3A_52, %parallel_loop3A_61 : vector<16xi32>
          %parallel_loop3A_63 = arith.constant 4095 : i32
          %parallel_loop3A_64 = vector.broadcast %parallel_loop3A_63 : i32 to vector<16xi32>
          %parallel_loop3A_65 = arith.andi %parallel_loop3A_62, %parallel_loop3A_64 : vector<16xi32>
          %parallel_loop3A_66 = tpu.vector_load_idx %arg10[%parallel_loop3A_65] : memref<4096xi32, #tpu.memory_space<vmem>>[vector<16xi32>], vector<16xi32>,
          %parallel_loop3A_67 = arith.constant 255 : i32
          %parallel_loop3A_68 = vector.broadcast %parallel_loop3A_67 : i32 to vector<16xi32>
          %parallel_loop3A_69 = arith.andi %parallel_loop3A_52, %parallel_loop3A_68 : vector<16xi32>
          %parallel_loop3A_70 = arith.addi %parallel_loop3A_66, %parallel_loop3A_69 : vector<16xi32>
          tpu.vector_store_idx %arg11[%parallel_loop3A_70], %broadcast_in_dim3A_6 masked %parallel_loop3A_59 {add = true} : memref<4096xi32, #tpu.memory_space<vmem>>[vector<16xi32>], vector<16xi32>, vector<16xi1>
        } {sc.loop_unroll_factor = 8 : i64, sc.parallel_access}
        %while3A_47 = arith.constant 0 : i32
        scf.yield %while3A_47 : i32
      }
    } else {
      "tpu.region"() ({
        %run_scoped3A = tpu.sem_alloc : memref<!tpu.dma_semaphore, #tpu.memory_space<semaphore_mem>>
        tpu.enqueue_dma source(%arg6 : memref<65536xi32, #tpu.memory_space<hbm>>) target(%arg13 : memref<65536xi32, #tpu.memory_space<vmem>>) target_semaphore(%run_scoped3A : memref<!tpu.dma_semaphore, #tpu.memory_space<semaphore_mem>>)
        tpu.wait_dma2 semaphore(%run_scoped3A : memref<!tpu.dma_semaphore, #tpu.memory_space<semaphore_mem>>) src(%arg6 : memref<65536xi32, #tpu.memory_space<hbm>>) dst(%arg13 : memref<65536xi32, #tpu.memory_space<vmem>>)
        tpu.yield
      }) : () -> ()
      %mul3A_9 = arith.constant 131072 : i32
      %mul3A_10 = arith.muli %add3A, %mul3A_9 : i32
      %scan3A = arith.constant 0 : i32
      %scan3A_11 = arith.constant 0 : i32
      %scan3A_12 = arith.constant 16 : i32
      %scan3A_13 = arith.addi %scan3A_11, %scan3A_12 : i32
      %scan3A_14 = arith.constant 1 : i32
      %scan3A_15 = scf.for %scan3A_17 = %scan3A_11 to %scan3A_13 step %scan3A_14 iter_args(%scan3A_18 = %scan3A) -> (i32)  : i32 {
        %mul3A_19 = arith.constant 8192 : i32
        %mul3A_20 = arith.muli %scan3A_17, %mul3A_19 : i32
        %add3A_21 = arith.addi %mul3A_10, %mul3A_20 : i32
        "tpu.region"() ({
          %run_scoped3A = tpu.sem_alloc : memref<!tpu.dma_semaphore, #tpu.memory_space<semaphore_mem>>
          %dma_start3A = tpu.memref_slice %arg5[%add3A_21] : memref<4194304xf32, #tpu.memory_space<hbm>> -> memref<8192xf32, #tpu.memory_space<hbm>>
          %dma_start3A_26 = tpu.memref_slice %arg5[%add3A_21] : memref<4194304xf32, #tpu.memory_space<hbm>> -> memref<8192xf32, #tpu.memory_space<hbm>>
          tpu.enqueue_dma source(%dma_start3A_26 : memref<8192xf32, #tpu.memory_space<hbm>>) target(%arg12 : memref<8192xf32, #tpu.memory_space<vmem>>) target_semaphore(%run_scoped3A : memref<!tpu.dma_semaphore, #tpu.memory_space<semaphore_mem>>)
          %dma_wait3A = tpu.memref_slice %arg5[%add3A_21] : memref<4194304xf32, #tpu.memory_space<hbm>> -> memref<8192xf32, #tpu.memory_space<hbm>>
          %dma_wait3A_27 = tpu.memref_slice %arg5[%add3A_21] : memref<4194304xf32, #tpu.memory_space<hbm>> -> memref<8192xf32, #tpu.memory_space<hbm>>
          tpu.wait_dma2 semaphore(%run_scoped3A : memref<!tpu.dma_semaphore, #tpu.memory_space<semaphore_mem>>) src(%dma_wait3A_27 : memref<8192xf32, #tpu.memory_space<hbm>>) dst(%arg12 : memref<8192xf32, #tpu.memory_space<vmem>>)
          tpu.yield
        }) : () -> ()
        %parallel_loop3A_22 = arith.constant 0 : i32
        %parallel_loop3A_23 = arith.constant 512 : i32
        %parallel_loop3A_24 = arith.constant 1 : i32
        scf.for %parallel_loop3A_26 = %parallel_loop3A_22 to %parallel_loop3A_23 step %parallel_loop3A_24  : i32 {
          %parallel_loop3A_27 = arith.constant 16 : i32
          %parallel_loop3A_28 = arith.muli %parallel_loop3A_26, %parallel_loop3A_27 : i32
          %parallel_loop3A_29 = arith.index_cast %parallel_loop3A_28 : i32 to index
          %parallel_loop3A_30 = tpu.vector_load %arg12[%parallel_loop3A_29] {strides = array<i32>} : memref<8192xf32, #tpu.memory_space<vmem>>, vector<16xf32>,
          %parallel_loop3A_31 = vector.bitcast %parallel_loop3A_30 : vector<16xf32> to vector<16xi32>
          %parallel_loop3A_32 = arith.constant 16 : i32
          %parallel_loop3A_33 = vector.broadcast %parallel_loop3A_32 : i32 to vector<16xi32>
          %parallel_loop3A_34 = arith.shrui %parallel_loop3A_31, %parallel_loop3A_33 : vector<16xi32>
          %parallel_loop3A_35 = tpu.vector_load_idx %arg13[%parallel_loop3A_34] : memref<65536xi32, #tpu.memory_space<vmem>>[vector<16xi32>], vector<16xi32>,
          %parallel_loop3A_36 = arith.constant 0 : i32
          %parallel_loop3A_37 = vector.broadcast %parallel_loop3A_36 : i32 to vector<16xi32>
          %parallel_loop3A_38 = arith.cmpi sgt, %parallel_loop3A_35, %parallel_loop3A_37 : vector<16xi32>
          %parallel_loop3A_39 = arith.constant 31 : i32
          %parallel_loop3A_40 = vector.broadcast %parallel_loop3A_39 : i32 to vector<16xi32>
          %parallel_loop3A_41 = arith.shrsi %parallel_loop3A_31, %parallel_loop3A_40 : vector<16xi32>
          %parallel_loop3A_42 = arith.xori %parallel_loop3A_31, %parallel_loop3A_41 : vector<16xi32>
          %parallel_loop3A_43 = arith.constant 65535 : i32
          %parallel_loop3A_44 = vector.broadcast %parallel_loop3A_43 : i32 to vector<16xi32>
          %parallel_loop3A_45 = arith.andi %parallel_loop3A_42, %parallel_loop3A_44 : vector<16xi32>
          %parallel_loop3A_46 = arith.ori %parallel_loop3A_35, %parallel_loop3A_45 : vector<16xi32>
          %parallel_loop3A_47 = arith.constant 8 : i32
          %parallel_loop3A_48 = vector.broadcast %parallel_loop3A_47 : i32 to vector<16xi32>
          %parallel_loop3A_49 = arith.shrui %parallel_loop3A_46, %parallel_loop3A_48 : vector<16xi32>
          %parallel_loop3A_50 = arith.constant 4095 : i32
          %parallel_loop3A_51 = vector.broadcast %parallel_loop3A_50 : i32 to vector<16xi32>
          %parallel_loop3A_52 = arith.andi %parallel_loop3A_49, %parallel_loop3A_51 : vector<16xi32>
          %parallel_loop3A_53 = tpu.vector_load_idx %arg10[%parallel_loop3A_52] : memref<4096xi32, #tpu.memory_space<vmem>>[vector<16xi32>], vector<16xi32>,
          %parallel_loop3A_54 = arith.constant 255 : i32
          %parallel_loop3A_55 = vector.broadcast %parallel_loop3A_54 : i32 to vector<16xi32>
          %parallel_loop3A_56 = arith.andi %parallel_loop3A_46, %parallel_loop3A_55 : vector<16xi32>
          %parallel_loop3A_57 = arith.addi %parallel_loop3A_53, %parallel_loop3A_56 : vector<16xi32>
          tpu.vector_store_idx %arg11[%parallel_loop3A_57], %broadcast_in_dim3A_6 masked %parallel_loop3A_38 {add = true} : memref<4096xi32, #tpu.memory_space<vmem>>[vector<16xi32>], vector<16xi32>, vector<16xi1>
        } {sc.loop_unroll_factor = 8 : i64, sc.parallel_access}
        %scan3A_25 = arith.constant 0 : i32
        scf.yield %scan3A_25 : i32
      }
      %scan3A_16 = arith.constant 16 : i32
    }
    "tpu.region"() ({
      %run_scoped3A = tpu.sem_alloc : memref<!tpu.dma_semaphore, #tpu.memory_space<semaphore_mem>>
      %dma_start3A = arith.constant 0 : i32
      %dma_start3A_9 = tpu.memref_slice %arg7[%add3A, %dma_start3A] : memref<32x4096xi32, #tpu.memory_space<hbm>> -> memref<1x4096xi32, #tpu.memory_space<hbm>>
      %dma_start3A_10 = tpu.memref_squeeze %dma_start3A_9 : memref<1x4096xi32, #tpu.memory_space<hbm>> -> memref<4096xi32, #tpu.memory_space<hbm>>
      %dma_start3A_11 = arith.constant 0 : i32
      %dma_start3A_12 = tpu.memref_slice %arg7[%add3A, %dma_start3A_11] : memref<32x4096xi32, #tpu.memory_space<hbm>> -> memref<1x4096xi32, #tpu.memory_space<hbm>>
      %dma_start3A_13 = tpu.memref_squeeze %dma_start3A_12 : memref<1x4096xi32, #tpu.memory_space<hbm>> -> memref<4096xi32, #tpu.memory_space<hbm>>
      tpu.enqueue_dma source(%arg11 : memref<4096xi32, #tpu.memory_space<vmem>>) target(%dma_start3A_13 : memref<4096xi32, #tpu.memory_space<hbm>>) target_semaphore(%run_scoped3A : memref<!tpu.dma_semaphore, #tpu.memory_space<semaphore_mem>>)
      %dma_wait3A = arith.constant 0 : i32
      %dma_wait3A_14 = tpu.memref_slice %arg7[%add3A, %dma_wait3A] : memref<32x4096xi32, #tpu.memory_space<hbm>> -> memref<1x4096xi32, #tpu.memory_space<hbm>>
      %dma_wait3A_15 = tpu.memref_squeeze %dma_wait3A_14 : memref<1x4096xi32, #tpu.memory_space<hbm>> -> memref<4096xi32, #tpu.memory_space<hbm>>
      %dma_wait3A_16 = arith.constant 0 : i32
      %dma_wait3A_17 = tpu.memref_slice %arg7[%add3A, %dma_wait3A_16] : memref<32x4096xi32, #tpu.memory_space<hbm>> -> memref<1x4096xi32, #tpu.memory_space<hbm>>
      %dma_wait3A_18 = tpu.memref_squeeze %dma_wait3A_17 : memref<1x4096xi32, #tpu.memory_space<hbm>> -> memref<4096xi32, #tpu.memory_space<hbm>>
      tpu.wait_dma2 semaphore(%run_scoped3A : memref<!tpu.dma_semaphore, #tpu.memory_space<semaphore_mem>>) src(%arg11 : memref<4096xi32, #tpu.memory_space<vmem>>) dst(%dma_wait3A_18 : memref<4096xi32, #tpu.memory_space<hbm>>)
      tpu.yield
    }) : () -> ()
    return
  }
}

#map = affine_map<(d0, d1) -> (0)>
#map1 = affine_map<(d0, d1) -> (0, 0)>
module attributes {stable_mosaic.version = 14 : i64} {
  func.func @_hist2(%arg0: i32, %arg1: i32, %arg2: memref<4194304xf32, #tpu.memory_space<hbm>>, %arg3: memref<65536xi32, #tpu.memory_space<hbm>>, %arg4: memref<32x4096xi32, #tpu.memory_space<hbm>>, %arg5: memref<32x16xi32, #tpu.memory_space<hbm>>, %arg6: memref<32x16384xi32, #tpu.memory_space<hbm>>, %arg7: memref<8192xf32, #tpu.memory_space<vmem>>, %arg8: memref<65536xi32, #tpu.memory_space<vmem>>, %arg9: memref<4096xi32, #tpu.memory_space<vmem>>, %arg10: memref<16400xi32, #tpu.memory_space<vmem>>, %arg11: memref<16xi32, #tpu.memory_space<vmem>>) attributes {dimension_semantics = [#tpu.dimension_semantics<core_parallel>, #tpu.dimension_semantics<subcore_parallel>], iteration_bounds = array<i64: 2, 16>, scalar_prefetch = 0 : i64, scratch_operands = 5 : i64, tpu.core_type = #tpu.core_type<sc_vector_subcore>, window_params = [{transform_indices = #map}, {transform_indices = #map}, {transform_indices = #map1}, {transform_indices = #map1}, {transform_indices = #map1}]} {
    %mul3A = arith.constant 2 : i32
    %mul3A_0 = arith.muli %arg1, %mul3A : i32
    %add3A = arith.addi %mul3A_0, %arg0 : i32
    "tpu.region"() ({
      %run_scoped3A = tpu.sem_alloc : memref<!tpu.dma_semaphore, #tpu.memory_space<semaphore_mem>>
      tpu.enqueue_dma source(%arg3 : memref<65536xi32, #tpu.memory_space<hbm>>) target(%arg8 : memref<65536xi32, #tpu.memory_space<vmem>>) target_semaphore(%run_scoped3A : memref<!tpu.dma_semaphore, #tpu.memory_space<semaphore_mem>>)
      tpu.wait_dma2 semaphore(%run_scoped3A : memref<!tpu.dma_semaphore, #tpu.memory_space<semaphore_mem>>) src(%arg3 : memref<65536xi32, #tpu.memory_space<hbm>>) dst(%arg8 : memref<65536xi32, #tpu.memory_space<vmem>>)
      tpu.yield
    }) : () -> ()
    %broadcast_in_dim3A = arith.constant 0 : i32
    %broadcast_in_dim3A_1 = vector.broadcast %broadcast_in_dim3A : i32 to vector<16xi32>
    %parallel_loop3A = arith.constant 0 : i32
    %parallel_loop3A_2 = arith.constant 256 : i32
    %parallel_loop3A_3 = arith.constant 1 : i32
    scf.for %parallel_loop3A_46 = %parallel_loop3A to %parallel_loop3A_2 step %parallel_loop3A_3  : i32 {
      %parallel_loop3A_47 = arith.constant 16 : i32
      %parallel_loop3A_48 = arith.muli %parallel_loop3A_46, %parallel_loop3A_47 : i32
      %parallel_loop3A_49 = arith.index_cast %parallel_loop3A_48 : i32 to index
      %parallel_loop3A_50 = tpu.vector_load %arg9[%parallel_loop3A_49] {strides = array<i32>} : memref<4096xi32, #tpu.memory_space<vmem>>, vector<16xi32>,
      tpu.vector_store %arg9[%parallel_loop3A_49], %broadcast_in_dim3A_1 {strides = array<i32>} : memref<4096xi32, #tpu.memory_space<vmem>>, vector<16xi32>,
    } {sc.loop_unroll_factor = 8 : i64, sc.parallel_access}
    %broadcast_in_dim3A_4 = arith.constant 1 : i32
    %broadcast_in_dim3A_5 = vector.broadcast %broadcast_in_dim3A_4 : i32 to vector<16xi32>
    %mul3A_6 = arith.constant 131072 : i32
    %mul3A_7 = arith.muli %add3A, %mul3A_6 : i32
    %scan3A = arith.constant 0 : i32
    %scan3A_8 = arith.constant 0 : i32
    %scan3A_9 = arith.constant 16 : i32
    %scan3A_10 = arith.addi %scan3A_8, %scan3A_9 : i32
    %scan3A_11 = arith.constant 1 : i32
    %scan3A_12 = scf.for %scan3A_46 = %scan3A_8 to %scan3A_10 step %scan3A_11 iter_args(%scan3A_47 = %scan3A) -> (i32)  : i32 {
      %mul3A_48 = arith.constant 8192 : i32
      %mul3A_49 = arith.muli %scan3A_46, %mul3A_48 : i32
      %add3A_50 = arith.addi %mul3A_7, %mul3A_49 : i32
      "tpu.region"() ({
        %run_scoped3A = tpu.sem_alloc : memref<!tpu.dma_semaphore, #tpu.memory_space<semaphore_mem>>
        %dma_start3A = tpu.memref_slice %arg2[%add3A_50] : memref<4194304xf32, #tpu.memory_space<hbm>> -> memref<8192xf32, #tpu.memory_space<hbm>>
        %dma_start3A_55 = tpu.memref_slice %arg2[%add3A_50] : memref<4194304xf32, #tpu.memory_space<hbm>> -> memref<8192xf32, #tpu.memory_space<hbm>>
        tpu.enqueue_dma source(%dma_start3A_55 : memref<8192xf32, #tpu.memory_space<hbm>>) target(%arg7 : memref<8192xf32, #tpu.memory_space<vmem>>) target_semaphore(%run_scoped3A : memref<!tpu.dma_semaphore, #tpu.memory_space<semaphore_mem>>)
        %dma_wait3A = tpu.memref_slice %arg2[%add3A_50] : memref<4194304xf32, #tpu.memory_space<hbm>> -> memref<8192xf32, #tpu.memory_space<hbm>>
        %dma_wait3A_56 = tpu.memref_slice %arg2[%add3A_50] : memref<4194304xf32, #tpu.memory_space<hbm>> -> memref<8192xf32, #tpu.memory_space<hbm>>
        tpu.wait_dma2 semaphore(%run_scoped3A : memref<!tpu.dma_semaphore, #tpu.memory_space<semaphore_mem>>) src(%dma_wait3A_56 : memref<8192xf32, #tpu.memory_space<hbm>>) dst(%arg7 : memref<8192xf32, #tpu.memory_space<vmem>>)
        tpu.yield
      }) : () -> ()
      %parallel_loop3A_51 = arith.constant 0 : i32
      %parallel_loop3A_52 = arith.constant 512 : i32
      %parallel_loop3A_53 = arith.constant 1 : i32
      %parallel_loop3A_54 = scf.for %parallel_loop3A_55 = %parallel_loop3A_51 to %parallel_loop3A_52 step %parallel_loop3A_53 iter_args(%parallel_loop3A_56 = %scan3A_47) -> (i32)  : i32 {
        %parallel_loop3A_57 = arith.constant 16 : i32
        %parallel_loop3A_58 = arith.muli %parallel_loop3A_55, %parallel_loop3A_57 : i32
        %parallel_loop3A_59 = arith.index_cast %parallel_loop3A_58 : i32 to index
        %parallel_loop3A_60 = tpu.vector_load %arg7[%parallel_loop3A_59] {strides = array<i32>} : memref<8192xf32, #tpu.memory_space<vmem>>, vector<16xf32>,
        %parallel_loop3A_61 = vector.bitcast %parallel_loop3A_60 : vector<16xf32> to vector<16xi32>
        %parallel_loop3A_62 = arith.constant 16 : i32
        %parallel_loop3A_63 = vector.broadcast %parallel_loop3A_62 : i32 to vector<16xi32>
        %parallel_loop3A_64 = arith.shrui %parallel_loop3A_61, %parallel_loop3A_63 : vector<16xi32>
        %parallel_loop3A_65 = tpu.vector_load_idx %arg8[%parallel_loop3A_64] : memref<65536xi32, #tpu.memory_space<vmem>>[vector<16xi32>], vector<16xi32>,
        %parallel_loop3A_66 = arith.constant 0 : i32
        %parallel_loop3A_67 = vector.broadcast %parallel_loop3A_66 : i32 to vector<16xi32>
        %parallel_loop3A_68 = arith.cmpi sgt, %parallel_loop3A_65, %parallel_loop3A_67 : vector<16xi32>
        %parallel_loop3A_69 = arith.constant 31 : i32
        %parallel_loop3A_70 = vector.broadcast %parallel_loop3A_69 : i32 to vector<16xi32>
        %parallel_loop3A_71 = arith.shrsi %parallel_loop3A_61, %parallel_loop3A_70 : vector<16xi32>
        %parallel_loop3A_72 = arith.xori %parallel_loop3A_61, %parallel_loop3A_71 : vector<16xi32>
        %parallel_loop3A_73 = arith.constant 65535 : i32
        %parallel_loop3A_74 = vector.broadcast %parallel_loop3A_73 : i32 to vector<16xi32>
        %parallel_loop3A_75 = arith.andi %parallel_loop3A_72, %parallel_loop3A_74 : vector<16xi32>
        %parallel_loop3A_76 = arith.ori %parallel_loop3A_65, %parallel_loop3A_75 : vector<16xi32>
        %parallel_loop3A_77 = arith.constant 8 : i32
        %parallel_loop3A_78 = vector.broadcast %parallel_loop3A_77 : i32 to vector<16xi32>
        %parallel_loop3A_79 = arith.shrui %parallel_loop3A_76, %parallel_loop3A_78 : vector<16xi32>
        tpu.vector_store_idx %arg9[%parallel_loop3A_79], %broadcast_in_dim3A_5 masked %parallel_loop3A_68 {add = true} : memref<4096xi32, #tpu.memory_space<vmem>>[vector<16xi32>], vector<16xi32>, vector<16xi1>
        %parallel_loop3A_80 = arith.constant 16384 : i32
        %parallel_loop3A_81 = arith.minsi %parallel_loop3A_56, %parallel_loop3A_80 : i32
        %parallel_loop3A_82 = arith.index_cast %parallel_loop3A_81 : i32 to index
        %parallel_loop3A_83 = tpu.vector_load %arg10[%parallel_loop3A_82] masked %parallel_loop3A_68 {strides = array<i32>} : memref<16400xi32, #tpu.memory_space<vmem>>, vector<16xi32>, vector<16xi1>
        tpu.vector_store %arg10[%parallel_loop3A_82], %parallel_loop3A_76 masked %parallel_loop3A_68 {strides = array<i32>} : memref<16400xi32, #tpu.memory_space<vmem>>, vector<16xi32>, vector<16xi1>
        %parallel_loop3A_84 = arith.extui %parallel_loop3A_68 : vector<16xi1> to vector<16xi32>
        %parallel_loop3A_85 = arith.constant true
        %parallel_loop3A_86 = vector.broadcast %parallel_loop3A_85 : i1 to vector<16xi1>
        %parallel_loop3A_87 = tpu.scan <sum>, %parallel_loop3A_84 masked %parallel_loop3A_86 : vector<16xi32>, vector<16xi1> -> vector<16xi32>
        %parallel_loop3A_88 = vector.extract %parallel_loop3A_87[15] : i32 from vector<16xi32>
        %parallel_loop3A_89 = arith.addi %parallel_loop3A_56, %parallel_loop3A_88 : i32
        scf.yield %parallel_loop3A_89 : i32
      } {sc.loop_unroll_factor = 8 : i64, sc.parallel_access}
      scf.yield %parallel_loop3A_54 : i32
    }
    %scan3A_13 = arith.constant 16 : i32
    "tpu.region"() ({
      %run_scoped3A = tpu.sem_alloc : memref<!tpu.dma_semaphore, #tpu.memory_space<semaphore_mem>>
      %dma_start3A = arith.constant 0 : i32
      %dma_start3A_46 = tpu.memref_slice %arg4[%add3A, %dma_start3A] : memref<32x4096xi32, #tpu.memory_space<hbm>> -> memref<1x4096xi32, #tpu.memory_space<hbm>>
      %dma_start3A_47 = tpu.memref_squeeze %dma_start3A_46 : memref<1x4096xi32, #tpu.memory_space<hbm>> -> memref<4096xi32, #tpu.memory_space<hbm>>
      %dma_start3A_48 = arith.constant 0 : i32
      %dma_start3A_49 = tpu.memref_slice %arg4[%add3A, %dma_start3A_48] : memref<32x4096xi32, #tpu.memory_space<hbm>> -> memref<1x4096xi32, #tpu.memory_space<hbm>>
      %dma_start3A_50 = tpu.memref_squeeze %dma_start3A_49 : memref<1x4096xi32, #tpu.memory_space<hbm>> -> memref<4096xi32, #tpu.memory_space<hbm>>
      tpu.enqueue_dma source(%arg9 : memref<4096xi32, #tpu.memory_space<vmem>>) target(%dma_start3A_50 : memref<4096xi32, #tpu.memory_space<hbm>>) target_semaphore(%run_scoped3A : memref<!tpu.dma_semaphore, #tpu.memory_space<semaphore_mem>>)
      %dma_wait3A = arith.constant 0 : i32
      %dma_wait3A_51 = tpu.memref_slice %arg4[%add3A, %dma_wait3A] : memref<32x4096xi32, #tpu.memory_space<hbm>> -> memref<1x4096xi32, #tpu.memory_space<hbm>>
      %dma_wait3A_52 = tpu.memref_squeeze %dma_wait3A_51 : memref<1x4096xi32, #tpu.memory_space<hbm>> -> memref<4096xi32, #tpu.memory_space<hbm>>
      %dma_wait3A_53 = arith.constant 0 : i32
      %dma_wait3A_54 = tpu.memref_slice %arg4[%add3A, %dma_wait3A_53] : memref<32x4096xi32, #tpu.memory_space<hbm>> -> memref<1x4096xi32, #tpu.memory_space<hbm>>
      %dma_wait3A_55 = tpu.memref_squeeze %dma_wait3A_54 : memref<1x4096xi32, #tpu.memory_space<hbm>> -> memref<4096xi32, #tpu.memory_space<hbm>>
      tpu.wait_dma2 semaphore(%run_scoped3A : memref<!tpu.dma_semaphore, #tpu.memory_space<semaphore_mem>>) src(%arg9 : memref<4096xi32, #tpu.memory_space<vmem>>) dst(%dma_wait3A_55 : memref<4096xi32, #tpu.memory_space<hbm>>)
      tpu.yield
    }) : () -> ()
    %broadcast_in_dim3A_14 = vector.broadcast %scan3A_12 : i32 to vector<16xi32>
    %swap3A = arith.constant 0 : index
    %swap3A_15 = tpu.vector_load %arg11[%swap3A] {strides = array<i32>} : memref<16xi32, #tpu.memory_space<vmem>>, vector<16xi32>,
    tpu.vector_store %arg11[%swap3A], %broadcast_in_dim3A_14 {strides = array<i32>} : memref<16xi32, #tpu.memory_space<vmem>>, vector<16xi32>,
    "tpu.region"() ({
      %run_scoped3A = tpu.sem_alloc : memref<!tpu.dma_semaphore, #tpu.memory_space<semaphore_mem>>
      %dma_start3A = arith.constant 0 : i32
      %dma_start3A_46 = tpu.memref_slice %arg5[%add3A, %dma_start3A] : memref<32x16xi32, #tpu.memory_space<hbm>> -> memref<1x16xi32, #tpu.memory_space<hbm>>
      %dma_start3A_47 = tpu.memref_squeeze %dma_start3A_46 : memref<1x16xi32, #tpu.memory_space<hbm>> -> memref<16xi32, #tpu.memory_space<hbm>>
      %dma_start3A_48 = arith.constant 0 : i32
      %dma_start3A_49 = tpu.memref_slice %arg5[%add3A, %dma_start3A_48] : memref<32x16xi32, #tpu.memory_space<hbm>> -> memref<1x16xi32, #tpu.memory_space<hbm>>
      %dma_start3A_50 = tpu.memref_squeeze %dma_start3A_49 : memref<1x16xi32, #tpu.memory_space<hbm>> -> memref<16xi32, #tpu.memory_space<hbm>>
      tpu.enqueue_dma source(%arg11 : memref<16xi32, #tpu.memory_space<vmem>>) target(%dma_start3A_50 : memref<16xi32, #tpu.memory_space<hbm>>) target_semaphore(%run_scoped3A : memref<!tpu.dma_semaphore, #tpu.memory_space<semaphore_mem>>)
      %dma_wait3A = arith.constant 0 : i32
      %dma_wait3A_51 = tpu.memref_slice %arg5[%add3A, %dma_wait3A] : memref<32x16xi32, #tpu.memory_space<hbm>> -> memref<1x16xi32, #tpu.memory_space<hbm>>
      %dma_wait3A_52 = tpu.memref_squeeze %dma_wait3A_51 : memref<1x16xi32, #tpu.memory_space<hbm>> -> memref<16xi32, #tpu.memory_space<hbm>>
      %dma_wait3A_53 = arith.constant 0 : i32
      %dma_wait3A_54 = tpu.memref_slice %arg5[%add3A, %dma_wait3A_53] : memref<32x16xi32, #tpu.memory_space<hbm>> -> memref<1x16xi32, #tpu.memory_space<hbm>>
      %dma_wait3A_55 = tpu.memref_squeeze %dma_wait3A_54 : memref<1x16xi32, #tpu.memory_space<hbm>> -> memref<16xi32, #tpu.memory_space<hbm>>
      tpu.wait_dma2 semaphore(%run_scoped3A : memref<!tpu.dma_semaphore, #tpu.memory_space<semaphore_mem>>) src(%arg11 : memref<16xi32, #tpu.memory_space<vmem>>) dst(%dma_wait3A_55 : memref<16xi32, #tpu.memory_space<hbm>>)
      tpu.yield
    }) : () -> ()
    %min3A = arith.constant 16384 : i32
    %min3A_16 = arith.minsi %scan3A_12, %min3A : i32
    %add3A_17 = arith.constant 8191 : i32
    %add3A_18 = arith.addi %min3A_16, %add3A_17 : i32
    %jit3A = arith.constant 8192 : i32
    %div3A = arith.divsi %add3A_18, %jit3A : i32
    %sign3A = arith.constant 0 : i32
    %sign3A_19 = arith.cmpi sgt, %add3A_18, %sign3A : i32
    %sign3A_20 = arith.extui %sign3A_19 : i1 to i32
    %sign3A_21 = arith.constant 0 : i32
    %sign3A_22 = arith.cmpi slt, %add3A_18, %sign3A_21 : i32
    %sign3A_23 = arith.extui %sign3A_22 : i1 to i32
    %sign3A_24 = arith.subi %sign3A_20, %sign3A_23 : i32
    %sign3A_25 = arith.constant 0 : i32
    %sign3A_26 = arith.cmpi sgt, %jit3A, %sign3A_25 : i32
    %sign3A_27 = arith.extui %sign3A_26 : i1 to i32
    %sign3A_28 = arith.constant 0 : i32
    %sign3A_29 = arith.cmpi slt, %jit3A, %sign3A_28 : i32
    %sign3A_30 = arith.extui %sign3A_29 : i1 to i32
    %sign3A_31 = arith.subi %sign3A_27, %sign3A_30 : i32
    %ne3A = arith.cmpi ne, %sign3A_24, %sign3A_31 : i32
    %rem3A = arith.remsi %add3A_18, %jit3A : i32
    %ne3A_32 = arith.constant 0 : i32
    %ne3A_33 = arith.cmpi ne, %rem3A, %ne3A_32 : i32
    %and3A = arith.andi %ne3A, %ne3A_33 : i1
    %sub3A = arith.constant 1 : i32
    %sub3A_34 = arith.subi %div3A, %sub3A : i32
    %select_n3A = arith.select %and3A, %sub3A_34, %div3A : i32
    %while3A = arith.constant 0 : i32
    %while3A_35 = arith.constant 0 : i32
    %while3A_36 = arith.subi %select_n3A, %while3A : i32
    %while3A_37 = arith.addi %while3A, %while3A_36 : i32
    %while3A_38 = arith.constant 1 : i32
    %while3A_39 = arith.divsi %while3A_36, %while3A_38 : i32
    %while3A_40 = arith.muli %while3A_39, %while3A_38 : i32
    %while3A_41 = arith.addi %while3A, %while3A_40 : i32
    %while3A_42 = arith.constant 1 : i32
    %while3A_43 = scf.for %while3A_46 = %while3A to %while3A_41 step %while3A_42 iter_args(%while3A_47 = %while3A_35) -> (i32)  : i32 {
      %mul3A_48 = arith.constant 8192 : i32
      %mul3A_49 = arith.muli %while3A_46, %mul3A_48 : i32
      %mul3A_50 = arith.constant 8192 : i32
      %mul3A_51 = arith.muli %while3A_46, %mul3A_50 : i32
      "tpu.region"() ({
        %run_scoped3A = tpu.sem_alloc : memref<!tpu.dma_semaphore, #tpu.memory_space<semaphore_mem>>
        %dma_start3A = tpu.memref_slice %arg10[%mul3A_49] : memref<16400xi32, #tpu.memory_space<vmem>> -> memref<8192xi32, #tpu.memory_space<vmem>>
        %dma_start3A_53 = tpu.memref_slice %arg6[%add3A, %mul3A_51] : memref<32x16384xi32, #tpu.memory_space<hbm>> -> memref<1x8192xi32, #tpu.memory_space<hbm>>
        %dma_start3A_54 = tpu.memref_squeeze %dma_start3A_53 : memref<1x8192xi32, #tpu.memory_space<hbm>> -> memref<8192xi32, #tpu.memory_space<hbm>>
        %dma_start3A_55 = tpu.memref_slice %arg6[%add3A, %mul3A_51] : memref<32x16384xi32, #tpu.memory_space<hbm>> -> memref<1x8192xi32, #tpu.memory_space<hbm>>
        %dma_start3A_56 = tpu.memref_squeeze %dma_start3A_55 : memref<1x8192xi32, #tpu.memory_space<hbm>> -> memref<8192xi32, #tpu.memory_space<hbm>>
        %dma_start3A_57 = tpu.memref_slice %arg10[%mul3A_49] : memref<16400xi32, #tpu.memory_space<vmem>> -> memref<8192xi32, #tpu.memory_space<vmem>>
        tpu.enqueue_dma source(%dma_start3A_57 : memref<8192xi32, #tpu.memory_space<vmem>>) target(%dma_start3A_56 : memref<8192xi32, #tpu.memory_space<hbm>>) target_semaphore(%run_scoped3A : memref<!tpu.dma_semaphore, #tpu.memory_space<semaphore_mem>>)
        %dma_wait3A = tpu.memref_slice %arg10[%mul3A_49] : memref<16400xi32, #tpu.memory_space<vmem>> -> memref<8192xi32, #tpu.memory_space<vmem>>
        %dma_wait3A_58 = tpu.memref_slice %arg6[%add3A, %mul3A_51] : memref<32x16384xi32, #tpu.memory_space<hbm>> -> memref<1x8192xi32, #tpu.memory_space<hbm>>
        %dma_wait3A_59 = tpu.memref_squeeze %dma_wait3A_58 : memref<1x8192xi32, #tpu.memory_space<hbm>> -> memref<8192xi32, #tpu.memory_space<hbm>>
        %dma_wait3A_60 = tpu.memref_slice %arg6[%add3A, %mul3A_51] : memref<32x16384xi32, #tpu.memory_space<hbm>> -> memref<1x8192xi32, #tpu.memory_space<hbm>>
        %dma_wait3A_61 = tpu.memref_squeeze %dma_wait3A_60 : memref<1x8192xi32, #tpu.memory_space<hbm>> -> memref<8192xi32, #tpu.memory_space<hbm>>
        %dma_wait3A_62 = tpu.memref_slice %arg10[%mul3A_49] : memref<16400xi32, #tpu.memory_space<vmem>> -> memref<8192xi32, #tpu.memory_space<vmem>>
        tpu.wait_dma2 semaphore(%run_scoped3A : memref<!tpu.dma_semaphore, #tpu.memory_space<semaphore_mem>>) src(%dma_wait3A_62 : memref<8192xi32, #tpu.memory_space<vmem>>) dst(%dma_wait3A_61 : memref<8192xi32, #tpu.memory_space<hbm>>)
        tpu.yield
      }) : () -> ()
      %while3A_52 = arith.constant 0 : i32
      scf.yield %while3A_52 : i32
    }
    %while3A_44 = arith.constant 1 : i32
    %while3A_45 = scf.for %while3A_46 = %while3A_41 to %while3A_37 step %while3A_44 iter_args(%while3A_47 = %while3A_43) -> (i32)  : i32 {
      %mul3A_48 = arith.constant 8192 : i32
      %mul3A_49 = arith.muli %while3A_46, %mul3A_48 : i32
      %mul3A_50 = arith.constant 8192 : i32
      %mul3A_51 = arith.muli %while3A_46, %mul3A_50 : i32
      "tpu.region"() ({
        %run_scoped3A = tpu.sem_alloc : memref<!tpu.dma_semaphore, #tpu.memory_space<semaphore_mem>>
        %dma_start3A = tpu.memref_slice %arg10[%mul3A_49] : memref<16400xi32, #tpu.memory_space<vmem>> -> memref<8192xi32, #tpu.memory_space<vmem>>
        %dma_start3A_53 = tpu.memref_slice %arg6[%add3A, %mul3A_51] : memref<32x16384xi32, #tpu.memory_space<hbm>> -> memref<1x8192xi32, #tpu.memory_space<hbm>>
        %dma_start3A_54 = tpu.memref_squeeze %dma_start3A_53 : memref<1x8192xi32, #tpu.memory_space<hbm>> -> memref<8192xi32, #tpu.memory_space<hbm>>
        %dma_start3A_55 = tpu.memref_slice %arg6[%add3A, %mul3A_51] : memref<32x16384xi32, #tpu.memory_space<hbm>> -> memref<1x8192xi32, #tpu.memory_space<hbm>>
        %dma_start3A_56 = tpu.memref_squeeze %dma_start3A_55 : memref<1x8192xi32, #tpu.memory_space<hbm>> -> memref<8192xi32, #tpu.memory_space<hbm>>
        %dma_start3A_57 = tpu.memref_slice %arg10[%mul3A_49] : memref<16400xi32, #tpu.memory_space<vmem>> -> memref<8192xi32, #tpu.memory_space<vmem>>
        tpu.enqueue_dma source(%dma_start3A_57 : memref<8192xi32, #tpu.memory_space<vmem>>) target(%dma_start3A_56 : memref<8192xi32, #tpu.memory_space<hbm>>) target_semaphore(%run_scoped3A : memref<!tpu.dma_semaphore, #tpu.memory_space<semaphore_mem>>)
        %dma_wait3A = tpu.memref_slice %arg10[%mul3A_49] : memref<16400xi32, #tpu.memory_space<vmem>> -> memref<8192xi32, #tpu.memory_space<vmem>>
        %dma_wait3A_58 = tpu.memref_slice %arg6[%add3A, %mul3A_51] : memref<32x16384xi32, #tpu.memory_space<hbm>> -> memref<1x8192xi32, #tpu.memory_space<hbm>>
        %dma_wait3A_59 = tpu.memref_squeeze %dma_wait3A_58 : memref<1x8192xi32, #tpu.memory_space<hbm>> -> memref<8192xi32, #tpu.memory_space<hbm>>
        %dma_wait3A_60 = tpu.memref_slice %arg6[%add3A, %mul3A_51] : memref<32x16384xi32, #tpu.memory_space<hbm>> -> memref<1x8192xi32, #tpu.memory_space<hbm>>
        %dma_wait3A_61 = tpu.memref_squeeze %dma_wait3A_60 : memref<1x8192xi32, #tpu.memory_space<hbm>> -> memref<8192xi32, #tpu.memory_space<hbm>>
        %dma_wait3A_62 = tpu.memref_slice %arg10[%mul3A_49] : memref<16400xi32, #tpu.memory_space<vmem>> -> memref<8192xi32, #tpu.memory_space<vmem>>
        tpu.wait_dma2 semaphore(%run_scoped3A : memref<!tpu.dma_semaphore, #tpu.memory_space<semaphore_mem>>) src(%dma_wait3A_62 : memref<8192xi32, #tpu.memory_space<vmem>>) dst(%dma_wait3A_61 : memref<8192xi32, #tpu.memory_space<hbm>>)
        tpu.yield
      }) : () -> ()
      %while3A_52 = arith.constant 0 : i32
      scf.yield %while3A_52 : i32
    }
    return
  }
}

#map = affine_map<(d0, d1) -> (0)>
#map1 = affine_map<(d0, d1) -> (0, 0)>
module attributes {stable_mosaic.version = 14 : i64} {
  func.func @_hist1(%arg0: i32, %arg1: i32, %arg2: memref<4194304xf32, #tpu.memory_space<hbm>>, %arg3: memref<32x65536xi32, #tpu.memory_space<hbm>>, %arg4: memref<8192xf32, #tpu.memory_space<vmem>>, %arg5: memref<65536xi32, #tpu.memory_space<vmem>>) attributes {dimension_semantics = [#tpu.dimension_semantics<core_parallel>, #tpu.dimension_semantics<subcore_parallel>], iteration_bounds = array<i64: 2, 16>, scalar_prefetch = 0 : i64, scratch_operands = 2 : i64, tpu.core_type = #tpu.core_type<sc_vector_subcore>, window_params = [{transform_indices = #map}, {transform_indices = #map1}]} {
    %mul3A = arith.constant 2 : i32
    %mul3A_0 = arith.muli %arg1, %mul3A : i32
    %add3A = arith.addi %mul3A_0, %arg0 : i32
    %broadcast_in_dim3A = arith.constant 0 : i32
    %broadcast_in_dim3A_1 = vector.broadcast %broadcast_in_dim3A : i32 to vector<16xi32>
    %parallel_loop3A = arith.constant 0 : i32
    %parallel_loop3A_2 = arith.constant 4096 : i32
    %parallel_loop3A_3 = arith.constant 1 : i32
    scf.for %parallel_loop3A_14 = %parallel_loop3A to %parallel_loop3A_2 step %parallel_loop3A_3  : i32 {
      %parallel_loop3A_15 = arith.constant 16 : i32
      %parallel_loop3A_16 = arith.muli %parallel_loop3A_14, %parallel_loop3A_15 : i32
      %parallel_loop3A_17 = arith.index_cast %parallel_loop3A_16 : i32 to index
      %parallel_loop3A_18 = tpu.vector_load %arg5[%parallel_loop3A_17] {strides = array<i32>} : memref<65536xi32, #tpu.memory_space<vmem>>, vector<16xi32>,
      tpu.vector_store %arg5[%parallel_loop3A_17], %broadcast_in_dim3A_1 {strides = array<i32>} : memref<65536xi32, #tpu.memory_space<vmem>>, vector<16xi32>,
    } {sc.loop_unroll_factor = 8 : i64, sc.parallel_access}
    %broadcast_in_dim3A_4 = arith.constant 1 : i32
    %broadcast_in_dim3A_5 = vector.broadcast %broadcast_in_dim3A_4 : i32 to vector<16xi32>
    %mul3A_6 = arith.constant 131072 : i32
    %mul3A_7 = arith.muli %add3A, %mul3A_6 : i32
    %scan3A = arith.constant 0 : i32
    %scan3A_8 = arith.constant 0 : i32
    %scan3A_9 = arith.constant 16 : i32
    %scan3A_10 = arith.addi %scan3A_8, %scan3A_9 : i32
    %scan3A_11 = arith.constant 1 : i32
    %scan3A_12 = scf.for %scan3A_14 = %scan3A_8 to %scan3A_10 step %scan3A_11 iter_args(%scan3A_15 = %scan3A) -> (i32)  : i32 {
      %mul3A_16 = arith.constant 8192 : i32
      %mul3A_17 = arith.muli %scan3A_14, %mul3A_16 : i32
      %add3A_18 = arith.addi %mul3A_7, %mul3A_17 : i32
      "tpu.region"() ({
        %run_scoped3A = tpu.sem_alloc : memref<!tpu.dma_semaphore, #tpu.memory_space<semaphore_mem>>
        %dma_start3A = tpu.memref_slice %arg2[%add3A_18] : memref<4194304xf32, #tpu.memory_space<hbm>> -> memref<8192xf32, #tpu.memory_space<hbm>>
        %dma_start3A_23 = tpu.memref_slice %arg2[%add3A_18] : memref<4194304xf32, #tpu.memory_space<hbm>> -> memref<8192xf32, #tpu.memory_space<hbm>>
        tpu.enqueue_dma source(%dma_start3A_23 : memref<8192xf32, #tpu.memory_space<hbm>>) target(%arg4 : memref<8192xf32, #tpu.memory_space<vmem>>) target_semaphore(%run_scoped3A : memref<!tpu.dma_semaphore, #tpu.memory_space<semaphore_mem>>)
        %dma_wait3A = tpu.memref_slice %arg2[%add3A_18] : memref<4194304xf32, #tpu.memory_space<hbm>> -> memref<8192xf32, #tpu.memory_space<hbm>>
        %dma_wait3A_24 = tpu.memref_slice %arg2[%add3A_18] : memref<4194304xf32, #tpu.memory_space<hbm>> -> memref<8192xf32, #tpu.memory_space<hbm>>
        tpu.wait_dma2 semaphore(%run_scoped3A : memref<!tpu.dma_semaphore, #tpu.memory_space<semaphore_mem>>) src(%dma_wait3A_24 : memref<8192xf32, #tpu.memory_space<hbm>>) dst(%arg4 : memref<8192xf32, #tpu.memory_space<vmem>>)
        tpu.yield
      }) : () -> ()
      %parallel_loop3A_19 = arith.constant 0 : i32
      %parallel_loop3A_20 = arith.constant 512 : i32
      %parallel_loop3A_21 = arith.constant 1 : i32
      scf.for %parallel_loop3A_23 = %parallel_loop3A_19 to %parallel_loop3A_20 step %parallel_loop3A_21  : i32 {
        %parallel_loop3A_24 = arith.constant 16 : i32
        %parallel_loop3A_25 = arith.muli %parallel_loop3A_23, %parallel_loop3A_24 : i32
        %parallel_loop3A_26 = arith.index_cast %parallel_loop3A_25 : i32 to index
        %parallel_loop3A_27 = tpu.vector_load %arg4[%parallel_loop3A_26] {strides = array<i32>} : memref<8192xf32, #tpu.memory_space<vmem>>, vector<16xf32>,
        %parallel_loop3A_28 = vector.bitcast %parallel_loop3A_27 : vector<16xf32> to vector<16xi32>
        %parallel_loop3A_29 = arith.constant 16 : i32
        %parallel_loop3A_30 = vector.broadcast %parallel_loop3A_29 : i32 to vector<16xi32>
        %parallel_loop3A_31 = arith.shrui %parallel_loop3A_28, %parallel_loop3A_30 : vector<16xi32>
        tpu.vector_store_idx %arg5[%parallel_loop3A_31], %broadcast_in_dim3A_5 {add = true} : memref<65536xi32, #tpu.memory_space<vmem>>[vector<16xi32>], vector<16xi32>,
      } {sc.loop_unroll_factor = 8 : i64, sc.parallel_access}
      %scan3A_22 = arith.constant 0 : i32
      scf.yield %scan3A_22 : i32
    }
    %scan3A_13 = arith.constant 16 : i32
    "tpu.region"() ({
      %run_scoped3A = tpu.sem_alloc : memref<!tpu.dma_semaphore, #tpu.memory_space<semaphore_mem>>
      %dma_start3A = arith.constant 0 : i32
      %dma_start3A_14 = tpu.memref_slice %arg3[%add3A, %dma_start3A] : memref<32x65536xi32, #tpu.memory_space<hbm>> -> memref<1x65536xi32, #tpu.memory_space<hbm>>
      %dma_start3A_15 = tpu.memref_squeeze %dma_start3A_14 : memref<1x65536xi32, #tpu.memory_space<hbm>> -> memref<65536xi32, #tpu.memory_space<hbm>>
      %dma_start3A_16 = arith.constant 0 : i32
      %dma_start3A_17 = tpu.memref_slice %arg3[%add3A, %dma_start3A_16] : memref<32x65536xi32, #tpu.memory_space<hbm>> -> memref<1x65536xi32, #tpu.memory_space<hbm>>
      %dma_start3A_18 = tpu.memref_squeeze %dma_start3A_17 : memref<1x65536xi32, #tpu.memory_space<hbm>> -> memref<65536xi32, #tpu.memory_space<hbm>>
      tpu.enqueue_dma source(%arg5 : memref<65536xi32, #tpu.memory_space<vmem>>) target(%dma_start3A_18 : memref<65536xi32, #tpu.memory_space<hbm>>) target_semaphore(%run_scoped3A : memref<!tpu.dma_semaphore, #tpu.memory_space<semaphore_mem>>)
      %dma_wait3A = arith.constant 0 : i32
      %dma_wait3A_19 = tpu.memref_slice %arg3[%add3A, %dma_wait3A] : memref<32x65536xi32, #tpu.memory_space<hbm>> -> memref<1x65536xi32, #tpu.memory_space<hbm>>
      %dma_wait3A_20 = tpu.memref_squeeze %dma_wait3A_19 : memref<1x65536xi32, #tpu.memory_space<hbm>> -> memref<65536xi32, #tpu.memory_space<hbm>>
      %dma_wait3A_21 = arith.constant 0 : i32
      %dma_wait3A_22 = tpu.memref_slice %arg3[%add3A, %dma_wait3A_21] : memref<32x65536xi32, #tpu.memory_space<hbm>> -> memref<1x65536xi32, #tpu.memory_space<hbm>>
      %dma_wait3A_23 = tpu.memref_squeeze %dma_wait3A_22 : memref<1x65536xi32, #tpu.memory_space<hbm>> -> memref<65536xi32, #tpu.memory_space<hbm>>
      tpu.wait_dma2 semaphore(%run_scoped3A : memref<!tpu.dma_semaphore, #tpu.memory_space<semaphore_mem>>) src(%arg5 : memref<65536xi32, #tpu.memory_space<vmem>>) dst(%dma_wait3A_23 : memref<65536xi32, #tpu.memory_space<hbm>>)
      tpu.yield
    }) : () -> ()
    return
  }
}

module attributes {stable_mosaic.version = 14 : i64} {
  func.func @_find2_body(%arg0: memref<32x4096xi32, #tpu.memory_space<vmem>>, %arg1: memref<8x128xi32, #tpu.memory_space<vmem>>, %arg2: memref<16x256xi32, #tpu.memory_space<vmem>>, %arg3: memref<8x128xi32, #tpu.memory_space<vmem>>) attributes {dimension_semantics = [], scalar_prefetch = 0 : i64, scratch_operands = 0 : i64, tpu.core_type = #tpu.core_type<tc>} {
    %get3A = arith.constant 0 : index
    %get3A_0 = arith.constant 0 : index
    %get3A_1 = vector.load %arg0[%get3A, %get3A_0] : memref<32x4096xi32, #tpu.memory_space<vmem>>, vector<32x4096xi32>
    %convert_element_type3A = arith.sitofp %get3A_1 : vector<32x4096xi32> to vector<32x4096xf32>
    %reduce_sum3A = arith.constant dense<0.000000e+00> : vector<4096xf32>
    %reduce_sum3A_2 = vector.multi_reduction <add>, %convert_element_type3A, %reduce_sum3A [0] : vector<32x4096xf32> to vector<4096xf32>
    %broadcast_in_dim3A = vector.shape_cast %reduce_sum3A_2 : vector<4096xf32> to vector<1x4096xf32>
    %slice3A = vector.extract_strided_slice %broadcast_in_dim3A {offsets = [0, 0], sizes = [1, 256], strides = [1, 1]} : vector<1x4096xf32> to vector<1x256xf32>
    %slice3A_3 = vector.extract_strided_slice %broadcast_in_dim3A {offsets = [0, 256], sizes = [1, 256], strides = [1, 1]} : vector<1x4096xf32> to vector<1x256xf32>
    %slice3A_4 = vector.extract_strided_slice %broadcast_in_dim3A {offsets = [0, 512], sizes = [1, 256], strides = [1, 1]} : vector<1x4096xf32> to vector<1x256xf32>
    %slice3A_5 = vector.extract_strided_slice %broadcast_in_dim3A {offsets = [0, 768], sizes = [1, 256], strides = [1, 1]} : vector<1x4096xf32> to vector<1x256xf32>
    %slice3A_6 = vector.extract_strided_slice %broadcast_in_dim3A {offsets = [0, 1024], sizes = [1, 256], strides = [1, 1]} : vector<1x4096xf32> to vector<1x256xf32>
    %slice3A_7 = vector.extract_strided_slice %broadcast_in_dim3A {offsets = [0, 1280], sizes = [1, 256], strides = [1, 1]} : vector<1x4096xf32> to vector<1x256xf32>
    %slice3A_8 = vector.extract_strided_slice %broadcast_in_dim3A {offsets = [0, 1536], sizes = [1, 256], strides = [1, 1]} : vector<1x4096xf32> to vector<1x256xf32>
    %slice3A_9 = vector.extract_strided_slice %broadcast_in_dim3A {offsets = [0, 1792], sizes = [1, 256], strides = [1, 1]} : vector<1x4096xf32> to vector<1x256xf32>
    %slice3A_10 = vector.extract_strided_slice %broadcast_in_dim3A {offsets = [0, 2048], sizes = [1, 256], strides = [1, 1]} : vector<1x4096xf32> to vector<1x256xf32>
    %slice3A_11 = vector.extract_strided_slice %broadcast_in_dim3A {offsets = [0, 2304], sizes = [1, 256], strides = [1, 1]} : vector<1x4096xf32> to vector<1x256xf32>
    %slice3A_12 = vector.extract_strided_slice %broadcast_in_dim3A {offsets = [0, 2560], sizes = [1, 256], strides = [1, 1]} : vector<1x4096xf32> to vector<1x256xf32>
    %slice3A_13 = vector.extract_strided_slice %broadcast_in_dim3A {offsets = [0, 2816], sizes = [1, 256], strides = [1, 1]} : vector<1x4096xf32> to vector<1x256xf32>
    %slice3A_14 = vector.extract_strided_slice %broadcast_in_dim3A {offsets = [0, 3072], sizes = [1, 256], strides = [1, 1]} : vector<1x4096xf32> to vector<1x256xf32>
    %slice3A_15 = vector.extract_strided_slice %broadcast_in_dim3A {offsets = [0, 3328], sizes = [1, 256], strides = [1, 1]} : vector<1x4096xf32> to vector<1x256xf32>
    %slice3A_16 = vector.extract_strided_slice %broadcast_in_dim3A {offsets = [0, 3584], sizes = [1, 256], strides = [1, 1]} : vector<1x4096xf32> to vector<1x256xf32>
    %slice3A_17 = vector.extract_strided_slice %broadcast_in_dim3A {offsets = [0, 3840], sizes = [1, 256], strides = [1, 1]} : vector<1x4096xf32> to vector<1x256xf32>
    %concatenate3A = tpu.concatenate %slice3A, %slice3A_3, %slice3A_4, %slice3A_5, %slice3A_6, %slice3A_7, %slice3A_8, %slice3A_9, %slice3A_10, %slice3A_11, %slice3A_12, %slice3A_13, %slice3A_14, %slice3A_15, %slice3A_16, %slice3A_17 in 0 : vector<1x256xf32>, vector<1x256xf32>, vector<1x256xf32>, vector<1x256xf32>, vector<1x256xf32>, vector<1x256xf32>, vector<1x256xf32>, vector<1x256xf32>, vector<1x256xf32>, vector<1x256xf32>, vector<1x256xf32>, vector<1x256xf32>, vector<1x256xf32>, vector<1x256xf32>, vector<1x256xf32>, vector<1x256xf32> -> vector<16x256xf32>
    %iota3A = tpu.iota {dimensions = array<i32: 0>} : vector<256x256xi32>
    %iota3A_18 = tpu.iota {dimensions = array<i32: 1>} : vector<256x256xi32>
    %le3A = arith.cmpi sle, %iota3A, %iota3A_18 : vector<256x256xi32>
    %convert_element_type3A_19 = arith.extui %le3A : vector<256x256xi1> to vector<256x256xi32>
    %convert_element_type3A_20 = arith.sitofp %convert_element_type3A_19 : vector<256x256xi32> to vector<256x256xf32>
    %dot_general3A = arith.constant dense<0.000000e+00> : vector<16x256xf32>
    %dot_general3A_21 = tpu.matmul %concatenate3A, %convert_element_type3A_20, %dot_general3A {dimension_numbers = #tpu.dot_dimension_numbers<[1], [0], [0], [1], [0, 0, 1, 1], [], []>, precision = #tpu.contract_precision<fp32>, transpose_lhs_hint = false} : vector<16x256xf32>, vector<256x256xf32>, vector<16x256xf32> -> vector<16x256xf32>
    %iota3A_22 = tpu.iota {dimensions = array<i32: 0>} : vector<16x256xi32>
    %get3A_23 = arith.constant 0 : index
    %get3A_24 = arith.constant 0 : index
    %get3A_25 = vector.load %arg1[%get3A_23, %get3A_24] : memref<8x128xi32, #tpu.memory_space<vmem>>, vector<1x1xi32>
    %get3A_26 = vector.extract %get3A_25[0, 0] : i32 from vector<1x1xi32>
    %get3A_27 = arith.constant 1 : index
    %get3A_28 = arith.constant 0 : index
    %get3A_29 = vector.load %arg1[%get3A_27, %get3A_28] : memref<8x128xi32, #tpu.memory_space<vmem>>, vector<1x1xi32>
    %get3A_30 = vector.extract %get3A_29[0, 0] : i32 from vector<1x1xi32>
    %eq3A = vector.broadcast %get3A_30 : i32 to vector<16x256xi32>
    %eq3A_31 = arith.cmpi eq, %iota3A_22, %eq3A : vector<16x256xi32>
    %convert_element_type3A_32 = arith.extui %eq3A_31 : vector<16x256xi1> to vector<16x256xi32>
    %convert_element_type3A_33 = arith.sitofp %convert_element_type3A_32 : vector<16x256xi32> to vector<16x256xf32>
    %mul3A = arith.mulf %dot_general3A_21, %convert_element_type3A_33 : vector<16x256xf32>
    %convert_element_type3A_34 = arith.sitofp %get3A_26 : i32 to f32
    %le3A_35 = vector.broadcast %convert_element_type3A_34 : f32 to vector<16x256xf32>
    %le3A_36 = arith.cmpf ole, %mul3A, %le3A_35 : vector<16x256xf32>
    %convert_element_type3A_37 = arith.extui %le3A_36 : vector<16x256xi1> to vector<16x256xi32>
    %convert_element_type3A_38 = arith.sitofp %convert_element_type3A_37 : vector<16x256xi32> to vector<16x256xf32>
    %mul3A_39 = arith.mulf %convert_element_type3A_38, %convert_element_type3A_33 : vector<16x256xf32>
    %reduce_sum3A_40 = vector.shape_cast %mul3A_39 : vector<16x256xf32> to vector<1x16x256xf32>
    %reduce_sum3A_41 = arith.constant dense<0.000000e+00> : vector<1xf32>
    %reduce_sum3A_42 = vector.multi_reduction <add>, %reduce_sum3A_40, %reduce_sum3A_41 [1, 2] : vector<1x16x256xf32> to vector<1xf32>
    %reduce_sum3A_43 = vector.shape_cast %reduce_sum3A_42 : vector<1xf32> to vector<1x1x1xf32>
    %reduce_sum3A_44 = vector.extract %reduce_sum3A_43[0, 0, 0] : f32 from vector<1x1x1xf32>
    %convert_element_type3A_45 = arith.fptosi %reduce_sum3A_44 : f32 to i32
    %mul3A_46 = arith.mulf %mul3A, %mul3A_39 : vector<16x256xf32>
    %reduce_max3A = vector.shape_cast %mul3A_46 : vector<16x256xf32> to vector<1x16x256xf32>
    %reduce_max3A_47 = arith.constant dense<0xFF800000> : vector<1xf32>
    %reduce_max3A_48 = vector.multi_reduction <maximumf>, %reduce_max3A, %reduce_max3A_47 [1, 2] : vector<1x16x256xf32> to vector<1xf32>
    %reduce_max3A_49 = vector.shape_cast %reduce_max3A_48 : vector<1xf32> to vector<1x1x1xf32>
    %reduce_max3A_50 = vector.extract %reduce_max3A_49[0, 0, 0] : f32 from vector<1x1x1xf32>
    %convert_element_type3A_51 = arith.fptosi %reduce_max3A_50 : f32 to i32
    %sub3A = arith.subi %get3A_26, %convert_element_type3A_51 : i32
    %mul3A_52 = arith.constant 256 : i32
    %mul3A_53 = arith.muli %get3A_30, %mul3A_52 : i32
    %add3A = arith.addi %mul3A_53, %convert_element_type3A_45 : i32
    %get3A_54 = arith.constant 0 : index
    %get3A_55 = arith.constant 1 : index
    %get3A_56 = vector.load %arg1[%get3A_54, %get3A_55] : memref<8x128xi32, #tpu.memory_space<vmem>>, vector<1x1xi32>
    %get3A_57 = vector.extract %get3A_56[0, 0] : i32 from vector<1x1xi32>
    %get3A_58 = arith.constant 1 : index
    %get3A_59 = arith.constant 1 : index
    %get3A_60 = vector.load %arg1[%get3A_58, %get3A_59] : memref<8x128xi32, #tpu.memory_space<vmem>>, vector<1x1xi32>
    %get3A_61 = vector.extract %get3A_60[0, 0] : i32 from vector<1x1xi32>
    %eq3A_62 = vector.broadcast %get3A_61 : i32 to vector<16x256xi32>
    %eq3A_63 = arith.cmpi eq, %iota3A_22, %eq3A_62 : vector<16x256xi32>
    %convert_element_type3A_64 = arith.extui %eq3A_63 : vector<16x256xi1> to vector<16x256xi32>
    %convert_element_type3A_65 = arith.sitofp %convert_element_type3A_64 : vector<16x256xi32> to vector<16x256xf32>
    %mul3A_66 = arith.mulf %dot_general3A_21, %convert_element_type3A_65 : vector<16x256xf32>
    %convert_element_type3A_67 = arith.sitofp %get3A_57 : i32 to f32
    %le3A_68 = vector.broadcast %convert_element_type3A_67 : f32 to vector<16x256xf32>
    %le3A_69 = arith.cmpf ole, %mul3A_66, %le3A_68 : vector<16x256xf32>
    %convert_element_type3A_70 = arith.extui %le3A_69 : vector<16x256xi1> to vector<16x256xi32>
    %convert_element_type3A_71 = arith.sitofp %convert_element_type3A_70 : vector<16x256xi32> to vector<16x256xf32>
    %mul3A_72 = arith.mulf %convert_element_type3A_71, %convert_element_type3A_65 : vector<16x256xf32>
    %reduce_sum3A_73 = vector.shape_cast %mul3A_72 : vector<16x256xf32> to vector<1x16x256xf32>
    %reduce_sum3A_74 = arith.constant dense<0.000000e+00> : vector<1xf32>
    %reduce_sum3A_75 = vector.multi_reduction <add>, %reduce_sum3A_73, %reduce_sum3A_74 [1, 2] : vector<1x16x256xf32> to vector<1xf32>
    %reduce_sum3A_76 = vector.shape_cast %reduce_sum3A_75 : vector<1xf32> to vector<1x1x1xf32>
    %reduce_sum3A_77 = vector.extract %reduce_sum3A_76[0, 0, 0] : f32 from vector<1x1x1xf32>
    %convert_element_type3A_78 = arith.fptosi %reduce_sum3A_77 : f32 to i32
    %mul3A_79 = arith.mulf %mul3A_66, %mul3A_72 : vector<16x256xf32>
    %reduce_max3A_80 = vector.shape_cast %mul3A_79 : vector<16x256xf32> to vector<1x16x256xf32>
    %reduce_max3A_81 = arith.constant dense<0xFF800000> : vector<1xf32>
    %reduce_max3A_82 = vector.multi_reduction <maximumf>, %reduce_max3A_80, %reduce_max3A_81 [1, 2] : vector<1x16x256xf32> to vector<1xf32>
    %reduce_max3A_83 = vector.shape_cast %reduce_max3A_82 : vector<1xf32> to vector<1x1x1xf32>
    %reduce_max3A_84 = vector.extract %reduce_max3A_83[0, 0, 0] : f32 from vector<1x1x1xf32>
    %convert_element_type3A_85 = arith.fptosi %reduce_max3A_84 : f32 to i32
    %sub3A_86 = arith.subi %get3A_57, %convert_element_type3A_85 : i32
    %mul3A_87 = arith.constant 256 : i32
    %mul3A_88 = arith.muli %get3A_61, %mul3A_87 : i32
    %add3A_89 = arith.addi %mul3A_88, %convert_element_type3A_78 : i32
    %ne3A = arith.cmpi ne, %add3A_89, %add3A : i32
    %convert_element_type3A_90 = arith.extui %ne3A : i1 to i32
    %get3A_91 = arith.constant 0 : index
    %get3A_92 = arith.constant 2 : index
    %get3A_93 = vector.load %arg1[%get3A_91, %get3A_92] : memref<8x128xi32, #tpu.memory_space<vmem>>, vector<1x1xi32>
    %get3A_94 = vector.extract %get3A_93[0, 0] : i32 from vector<1x1xi32>
    %get3A_95 = arith.constant 1 : index
    %get3A_96 = arith.constant 2 : index
    %get3A_97 = vector.load %arg1[%get3A_95, %get3A_96] : memref<8x128xi32, #tpu.memory_space<vmem>>, vector<1x1xi32>
    %get3A_98 = vector.extract %get3A_97[0, 0] : i32 from vector<1x1xi32>
    %eq3A_99 = vector.broadcast %get3A_98 : i32 to vector<16x256xi32>
    %eq3A_100 = arith.cmpi eq, %iota3A_22, %eq3A_99 : vector<16x256xi32>
    %convert_element_type3A_101 = arith.extui %eq3A_100 : vector<16x256xi1> to vector<16x256xi32>
    %convert_element_type3A_102 = arith.sitofp %convert_element_type3A_101 : vector<16x256xi32> to vector<16x256xf32>
    %mul3A_103 = arith.mulf %dot_general3A_21, %convert_element_type3A_102 : vector<16x256xf32>
    %convert_element_type3A_104 = arith.sitofp %get3A_94 : i32 to f32
    %le3A_105 = vector.broadcast %convert_element_type3A_104 : f32 to vector<16x256xf32>
    %le3A_106 = arith.cmpf ole, %mul3A_103, %le3A_105 : vector<16x256xf32>
    %convert_element_type3A_107 = arith.extui %le3A_106 : vector<16x256xi1> to vector<16x256xi32>
    %convert_element_type3A_108 = arith.sitofp %convert_element_type3A_107 : vector<16x256xi32> to vector<16x256xf32>
    %mul3A_109 = arith.mulf %convert_element_type3A_108, %convert_element_type3A_102 : vector<16x256xf32>
    %reduce_sum3A_110 = vector.shape_cast %mul3A_109 : vector<16x256xf32> to vector<1x16x256xf32>
    %reduce_sum3A_111 = arith.constant dense<0.000000e+00> : vector<1xf32>
    %reduce_sum3A_112 = vector.multi_reduction <add>, %reduce_sum3A_110, %reduce_sum3A_111 [1, 2] : vector<1x16x256xf32> to vector<1xf32>
    %reduce_sum3A_113 = vector.shape_cast %reduce_sum3A_112 : vector<1xf32> to vector<1x1x1xf32>
    %reduce_sum3A_114 = vector.extract %reduce_sum3A_113[0, 0, 0] : f32 from vector<1x1x1xf32>
    %convert_element_type3A_115 = arith.fptosi %reduce_sum3A_114 : f32 to i32
    %mul3A_116 = arith.mulf %mul3A_103, %mul3A_109 : vector<16x256xf32>
    %reduce_max3A_117 = vector.shape_cast %mul3A_116 : vector<16x256xf32> to vector<1x16x256xf32>
    %reduce_max3A_118 = arith.constant dense<0xFF800000> : vector<1xf32>
    %reduce_max3A_119 = vector.multi_reduction <maximumf>, %reduce_max3A_117, %reduce_max3A_118 [1, 2] : vector<1x16x256xf32> to vector<1xf32>
    %reduce_max3A_120 = vector.shape_cast %reduce_max3A_119 : vector<1xf32> to vector<1x1x1xf32>
    %reduce_max3A_121 = vector.extract %reduce_max3A_120[0, 0, 0] : f32 from vector<1x1x1xf32>
    %convert_element_type3A_122 = arith.fptosi %reduce_max3A_121 : f32 to i32
    %sub3A_123 = arith.subi %get3A_94, %convert_element_type3A_122 : i32
    %mul3A_124 = arith.constant 256 : i32
    %mul3A_125 = arith.muli %get3A_98, %mul3A_124 : i32
    %add3A_126 = arith.addi %mul3A_125, %convert_element_type3A_115 : i32
    %ne3A_127 = arith.cmpi ne, %add3A_126, %add3A_89 : i32
    %convert_element_type3A_128 = arith.extui %ne3A_127 : i1 to i32
    %get3A_129 = arith.constant 0 : index
    %get3A_130 = arith.constant 3 : index
    %get3A_131 = vector.load %arg1[%get3A_129, %get3A_130] : memref<8x128xi32, #tpu.memory_space<vmem>>, vector<1x1xi32>
    %get3A_132 = vector.extract %get3A_131[0, 0] : i32 from vector<1x1xi32>
    %get3A_133 = arith.constant 1 : index
    %get3A_134 = arith.constant 3 : index
    %get3A_135 = vector.load %arg1[%get3A_133, %get3A_134] : memref<8x128xi32, #tpu.memory_space<vmem>>, vector<1x1xi32>
    %get3A_136 = vector.extract %get3A_135[0, 0] : i32 from vector<1x1xi32>
    %eq3A_137 = vector.broadcast %get3A_136 : i32 to vector<16x256xi32>
    %eq3A_138 = arith.cmpi eq, %iota3A_22, %eq3A_137 : vector<16x256xi32>
    %convert_element_type3A_139 = arith.extui %eq3A_138 : vector<16x256xi1> to vector<16x256xi32>
    %convert_element_type3A_140 = arith.sitofp %convert_element_type3A_139 : vector<16x256xi32> to vector<16x256xf32>
    %mul3A_141 = arith.mulf %dot_general3A_21, %convert_element_type3A_140 : vector<16x256xf32>
    %convert_element_type3A_142 = arith.sitofp %get3A_132 : i32 to f32
    %le3A_143 = vector.broadcast %convert_element_type3A_142 : f32 to vector<16x256xf32>
    %le3A_144 = arith.cmpf ole, %mul3A_141, %le3A_143 : vector<16x256xf32>
    %convert_element_type3A_145 = arith.extui %le3A_144 : vector<16x256xi1> to vector<16x256xi32>
    %convert_element_type3A_146 = arith.sitofp %convert_element_type3A_145 : vector<16x256xi32> to vector<16x256xf32>
    %mul3A_147 = arith.mulf %convert_element_type3A_146, %convert_element_type3A_140 : vector<16x256xf32>
    %reduce_sum3A_148 = vector.shape_cast %mul3A_147 : vector<16x256xf32> to vector<1x16x256xf32>
    %reduce_sum3A_149 = arith.constant dense<0.000000e+00> : vector<1xf32>
    %reduce_sum3A_150 = vector.multi_reduction <add>, %reduce_sum3A_148, %reduce_sum3A_149 [1, 2] : vector<1x16x256xf32> to vector<1xf32>
    %reduce_sum3A_151 = vector.shape_cast %reduce_sum3A_150 : vector<1xf32> to vector<1x1x1xf32>
    %reduce_sum3A_152 = vector.extract %reduce_sum3A_151[0, 0, 0] : f32 from vector<1x1x1xf32>
    %convert_element_type3A_153 = arith.fptosi %reduce_sum3A_152 : f32 to i32
    %mul3A_154 = arith.mulf %mul3A_141, %mul3A_147 : vector<16x256xf32>
    %reduce_max3A_155 = vector.shape_cast %mul3A_154 : vector<16x256xf32> to vector<1x16x256xf32>
    %reduce_max3A_156 = arith.constant dense<0xFF800000> : vector<1xf32>
    %reduce_max3A_157 = vector.multi_reduction <maximumf>, %reduce_max3A_155, %reduce_max3A_156 [1, 2] : vector<1x16x256xf32> to vector<1xf32>
    %reduce_max3A_158 = vector.shape_cast %reduce_max3A_157 : vector<1xf32> to vector<1x1x1xf32>
    %reduce_max3A_159 = vector.extract %reduce_max3A_158[0, 0, 0] : f32 from vector<1x1x1xf32>
    %convert_element_type3A_160 = arith.fptosi %reduce_max3A_159 : f32 to i32
    %sub3A_161 = arith.subi %get3A_132, %convert_element_type3A_160 : i32
    %mul3A_162 = arith.constant 256 : i32
    %mul3A_163 = arith.muli %get3A_136, %mul3A_162 : i32
    %add3A_164 = arith.addi %mul3A_163, %convert_element_type3A_153 : i32
    %ne3A_165 = arith.cmpi ne, %add3A_164, %add3A_126 : i32
    %convert_element_type3A_166 = arith.extui %ne3A_165 : i1 to i32
    %get3A_167 = arith.constant 0 : index
    %get3A_168 = arith.constant 4 : index
    %get3A_169 = vector.load %arg1[%get3A_167, %get3A_168] : memref<8x128xi32, #tpu.memory_space<vmem>>, vector<1x1xi32>
    %get3A_170 = vector.extract %get3A_169[0, 0] : i32 from vector<1x1xi32>
    %get3A_171 = arith.constant 1 : index
    %get3A_172 = arith.constant 4 : index
    %get3A_173 = vector.load %arg1[%get3A_171, %get3A_172] : memref<8x128xi32, #tpu.memory_space<vmem>>, vector<1x1xi32>
    %get3A_174 = vector.extract %get3A_173[0, 0] : i32 from vector<1x1xi32>
    %eq3A_175 = vector.broadcast %get3A_174 : i32 to vector<16x256xi32>
    %eq3A_176 = arith.cmpi eq, %iota3A_22, %eq3A_175 : vector<16x256xi32>
    %convert_element_type3A_177 = arith.extui %eq3A_176 : vector<16x256xi1> to vector<16x256xi32>
    %convert_element_type3A_178 = arith.sitofp %convert_element_type3A_177 : vector<16x256xi32> to vector<16x256xf32>
    %mul3A_179 = arith.mulf %dot_general3A_21, %convert_element_type3A_178 : vector<16x256xf32>
    %convert_element_type3A_180 = arith.sitofp %get3A_170 : i32 to f32
    %le3A_181 = vector.broadcast %convert_element_type3A_180 : f32 to vector<16x256xf32>
    %le3A_182 = arith.cmpf ole, %mul3A_179, %le3A_181 : vector<16x256xf32>
    %convert_element_type3A_183 = arith.extui %le3A_182 : vector<16x256xi1> to vector<16x256xi32>
    %convert_element_type3A_184 = arith.sitofp %convert_element_type3A_183 : vector<16x256xi32> to vector<16x256xf32>
    %mul3A_185 = arith.mulf %convert_element_type3A_184, %convert_element_type3A_178 : vector<16x256xf32>
    %reduce_sum3A_186 = vector.shape_cast %mul3A_185 : vector<16x256xf32> to vector<1x16x256xf32>
    %reduce_sum3A_187 = arith.constant dense<0.000000e+00> : vector<1xf32>
    %reduce_sum3A_188 = vector.multi_reduction <add>, %reduce_sum3A_186, %reduce_sum3A_187 [1, 2] : vector<1x16x256xf32> to vector<1xf32>
    %reduce_sum3A_189 = vector.shape_cast %reduce_sum3A_188 : vector<1xf32> to vector<1x1x1xf32>
    %reduce_sum3A_190 = vector.extract %reduce_sum3A_189[0, 0, 0] : f32 from vector<1x1x1xf32>
    %convert_element_type3A_191 = arith.fptosi %reduce_sum3A_190 : f32 to i32
    %mul3A_192 = arith.mulf %mul3A_179, %mul3A_185 : vector<16x256xf32>
    %reduce_max3A_193 = vector.shape_cast %mul3A_192 : vector<16x256xf32> to vector<1x16x256xf32>
    %reduce_max3A_194 = arith.constant dense<0xFF800000> : vector<1xf32>
    %reduce_max3A_195 = vector.multi_reduction <maximumf>, %reduce_max3A_193, %reduce_max3A_194 [1, 2] : vector<1x16x256xf32> to vector<1xf32>
    %reduce_max3A_196 = vector.shape_cast %reduce_max3A_195 : vector<1xf32> to vector<1x1x1xf32>
    %reduce_max3A_197 = vector.extract %reduce_max3A_196[0, 0, 0] : f32 from vector<1x1x1xf32>
    %convert_element_type3A_198 = arith.fptosi %reduce_max3A_197 : f32 to i32
    %sub3A_199 = arith.subi %get3A_170, %convert_element_type3A_198 : i32
    %mul3A_200 = arith.constant 256 : i32
    %mul3A_201 = arith.muli %get3A_174, %mul3A_200 : i32
    %add3A_202 = arith.addi %mul3A_201, %convert_element_type3A_191 : i32
    %ne3A_203 = arith.cmpi ne, %add3A_202, %add3A_164 : i32
    %convert_element_type3A_204 = arith.extui %ne3A_203 : i1 to i32
    %get3A_205 = arith.constant 0 : index
    %get3A_206 = arith.constant 5 : index
    %get3A_207 = vector.load %arg1[%get3A_205, %get3A_206] : memref<8x128xi32, #tpu.memory_space<vmem>>, vector<1x1xi32>
    %get3A_208 = vector.extract %get3A_207[0, 0] : i32 from vector<1x1xi32>
    %get3A_209 = arith.constant 1 : index
    %get3A_210 = arith.constant 5 : index
    %get3A_211 = vector.load %arg1[%get3A_209, %get3A_210] : memref<8x128xi32, #tpu.memory_space<vmem>>, vector<1x1xi32>
    %get3A_212 = vector.extract %get3A_211[0, 0] : i32 from vector<1x1xi32>
    %eq3A_213 = vector.broadcast %get3A_212 : i32 to vector<16x256xi32>
    %eq3A_214 = arith.cmpi eq, %iota3A_22, %eq3A_213 : vector<16x256xi32>
    %convert_element_type3A_215 = arith.extui %eq3A_214 : vector<16x256xi1> to vector<16x256xi32>
    %convert_element_type3A_216 = arith.sitofp %convert_element_type3A_215 : vector<16x256xi32> to vector<16x256xf32>
    %mul3A_217 = arith.mulf %dot_general3A_21, %convert_element_type3A_216 : vector<16x256xf32>
    %convert_element_type3A_218 = arith.sitofp %get3A_208 : i32 to f32
    %le3A_219 = vector.broadcast %convert_element_type3A_218 : f32 to vector<16x256xf32>
    %le3A_220 = arith.cmpf ole, %mul3A_217, %le3A_219 : vector<16x256xf32>
    %convert_element_type3A_221 = arith.extui %le3A_220 : vector<16x256xi1> to vector<16x256xi32>
    %convert_element_type3A_222 = arith.sitofp %convert_element_type3A_221 : vector<16x256xi32> to vector<16x256xf32>
    %mul3A_223 = arith.mulf %convert_element_type3A_222, %convert_element_type3A_216 : vector<16x256xf32>
    %reduce_sum3A_224 = vector.shape_cast %mul3A_223 : vector<16x256xf32> to vector<1x16x256xf32>
    %reduce_sum3A_225 = arith.constant dense<0.000000e+00> : vector<1xf32>
    %reduce_sum3A_226 = vector.multi_reduction <add>, %reduce_sum3A_224, %reduce_sum3A_225 [1, 2] : vector<1x16x256xf32> to vector<1xf32>
    %reduce_sum3A_227 = vector.shape_cast %reduce_sum3A_226 : vector<1xf32> to vector<1x1x1xf32>
    %reduce_sum3A_228 = vector.extract %reduce_sum3A_227[0, 0, 0] : f32 from vector<1x1x1xf32>
    %convert_element_type3A_229 = arith.fptosi %reduce_sum3A_228 : f32 to i32
    %mul3A_230 = arith.mulf %mul3A_217, %mul3A_223 : vector<16x256xf32>
    %reduce_max3A_231 = vector.shape_cast %mul3A_230 : vector<16x256xf32> to vector<1x16x256xf32>
    %reduce_max3A_232 = arith.constant dense<0xFF800000> : vector<1xf32>
    %reduce_max3A_233 = vector.multi_reduction <maximumf>, %reduce_max3A_231, %reduce_max3A_232 [1, 2] : vector<1x16x256xf32> to vector<1xf32>
    %reduce_max3A_234 = vector.shape_cast %reduce_max3A_233 : vector<1xf32> to vector<1x1x1xf32>
    %reduce_max3A_235 = vector.extract %reduce_max3A_234[0, 0, 0] : f32 from vector<1x1x1xf32>
    %convert_element_type3A_236 = arith.fptosi %reduce_max3A_235 : f32 to i32
    %sub3A_237 = arith.subi %get3A_208, %convert_element_type3A_236 : i32
    %mul3A_238 = arith.constant 256 : i32
    %mul3A_239 = arith.muli %get3A_212, %mul3A_238 : i32
    %add3A_240 = arith.addi %mul3A_239, %convert_element_type3A_229 : i32
    %ne3A_241 = arith.cmpi ne, %add3A_240, %add3A_202 : i32
    %convert_element_type3A_242 = arith.extui %ne3A_241 : i1 to i32
    %get3A_243 = arith.constant 0 : index
    %get3A_244 = arith.constant 6 : index
    %get3A_245 = vector.load %arg1[%get3A_243, %get3A_244] : memref<8x128xi32, #tpu.memory_space<vmem>>, vector<1x1xi32>
    %get3A_246 = vector.extract %get3A_245[0, 0] : i32 from vector<1x1xi32>
    %get3A_247 = arith.constant 1 : index
    %get3A_248 = arith.constant 6 : index
    %get3A_249 = vector.load %arg1[%get3A_247, %get3A_248] : memref<8x128xi32, #tpu.memory_space<vmem>>, vector<1x1xi32>
    %get3A_250 = vector.extract %get3A_249[0, 0] : i32 from vector<1x1xi32>
    %eq3A_251 = vector.broadcast %get3A_250 : i32 to vector<16x256xi32>
    %eq3A_252 = arith.cmpi eq, %iota3A_22, %eq3A_251 : vector<16x256xi32>
    %convert_element_type3A_253 = arith.extui %eq3A_252 : vector<16x256xi1> to vector<16x256xi32>
    %convert_element_type3A_254 = arith.sitofp %convert_element_type3A_253 : vector<16x256xi32> to vector<16x256xf32>
    %mul3A_255 = arith.mulf %dot_general3A_21, %convert_element_type3A_254 : vector<16x256xf32>
    %convert_element_type3A_256 = arith.sitofp %get3A_246 : i32 to f32
    %le3A_257 = vector.broadcast %convert_element_type3A_256 : f32 to vector<16x256xf32>
    %le3A_258 = arith.cmpf ole, %mul3A_255, %le3A_257 : vector<16x256xf32>
    %convert_element_type3A_259 = arith.extui %le3A_258 : vector<16x256xi1> to vector<16x256xi32>
    %convert_element_type3A_260 = arith.sitofp %convert_element_type3A_259 : vector<16x256xi32> to vector<16x256xf32>
    %mul3A_261 = arith.mulf %convert_element_type3A_260, %convert_element_type3A_254 : vector<16x256xf32>
    %reduce_sum3A_262 = vector.shape_cast %mul3A_261 : vector<16x256xf32> to vector<1x16x256xf32>
    %reduce_sum3A_263 = arith.constant dense<0.000000e+00> : vector<1xf32>
    %reduce_sum3A_264 = vector.multi_reduction <add>, %reduce_sum3A_262, %reduce_sum3A_263 [1, 2] : vector<1x16x256xf32> to vector<1xf32>
    %reduce_sum3A_265 = vector.shape_cast %reduce_sum3A_264 : vector<1xf32> to vector<1x1x1xf32>
    %reduce_sum3A_266 = vector.extract %reduce_sum3A_265[0, 0, 0] : f32 from vector<1x1x1xf32>
    %convert_element_type3A_267 = arith.fptosi %reduce_sum3A_266 : f32 to i32
    %mul3A_268 = arith.mulf %mul3A_255, %mul3A_261 : vector<16x256xf32>
    %reduce_max3A_269 = vector.shape_cast %mul3A_268 : vector<16x256xf32> to vector<1x16x256xf32>
    %reduce_max3A_270 = arith.constant dense<0xFF800000> : vector<1xf32>
    %reduce_max3A_271 = vector.multi_reduction <maximumf>, %reduce_max3A_269, %reduce_max3A_270 [1, 2] : vector<1x16x256xf32> to vector<1xf32>
    %reduce_max3A_272 = vector.shape_cast %reduce_max3A_271 : vector<1xf32> to vector<1x1x1xf32>
    %reduce_max3A_273 = vector.extract %reduce_max3A_272[0, 0, 0] : f32 from vector<1x1x1xf32>
    %convert_element_type3A_274 = arith.fptosi %reduce_max3A_273 : f32 to i32
    %sub3A_275 = arith.subi %get3A_246, %convert_element_type3A_274 : i32
    %mul3A_276 = arith.constant 256 : i32
    %mul3A_277 = arith.muli %get3A_250, %mul3A_276 : i32
    %add3A_278 = arith.addi %mul3A_277, %convert_element_type3A_267 : i32
    %ne3A_279 = arith.cmpi ne, %add3A_278, %add3A_240 : i32
    %convert_element_type3A_280 = arith.extui %ne3A_279 : i1 to i32
    %get3A_281 = arith.constant 0 : index
    %get3A_282 = arith.constant 7 : index
    %get3A_283 = vector.load %arg1[%get3A_281, %get3A_282] : memref<8x128xi32, #tpu.memory_space<vmem>>, vector<1x1xi32>
    %get3A_284 = vector.extract %get3A_283[0, 0] : i32 from vector<1x1xi32>
    %get3A_285 = arith.constant 1 : index
    %get3A_286 = arith.constant 7 : index
    %get3A_287 = vector.load %arg1[%get3A_285, %get3A_286] : memref<8x128xi32, #tpu.memory_space<vmem>>, vector<1x1xi32>
    %get3A_288 = vector.extract %get3A_287[0, 0] : i32 from vector<1x1xi32>
    %eq3A_289 = vector.broadcast %get3A_288 : i32 to vector<16x256xi32>
    %eq3A_290 = arith.cmpi eq, %iota3A_22, %eq3A_289 : vector<16x256xi32>
    %convert_element_type3A_291 = arith.extui %eq3A_290 : vector<16x256xi1> to vector<16x256xi32>
    %convert_element_type3A_292 = arith.sitofp %convert_element_type3A_291 : vector<16x256xi32> to vector<16x256xf32>
    %mul3A_293 = arith.mulf %dot_general3A_21, %convert_element_type3A_292 : vector<16x256xf32>
    %convert_element_type3A_294 = arith.sitofp %get3A_284 : i32 to f32
    %le3A_295 = vector.broadcast %convert_element_type3A_294 : f32 to vector<16x256xf32>
    %le3A_296 = arith.cmpf ole, %mul3A_293, %le3A_295 : vector<16x256xf32>
    %convert_element_type3A_297 = arith.extui %le3A_296 : vector<16x256xi1> to vector<16x256xi32>
    %convert_element_type3A_298 = arith.sitofp %convert_element_type3A_297 : vector<16x256xi32> to vector<16x256xf32>
    %mul3A_299 = arith.mulf %convert_element_type3A_298, %convert_element_type3A_292 : vector<16x256xf32>
    %reduce_sum3A_300 = vector.shape_cast %mul3A_299 : vector<16x256xf32> to vector<1x16x256xf32>
    %reduce_sum3A_301 = arith.constant dense<0.000000e+00> : vector<1xf32>
    %reduce_sum3A_302 = vector.multi_reduction <add>, %reduce_sum3A_300, %reduce_sum3A_301 [1, 2] : vector<1x16x256xf32> to vector<1xf32>
    %reduce_sum3A_303 = vector.shape_cast %reduce_sum3A_302 : vector<1xf32> to vector<1x1x1xf32>
    %reduce_sum3A_304 = vector.extract %reduce_sum3A_303[0, 0, 0] : f32 from vector<1x1x1xf32>
    %convert_element_type3A_305 = arith.fptosi %reduce_sum3A_304 : f32 to i32
    %mul3A_306 = arith.mulf %mul3A_293, %mul3A_299 : vector<16x256xf32>
    %reduce_max3A_307 = vector.shape_cast %mul3A_306 : vector<16x256xf32> to vector<1x16x256xf32>
    %reduce_max3A_308 = arith.constant dense<0xFF800000> : vector<1xf32>
    %reduce_max3A_309 = vector.multi_reduction <maximumf>, %reduce_max3A_307, %reduce_max3A_308 [1, 2] : vector<1x16x256xf32> to vector<1xf32>
    %reduce_max3A_310 = vector.shape_cast %reduce_max3A_309 : vector<1xf32> to vector<1x1x1xf32>
    %reduce_max3A_311 = vector.extract %reduce_max3A_310[0, 0, 0] : f32 from vector<1x1x1xf32>
    %convert_element_type3A_312 = arith.fptosi %reduce_max3A_311 : f32 to i32
    %sub3A_313 = arith.subi %get3A_284, %convert_element_type3A_312 : i32
    %mul3A_314 = arith.constant 256 : i32
    %mul3A_315 = arith.muli %get3A_288, %mul3A_314 : i32
    %add3A_316 = arith.addi %mul3A_315, %convert_element_type3A_305 : i32
    %ne3A_317 = arith.cmpi ne, %add3A_316, %add3A_278 : i32
    %convert_element_type3A_318 = arith.extui %ne3A_317 : i1 to i32
    %get3A_319 = arith.constant 0 : index
    %get3A_320 = arith.constant 8 : index
    %get3A_321 = vector.load %arg1[%get3A_319, %get3A_320] : memref<8x128xi32, #tpu.memory_space<vmem>>, vector<1x1xi32>
    %get3A_322 = vector.extract %get3A_321[0, 0] : i32 from vector<1x1xi32>
    %get3A_323 = arith.constant 1 : index
    %get3A_324 = arith.constant 8 : index
    %get3A_325 = vector.load %arg1[%get3A_323, %get3A_324] : memref<8x128xi32, #tpu.memory_space<vmem>>, vector<1x1xi32>
    %get3A_326 = vector.extract %get3A_325[0, 0] : i32 from vector<1x1xi32>
    %eq3A_327 = vector.broadcast %get3A_326 : i32 to vector<16x256xi32>
    %eq3A_328 = arith.cmpi eq, %iota3A_22, %eq3A_327 : vector<16x256xi32>
    %convert_element_type3A_329 = arith.extui %eq3A_328 : vector<16x256xi1> to vector<16x256xi32>
    %convert_element_type3A_330 = arith.sitofp %convert_element_type3A_329 : vector<16x256xi32> to vector<16x256xf32>
    %mul3A_331 = arith.mulf %dot_general3A_21, %convert_element_type3A_330 : vector<16x256xf32>
    %convert_element_type3A_332 = arith.sitofp %get3A_322 : i32 to f32
    %le3A_333 = vector.broadcast %convert_element_type3A_332 : f32 to vector<16x256xf32>
    %le3A_334 = arith.cmpf ole, %mul3A_331, %le3A_333 : vector<16x256xf32>
    %convert_element_type3A_335 = arith.extui %le3A_334 : vector<16x256xi1> to vector<16x256xi32>
    %convert_element_type3A_336 = arith.sitofp %convert_element_type3A_335 : vector<16x256xi32> to vector<16x256xf32>
    %mul3A_337 = arith.mulf %convert_element_type3A_336, %convert_element_type3A_330 : vector<16x256xf32>
    %reduce_sum3A_338 = vector.shape_cast %mul3A_337 : vector<16x256xf32> to vector<1x16x256xf32>
    %reduce_sum3A_339 = arith.constant dense<0.000000e+00> : vector<1xf32>
    %reduce_sum3A_340 = vector.multi_reduction <add>, %reduce_sum3A_338, %reduce_sum3A_339 [1, 2] : vector<1x16x256xf32> to vector<1xf32>
    %reduce_sum3A_341 = vector.shape_cast %reduce_sum3A_340 : vector<1xf32> to vector<1x1x1xf32>
    %reduce_sum3A_342 = vector.extract %reduce_sum3A_341[0, 0, 0] : f32 from vector<1x1x1xf32>
    %convert_element_type3A_343 = arith.fptosi %reduce_sum3A_342 : f32 to i32
    %mul3A_344 = arith.mulf %mul3A_331, %mul3A_337 : vector<16x256xf32>
    %reduce_max3A_345 = vector.shape_cast %mul3A_344 : vector<16x256xf32> to vector<1x16x256xf32>
    %reduce_max3A_346 = arith.constant dense<0xFF800000> : vector<1xf32>
    %reduce_max3A_347 = vector.multi_reduction <maximumf>, %reduce_max3A_345, %reduce_max3A_346 [1, 2] : vector<1x16x256xf32> to vector<1xf32>
    %reduce_max3A_348 = vector.shape_cast %reduce_max3A_347 : vector<1xf32> to vector<1x1x1xf32>
    %reduce_max3A_349 = vector.extract %reduce_max3A_348[0, 0, 0] : f32 from vector<1x1x1xf32>
    %convert_element_type3A_350 = arith.fptosi %reduce_max3A_349 : f32 to i32
    %sub3A_351 = arith.subi %get3A_322, %convert_element_type3A_350 : i32
    %mul3A_352 = arith.constant 256 : i32
    %mul3A_353 = arith.muli %get3A_326, %mul3A_352 : i32
    %add3A_354 = arith.addi %mul3A_353, %convert_element_type3A_343 : i32
    %ne3A_355 = arith.cmpi ne, %add3A_354, %add3A_316 : i32
    %convert_element_type3A_356 = arith.extui %ne3A_355 : i1 to i32
    %get3A_357 = arith.constant 0 : index
    %get3A_358 = arith.constant 9 : index
    %get3A_359 = vector.load %arg1[%get3A_357, %get3A_358] : memref<8x128xi32, #tpu.memory_space<vmem>>, vector<1x1xi32>
    %get3A_360 = vector.extract %get3A_359[0, 0] : i32 from vector<1x1xi32>
    %get3A_361 = arith.constant 1 : index
    %get3A_362 = arith.constant 9 : index
    %get3A_363 = vector.load %arg1[%get3A_361, %get3A_362] : memref<8x128xi32, #tpu.memory_space<vmem>>, vector<1x1xi32>
    %get3A_364 = vector.extract %get3A_363[0, 0] : i32 from vector<1x1xi32>
    %eq3A_365 = vector.broadcast %get3A_364 : i32 to vector<16x256xi32>
    %eq3A_366 = arith.cmpi eq, %iota3A_22, %eq3A_365 : vector<16x256xi32>
    %convert_element_type3A_367 = arith.extui %eq3A_366 : vector<16x256xi1> to vector<16x256xi32>
    %convert_element_type3A_368 = arith.sitofp %convert_element_type3A_367 : vector<16x256xi32> to vector<16x256xf32>
    %mul3A_369 = arith.mulf %dot_general3A_21, %convert_element_type3A_368 : vector<16x256xf32>
    %convert_element_type3A_370 = arith.sitofp %get3A_360 : i32 to f32
    %le3A_371 = vector.broadcast %convert_element_type3A_370 : f32 to vector<16x256xf32>
    %le3A_372 = arith.cmpf ole, %mul3A_369, %le3A_371 : vector<16x256xf32>
    %convert_element_type3A_373 = arith.extui %le3A_372 : vector<16x256xi1> to vector<16x256xi32>
    %convert_element_type3A_374 = arith.sitofp %convert_element_type3A_373 : vector<16x256xi32> to vector<16x256xf32>
    %mul3A_375 = arith.mulf %convert_element_type3A_374, %convert_element_type3A_368 : vector<16x256xf32>
    %reduce_sum3A_376 = vector.shape_cast %mul3A_375 : vector<16x256xf32> to vector<1x16x256xf32>
    %reduce_sum3A_377 = arith.constant dense<0.000000e+00> : vector<1xf32>
    %reduce_sum3A_378 = vector.multi_reduction <add>, %reduce_sum3A_376, %reduce_sum3A_377 [1, 2] : vector<1x16x256xf32> to vector<1xf32>
    %reduce_sum3A_379 = vector.shape_cast %reduce_sum3A_378 : vector<1xf32> to vector<1x1x1xf32>
    %reduce_sum3A_380 = vector.extract %reduce_sum3A_379[0, 0, 0] : f32 from vector<1x1x1xf32>
    %convert_element_type3A_381 = arith.fptosi %reduce_sum3A_380 : f32 to i32
    %mul3A_382 = arith.mulf %mul3A_369, %mul3A_375 : vector<16x256xf32>
    %reduce_max3A_383 = vector.shape_cast %mul3A_382 : vector<16x256xf32> to vector<1x16x256xf32>
    %reduce_max3A_384 = arith.constant dense<0xFF800000> : vector<1xf32>
    %reduce_max3A_385 = vector.multi_reduction <maximumf>, %reduce_max3A_383, %reduce_max3A_384 [1, 2] : vector<1x16x256xf32> to vector<1xf32>
    %reduce_max3A_386 = vector.shape_cast %reduce_max3A_385 : vector<1xf32> to vector<1x1x1xf32>
    %reduce_max3A_387 = vector.extract %reduce_max3A_386[0, 0, 0] : f32 from vector<1x1x1xf32>
    %convert_element_type3A_388 = arith.fptosi %reduce_max3A_387 : f32 to i32
    %sub3A_389 = arith.subi %get3A_360, %convert_element_type3A_388 : i32
    %mul3A_390 = arith.constant 256 : i32
    %mul3A_391 = arith.muli %get3A_364, %mul3A_390 : i32
    %add3A_392 = arith.addi %mul3A_391, %convert_element_type3A_381 : i32
    %ne3A_393 = arith.cmpi ne, %add3A_392, %add3A_354 : i32
    %convert_element_type3A_394 = arith.extui %ne3A_393 : i1 to i32
    %get3A_395 = arith.constant 0 : index
    %get3A_396 = arith.constant 10 : index
    %get3A_397 = vector.load %arg1[%get3A_395, %get3A_396] : memref<8x128xi32, #tpu.memory_space<vmem>>, vector<1x1xi32>
    %get3A_398 = vector.extract %get3A_397[0, 0] : i32 from vector<1x1xi32>
    %get3A_399 = arith.constant 1 : index
    %get3A_400 = arith.constant 10 : index
    %get3A_401 = vector.load %arg1[%get3A_399, %get3A_400] : memref<8x128xi32, #tpu.memory_space<vmem>>, vector<1x1xi32>
    %get3A_402 = vector.extract %get3A_401[0, 0] : i32 from vector<1x1xi32>
    %eq3A_403 = vector.broadcast %get3A_402 : i32 to vector<16x256xi32>
    %eq3A_404 = arith.cmpi eq, %iota3A_22, %eq3A_403 : vector<16x256xi32>
    %convert_element_type3A_405 = arith.extui %eq3A_404 : vector<16x256xi1> to vector<16x256xi32>
    %convert_element_type3A_406 = arith.sitofp %convert_element_type3A_405 : vector<16x256xi32> to vector<16x256xf32>
    %mul3A_407 = arith.mulf %dot_general3A_21, %convert_element_type3A_406 : vector<16x256xf32>
    %convert_element_type3A_408 = arith.sitofp %get3A_398 : i32 to f32
    %le3A_409 = vector.broadcast %convert_element_type3A_408 : f32 to vector<16x256xf32>
    %le3A_410 = arith.cmpf ole, %mul3A_407, %le3A_409 : vector<16x256xf32>
    %convert_element_type3A_411 = arith.extui %le3A_410 : vector<16x256xi1> to vector<16x256xi32>
    %convert_element_type3A_412 = arith.sitofp %convert_element_type3A_411 : vector<16x256xi32> to vector<16x256xf32>
    %mul3A_413 = arith.mulf %convert_element_type3A_412, %convert_element_type3A_406 : vector<16x256xf32>
    %reduce_sum3A_414 = vector.shape_cast %mul3A_413 : vector<16x256xf32> to vector<1x16x256xf32>
    %reduce_sum3A_415 = arith.constant dense<0.000000e+00> : vector<1xf32>
    %reduce_sum3A_416 = vector.multi_reduction <add>, %reduce_sum3A_414, %reduce_sum3A_415 [1, 2] : vector<1x16x256xf32> to vector<1xf32>
    %reduce_sum3A_417 = vector.shape_cast %reduce_sum3A_416 : vector<1xf32> to vector<1x1x1xf32>
    %reduce_sum3A_418 = vector.extract %reduce_sum3A_417[0, 0, 0] : f32 from vector<1x1x1xf32>
    %convert_element_type3A_419 = arith.fptosi %reduce_sum3A_418 : f32 to i32
    %mul3A_420 = arith.mulf %mul3A_407, %mul3A_413 : vector<16x256xf32>
    %reduce_max3A_421 = vector.shape_cast %mul3A_420 : vector<16x256xf32> to vector<1x16x256xf32>
    %reduce_max3A_422 = arith.constant dense<0xFF800000> : vector<1xf32>
    %reduce_max3A_423 = vector.multi_reduction <maximumf>, %reduce_max3A_421, %reduce_max3A_422 [1, 2] : vector<1x16x256xf32> to vector<1xf32>
    %reduce_max3A_424 = vector.shape_cast %reduce_max3A_423 : vector<1xf32> to vector<1x1x1xf32>
    %reduce_max3A_425 = vector.extract %reduce_max3A_424[0, 0, 0] : f32 from vector<1x1x1xf32>
    %convert_element_type3A_426 = arith.fptosi %reduce_max3A_425 : f32 to i32
    %sub3A_427 = arith.subi %get3A_398, %convert_element_type3A_426 : i32
    %mul3A_428 = arith.constant 256 : i32
    %mul3A_429 = arith.muli %get3A_402, %mul3A_428 : i32
    %add3A_430 = arith.addi %mul3A_429, %convert_element_type3A_419 : i32
    %ne3A_431 = arith.cmpi ne, %add3A_430, %add3A_392 : i32
    %convert_element_type3A_432 = arith.extui %ne3A_431 : i1 to i32
    %get3A_433 = arith.constant 0 : index
    %get3A_434 = arith.constant 11 : index
    %get3A_435 = vector.load %arg1[%get3A_433, %get3A_434] : memref<8x128xi32, #tpu.memory_space<vmem>>, vector<1x1xi32>
    %get3A_436 = vector.extract %get3A_435[0, 0] : i32 from vector<1x1xi32>
    %get3A_437 = arith.constant 1 : index
    %get3A_438 = arith.constant 11 : index
    %get3A_439 = vector.load %arg1[%get3A_437, %get3A_438] : memref<8x128xi32, #tpu.memory_space<vmem>>, vector<1x1xi32>
    %get3A_440 = vector.extract %get3A_439[0, 0] : i32 from vector<1x1xi32>
    %eq3A_441 = vector.broadcast %get3A_440 : i32 to vector<16x256xi32>
    %eq3A_442 = arith.cmpi eq, %iota3A_22, %eq3A_441 : vector<16x256xi32>
    %convert_element_type3A_443 = arith.extui %eq3A_442 : vector<16x256xi1> to vector<16x256xi32>
    %convert_element_type3A_444 = arith.sitofp %convert_element_type3A_443 : vector<16x256xi32> to vector<16x256xf32>
    %mul3A_445 = arith.mulf %dot_general3A_21, %convert_element_type3A_444 : vector<16x256xf32>
    %convert_element_type3A_446 = arith.sitofp %get3A_436 : i32 to f32
    %le3A_447 = vector.broadcast %convert_element_type3A_446 : f32 to vector<16x256xf32>
    %le3A_448 = arith.cmpf ole, %mul3A_445, %le3A_447 : vector<16x256xf32>
    %convert_element_type3A_449 = arith.extui %le3A_448 : vector<16x256xi1> to vector<16x256xi32>
    %convert_element_type3A_450 = arith.sitofp %convert_element_type3A_449 : vector<16x256xi32> to vector<16x256xf32>
    %mul3A_451 = arith.mulf %convert_element_type3A_450, %convert_element_type3A_444 : vector<16x256xf32>
    %reduce_sum3A_452 = vector.shape_cast %mul3A_451 : vector<16x256xf32> to vector<1x16x256xf32>
    %reduce_sum3A_453 = arith.constant dense<0.000000e+00> : vector<1xf32>
    %reduce_sum3A_454 = vector.multi_reduction <add>, %reduce_sum3A_452, %reduce_sum3A_453 [1, 2] : vector<1x16x256xf32> to vector<1xf32>
    %reduce_sum3A_455 = vector.shape_cast %reduce_sum3A_454 : vector<1xf32> to vector<1x1x1xf32>
    %reduce_sum3A_456 = vector.extract %reduce_sum3A_455[0, 0, 0] : f32 from vector<1x1x1xf32>
    %convert_element_type3A_457 = arith.fptosi %reduce_sum3A_456 : f32 to i32
    %mul3A_458 = arith.mulf %mul3A_445, %mul3A_451 : vector<16x256xf32>
    %reduce_max3A_459 = vector.shape_cast %mul3A_458 : vector<16x256xf32> to vector<1x16x256xf32>
    %reduce_max3A_460 = arith.constant dense<0xFF800000> : vector<1xf32>
    %reduce_max3A_461 = vector.multi_reduction <maximumf>, %reduce_max3A_459, %reduce_max3A_460 [1, 2] : vector<1x16x256xf32> to vector<1xf32>
    %reduce_max3A_462 = vector.shape_cast %reduce_max3A_461 : vector<1xf32> to vector<1x1x1xf32>
    %reduce_max3A_463 = vector.extract %reduce_max3A_462[0, 0, 0] : f32 from vector<1x1x1xf32>
    %convert_element_type3A_464 = arith.fptosi %reduce_max3A_463 : f32 to i32
    %sub3A_465 = arith.subi %get3A_436, %convert_element_type3A_464 : i32
    %mul3A_466 = arith.constant 256 : i32
    %mul3A_467 = arith.muli %get3A_440, %mul3A_466 : i32
    %add3A_468 = arith.addi %mul3A_467, %convert_element_type3A_457 : i32
    %ne3A_469 = arith.cmpi ne, %add3A_468, %add3A_430 : i32
    %convert_element_type3A_470 = arith.extui %ne3A_469 : i1 to i32
    %get3A_471 = arith.constant 0 : index
    %get3A_472 = arith.constant 12 : index
    %get3A_473 = vector.load %arg1[%get3A_471, %get3A_472] : memref<8x128xi32, #tpu.memory_space<vmem>>, vector<1x1xi32>
    %get3A_474 = vector.extract %get3A_473[0, 0] : i32 from vector<1x1xi32>
    %get3A_475 = arith.constant 1 : index
    %get3A_476 = arith.constant 12 : index
    %get3A_477 = vector.load %arg1[%get3A_475, %get3A_476] : memref<8x128xi32, #tpu.memory_space<vmem>>, vector<1x1xi32>
    %get3A_478 = vector.extract %get3A_477[0, 0] : i32 from vector<1x1xi32>
    %eq3A_479 = vector.broadcast %get3A_478 : i32 to vector<16x256xi32>
    %eq3A_480 = arith.cmpi eq, %iota3A_22, %eq3A_479 : vector<16x256xi32>
    %convert_element_type3A_481 = arith.extui %eq3A_480 : vector<16x256xi1> to vector<16x256xi32>
    %convert_element_type3A_482 = arith.sitofp %convert_element_type3A_481 : vector<16x256xi32> to vector<16x256xf32>
    %mul3A_483 = arith.mulf %dot_general3A_21, %convert_element_type3A_482 : vector<16x256xf32>
    %convert_element_type3A_484 = arith.sitofp %get3A_474 : i32 to f32
    %le3A_485 = vector.broadcast %convert_element_type3A_484 : f32 to vector<16x256xf32>
    %le3A_486 = arith.cmpf ole, %mul3A_483, %le3A_485 : vector<16x256xf32>
    %convert_element_type3A_487 = arith.extui %le3A_486 : vector<16x256xi1> to vector<16x256xi32>
    %convert_element_type3A_488 = arith.sitofp %convert_element_type3A_487 : vector<16x256xi32> to vector<16x256xf32>
    %mul3A_489 = arith.mulf %convert_element_type3A_488, %convert_element_type3A_482 : vector<16x256xf32>
    %reduce_sum3A_490 = vector.shape_cast %mul3A_489 : vector<16x256xf32> to vector<1x16x256xf32>
    %reduce_sum3A_491 = arith.constant dense<0.000000e+00> : vector<1xf32>
    %reduce_sum3A_492 = vector.multi_reduction <add>, %reduce_sum3A_490, %reduce_sum3A_491 [1, 2] : vector<1x16x256xf32> to vector<1xf32>
    %reduce_sum3A_493 = vector.shape_cast %reduce_sum3A_492 : vector<1xf32> to vector<1x1x1xf32>
    %reduce_sum3A_494 = vector.extract %reduce_sum3A_493[0, 0, 0] : f32 from vector<1x1x1xf32>
    %convert_element_type3A_495 = arith.fptosi %reduce_sum3A_494 : f32 to i32
    %mul3A_496 = arith.mulf %mul3A_483, %mul3A_489 : vector<16x256xf32>
    %reduce_max3A_497 = vector.shape_cast %mul3A_496 : vector<16x256xf32> to vector<1x16x256xf32>
    %reduce_max3A_498 = arith.constant dense<0xFF800000> : vector<1xf32>
    %reduce_max3A_499 = vector.multi_reduction <maximumf>, %reduce_max3A_497, %reduce_max3A_498 [1, 2] : vector<1x16x256xf32> to vector<1xf32>
    %reduce_max3A_500 = vector.shape_cast %reduce_max3A_499 : vector<1xf32> to vector<1x1x1xf32>
    %reduce_max3A_501 = vector.extract %reduce_max3A_500[0, 0, 0] : f32 from vector<1x1x1xf32>
    %convert_element_type3A_502 = arith.fptosi %reduce_max3A_501 : f32 to i32
    %sub3A_503 = arith.subi %get3A_474, %convert_element_type3A_502 : i32
    %mul3A_504 = arith.constant 256 : i32
    %mul3A_505 = arith.muli %get3A_478, %mul3A_504 : i32
    %add3A_506 = arith.addi %mul3A_505, %convert_element_type3A_495 : i32
    %ne3A_507 = arith.cmpi ne, %add3A_506, %add3A_468 : i32
    %convert_element_type3A_508 = arith.extui %ne3A_507 : i1 to i32
    %get3A_509 = arith.constant 0 : index
    %get3A_510 = arith.constant 13 : index
    %get3A_511 = vector.load %arg1[%get3A_509, %get3A_510] : memref<8x128xi32, #tpu.memory_space<vmem>>, vector<1x1xi32>
    %get3A_512 = vector.extract %get3A_511[0, 0] : i32 from vector<1x1xi32>
    %get3A_513 = arith.constant 1 : index
    %get3A_514 = arith.constant 13 : index
    %get3A_515 = vector.load %arg1[%get3A_513, %get3A_514] : memref<8x128xi32, #tpu.memory_space<vmem>>, vector<1x1xi32>
    %get3A_516 = vector.extract %get3A_515[0, 0] : i32 from vector<1x1xi32>
    %eq3A_517 = vector.broadcast %get3A_516 : i32 to vector<16x256xi32>
    %eq3A_518 = arith.cmpi eq, %iota3A_22, %eq3A_517 : vector<16x256xi32>
    %convert_element_type3A_519 = arith.extui %eq3A_518 : vector<16x256xi1> to vector<16x256xi32>
    %convert_element_type3A_520 = arith.sitofp %convert_element_type3A_519 : vector<16x256xi32> to vector<16x256xf32>
    %mul3A_521 = arith.mulf %dot_general3A_21, %convert_element_type3A_520 : vector<16x256xf32>
    %convert_element_type3A_522 = arith.sitofp %get3A_512 : i32 to f32
    %le3A_523 = vector.broadcast %convert_element_type3A_522 : f32 to vector<16x256xf32>
    %le3A_524 = arith.cmpf ole, %mul3A_521, %le3A_523 : vector<16x256xf32>
    %convert_element_type3A_525 = arith.extui %le3A_524 : vector<16x256xi1> to vector<16x256xi32>
    %convert_element_type3A_526 = arith.sitofp %convert_element_type3A_525 : vector<16x256xi32> to vector<16x256xf32>
    %mul3A_527 = arith.mulf %convert_element_type3A_526, %convert_element_type3A_520 : vector<16x256xf32>
    %reduce_sum3A_528 = vector.shape_cast %mul3A_527 : vector<16x256xf32> to vector<1x16x256xf32>
    %reduce_sum3A_529 = arith.constant dense<0.000000e+00> : vector<1xf32>
    %reduce_sum3A_530 = vector.multi_reduction <add>, %reduce_sum3A_528, %reduce_sum3A_529 [1, 2] : vector<1x16x256xf32> to vector<1xf32>
    %reduce_sum3A_531 = vector.shape_cast %reduce_sum3A_530 : vector<1xf32> to vector<1x1x1xf32>
    %reduce_sum3A_532 = vector.extract %reduce_sum3A_531[0, 0, 0] : f32 from vector<1x1x1xf32>
    %convert_element_type3A_533 = arith.fptosi %reduce_sum3A_532 : f32 to i32
    %mul3A_534 = arith.mulf %mul3A_521, %mul3A_527 : vector<16x256xf32>
    %reduce_max3A_535 = vector.shape_cast %mul3A_534 : vector<16x256xf32> to vector<1x16x256xf32>
    %reduce_max3A_536 = arith.constant dense<0xFF800000> : vector<1xf32>
    %reduce_max3A_537 = vector.multi_reduction <maximumf>, %reduce_max3A_535, %reduce_max3A_536 [1, 2] : vector<1x16x256xf32> to vector<1xf32>
    %reduce_max3A_538 = vector.shape_cast %reduce_max3A_537 : vector<1xf32> to vector<1x1x1xf32>
    %reduce_max3A_539 = vector.extract %reduce_max3A_538[0, 0, 0] : f32 from vector<1x1x1xf32>
    %convert_element_type3A_540 = arith.fptosi %reduce_max3A_539 : f32 to i32
    %sub3A_541 = arith.subi %get3A_512, %convert_element_type3A_540 : i32
    %mul3A_542 = arith.constant 256 : i32
    %mul3A_543 = arith.muli %get3A_516, %mul3A_542 : i32
    %add3A_544 = arith.addi %mul3A_543, %convert_element_type3A_533 : i32
    %ne3A_545 = arith.cmpi ne, %add3A_544, %add3A_506 : i32
    %convert_element_type3A_546 = arith.extui %ne3A_545 : i1 to i32
    %get3A_547 = arith.constant 0 : index
    %get3A_548 = arith.constant 14 : index
    %get3A_549 = vector.load %arg1[%get3A_547, %get3A_548] : memref<8x128xi32, #tpu.memory_space<vmem>>, vector<1x1xi32>
    %get3A_550 = vector.extract %get3A_549[0, 0] : i32 from vector<1x1xi32>
    %get3A_551 = arith.constant 1 : index
    %get3A_552 = arith.constant 14 : index
    %get3A_553 = vector.load %arg1[%get3A_551, %get3A_552] : memref<8x128xi32, #tpu.memory_space<vmem>>, vector<1x1xi32>
    %get3A_554 = vector.extract %get3A_553[0, 0] : i32 from vector<1x1xi32>
    %eq3A_555 = vector.broadcast %get3A_554 : i32 to vector<16x256xi32>
    %eq3A_556 = arith.cmpi eq, %iota3A_22, %eq3A_555 : vector<16x256xi32>
    %convert_element_type3A_557 = arith.extui %eq3A_556 : vector<16x256xi1> to vector<16x256xi32>
    %convert_element_type3A_558 = arith.sitofp %convert_element_type3A_557 : vector<16x256xi32> to vector<16x256xf32>
    %mul3A_559 = arith.mulf %dot_general3A_21, %convert_element_type3A_558 : vector<16x256xf32>
    %convert_element_type3A_560 = arith.sitofp %get3A_550 : i32 to f32
    %le3A_561 = vector.broadcast %convert_element_type3A_560 : f32 to vector<16x256xf32>
    %le3A_562 = arith.cmpf ole, %mul3A_559, %le3A_561 : vector<16x256xf32>
    %convert_element_type3A_563 = arith.extui %le3A_562 : vector<16x256xi1> to vector<16x256xi32>
    %convert_element_type3A_564 = arith.sitofp %convert_element_type3A_563 : vector<16x256xi32> to vector<16x256xf32>
    %mul3A_565 = arith.mulf %convert_element_type3A_564, %convert_element_type3A_558 : vector<16x256xf32>
    %reduce_sum3A_566 = vector.shape_cast %mul3A_565 : vector<16x256xf32> to vector<1x16x256xf32>
    %reduce_sum3A_567 = arith.constant dense<0.000000e+00> : vector<1xf32>
    %reduce_sum3A_568 = vector.multi_reduction <add>, %reduce_sum3A_566, %reduce_sum3A_567 [1, 2] : vector<1x16x256xf32> to vector<1xf32>
    %reduce_sum3A_569 = vector.shape_cast %reduce_sum3A_568 : vector<1xf32> to vector<1x1x1xf32>
    %reduce_sum3A_570 = vector.extract %reduce_sum3A_569[0, 0, 0] : f32 from vector<1x1x1xf32>
    %convert_element_type3A_571 = arith.fptosi %reduce_sum3A_570 : f32 to i32
    %mul3A_572 = arith.mulf %mul3A_559, %mul3A_565 : vector<16x256xf32>
    %reduce_max3A_573 = vector.shape_cast %mul3A_572 : vector<16x256xf32> to vector<1x16x256xf32>
    %reduce_max3A_574 = arith.constant dense<0xFF800000> : vector<1xf32>
    %reduce_max3A_575 = vector.multi_reduction <maximumf>, %reduce_max3A_573, %reduce_max3A_574 [1, 2] : vector<1x16x256xf32> to vector<1xf32>
    %reduce_max3A_576 = vector.shape_cast %reduce_max3A_575 : vector<1xf32> to vector<1x1x1xf32>
    %reduce_max3A_577 = vector.extract %reduce_max3A_576[0, 0, 0] : f32 from vector<1x1x1xf32>
    %convert_element_type3A_578 = arith.fptosi %reduce_max3A_577 : f32 to i32
    %sub3A_579 = arith.subi %get3A_550, %convert_element_type3A_578 : i32
    %mul3A_580 = arith.constant 256 : i32
    %mul3A_581 = arith.muli %get3A_554, %mul3A_580 : i32
    %add3A_582 = arith.addi %mul3A_581, %convert_element_type3A_571 : i32
    %ne3A_583 = arith.cmpi ne, %add3A_582, %add3A_544 : i32
    %convert_element_type3A_584 = arith.extui %ne3A_583 : i1 to i32
    %add3A_585 = arith.constant 0 : i32
    %add3A_586 = arith.constant 1 : i32
    %add3A_587 = arith.addi %add3A_585, %add3A_586 : i32
    %add3A_588 = arith.addi %add3A_587, %convert_element_type3A_90 : i32
    %add3A_589 = arith.addi %add3A_588, %convert_element_type3A_128 : i32
    %add3A_590 = arith.addi %add3A_589, %convert_element_type3A_166 : i32
    %add3A_591 = arith.addi %add3A_590, %convert_element_type3A_204 : i32
    %add3A_592 = arith.addi %add3A_591, %convert_element_type3A_242 : i32
    %add3A_593 = arith.addi %add3A_592, %convert_element_type3A_280 : i32
    %add3A_594 = arith.addi %add3A_593, %convert_element_type3A_318 : i32
    %add3A_595 = arith.addi %add3A_594, %convert_element_type3A_356 : i32
    %add3A_596 = arith.addi %add3A_595, %convert_element_type3A_394 : i32
    %add3A_597 = arith.addi %add3A_596, %convert_element_type3A_432 : i32
    %add3A_598 = arith.addi %add3A_597, %convert_element_type3A_470 : i32
    %add3A_599 = arith.addi %add3A_598, %convert_element_type3A_508 : i32
    %add3A_600 = arith.addi %add3A_599, %convert_element_type3A_546 : i32
    %add3A_601 = arith.addi %add3A_600, %convert_element_type3A_584 : i32
    %iota3A_602 = tpu.iota {dimensions = array<i32: 1>} : vector<16x256xi32>
    %mul3A_603 = arith.constant 256 : i32
    %mul3A_604 = vector.broadcast %mul3A_603 : i32 to vector<16x256xi32>
    %mul3A_605 = arith.muli %iota3A_22, %mul3A_604 : vector<16x256xi32>
    %add3A_606 = arith.addi %mul3A_605, %iota3A_602 : vector<16x256xi32>
    %broadcast_in_dim3A_607 = arith.constant false
    %broadcast_in_dim3A_608 = vector.broadcast %broadcast_in_dim3A_607 : i1 to vector<16x256xi1>
    %broadcast_in_dim3A_609 = arith.constant 0 : i32
    %broadcast_in_dim3A_610 = vector.broadcast %broadcast_in_dim3A_609 : i32 to vector<16x256xi32>
    %eq3A_611 = vector.broadcast %add3A : i32 to vector<16x256xi32>
    %eq3A_612 = arith.cmpi eq, %add3A_606, %eq3A_611 : vector<16x256xi32>
    %or3A = arith.ori %broadcast_in_dim3A_608, %eq3A_612 : vector<16x256xi1>
    %ge3A = vector.broadcast %add3A : i32 to vector<16x256xi32>
    %ge3A_613 = arith.cmpi sge, %add3A_606, %ge3A : vector<16x256xi32>
    %convert_element_type3A_614 = arith.extui %ge3A_613 : vector<16x256xi1> to vector<16x256xi32>
    %mul3A_615 = arith.constant 1 : i32
    %mul3A_616 = vector.broadcast %mul3A_615 : i32 to vector<16x256xi32>
    %mul3A_617 = arith.muli %mul3A_616, %convert_element_type3A_614 : vector<16x256xi32>
    %add3A_618 = arith.addi %broadcast_in_dim3A_610, %mul3A_617 : vector<16x256xi32>
    %eq3A_619 = vector.broadcast %add3A_89 : i32 to vector<16x256xi32>
    %eq3A_620 = arith.cmpi eq, %add3A_606, %eq3A_619 : vector<16x256xi32>
    %or3A_621 = arith.ori %or3A, %eq3A_620 : vector<16x256xi1>
    %ge3A_622 = vector.broadcast %add3A_89 : i32 to vector<16x256xi32>
    %ge3A_623 = arith.cmpi sge, %add3A_606, %ge3A_622 : vector<16x256xi32>
    %convert_element_type3A_624 = arith.extui %ge3A_623 : vector<16x256xi1> to vector<16x256xi32>
    %mul3A_625 = vector.broadcast %convert_element_type3A_90 : i32 to vector<16x256xi32>
    %mul3A_626 = arith.muli %mul3A_625, %convert_element_type3A_624 : vector<16x256xi32>
    %add3A_627 = arith.addi %add3A_618, %mul3A_626 : vector<16x256xi32>
    %eq3A_628 = vector.broadcast %add3A_126 : i32 to vector<16x256xi32>
    %eq3A_629 = arith.cmpi eq, %add3A_606, %eq3A_628 : vector<16x256xi32>
    %or3A_630 = arith.ori %or3A_621, %eq3A_629 : vector<16x256xi1>
    %ge3A_631 = vector.broadcast %add3A_126 : i32 to vector<16x256xi32>
    %ge3A_632 = arith.cmpi sge, %add3A_606, %ge3A_631 : vector<16x256xi32>
    %convert_element_type3A_633 = arith.extui %ge3A_632 : vector<16x256xi1> to vector<16x256xi32>
    %mul3A_634 = vector.broadcast %convert_element_type3A_128 : i32 to vector<16x256xi32>
    %mul3A_635 = arith.muli %mul3A_634, %convert_element_type3A_633 : vector<16x256xi32>
    %add3A_636 = arith.addi %add3A_627, %mul3A_635 : vector<16x256xi32>
    %eq3A_637 = vector.broadcast %add3A_164 : i32 to vector<16x256xi32>
    %eq3A_638 = arith.cmpi eq, %add3A_606, %eq3A_637 : vector<16x256xi32>
    %or3A_639 = arith.ori %or3A_630, %eq3A_638 : vector<16x256xi1>
    %ge3A_640 = vector.broadcast %add3A_164 : i32 to vector<16x256xi32>
    %ge3A_641 = arith.cmpi sge, %add3A_606, %ge3A_640 : vector<16x256xi32>
    %convert_element_type3A_642 = arith.extui %ge3A_641 : vector<16x256xi1> to vector<16x256xi32>
    %mul3A_643 = vector.broadcast %convert_element_type3A_166 : i32 to vector<16x256xi32>
    %mul3A_644 = arith.muli %mul3A_643, %convert_element_type3A_642 : vector<16x256xi32>
    %add3A_645 = arith.addi %add3A_636, %mul3A_644 : vector<16x256xi32>
    %eq3A_646 = vector.broadcast %add3A_202 : i32 to vector<16x256xi32>
    %eq3A_647 = arith.cmpi eq, %add3A_606, %eq3A_646 : vector<16x256xi32>
    %or3A_648 = arith.ori %or3A_639, %eq3A_647 : vector<16x256xi1>
    %ge3A_649 = vector.broadcast %add3A_202 : i32 to vector<16x256xi32>
    %ge3A_650 = arith.cmpi sge, %add3A_606, %ge3A_649 : vector<16x256xi32>
    %convert_element_type3A_651 = arith.extui %ge3A_650 : vector<16x256xi1> to vector<16x256xi32>
    %mul3A_652 = vector.broadcast %convert_element_type3A_204 : i32 to vector<16x256xi32>
    %mul3A_653 = arith.muli %mul3A_652, %convert_element_type3A_651 : vector<16x256xi32>
    %add3A_654 = arith.addi %add3A_645, %mul3A_653 : vector<16x256xi32>
    %eq3A_655 = vector.broadcast %add3A_240 : i32 to vector<16x256xi32>
    %eq3A_656 = arith.cmpi eq, %add3A_606, %eq3A_655 : vector<16x256xi32>
    %or3A_657 = arith.ori %or3A_648, %eq3A_656 : vector<16x256xi1>
    %ge3A_658 = vector.broadcast %add3A_240 : i32 to vector<16x256xi32>
    %ge3A_659 = arith.cmpi sge, %add3A_606, %ge3A_658 : vector<16x256xi32>
    %convert_element_type3A_660 = arith.extui %ge3A_659 : vector<16x256xi1> to vector<16x256xi32>
    %mul3A_661 = vector.broadcast %convert_element_type3A_242 : i32 to vector<16x256xi32>
    %mul3A_662 = arith.muli %mul3A_661, %convert_element_type3A_660 : vector<16x256xi32>
    %add3A_663 = arith.addi %add3A_654, %mul3A_662 : vector<16x256xi32>
    %eq3A_664 = vector.broadcast %add3A_278 : i32 to vector<16x256xi32>
    %eq3A_665 = arith.cmpi eq, %add3A_606, %eq3A_664 : vector<16x256xi32>
    %or3A_666 = arith.ori %or3A_657, %eq3A_665 : vector<16x256xi1>
    %ge3A_667 = vector.broadcast %add3A_278 : i32 to vector<16x256xi32>
    %ge3A_668 = arith.cmpi sge, %add3A_606, %ge3A_667 : vector<16x256xi32>
    %convert_element_type3A_669 = arith.extui %ge3A_668 : vector<16x256xi1> to vector<16x256xi32>
    %mul3A_670 = vector.broadcast %convert_element_type3A_280 : i32 to vector<16x256xi32>
    %mul3A_671 = arith.muli %mul3A_670, %convert_element_type3A_669 : vector<16x256xi32>
    %add3A_672 = arith.addi %add3A_663, %mul3A_671 : vector<16x256xi32>
    %eq3A_673 = vector.broadcast %add3A_316 : i32 to vector<16x256xi32>
    %eq3A_674 = arith.cmpi eq, %add3A_606, %eq3A_673 : vector<16x256xi32>
    %or3A_675 = arith.ori %or3A_666, %eq3A_674 : vector<16x256xi1>
    %ge3A_676 = vector.broadcast %add3A_316 : i32 to vector<16x256xi32>
    %ge3A_677 = arith.cmpi sge, %add3A_606, %ge3A_676 : vector<16x256xi32>
    %convert_element_type3A_678 = arith.extui %ge3A_677 : vector<16x256xi1> to vector<16x256xi32>
    %mul3A_679 = vector.broadcast %convert_element_type3A_318 : i32 to vector<16x256xi32>
    %mul3A_680 = arith.muli %mul3A_679, %convert_element_type3A_678 : vector<16x256xi32>
    %add3A_681 = arith.addi %add3A_672, %mul3A_680 : vector<16x256xi32>
    %eq3A_682 = vector.broadcast %add3A_354 : i32 to vector<16x256xi32>
    %eq3A_683 = arith.cmpi eq, %add3A_606, %eq3A_682 : vector<16x256xi32>
    %or3A_684 = arith.ori %or3A_675, %eq3A_683 : vector<16x256xi1>
    %ge3A_685 = vector.broadcast %add3A_354 : i32 to vector<16x256xi32>
    %ge3A_686 = arith.cmpi sge, %add3A_606, %ge3A_685 : vector<16x256xi32>
    %convert_element_type3A_687 = arith.extui %ge3A_686 : vector<16x256xi1> to vector<16x256xi32>
    %mul3A_688 = vector.broadcast %convert_element_type3A_356 : i32 to vector<16x256xi32>
    %mul3A_689 = arith.muli %mul3A_688, %convert_element_type3A_687 : vector<16x256xi32>
    %add3A_690 = arith.addi %add3A_681, %mul3A_689 : vector<16x256xi32>
    %eq3A_691 = vector.broadcast %add3A_392 : i32 to vector<16x256xi32>
    %eq3A_692 = arith.cmpi eq, %add3A_606, %eq3A_691 : vector<16x256xi32>
    %or3A_693 = arith.ori %or3A_684, %eq3A_692 : vector<16x256xi1>
    %ge3A_694 = vector.broadcast %add3A_392 : i32 to vector<16x256xi32>
    %ge3A_695 = arith.cmpi sge, %add3A_606, %ge3A_694 : vector<16x256xi32>
    %convert_element_type3A_696 = arith.extui %ge3A_695 : vector<16x256xi1> to vector<16x256xi32>
    %mul3A_697 = vector.broadcast %convert_element_type3A_394 : i32 to vector<16x256xi32>
    %mul3A_698 = arith.muli %mul3A_697, %convert_element_type3A_696 : vector<16x256xi32>
    %add3A_699 = arith.addi %add3A_690, %mul3A_698 : vector<16x256xi32>
    %eq3A_700 = vector.broadcast %add3A_430 : i32 to vector<16x256xi32>
    %eq3A_701 = arith.cmpi eq, %add3A_606, %eq3A_700 : vector<16x256xi32>
    %or3A_702 = arith.ori %or3A_693, %eq3A_701 : vector<16x256xi1>
    %ge3A_703 = vector.broadcast %add3A_430 : i32 to vector<16x256xi32>
    %ge3A_704 = arith.cmpi sge, %add3A_606, %ge3A_703 : vector<16x256xi32>
    %convert_element_type3A_705 = arith.extui %ge3A_704 : vector<16x256xi1> to vector<16x256xi32>
    %mul3A_706 = vector.broadcast %convert_element_type3A_432 : i32 to vector<16x256xi32>
    %mul3A_707 = arith.muli %mul3A_706, %convert_element_type3A_705 : vector<16x256xi32>
    %add3A_708 = arith.addi %add3A_699, %mul3A_707 : vector<16x256xi32>
    %eq3A_709 = vector.broadcast %add3A_468 : i32 to vector<16x256xi32>
    %eq3A_710 = arith.cmpi eq, %add3A_606, %eq3A_709 : vector<16x256xi32>
    %or3A_711 = arith.ori %or3A_702, %eq3A_710 : vector<16x256xi1>
    %ge3A_712 = vector.broadcast %add3A_468 : i32 to vector<16x256xi32>
    %ge3A_713 = arith.cmpi sge, %add3A_606, %ge3A_712 : vector<16x256xi32>
    %convert_element_type3A_714 = arith.extui %ge3A_713 : vector<16x256xi1> to vector<16x256xi32>
    %mul3A_715 = vector.broadcast %convert_element_type3A_470 : i32 to vector<16x256xi32>
    %mul3A_716 = arith.muli %mul3A_715, %convert_element_type3A_714 : vector<16x256xi32>
    %add3A_717 = arith.addi %add3A_708, %mul3A_716 : vector<16x256xi32>
    %eq3A_718 = vector.broadcast %add3A_506 : i32 to vector<16x256xi32>
    %eq3A_719 = arith.cmpi eq, %add3A_606, %eq3A_718 : vector<16x256xi32>
    %or3A_720 = arith.ori %or3A_711, %eq3A_719 : vector<16x256xi1>
    %ge3A_721 = vector.broadcast %add3A_506 : i32 to vector<16x256xi32>
    %ge3A_722 = arith.cmpi sge, %add3A_606, %ge3A_721 : vector<16x256xi32>
    %convert_element_type3A_723 = arith.extui %ge3A_722 : vector<16x256xi1> to vector<16x256xi32>
    %mul3A_724 = vector.broadcast %convert_element_type3A_508 : i32 to vector<16x256xi32>
    %mul3A_725 = arith.muli %mul3A_724, %convert_element_type3A_723 : vector<16x256xi32>
    %add3A_726 = arith.addi %add3A_717, %mul3A_725 : vector<16x256xi32>
    %eq3A_727 = vector.broadcast %add3A_544 : i32 to vector<16x256xi32>
    %eq3A_728 = arith.cmpi eq, %add3A_606, %eq3A_727 : vector<16x256xi32>
    %or3A_729 = arith.ori %or3A_720, %eq3A_728 : vector<16x256xi1>
    %ge3A_730 = vector.broadcast %add3A_544 : i32 to vector<16x256xi32>
    %ge3A_731 = arith.cmpi sge, %add3A_606, %ge3A_730 : vector<16x256xi32>
    %convert_element_type3A_732 = arith.extui %ge3A_731 : vector<16x256xi1> to vector<16x256xi32>
    %mul3A_733 = vector.broadcast %convert_element_type3A_546 : i32 to vector<16x256xi32>
    %mul3A_734 = arith.muli %mul3A_733, %convert_element_type3A_732 : vector<16x256xi32>
    %add3A_735 = arith.addi %add3A_726, %mul3A_734 : vector<16x256xi32>
    %eq3A_736 = vector.broadcast %add3A_582 : i32 to vector<16x256xi32>
    %eq3A_737 = arith.cmpi eq, %add3A_606, %eq3A_736 : vector<16x256xi32>
    %or3A_738 = arith.ori %or3A_729, %eq3A_737 : vector<16x256xi1>
    %ge3A_739 = vector.broadcast %add3A_582 : i32 to vector<16x256xi32>
    %ge3A_740 = arith.cmpi sge, %add3A_606, %ge3A_739 : vector<16x256xi32>
    %convert_element_type3A_741 = arith.extui %ge3A_740 : vector<16x256xi1> to vector<16x256xi32>
    %mul3A_742 = vector.broadcast %convert_element_type3A_584 : i32 to vector<16x256xi32>
    %mul3A_743 = arith.muli %mul3A_742, %convert_element_type3A_741 : vector<16x256xi32>
    %add3A_744 = arith.addi %add3A_735, %mul3A_743 : vector<16x256xi32>
    %mul3A_745 = arith.constant 256 : i32
    %mul3A_746 = vector.broadcast %mul3A_745 : i32 to vector<16x256xi32>
    %mul3A_747 = arith.muli %add3A_744, %mul3A_746 : vector<16x256xi32>
    %jit3A = arith.constant 0 : i32
    %broadcast_in_dim3A_748 = vector.broadcast %jit3A : i32 to vector<16x256xi32>
    %select_n3A = arith.select %or3A_738, %mul3A_747, %broadcast_in_dim3A_748 : vector<16x256xi1>, vector<16x256xi32>
    %swap3A = arith.constant 0 : index
    %swap3A_749 = arith.constant 0 : index
    %swap3A_750 = vector.load %arg2[%swap3A, %swap3A_749] : memref<16x256xi32, #tpu.memory_space<vmem>>, vector<16x256xi32>
    tpu.vector_store %arg2[%swap3A, %swap3A_749], %select_n3A {strides = array<i32>} : memref<16x256xi32, #tpu.memory_space<vmem>>, vector<16x256xi32>,
    %iota3A_751 = tpu.iota {dimensions = array<i32: 0>} : vector<8x128xi32>
    %iota3A_752 = tpu.iota {dimensions = array<i32: 1>} : vector<8x128xi32>
    %broadcast_in_dim3A_753 = arith.constant 0 : i32
    %broadcast_in_dim3A_754 = vector.broadcast %broadcast_in_dim3A_753 : i32 to vector<8x128xi32>
    %eq3A_755 = arith.constant 0 : i32
    %eq3A_756 = vector.broadcast %eq3A_755 : i32 to vector<8x128xi32>
    %eq3A_757 = arith.cmpi eq, %iota3A_752, %eq3A_756 : vector<8x128xi32>
    %eq3A_758 = arith.constant 0 : i32
    %eq3A_759 = vector.broadcast %eq3A_758 : i32 to vector<8x128xi32>
    %eq3A_760 = arith.cmpi eq, %iota3A_751, %eq3A_759 : vector<8x128xi32>
    %and3A = arith.andi %eq3A_760, %eq3A_757 : vector<8x128xi1>
    %jit3A_761 = arith.constant 0 : i32
    %broadcast_in_dim3A_762 = vector.broadcast %sub3A : i32 to vector<8x128xi32>
    %broadcast_in_dim3A_763 = vector.broadcast %jit3A_761 : i32 to vector<8x128xi32>
    %select_n3A_764 = arith.select %and3A, %broadcast_in_dim3A_762, %broadcast_in_dim3A_763 : vector<8x128xi1>, vector<8x128xi32>
    %add3A_765 = arith.addi %broadcast_in_dim3A_754, %select_n3A_764 : vector<8x128xi32>
    %eq3A_766 = arith.constant 1 : i32
    %eq3A_767 = vector.broadcast %eq3A_766 : i32 to vector<8x128xi32>
    %eq3A_768 = arith.cmpi eq, %iota3A_751, %eq3A_767 : vector<8x128xi32>
    %and3A_769 = arith.andi %eq3A_768, %eq3A_757 : vector<8x128xi1>
    %jit3A_770 = arith.constant 0 : i32
    %broadcast_in_dim3A_771 = vector.broadcast %add3A_587 : i32 to vector<8x128xi32>
    %broadcast_in_dim3A_772 = vector.broadcast %jit3A_770 : i32 to vector<8x128xi32>
    %select_n3A_773 = arith.select %and3A_769, %broadcast_in_dim3A_771, %broadcast_in_dim3A_772 : vector<8x128xi1>, vector<8x128xi32>
    %add3A_774 = arith.addi %add3A_765, %select_n3A_773 : vector<8x128xi32>
    %eq3A_775 = arith.constant 2 : i32
    %eq3A_776 = vector.broadcast %eq3A_775 : i32 to vector<8x128xi32>
    %eq3A_777 = arith.cmpi eq, %iota3A_751, %eq3A_776 : vector<8x128xi32>
    %and3A_778 = arith.andi %eq3A_777, %eq3A_757 : vector<8x128xi1>
    %get3A_779 = arith.constant 2 : index
    %get3A_780 = arith.constant 0 : index
    %get3A_781 = vector.load %arg1[%get3A_779, %get3A_780] : memref<8x128xi32, #tpu.memory_space<vmem>>, vector<1x1xi32>
    %get3A_782 = vector.extract %get3A_781[0, 0] : i32 from vector<1x1xi32>
    %jit3A_783 = arith.constant 0 : i32
    %broadcast_in_dim3A_784 = vector.broadcast %get3A_782 : i32 to vector<8x128xi32>
    %broadcast_in_dim3A_785 = vector.broadcast %jit3A_783 : i32 to vector<8x128xi32>
    %select_n3A_786 = arith.select %and3A_778, %broadcast_in_dim3A_784, %broadcast_in_dim3A_785 : vector<8x128xi1>, vector<8x128xi32>
    %add3A_787 = arith.addi %add3A_774, %select_n3A_786 : vector<8x128xi32>
    %eq3A_788 = arith.constant 3 : i32
    %eq3A_789 = vector.broadcast %eq3A_788 : i32 to vector<8x128xi32>
    %eq3A_790 = arith.cmpi eq, %iota3A_751, %eq3A_789 : vector<8x128xi32>
    %and3A_791 = arith.andi %eq3A_790, %eq3A_757 : vector<8x128xi1>
    %jit3A_792 = arith.constant 0 : i32
    %broadcast_in_dim3A_793 = vector.broadcast %convert_element_type3A_45 : i32 to vector<8x128xi32>
    %broadcast_in_dim3A_794 = vector.broadcast %jit3A_792 : i32 to vector<8x128xi32>
    %select_n3A_795 = arith.select %and3A_791, %broadcast_in_dim3A_793, %broadcast_in_dim3A_794 : vector<8x128xi1>, vector<8x128xi32>
    %add3A_796 = arith.addi %add3A_787, %select_n3A_795 : vector<8x128xi32>
    %eq3A_797 = arith.constant 1 : i32
    %eq3A_798 = vector.broadcast %eq3A_797 : i32 to vector<8x128xi32>
    %eq3A_799 = arith.cmpi eq, %iota3A_752, %eq3A_798 : vector<8x128xi32>
    %eq3A_800 = arith.constant 0 : i32
    %eq3A_801 = vector.broadcast %eq3A_800 : i32 to vector<8x128xi32>
    %eq3A_802 = arith.cmpi eq, %iota3A_751, %eq3A_801 : vector<8x128xi32>
    %and3A_803 = arith.andi %eq3A_802, %eq3A_799 : vector<8x128xi1>
    %jit3A_804 = arith.constant 0 : i32
    %broadcast_in_dim3A_805 = vector.broadcast %sub3A_86 : i32 to vector<8x128xi32>
    %broadcast_in_dim3A_806 = vector.broadcast %jit3A_804 : i32 to vector<8x128xi32>
    %select_n3A_807 = arith.select %and3A_803, %broadcast_in_dim3A_805, %broadcast_in_dim3A_806 : vector<8x128xi1>, vector<8x128xi32>
    %add3A_808 = arith.addi %add3A_796, %select_n3A_807 : vector<8x128xi32>
    %eq3A_809 = arith.constant 1 : i32
    %eq3A_810 = vector.broadcast %eq3A_809 : i32 to vector<8x128xi32>
    %eq3A_811 = arith.cmpi eq, %iota3A_751, %eq3A_810 : vector<8x128xi32>
    %and3A_812 = arith.andi %eq3A_811, %eq3A_799 : vector<8x128xi1>
    %jit3A_813 = arith.constant 0 : i32
    %broadcast_in_dim3A_814 = vector.broadcast %add3A_588 : i32 to vector<8x128xi32>
    %broadcast_in_dim3A_815 = vector.broadcast %jit3A_813 : i32 to vector<8x128xi32>
    %select_n3A_816 = arith.select %and3A_812, %broadcast_in_dim3A_814, %broadcast_in_dim3A_815 : vector<8x128xi1>, vector<8x128xi32>
    %add3A_817 = arith.addi %add3A_808, %select_n3A_816 : vector<8x128xi32>
    %eq3A_818 = arith.constant 2 : i32
    %eq3A_819 = vector.broadcast %eq3A_818 : i32 to vector<8x128xi32>
    %eq3A_820 = arith.cmpi eq, %iota3A_751, %eq3A_819 : vector<8x128xi32>
    %and3A_821 = arith.andi %eq3A_820, %eq3A_799 : vector<8x128xi1>
    %get3A_822 = arith.constant 2 : index
    %get3A_823 = arith.constant 1 : index
    %get3A_824 = vector.load %arg1[%get3A_822, %get3A_823] : memref<8x128xi32, #tpu.memory_space<vmem>>, vector<1x1xi32>
    %get3A_825 = vector.extract %get3A_824[0, 0] : i32 from vector<1x1xi32>
    %jit3A_826 = arith.constant 0 : i32
    %broadcast_in_dim3A_827 = vector.broadcast %get3A_825 : i32 to vector<8x128xi32>
    %broadcast_in_dim3A_828 = vector.broadcast %jit3A_826 : i32 to vector<8x128xi32>
    %select_n3A_829 = arith.select %and3A_821, %broadcast_in_dim3A_827, %broadcast_in_dim3A_828 : vector<8x128xi1>, vector<8x128xi32>
    %add3A_830 = arith.addi %add3A_817, %select_n3A_829 : vector<8x128xi32>
    %eq3A_831 = arith.constant 3 : i32
    %eq3A_832 = vector.broadcast %eq3A_831 : i32 to vector<8x128xi32>
    %eq3A_833 = arith.cmpi eq, %iota3A_751, %eq3A_832 : vector<8x128xi32>
    %and3A_834 = arith.andi %eq3A_833, %eq3A_799 : vector<8x128xi1>
    %jit3A_835 = arith.constant 0 : i32
    %broadcast_in_dim3A_836 = vector.broadcast %convert_element_type3A_78 : i32 to vector<8x128xi32>
    %broadcast_in_dim3A_837 = vector.broadcast %jit3A_835 : i32 to vector<8x128xi32>
    %select_n3A_838 = arith.select %and3A_834, %broadcast_in_dim3A_836, %broadcast_in_dim3A_837 : vector<8x128xi1>, vector<8x128xi32>
    %add3A_839 = arith.addi %add3A_830, %select_n3A_838 : vector<8x128xi32>
    %eq3A_840 = arith.constant 2 : i32
    %eq3A_841 = vector.broadcast %eq3A_840 : i32 to vector<8x128xi32>
    %eq3A_842 = arith.cmpi eq, %iota3A_752, %eq3A_841 : vector<8x128xi32>
    %eq3A_843 = arith.constant 0 : i32
    %eq3A_844 = vector.broadcast %eq3A_843 : i32 to vector<8x128xi32>
    %eq3A_845 = arith.cmpi eq, %iota3A_751, %eq3A_844 : vector<8x128xi32>
    %and3A_846 = arith.andi %eq3A_845, %eq3A_842 : vector<8x128xi1>
    %jit3A_847 = arith.constant 0 : i32
    %broadcast_in_dim3A_848 = vector.broadcast %sub3A_123 : i32 to vector<8x128xi32>
    %broadcast_in_dim3A_849 = vector.broadcast %jit3A_847 : i32 to vector<8x128xi32>
    %select_n3A_850 = arith.select %and3A_846, %broadcast_in_dim3A_848, %broadcast_in_dim3A_849 : vector<8x128xi1>, vector<8x128xi32>
    %add3A_851 = arith.addi %add3A_839, %select_n3A_850 : vector<8x128xi32>
    %eq3A_852 = arith.constant 1 : i32
    %eq3A_853 = vector.broadcast %eq3A_852 : i32 to vector<8x128xi32>
    %eq3A_854 = arith.cmpi eq, %iota3A_751, %eq3A_853 : vector<8x128xi32>
    %and3A_855 = arith.andi %eq3A_854, %eq3A_842 : vector<8x128xi1>
    %jit3A_856 = arith.constant 0 : i32
    %broadcast_in_dim3A_857 = vector.broadcast %add3A_589 : i32 to vector<8x128xi32>
    %broadcast_in_dim3A_858 = vector.broadcast %jit3A_856 : i32 to vector<8x128xi32>
    %select_n3A_859 = arith.select %and3A_855, %broadcast_in_dim3A_857, %broadcast_in_dim3A_858 : vector<8x128xi1>, vector<8x128xi32>
    %add3A_860 = arith.addi %add3A_851, %select_n3A_859 : vector<8x128xi32>
    %eq3A_861 = arith.constant 2 : i32
    %eq3A_862 = vector.broadcast %eq3A_861 : i32 to vector<8x128xi32>
    %eq3A_863 = arith.cmpi eq, %iota3A_751, %eq3A_862 : vector<8x128xi32>
    %and3A_864 = arith.andi %eq3A_863, %eq3A_842 : vector<8x128xi1>
    %get3A_865 = arith.constant 2 : index
    %get3A_866 = arith.constant 2 : index
    %get3A_867 = vector.load %arg1[%get3A_865, %get3A_866] : memref<8x128xi32, #tpu.memory_space<vmem>>, vector<1x1xi32>
    %get3A_868 = vector.extract %get3A_867[0, 0] : i32 from vector<1x1xi32>
    %jit3A_869 = arith.constant 0 : i32
    %broadcast_in_dim3A_870 = vector.broadcast %get3A_868 : i32 to vector<8x128xi32>
    %broadcast_in_dim3A_871 = vector.broadcast %jit3A_869 : i32 to vector<8x128xi32>
    %select_n3A_872 = arith.select %and3A_864, %broadcast_in_dim3A_870, %broadcast_in_dim3A_871 : vector<8x128xi1>, vector<8x128xi32>
    %add3A_873 = arith.addi %add3A_860, %select_n3A_872 : vector<8x128xi32>
    %eq3A_874 = arith.constant 3 : i32
    %eq3A_875 = vector.broadcast %eq3A_874 : i32 to vector<8x128xi32>
    %eq3A_876 = arith.cmpi eq, %iota3A_751, %eq3A_875 : vector<8x128xi32>
    %and3A_877 = arith.andi %eq3A_876, %eq3A_842 : vector<8x128xi1>
    %jit3A_878 = arith.constant 0 : i32
    %broadcast_in_dim3A_879 = vector.broadcast %convert_element_type3A_115 : i32 to vector<8x128xi32>
    %broadcast_in_dim3A_880 = vector.broadcast %jit3A_878 : i32 to vector<8x128xi32>
    %select_n3A_881 = arith.select %and3A_877, %broadcast_in_dim3A_879, %broadcast_in_dim3A_880 : vector<8x128xi1>, vector<8x128xi32>
    %add3A_882 = arith.addi %add3A_873, %select_n3A_881 : vector<8x128xi32>
    %eq3A_883 = arith.constant 3 : i32
    %eq3A_884 = vector.broadcast %eq3A_883 : i32 to vector<8x128xi32>
    %eq3A_885 = arith.cmpi eq, %iota3A_752, %eq3A_884 : vector<8x128xi32>
    %eq3A_886 = arith.constant 0 : i32
    %eq3A_887 = vector.broadcast %eq3A_886 : i32 to vector<8x128xi32>
    %eq3A_888 = arith.cmpi eq, %iota3A_751, %eq3A_887 : vector<8x128xi32>
    %and3A_889 = arith.andi %eq3A_888, %eq3A_885 : vector<8x128xi1>
    %jit3A_890 = arith.constant 0 : i32
    %broadcast_in_dim3A_891 = vector.broadcast %sub3A_161 : i32 to vector<8x128xi32>
    %broadcast_in_dim3A_892 = vector.broadcast %jit3A_890 : i32 to vector<8x128xi32>
    %select_n3A_893 = arith.select %and3A_889, %broadcast_in_dim3A_891, %broadcast_in_dim3A_892 : vector<8x128xi1>, vector<8x128xi32>
    %add3A_894 = arith.addi %add3A_882, %select_n3A_893 : vector<8x128xi32>
    %eq3A_895 = arith.constant 1 : i32
    %eq3A_896 = vector.broadcast %eq3A_895 : i32 to vector<8x128xi32>
    %eq3A_897 = arith.cmpi eq, %iota3A_751, %eq3A_896 : vector<8x128xi32>
    %and3A_898 = arith.andi %eq3A_897, %eq3A_885 : vector<8x128xi1>
    %jit3A_899 = arith.constant 0 : i32
    %broadcast_in_dim3A_900 = vector.broadcast %add3A_590 : i32 to vector<8x128xi32>
    %broadcast_in_dim3A_901 = vector.broadcast %jit3A_899 : i32 to vector<8x128xi32>
    %select_n3A_902 = arith.select %and3A_898, %broadcast_in_dim3A_900, %broadcast_in_dim3A_901 : vector<8x128xi1>, vector<8x128xi32>
    %add3A_903 = arith.addi %add3A_894, %select_n3A_902 : vector<8x128xi32>
    %eq3A_904 = arith.constant 2 : i32
    %eq3A_905 = vector.broadcast %eq3A_904 : i32 to vector<8x128xi32>
    %eq3A_906 = arith.cmpi eq, %iota3A_751, %eq3A_905 : vector<8x128xi32>
    %and3A_907 = arith.andi %eq3A_906, %eq3A_885 : vector<8x128xi1>
    %get3A_908 = arith.constant 2 : index
    %get3A_909 = arith.constant 3 : index
    %get3A_910 = vector.load %arg1[%get3A_908, %get3A_909] : memref<8x128xi32, #tpu.memory_space<vmem>>, vector<1x1xi32>
    %get3A_911 = vector.extract %get3A_910[0, 0] : i32 from vector<1x1xi32>
    %jit3A_912 = arith.constant 0 : i32
    %broadcast_in_dim3A_913 = vector.broadcast %get3A_911 : i32 to vector<8x128xi32>
    %broadcast_in_dim3A_914 = vector.broadcast %jit3A_912 : i32 to vector<8x128xi32>
    %select_n3A_915 = arith.select %and3A_907, %broadcast_in_dim3A_913, %broadcast_in_dim3A_914 : vector<8x128xi1>, vector<8x128xi32>
    %add3A_916 = arith.addi %add3A_903, %select_n3A_915 : vector<8x128xi32>
    %eq3A_917 = arith.constant 3 : i32
    %eq3A_918 = vector.broadcast %eq3A_917 : i32 to vector<8x128xi32>
    %eq3A_919 = arith.cmpi eq, %iota3A_751, %eq3A_918 : vector<8x128xi32>
    %and3A_920 = arith.andi %eq3A_919, %eq3A_885 : vector<8x128xi1>
    %jit3A_921 = arith.constant 0 : i32
    %broadcast_in_dim3A_922 = vector.broadcast %convert_element_type3A_153 : i32 to vector<8x128xi32>
    %broadcast_in_dim3A_923 = vector.broadcast %jit3A_921 : i32 to vector<8x128xi32>
    %select_n3A_924 = arith.select %and3A_920, %broadcast_in_dim3A_922, %broadcast_in_dim3A_923 : vector<8x128xi1>, vector<8x128xi32>
    %add3A_925 = arith.addi %add3A_916, %select_n3A_924 : vector<8x128xi32>
    %eq3A_926 = arith.constant 4 : i32
    %eq3A_927 = vector.broadcast %eq3A_926 : i32 to vector<8x128xi32>
    %eq3A_928 = arith.cmpi eq, %iota3A_752, %eq3A_927 : vector<8x128xi32>
    %eq3A_929 = arith.constant 0 : i32
    %eq3A_930 = vector.broadcast %eq3A_929 : i32 to vector<8x128xi32>
    %eq3A_931 = arith.cmpi eq, %iota3A_751, %eq3A_930 : vector<8x128xi32>
    %and3A_932 = arith.andi %eq3A_931, %eq3A_928 : vector<8x128xi1>
    %jit3A_933 = arith.constant 0 : i32
    %broadcast_in_dim3A_934 = vector.broadcast %sub3A_199 : i32 to vector<8x128xi32>
    %broadcast_in_dim3A_935 = vector.broadcast %jit3A_933 : i32 to vector<8x128xi32>
    %select_n3A_936 = arith.select %and3A_932, %broadcast_in_dim3A_934, %broadcast_in_dim3A_935 : vector<8x128xi1>, vector<8x128xi32>
    %add3A_937 = arith.addi %add3A_925, %select_n3A_936 : vector<8x128xi32>
    %eq3A_938 = arith.constant 1 : i32
    %eq3A_939 = vector.broadcast %eq3A_938 : i32 to vector<8x128xi32>
    %eq3A_940 = arith.cmpi eq, %iota3A_751, %eq3A_939 : vector<8x128xi32>
    %and3A_941 = arith.andi %eq3A_940, %eq3A_928 : vector<8x128xi1>
    %jit3A_942 = arith.constant 0 : i32
    %broadcast_in_dim3A_943 = vector.broadcast %add3A_591 : i32 to vector<8x128xi32>
    %broadcast_in_dim3A_944 = vector.broadcast %jit3A_942 : i32 to vector<8x128xi32>
    %select_n3A_945 = arith.select %and3A_941, %broadcast_in_dim3A_943, %broadcast_in_dim3A_944 : vector<8x128xi1>, vector<8x128xi32>
    %add3A_946 = arith.addi %add3A_937, %select_n3A_945 : vector<8x128xi32>
    %eq3A_947 = arith.constant 2 : i32
    %eq3A_948 = vector.broadcast %eq3A_947 : i32 to vector<8x128xi32>
    %eq3A_949 = arith.cmpi eq, %iota3A_751, %eq3A_948 : vector<8x128xi32>
    %and3A_950 = arith.andi %eq3A_949, %eq3A_928 : vector<8x128xi1>
    %get3A_951 = arith.constant 2 : index
    %get3A_952 = arith.constant 4 : index
    %get3A_953 = vector.load %arg1[%get3A_951, %get3A_952] : memref<8x128xi32, #tpu.memory_space<vmem>>, vector<1x1xi32>
    %get3A_954 = vector.extract %get3A_953[0, 0] : i32 from vector<1x1xi32>
    %jit3A_955 = arith.constant 0 : i32
    %broadcast_in_dim3A_956 = vector.broadcast %get3A_954 : i32 to vector<8x128xi32>
    %broadcast_in_dim3A_957 = vector.broadcast %jit3A_955 : i32 to vector<8x128xi32>
    %select_n3A_958 = arith.select %and3A_950, %broadcast_in_dim3A_956, %broadcast_in_dim3A_957 : vector<8x128xi1>, vector<8x128xi32>
    %add3A_959 = arith.addi %add3A_946, %select_n3A_958 : vector<8x128xi32>
    %eq3A_960 = arith.constant 3 : i32
    %eq3A_961 = vector.broadcast %eq3A_960 : i32 to vector<8x128xi32>
    %eq3A_962 = arith.cmpi eq, %iota3A_751, %eq3A_961 : vector<8x128xi32>
    %and3A_963 = arith.andi %eq3A_962, %eq3A_928 : vector<8x128xi1>
    %jit3A_964 = arith.constant 0 : i32
    %broadcast_in_dim3A_965 = vector.broadcast %convert_element_type3A_191 : i32 to vector<8x128xi32>
    %broadcast_in_dim3A_966 = vector.broadcast %jit3A_964 : i32 to vector<8x128xi32>
    %select_n3A_967 = arith.select %and3A_963, %broadcast_in_dim3A_965, %broadcast_in_dim3A_966 : vector<8x128xi1>, vector<8x128xi32>
    %add3A_968 = arith.addi %add3A_959, %select_n3A_967 : vector<8x128xi32>
    %eq3A_969 = arith.constant 5 : i32
    %eq3A_970 = vector.broadcast %eq3A_969 : i32 to vector<8x128xi32>
    %eq3A_971 = arith.cmpi eq, %iota3A_752, %eq3A_970 : vector<8x128xi32>
    %eq3A_972 = arith.constant 0 : i32
    %eq3A_973 = vector.broadcast %eq3A_972 : i32 to vector<8x128xi32>
    %eq3A_974 = arith.cmpi eq, %iota3A_751, %eq3A_973 : vector<8x128xi32>
    %and3A_975 = arith.andi %eq3A_974, %eq3A_971 : vector<8x128xi1>
    %jit3A_976 = arith.constant 0 : i32
    %broadcast_in_dim3A_977 = vector.broadcast %sub3A_237 : i32 to vector<8x128xi32>
    %broadcast_in_dim3A_978 = vector.broadcast %jit3A_976 : i32 to vector<8x128xi32>
    %select_n3A_979 = arith.select %and3A_975, %broadcast_in_dim3A_977, %broadcast_in_dim3A_978 : vector<8x128xi1>, vector<8x128xi32>
    %add3A_980 = arith.addi %add3A_968, %select_n3A_979 : vector<8x128xi32>
    %eq3A_981 = arith.constant 1 : i32
    %eq3A_982 = vector.broadcast %eq3A_981 : i32 to vector<8x128xi32>
    %eq3A_983 = arith.cmpi eq, %iota3A_751, %eq3A_982 : vector<8x128xi32>
    %and3A_984 = arith.andi %eq3A_983, %eq3A_971 : vector<8x128xi1>
    %jit3A_985 = arith.constant 0 : i32
    %broadcast_in_dim3A_986 = vector.broadcast %add3A_592 : i32 to vector<8x128xi32>
    %broadcast_in_dim3A_987 = vector.broadcast %jit3A_985 : i32 to vector<8x128xi32>
    %select_n3A_988 = arith.select %and3A_984, %broadcast_in_dim3A_986, %broadcast_in_dim3A_987 : vector<8x128xi1>, vector<8x128xi32>
    %add3A_989 = arith.addi %add3A_980, %select_n3A_988 : vector<8x128xi32>
    %eq3A_990 = arith.constant 2 : i32
    %eq3A_991 = vector.broadcast %eq3A_990 : i32 to vector<8x128xi32>
    %eq3A_992 = arith.cmpi eq, %iota3A_751, %eq3A_991 : vector<8x128xi32>
    %and3A_993 = arith.andi %eq3A_992, %eq3A_971 : vector<8x128xi1>
    %get3A_994 = arith.constant 2 : index
    %get3A_995 = arith.constant 5 : index
    %get3A_996 = vector.load %arg1[%get3A_994, %get3A_995] : memref<8x128xi32, #tpu.memory_space<vmem>>, vector<1x1xi32>
    %get3A_997 = vector.extract %get3A_996[0, 0] : i32 from vector<1x1xi32>
    %jit3A_998 = arith.constant 0 : i32
    %broadcast_in_dim3A_999 = vector.broadcast %get3A_997 : i32 to vector<8x128xi32>
    %broadcast_in_dim3A_1000 = vector.broadcast %jit3A_998 : i32 to vector<8x128xi32>
    %select_n3A_1001 = arith.select %and3A_993, %broadcast_in_dim3A_999, %broadcast_in_dim3A_1000 : vector<8x128xi1>, vector<8x128xi32>
    %add3A_1002 = arith.addi %add3A_989, %select_n3A_1001 : vector<8x128xi32>
    %eq3A_1003 = arith.constant 3 : i32
    %eq3A_1004 = vector.broadcast %eq3A_1003 : i32 to vector<8x128xi32>
    %eq3A_1005 = arith.cmpi eq, %iota3A_751, %eq3A_1004 : vector<8x128xi32>
    %and3A_1006 = arith.andi %eq3A_1005, %eq3A_971 : vector<8x128xi1>
    %jit3A_1007 = arith.constant 0 : i32
    %broadcast_in_dim3A_1008 = vector.broadcast %convert_element_type3A_229 : i32 to vector<8x128xi32>
    %broadcast_in_dim3A_1009 = vector.broadcast %jit3A_1007 : i32 to vector<8x128xi32>
    %select_n3A_1010 = arith.select %and3A_1006, %broadcast_in_dim3A_1008, %broadcast_in_dim3A_1009 : vector<8x128xi1>, vector<8x128xi32>
    %add3A_1011 = arith.addi %add3A_1002, %select_n3A_1010 : vector<8x128xi32>
    %eq3A_1012 = arith.constant 6 : i32
    %eq3A_1013 = vector.broadcast %eq3A_1012 : i32 to vector<8x128xi32>
    %eq3A_1014 = arith.cmpi eq, %iota3A_752, %eq3A_1013 : vector<8x128xi32>
    %eq3A_1015 = arith.constant 0 : i32
    %eq3A_1016 = vector.broadcast %eq3A_1015 : i32 to vector<8x128xi32>
    %eq3A_1017 = arith.cmpi eq, %iota3A_751, %eq3A_1016 : vector<8x128xi32>
    %and3A_1018 = arith.andi %eq3A_1017, %eq3A_1014 : vector<8x128xi1>
    %jit3A_1019 = arith.constant 0 : i32
    %broadcast_in_dim3A_1020 = vector.broadcast %sub3A_275 : i32 to vector<8x128xi32>
    %broadcast_in_dim3A_1021 = vector.broadcast %jit3A_1019 : i32 to vector<8x128xi32>
    %select_n3A_1022 = arith.select %and3A_1018, %broadcast_in_dim3A_1020, %broadcast_in_dim3A_1021 : vector<8x128xi1>, vector<8x128xi32>
    %add3A_1023 = arith.addi %add3A_1011, %select_n3A_1022 : vector<8x128xi32>
    %eq3A_1024 = arith.constant 1 : i32
    %eq3A_1025 = vector.broadcast %eq3A_1024 : i32 to vector<8x128xi32>
    %eq3A_1026 = arith.cmpi eq, %iota3A_751, %eq3A_1025 : vector<8x128xi32>
    %and3A_1027 = arith.andi %eq3A_1026, %eq3A_1014 : vector<8x128xi1>
    %jit3A_1028 = arith.constant 0 : i32
    %broadcast_in_dim3A_1029 = vector.broadcast %add3A_593 : i32 to vector<8x128xi32>
    %broadcast_in_dim3A_1030 = vector.broadcast %jit3A_1028 : i32 to vector<8x128xi32>
    %select_n3A_1031 = arith.select %and3A_1027, %broadcast_in_dim3A_1029, %broadcast_in_dim3A_1030 : vector<8x128xi1>, vector<8x128xi32>
    %add3A_1032 = arith.addi %add3A_1023, %select_n3A_1031 : vector<8x128xi32>
    %eq3A_1033 = arith.constant 2 : i32
    %eq3A_1034 = vector.broadcast %eq3A_1033 : i32 to vector<8x128xi32>
    %eq3A_1035 = arith.cmpi eq, %iota3A_751, %eq3A_1034 : vector<8x128xi32>
    %and3A_1036 = arith.andi %eq3A_1035, %eq3A_1014 : vector<8x128xi1>
    %get3A_1037 = arith.constant 2 : index
    %get3A_1038 = arith.constant 6 : index
    %get3A_1039 = vector.load %arg1[%get3A_1037, %get3A_1038] : memref<8x128xi32, #tpu.memory_space<vmem>>, vector<1x1xi32>
    %get3A_1040 = vector.extract %get3A_1039[0, 0] : i32 from vector<1x1xi32>
    %jit3A_1041 = arith.constant 0 : i32
    %broadcast_in_dim3A_1042 = vector.broadcast %get3A_1040 : i32 to vector<8x128xi32>
    %broadcast_in_dim3A_1043 = vector.broadcast %jit3A_1041 : i32 to vector<8x128xi32>
    %select_n3A_1044 = arith.select %and3A_1036, %broadcast_in_dim3A_1042, %broadcast_in_dim3A_1043 : vector<8x128xi1>, vector<8x128xi32>
    %add3A_1045 = arith.addi %add3A_1032, %select_n3A_1044 : vector<8x128xi32>
    %eq3A_1046 = arith.constant 3 : i32
    %eq3A_1047 = vector.broadcast %eq3A_1046 : i32 to vector<8x128xi32>
    %eq3A_1048 = arith.cmpi eq, %iota3A_751, %eq3A_1047 : vector<8x128xi32>
    %and3A_1049 = arith.andi %eq3A_1048, %eq3A_1014 : vector<8x128xi1>
    %jit3A_1050 = arith.constant 0 : i32
    %broadcast_in_dim3A_1051 = vector.broadcast %convert_element_type3A_267 : i32 to vector<8x128xi32>
    %broadcast_in_dim3A_1052 = vector.broadcast %jit3A_1050 : i32 to vector<8x128xi32>
    %select_n3A_1053 = arith.select %and3A_1049, %broadcast_in_dim3A_1051, %broadcast_in_dim3A_1052 : vector<8x128xi1>, vector<8x128xi32>
    %add3A_1054 = arith.addi %add3A_1045, %select_n3A_1053 : vector<8x128xi32>
    %eq3A_1055 = arith.constant 7 : i32
    %eq3A_1056 = vector.broadcast %eq3A_1055 : i32 to vector<8x128xi32>
    %eq3A_1057 = arith.cmpi eq, %iota3A_752, %eq3A_1056 : vector<8x128xi32>
    %eq3A_1058 = arith.constant 0 : i32
    %eq3A_1059 = vector.broadcast %eq3A_1058 : i32 to vector<8x128xi32>
    %eq3A_1060 = arith.cmpi eq, %iota3A_751, %eq3A_1059 : vector<8x128xi32>
    %and3A_1061 = arith.andi %eq3A_1060, %eq3A_1057 : vector<8x128xi1>
    %jit3A_1062 = arith.constant 0 : i32
    %broadcast_in_dim3A_1063 = vector.broadcast %sub3A_313 : i32 to vector<8x128xi32>
    %broadcast_in_dim3A_1064 = vector.broadcast %jit3A_1062 : i32 to vector<8x128xi32>
    %select_n3A_1065 = arith.select %and3A_1061, %broadcast_in_dim3A_1063, %broadcast_in_dim3A_1064 : vector<8x128xi1>, vector<8x128xi32>
    %add3A_1066 = arith.addi %add3A_1054, %select_n3A_1065 : vector<8x128xi32>
    %eq3A_1067 = arith.constant 1 : i32
    %eq3A_1068 = vector.broadcast %eq3A_1067 : i32 to vector<8x128xi32>
    %eq3A_1069 = arith.cmpi eq, %iota3A_751, %eq3A_1068 : vector<8x128xi32>
    %and3A_1070 = arith.andi %eq3A_1069, %eq3A_1057 : vector<8x128xi1>
    %jit3A_1071 = arith.constant 0 : i32
    %broadcast_in_dim3A_1072 = vector.broadcast %add3A_594 : i32 to vector<8x128xi32>
    %broadcast_in_dim3A_1073 = vector.broadcast %jit3A_1071 : i32 to vector<8x128xi32>
    %select_n3A_1074 = arith.select %and3A_1070, %broadcast_in_dim3A_1072, %broadcast_in_dim3A_1073 : vector<8x128xi1>, vector<8x128xi32>
    %add3A_1075 = arith.addi %add3A_1066, %select_n3A_1074 : vector<8x128xi32>
    %eq3A_1076 = arith.constant 2 : i32
    %eq3A_1077 = vector.broadcast %eq3A_1076 : i32 to vector<8x128xi32>
    %eq3A_1078 = arith.cmpi eq, %iota3A_751, %eq3A_1077 : vector<8x128xi32>
    %and3A_1079 = arith.andi %eq3A_1078, %eq3A_1057 : vector<8x128xi1>
    %get3A_1080 = arith.constant 2 : index
    %get3A_1081 = arith.constant 7 : index
    %get3A_1082 = vector.load %arg1[%get3A_1080, %get3A_1081] : memref<8x128xi32, #tpu.memory_space<vmem>>, vector<1x1xi32>
    %get3A_1083 = vector.extract %get3A_1082[0, 0] : i32 from vector<1x1xi32>
    %jit3A_1084 = arith.constant 0 : i32
    %broadcast_in_dim3A_1085 = vector.broadcast %get3A_1083 : i32 to vector<8x128xi32>
    %broadcast_in_dim3A_1086 = vector.broadcast %jit3A_1084 : i32 to vector<8x128xi32>
    %select_n3A_1087 = arith.select %and3A_1079, %broadcast_in_dim3A_1085, %broadcast_in_dim3A_1086 : vector<8x128xi1>, vector<8x128xi32>
    %add3A_1088 = arith.addi %add3A_1075, %select_n3A_1087 : vector<8x128xi32>
    %eq3A_1089 = arith.constant 3 : i32
    %eq3A_1090 = vector.broadcast %eq3A_1089 : i32 to vector<8x128xi32>
    %eq3A_1091 = arith.cmpi eq, %iota3A_751, %eq3A_1090 : vector<8x128xi32>
    %and3A_1092 = arith.andi %eq3A_1091, %eq3A_1057 : vector<8x128xi1>
    %jit3A_1093 = arith.constant 0 : i32
    %broadcast_in_dim3A_1094 = vector.broadcast %convert_element_type3A_305 : i32 to vector<8x128xi32>
    %broadcast_in_dim3A_1095 = vector.broadcast %jit3A_1093 : i32 to vector<8x128xi32>
    %select_n3A_1096 = arith.select %and3A_1092, %broadcast_in_dim3A_1094, %broadcast_in_dim3A_1095 : vector<8x128xi1>, vector<8x128xi32>
    %add3A_1097 = arith.addi %add3A_1088, %select_n3A_1096 : vector<8x128xi32>
    %eq3A_1098 = arith.constant 8 : i32
    %eq3A_1099 = vector.broadcast %eq3A_1098 : i32 to vector<8x128xi32>
    %eq3A_1100 = arith.cmpi eq, %iota3A_752, %eq3A_1099 : vector<8x128xi32>
    %eq3A_1101 = arith.constant 0 : i32
    %eq3A_1102 = vector.broadcast %eq3A_1101 : i32 to vector<8x128xi32>
    %eq3A_1103 = arith.cmpi eq, %iota3A_751, %eq3A_1102 : vector<8x128xi32>
    %and3A_1104 = arith.andi %eq3A_1103, %eq3A_1100 : vector<8x128xi1>
    %jit3A_1105 = arith.constant 0 : i32
    %broadcast_in_dim3A_1106 = vector.broadcast %sub3A_351 : i32 to vector<8x128xi32>
    %broadcast_in_dim3A_1107 = vector.broadcast %jit3A_1105 : i32 to vector<8x128xi32>
    %select_n3A_1108 = arith.select %and3A_1104, %broadcast_in_dim3A_1106, %broadcast_in_dim3A_1107 : vector<8x128xi1>, vector<8x128xi32>
    %add3A_1109 = arith.addi %add3A_1097, %select_n3A_1108 : vector<8x128xi32>
    %eq3A_1110 = arith.constant 1 : i32
    %eq3A_1111 = vector.broadcast %eq3A_1110 : i32 to vector<8x128xi32>
    %eq3A_1112 = arith.cmpi eq, %iota3A_751, %eq3A_1111 : vector<8x128xi32>
    %and3A_1113 = arith.andi %eq3A_1112, %eq3A_1100 : vector<8x128xi1>
    %jit3A_1114 = arith.constant 0 : i32
    %broadcast_in_dim3A_1115 = vector.broadcast %add3A_595 : i32 to vector<8x128xi32>
    %broadcast_in_dim3A_1116 = vector.broadcast %jit3A_1114 : i32 to vector<8x128xi32>
    %select_n3A_1117 = arith.select %and3A_1113, %broadcast_in_dim3A_1115, %broadcast_in_dim3A_1116 : vector<8x128xi1>, vector<8x128xi32>
    %add3A_1118 = arith.addi %add3A_1109, %select_n3A_1117 : vector<8x128xi32>
    %eq3A_1119 = arith.constant 2 : i32
    %eq3A_1120 = vector.broadcast %eq3A_1119 : i32 to vector<8x128xi32>
    %eq3A_1121 = arith.cmpi eq, %iota3A_751, %eq3A_1120 : vector<8x128xi32>
    %and3A_1122 = arith.andi %eq3A_1121, %eq3A_1100 : vector<8x128xi1>
    %get3A_1123 = arith.constant 2 : index
    %get3A_1124 = arith.constant 8 : index
    %get3A_1125 = vector.load %arg1[%get3A_1123, %get3A_1124] : memref<8x128xi32, #tpu.memory_space<vmem>>, vector<1x1xi32>
    %get3A_1126 = vector.extract %get3A_1125[0, 0] : i32 from vector<1x1xi32>
    %jit3A_1127 = arith.constant 0 : i32
    %broadcast_in_dim3A_1128 = vector.broadcast %get3A_1126 : i32 to vector<8x128xi32>
    %broadcast_in_dim3A_1129 = vector.broadcast %jit3A_1127 : i32 to vector<8x128xi32>
    %select_n3A_1130 = arith.select %and3A_1122, %broadcast_in_dim3A_1128, %broadcast_in_dim3A_1129 : vector<8x128xi1>, vector<8x128xi32>
    %add3A_1131 = arith.addi %add3A_1118, %select_n3A_1130 : vector<8x128xi32>
    %eq3A_1132 = arith.constant 3 : i32
    %eq3A_1133 = vector.broadcast %eq3A_1132 : i32 to vector<8x128xi32>
    %eq3A_1134 = arith.cmpi eq, %iota3A_751, %eq3A_1133 : vector<8x128xi32>
    %and3A_1135 = arith.andi %eq3A_1134, %eq3A_1100 : vector<8x128xi1>
    %jit3A_1136 = arith.constant 0 : i32
    %broadcast_in_dim3A_1137 = vector.broadcast %convert_element_type3A_343 : i32 to vector<8x128xi32>
    %broadcast_in_dim3A_1138 = vector.broadcast %jit3A_1136 : i32 to vector<8x128xi32>
    %select_n3A_1139 = arith.select %and3A_1135, %broadcast_in_dim3A_1137, %broadcast_in_dim3A_1138 : vector<8x128xi1>, vector<8x128xi32>
    %add3A_1140 = arith.addi %add3A_1131, %select_n3A_1139 : vector<8x128xi32>
    %eq3A_1141 = arith.constant 9 : i32
    %eq3A_1142 = vector.broadcast %eq3A_1141 : i32 to vector<8x128xi32>
    %eq3A_1143 = arith.cmpi eq, %iota3A_752, %eq3A_1142 : vector<8x128xi32>
    %eq3A_1144 = arith.constant 0 : i32
    %eq3A_1145 = vector.broadcast %eq3A_1144 : i32 to vector<8x128xi32>
    %eq3A_1146 = arith.cmpi eq, %iota3A_751, %eq3A_1145 : vector<8x128xi32>
    %and3A_1147 = arith.andi %eq3A_1146, %eq3A_1143 : vector<8x128xi1>
    %jit3A_1148 = arith.constant 0 : i32
    %broadcast_in_dim3A_1149 = vector.broadcast %sub3A_389 : i32 to vector<8x128xi32>
    %broadcast_in_dim3A_1150 = vector.broadcast %jit3A_1148 : i32 to vector<8x128xi32>
    %select_n3A_1151 = arith.select %and3A_1147, %broadcast_in_dim3A_1149, %broadcast_in_dim3A_1150 : vector<8x128xi1>, vector<8x128xi32>
    %add3A_1152 = arith.addi %add3A_1140, %select_n3A_1151 : vector<8x128xi32>
    %eq3A_1153 = arith.constant 1 : i32
    %eq3A_1154 = vector.broadcast %eq3A_1153 : i32 to vector<8x128xi32>
    %eq3A_1155 = arith.cmpi eq, %iota3A_751, %eq3A_1154 : vector<8x128xi32>
    %and3A_1156 = arith.andi %eq3A_1155, %eq3A_1143 : vector<8x128xi1>
    %jit3A_1157 = arith.constant 0 : i32
    %broadcast_in_dim3A_1158 = vector.broadcast %add3A_596 : i32 to vector<8x128xi32>
    %broadcast_in_dim3A_1159 = vector.broadcast %jit3A_1157 : i32 to vector<8x128xi32>
    %select_n3A_1160 = arith.select %and3A_1156, %broadcast_in_dim3A_1158, %broadcast_in_dim3A_1159 : vector<8x128xi1>, vector<8x128xi32>
    %add3A_1161 = arith.addi %add3A_1152, %select_n3A_1160 : vector<8x128xi32>
    %eq3A_1162 = arith.constant 2 : i32
    %eq3A_1163 = vector.broadcast %eq3A_1162 : i32 to vector<8x128xi32>
    %eq3A_1164 = arith.cmpi eq, %iota3A_751, %eq3A_1163 : vector<8x128xi32>
    %and3A_1165 = arith.andi %eq3A_1164, %eq3A_1143 : vector<8x128xi1>
    %get3A_1166 = arith.constant 2 : index
    %get3A_1167 = arith.constant 9 : index
    %get3A_1168 = vector.load %arg1[%get3A_1166, %get3A_1167] : memref<8x128xi32, #tpu.memory_space<vmem>>, vector<1x1xi32>
    %get3A_1169 = vector.extract %get3A_1168[0, 0] : i32 from vector<1x1xi32>
    %jit3A_1170 = arith.constant 0 : i32
    %broadcast_in_dim3A_1171 = vector.broadcast %get3A_1169 : i32 to vector<8x128xi32>
    %broadcast_in_dim3A_1172 = vector.broadcast %jit3A_1170 : i32 to vector<8x128xi32>
    %select_n3A_1173 = arith.select %and3A_1165, %broadcast_in_dim3A_1171, %broadcast_in_dim3A_1172 : vector<8x128xi1>, vector<8x128xi32>
    %add3A_1174 = arith.addi %add3A_1161, %select_n3A_1173 : vector<8x128xi32>
    %eq3A_1175 = arith.constant 3 : i32
    %eq3A_1176 = vector.broadcast %eq3A_1175 : i32 to vector<8x128xi32>
    %eq3A_1177 = arith.cmpi eq, %iota3A_751, %eq3A_1176 : vector<8x128xi32>
    %and3A_1178 = arith.andi %eq3A_1177, %eq3A_1143 : vector<8x128xi1>
    %jit3A_1179 = arith.constant 0 : i32
    %broadcast_in_dim3A_1180 = vector.broadcast %convert_element_type3A_381 : i32 to vector<8x128xi32>
    %broadcast_in_dim3A_1181 = vector.broadcast %jit3A_1179 : i32 to vector<8x128xi32>
    %select_n3A_1182 = arith.select %and3A_1178, %broadcast_in_dim3A_1180, %broadcast_in_dim3A_1181 : vector<8x128xi1>, vector<8x128xi32>
    %add3A_1183 = arith.addi %add3A_1174, %select_n3A_1182 : vector<8x128xi32>
    %eq3A_1184 = arith.constant 10 : i32
    %eq3A_1185 = vector.broadcast %eq3A_1184 : i32 to vector<8x128xi32>
    %eq3A_1186 = arith.cmpi eq, %iota3A_752, %eq3A_1185 : vector<8x128xi32>
    %eq3A_1187 = arith.constant 0 : i32
    %eq3A_1188 = vector.broadcast %eq3A_1187 : i32 to vector<8x128xi32>
    %eq3A_1189 = arith.cmpi eq, %iota3A_751, %eq3A_1188 : vector<8x128xi32>
    %and3A_1190 = arith.andi %eq3A_1189, %eq3A_1186 : vector<8x128xi1>
    %jit3A_1191 = arith.constant 0 : i32
    %broadcast_in_dim3A_1192 = vector.broadcast %sub3A_427 : i32 to vector<8x128xi32>
    %broadcast_in_dim3A_1193 = vector.broadcast %jit3A_1191 : i32 to vector<8x128xi32>
    %select_n3A_1194 = arith.select %and3A_1190, %broadcast_in_dim3A_1192, %broadcast_in_dim3A_1193 : vector<8x128xi1>, vector<8x128xi32>
    %add3A_1195 = arith.addi %add3A_1183, %select_n3A_1194 : vector<8x128xi32>
    %eq3A_1196 = arith.constant 1 : i32
    %eq3A_1197 = vector.broadcast %eq3A_1196 : i32 to vector<8x128xi32>
    %eq3A_1198 = arith.cmpi eq, %iota3A_751, %eq3A_1197 : vector<8x128xi32>
    %and3A_1199 = arith.andi %eq3A_1198, %eq3A_1186 : vector<8x128xi1>
    %jit3A_1200 = arith.constant 0 : i32
    %broadcast_in_dim3A_1201 = vector.broadcast %add3A_597 : i32 to vector<8x128xi32>
    %broadcast_in_dim3A_1202 = vector.broadcast %jit3A_1200 : i32 to vector<8x128xi32>
    %select_n3A_1203 = arith.select %and3A_1199, %broadcast_in_dim3A_1201, %broadcast_in_dim3A_1202 : vector<8x128xi1>, vector<8x128xi32>
    %add3A_1204 = arith.addi %add3A_1195, %select_n3A_1203 : vector<8x128xi32>
    %eq3A_1205 = arith.constant 2 : i32
    %eq3A_1206 = vector.broadcast %eq3A_1205 : i32 to vector<8x128xi32>
    %eq3A_1207 = arith.cmpi eq, %iota3A_751, %eq3A_1206 : vector<8x128xi32>
    %and3A_1208 = arith.andi %eq3A_1207, %eq3A_1186 : vector<8x128xi1>
    %get3A_1209 = arith.constant 2 : index
    %get3A_1210 = arith.constant 10 : index
    %get3A_1211 = vector.load %arg1[%get3A_1209, %get3A_1210] : memref<8x128xi32, #tpu.memory_space<vmem>>, vector<1x1xi32>
    %get3A_1212 = vector.extract %get3A_1211[0, 0] : i32 from vector<1x1xi32>
    %jit3A_1213 = arith.constant 0 : i32
    %broadcast_in_dim3A_1214 = vector.broadcast %get3A_1212 : i32 to vector<8x128xi32>
    %broadcast_in_dim3A_1215 = vector.broadcast %jit3A_1213 : i32 to vector<8x128xi32>
    %select_n3A_1216 = arith.select %and3A_1208, %broadcast_in_dim3A_1214, %broadcast_in_dim3A_1215 : vector<8x128xi1>, vector<8x128xi32>
    %add3A_1217 = arith.addi %add3A_1204, %select_n3A_1216 : vector<8x128xi32>
    %eq3A_1218 = arith.constant 3 : i32
    %eq3A_1219 = vector.broadcast %eq3A_1218 : i32 to vector<8x128xi32>
    %eq3A_1220 = arith.cmpi eq, %iota3A_751, %eq3A_1219 : vector<8x128xi32>
    %and3A_1221 = arith.andi %eq3A_1220, %eq3A_1186 : vector<8x128xi1>
    %jit3A_1222 = arith.constant 0 : i32
    %broadcast_in_dim3A_1223 = vector.broadcast %convert_element_type3A_419 : i32 to vector<8x128xi32>
    %broadcast_in_dim3A_1224 = vector.broadcast %jit3A_1222 : i32 to vector<8x128xi32>
    %select_n3A_1225 = arith.select %and3A_1221, %broadcast_in_dim3A_1223, %broadcast_in_dim3A_1224 : vector<8x128xi1>, vector<8x128xi32>
    %add3A_1226 = arith.addi %add3A_1217, %select_n3A_1225 : vector<8x128xi32>
    %eq3A_1227 = arith.constant 11 : i32
    %eq3A_1228 = vector.broadcast %eq3A_1227 : i32 to vector<8x128xi32>
    %eq3A_1229 = arith.cmpi eq, %iota3A_752, %eq3A_1228 : vector<8x128xi32>
    %eq3A_1230 = arith.constant 0 : i32
    %eq3A_1231 = vector.broadcast %eq3A_1230 : i32 to vector<8x128xi32>
    %eq3A_1232 = arith.cmpi eq, %iota3A_751, %eq3A_1231 : vector<8x128xi32>
    %and3A_1233 = arith.andi %eq3A_1232, %eq3A_1229 : vector<8x128xi1>
    %jit3A_1234 = arith.constant 0 : i32
    %broadcast_in_dim3A_1235 = vector.broadcast %sub3A_465 : i32 to vector<8x128xi32>
    %broadcast_in_dim3A_1236 = vector.broadcast %jit3A_1234 : i32 to vector<8x128xi32>
    %select_n3A_1237 = arith.select %and3A_1233, %broadcast_in_dim3A_1235, %broadcast_in_dim3A_1236 : vector<8x128xi1>, vector<8x128xi32>
    %add3A_1238 = arith.addi %add3A_1226, %select_n3A_1237 : vector<8x128xi32>
    %eq3A_1239 = arith.constant 1 : i32
    %eq3A_1240 = vector.broadcast %eq3A_1239 : i32 to vector<8x128xi32>
    %eq3A_1241 = arith.cmpi eq, %iota3A_751, %eq3A_1240 : vector<8x128xi32>
    %and3A_1242 = arith.andi %eq3A_1241, %eq3A_1229 : vector<8x128xi1>
    %jit3A_1243 = arith.constant 0 : i32
    %broadcast_in_dim3A_1244 = vector.broadcast %add3A_598 : i32 to vector<8x128xi32>
    %broadcast_in_dim3A_1245 = vector.broadcast %jit3A_1243 : i32 to vector<8x128xi32>
    %select_n3A_1246 = arith.select %and3A_1242, %broadcast_in_dim3A_1244, %broadcast_in_dim3A_1245 : vector<8x128xi1>, vector<8x128xi32>
    %add3A_1247 = arith.addi %add3A_1238, %select_n3A_1246 : vector<8x128xi32>
    %eq3A_1248 = arith.constant 2 : i32
    %eq3A_1249 = vector.broadcast %eq3A_1248 : i32 to vector<8x128xi32>
    %eq3A_1250 = arith.cmpi eq, %iota3A_751, %eq3A_1249 : vector<8x128xi32>
    %and3A_1251 = arith.andi %eq3A_1250, %eq3A_1229 : vector<8x128xi1>
    %get3A_1252 = arith.constant 2 : index
    %get3A_1253 = arith.constant 11 : index
    %get3A_1254 = vector.load %arg1[%get3A_1252, %get3A_1253] : memref<8x128xi32, #tpu.memory_space<vmem>>, vector<1x1xi32>
    %get3A_1255 = vector.extract %get3A_1254[0, 0] : i32 from vector<1x1xi32>
    %jit3A_1256 = arith.constant 0 : i32
    %broadcast_in_dim3A_1257 = vector.broadcast %get3A_1255 : i32 to vector<8x128xi32>
    %broadcast_in_dim3A_1258 = vector.broadcast %jit3A_1256 : i32 to vector<8x128xi32>
    %select_n3A_1259 = arith.select %and3A_1251, %broadcast_in_dim3A_1257, %broadcast_in_dim3A_1258 : vector<8x128xi1>, vector<8x128xi32>
    %add3A_1260 = arith.addi %add3A_1247, %select_n3A_1259 : vector<8x128xi32>
    %eq3A_1261 = arith.constant 3 : i32
    %eq3A_1262 = vector.broadcast %eq3A_1261 : i32 to vector<8x128xi32>
    %eq3A_1263 = arith.cmpi eq, %iota3A_751, %eq3A_1262 : vector<8x128xi32>
    %and3A_1264 = arith.andi %eq3A_1263, %eq3A_1229 : vector<8x128xi1>
    %jit3A_1265 = arith.constant 0 : i32
    %broadcast_in_dim3A_1266 = vector.broadcast %convert_element_type3A_457 : i32 to vector<8x128xi32>
    %broadcast_in_dim3A_1267 = vector.broadcast %jit3A_1265 : i32 to vector<8x128xi32>
    %select_n3A_1268 = arith.select %and3A_1264, %broadcast_in_dim3A_1266, %broadcast_in_dim3A_1267 : vector<8x128xi1>, vector<8x128xi32>
    %add3A_1269 = arith.addi %add3A_1260, %select_n3A_1268 : vector<8x128xi32>
    %eq3A_1270 = arith.constant 12 : i32
    %eq3A_1271 = vector.broadcast %eq3A_1270 : i32 to vector<8x128xi32>
    %eq3A_1272 = arith.cmpi eq, %iota3A_752, %eq3A_1271 : vector<8x128xi32>
    %eq3A_1273 = arith.constant 0 : i32
    %eq3A_1274 = vector.broadcast %eq3A_1273 : i32 to vector<8x128xi32>
    %eq3A_1275 = arith.cmpi eq, %iota3A_751, %eq3A_1274 : vector<8x128xi32>
    %and3A_1276 = arith.andi %eq3A_1275, %eq3A_1272 : vector<8x128xi1>
    %jit3A_1277 = arith.constant 0 : i32
    %broadcast_in_dim3A_1278 = vector.broadcast %sub3A_503 : i32 to vector<8x128xi32>
    %broadcast_in_dim3A_1279 = vector.broadcast %jit3A_1277 : i32 to vector<8x128xi32>
    %select_n3A_1280 = arith.select %and3A_1276, %broadcast_in_dim3A_1278, %broadcast_in_dim3A_1279 : vector<8x128xi1>, vector<8x128xi32>
    %add3A_1281 = arith.addi %add3A_1269, %select_n3A_1280 : vector<8x128xi32>
    %eq3A_1282 = arith.constant 1 : i32
    %eq3A_1283 = vector.broadcast %eq3A_1282 : i32 to vector<8x128xi32>
    %eq3A_1284 = arith.cmpi eq, %iota3A_751, %eq3A_1283 : vector<8x128xi32>
    %and3A_1285 = arith.andi %eq3A_1284, %eq3A_1272 : vector<8x128xi1>
    %jit3A_1286 = arith.constant 0 : i32
    %broadcast_in_dim3A_1287 = vector.broadcast %add3A_599 : i32 to vector<8x128xi32>
    %broadcast_in_dim3A_1288 = vector.broadcast %jit3A_1286 : i32 to vector<8x128xi32>
    %select_n3A_1289 = arith.select %and3A_1285, %broadcast_in_dim3A_1287, %broadcast_in_dim3A_1288 : vector<8x128xi1>, vector<8x128xi32>
    %add3A_1290 = arith.addi %add3A_1281, %select_n3A_1289 : vector<8x128xi32>
    %eq3A_1291 = arith.constant 2 : i32
    %eq3A_1292 = vector.broadcast %eq3A_1291 : i32 to vector<8x128xi32>
    %eq3A_1293 = arith.cmpi eq, %iota3A_751, %eq3A_1292 : vector<8x128xi32>
    %and3A_1294 = arith.andi %eq3A_1293, %eq3A_1272 : vector<8x128xi1>
    %get3A_1295 = arith.constant 2 : index
    %get3A_1296 = arith.constant 12 : index
    %get3A_1297 = vector.load %arg1[%get3A_1295, %get3A_1296] : memref<8x128xi32, #tpu.memory_space<vmem>>, vector<1x1xi32>
    %get3A_1298 = vector.extract %get3A_1297[0, 0] : i32 from vector<1x1xi32>
    %jit3A_1299 = arith.constant 0 : i32
    %broadcast_in_dim3A_1300 = vector.broadcast %get3A_1298 : i32 to vector<8x128xi32>
    %broadcast_in_dim3A_1301 = vector.broadcast %jit3A_1299 : i32 to vector<8x128xi32>
    %select_n3A_1302 = arith.select %and3A_1294, %broadcast_in_dim3A_1300, %broadcast_in_dim3A_1301 : vector<8x128xi1>, vector<8x128xi32>
    %add3A_1303 = arith.addi %add3A_1290, %select_n3A_1302 : vector<8x128xi32>
    %eq3A_1304 = arith.constant 3 : i32
    %eq3A_1305 = vector.broadcast %eq3A_1304 : i32 to vector<8x128xi32>
    %eq3A_1306 = arith.cmpi eq, %iota3A_751, %eq3A_1305 : vector<8x128xi32>
    %and3A_1307 = arith.andi %eq3A_1306, %eq3A_1272 : vector<8x128xi1>
    %jit3A_1308 = arith.constant 0 : i32
    %broadcast_in_dim3A_1309 = vector.broadcast %convert_element_type3A_495 : i32 to vector<8x128xi32>
    %broadcast_in_dim3A_1310 = vector.broadcast %jit3A_1308 : i32 to vector<8x128xi32>
    %select_n3A_1311 = arith.select %and3A_1307, %broadcast_in_dim3A_1309, %broadcast_in_dim3A_1310 : vector<8x128xi1>, vector<8x128xi32>
    %add3A_1312 = arith.addi %add3A_1303, %select_n3A_1311 : vector<8x128xi32>
    %eq3A_1313 = arith.constant 13 : i32
    %eq3A_1314 = vector.broadcast %eq3A_1313 : i32 to vector<8x128xi32>
    %eq3A_1315 = arith.cmpi eq, %iota3A_752, %eq3A_1314 : vector<8x128xi32>
    %eq3A_1316 = arith.constant 0 : i32
    %eq3A_1317 = vector.broadcast %eq3A_1316 : i32 to vector<8x128xi32>
    %eq3A_1318 = arith.cmpi eq, %iota3A_751, %eq3A_1317 : vector<8x128xi32>
    %and3A_1319 = arith.andi %eq3A_1318, %eq3A_1315 : vector<8x128xi1>
    %jit3A_1320 = arith.constant 0 : i32
    %broadcast_in_dim3A_1321 = vector.broadcast %sub3A_541 : i32 to vector<8x128xi32>
    %broadcast_in_dim3A_1322 = vector.broadcast %jit3A_1320 : i32 to vector<8x128xi32>
    %select_n3A_1323 = arith.select %and3A_1319, %broadcast_in_dim3A_1321, %broadcast_in_dim3A_1322 : vector<8x128xi1>, vector<8x128xi32>
    %add3A_1324 = arith.addi %add3A_1312, %select_n3A_1323 : vector<8x128xi32>
    %eq3A_1325 = arith.constant 1 : i32
    %eq3A_1326 = vector.broadcast %eq3A_1325 : i32 to vector<8x128xi32>
    %eq3A_1327 = arith.cmpi eq, %iota3A_751, %eq3A_1326 : vector<8x128xi32>
    %and3A_1328 = arith.andi %eq3A_1327, %eq3A_1315 : vector<8x128xi1>
    %jit3A_1329 = arith.constant 0 : i32
    %broadcast_in_dim3A_1330 = vector.broadcast %add3A_600 : i32 to vector<8x128xi32>
    %broadcast_in_dim3A_1331 = vector.broadcast %jit3A_1329 : i32 to vector<8x128xi32>
    %select_n3A_1332 = arith.select %and3A_1328, %broadcast_in_dim3A_1330, %broadcast_in_dim3A_1331 : vector<8x128xi1>, vector<8x128xi32>
    %add3A_1333 = arith.addi %add3A_1324, %select_n3A_1332 : vector<8x128xi32>
    %eq3A_1334 = arith.constant 2 : i32
    %eq3A_1335 = vector.broadcast %eq3A_1334 : i32 to vector<8x128xi32>
    %eq3A_1336 = arith.cmpi eq, %iota3A_751, %eq3A_1335 : vector<8x128xi32>
    %and3A_1337 = arith.andi %eq3A_1336, %eq3A_1315 : vector<8x128xi1>
    %get3A_1338 = arith.constant 2 : index
    %get3A_1339 = arith.constant 13 : index
    %get3A_1340 = vector.load %arg1[%get3A_1338, %get3A_1339] : memref<8x128xi32, #tpu.memory_space<vmem>>, vector<1x1xi32>
    %get3A_1341 = vector.extract %get3A_1340[0, 0] : i32 from vector<1x1xi32>
    %jit3A_1342 = arith.constant 0 : i32
    %broadcast_in_dim3A_1343 = vector.broadcast %get3A_1341 : i32 to vector<8x128xi32>
    %broadcast_in_dim3A_1344 = vector.broadcast %jit3A_1342 : i32 to vector<8x128xi32>
    %select_n3A_1345 = arith.select %and3A_1337, %broadcast_in_dim3A_1343, %broadcast_in_dim3A_1344 : vector<8x128xi1>, vector<8x128xi32>
    %add3A_1346 = arith.addi %add3A_1333, %select_n3A_1345 : vector<8x128xi32>
    %eq3A_1347 = arith.constant 3 : i32
    %eq3A_1348 = vector.broadcast %eq3A_1347 : i32 to vector<8x128xi32>
    %eq3A_1349 = arith.cmpi eq, %iota3A_751, %eq3A_1348 : vector<8x128xi32>
    %and3A_1350 = arith.andi %eq3A_1349, %eq3A_1315 : vector<8x128xi1>
    %jit3A_1351 = arith.constant 0 : i32
    %broadcast_in_dim3A_1352 = vector.broadcast %convert_element_type3A_533 : i32 to vector<8x128xi32>
    %broadcast_in_dim3A_1353 = vector.broadcast %jit3A_1351 : i32 to vector<8x128xi32>
    %select_n3A_1354 = arith.select %and3A_1350, %broadcast_in_dim3A_1352, %broadcast_in_dim3A_1353 : vector<8x128xi1>, vector<8x128xi32>
    %add3A_1355 = arith.addi %add3A_1346, %select_n3A_1354 : vector<8x128xi32>
    %eq3A_1356 = arith.constant 14 : i32
    %eq3A_1357 = vector.broadcast %eq3A_1356 : i32 to vector<8x128xi32>
    %eq3A_1358 = arith.cmpi eq, %iota3A_752, %eq3A_1357 : vector<8x128xi32>
    %eq3A_1359 = arith.constant 0 : i32
    %eq3A_1360 = vector.broadcast %eq3A_1359 : i32 to vector<8x128xi32>
    %eq3A_1361 = arith.cmpi eq, %iota3A_751, %eq3A_1360 : vector<8x128xi32>
    %and3A_1362 = arith.andi %eq3A_1361, %eq3A_1358 : vector<8x128xi1>
    %jit3A_1363 = arith.constant 0 : i32
    %broadcast_in_dim3A_1364 = vector.broadcast %sub3A_579 : i32 to vector<8x128xi32>
    %broadcast_in_dim3A_1365 = vector.broadcast %jit3A_1363 : i32 to vector<8x128xi32>
    %select_n3A_1366 = arith.select %and3A_1362, %broadcast_in_dim3A_1364, %broadcast_in_dim3A_1365 : vector<8x128xi1>, vector<8x128xi32>
    %add3A_1367 = arith.addi %add3A_1355, %select_n3A_1366 : vector<8x128xi32>
    %eq3A_1368 = arith.constant 1 : i32
    %eq3A_1369 = vector.broadcast %eq3A_1368 : i32 to vector<8x128xi32>
    %eq3A_1370 = arith.cmpi eq, %iota3A_751, %eq3A_1369 : vector<8x128xi32>
    %and3A_1371 = arith.andi %eq3A_1370, %eq3A_1358 : vector<8x128xi1>
    %jit3A_1372 = arith.constant 0 : i32
    %broadcast_in_dim3A_1373 = vector.broadcast %add3A_601 : i32 to vector<8x128xi32>
    %broadcast_in_dim3A_1374 = vector.broadcast %jit3A_1372 : i32 to vector<8x128xi32>
    %select_n3A_1375 = arith.select %and3A_1371, %broadcast_in_dim3A_1373, %broadcast_in_dim3A_1374 : vector<8x128xi1>, vector<8x128xi32>
    %add3A_1376 = arith.addi %add3A_1367, %select_n3A_1375 : vector<8x128xi32>
    %eq3A_1377 = arith.constant 2 : i32
    %eq3A_1378 = vector.broadcast %eq3A_1377 : i32 to vector<8x128xi32>
    %eq3A_1379 = arith.cmpi eq, %iota3A_751, %eq3A_1378 : vector<8x128xi32>
    %and3A_1380 = arith.andi %eq3A_1379, %eq3A_1358 : vector<8x128xi1>
    %get3A_1381 = arith.constant 2 : index
    %get3A_1382 = arith.constant 14 : index
    %get3A_1383 = vector.load %arg1[%get3A_1381, %get3A_1382] : memref<8x128xi32, #tpu.memory_space<vmem>>, vector<1x1xi32>
    %get3A_1384 = vector.extract %get3A_1383[0, 0] : i32 from vector<1x1xi32>
    %jit3A_1385 = arith.constant 0 : i32
    %broadcast_in_dim3A_1386 = vector.broadcast %get3A_1384 : i32 to vector<8x128xi32>
    %broadcast_in_dim3A_1387 = vector.broadcast %jit3A_1385 : i32 to vector<8x128xi32>
    %select_n3A_1388 = arith.select %and3A_1380, %broadcast_in_dim3A_1386, %broadcast_in_dim3A_1387 : vector<8x128xi1>, vector<8x128xi32>
    %add3A_1389 = arith.addi %add3A_1376, %select_n3A_1388 : vector<8x128xi32>
    %eq3A_1390 = arith.constant 3 : i32
    %eq3A_1391 = vector.broadcast %eq3A_1390 : i32 to vector<8x128xi32>
    %eq3A_1392 = arith.cmpi eq, %iota3A_751, %eq3A_1391 : vector<8x128xi32>
    %and3A_1393 = arith.andi %eq3A_1392, %eq3A_1358 : vector<8x128xi1>
    %jit3A_1394 = arith.constant 0 : i32
    %broadcast_in_dim3A_1395 = vector.broadcast %convert_element_type3A_571 : i32 to vector<8x128xi32>
    %broadcast_in_dim3A_1396 = vector.broadcast %jit3A_1394 : i32 to vector<8x128xi32>
    %select_n3A_1397 = arith.select %and3A_1393, %broadcast_in_dim3A_1395, %broadcast_in_dim3A_1396 : vector<8x128xi1>, vector<8x128xi32>
    %add3A_1398 = arith.addi %add3A_1389, %select_n3A_1397 : vector<8x128xi32>
    %swap3A_1399 = arith.constant 0 : index
    %swap3A_1400 = arith.constant 0 : index
    %swap3A_1401 = vector.load %arg3[%swap3A_1399, %swap3A_1400] : memref<8x128xi32, #tpu.memory_space<vmem>>, vector<8x128xi32>
    tpu.vector_store %arg3[%swap3A_1399, %swap3A_1400], %add3A_1398 {strides = array<i32>} : memref<8x128xi32, #tpu.memory_space<vmem>>, vector<8x128xi32>,
    return
  }
}

module attributes {stable_mosaic.version = 14 : i64} {
  func.func @_find1_body(%arg0: memref<32x512x128xi32, #tpu.memory_space<vmem>>, %arg1: memref<512x128xi32, #tpu.memory_space<vmem>>, %arg2: memref<8x128xi32, #tpu.memory_space<vmem>>) attributes {dimension_semantics = [], scalar_prefetch = 0 : i64, scratch_operands = 0 : i64, tpu.core_type = #tpu.core_type<tc>} {
    %get3A = arith.constant 0 : index
    %get3A_0 = arith.constant 0 : index
    %get3A_1 = arith.constant 0 : index
    %get3A_2 = vector.load %arg0[%get3A, %get3A_0, %get3A_1] : memref<32x512x128xi32, #tpu.memory_space<vmem>>, vector<32x512x128xi32>
    %convert_element_type3A = arith.sitofp %get3A_2 : vector<32x512x128xi32> to vector<32x512x128xf32>
    %reduce_sum3A = arith.constant dense<0.000000e+00> : vector<512x128xf32>
    %reduce_sum3A_3 = vector.multi_reduction <add>, %convert_element_type3A, %reduce_sum3A [0] : vector<32x512x128xf32> to vector<512x128xf32>
    %iota3A = tpu.iota {dimensions = array<i32: 0>} : vector<256x256xi32>
    %iota3A_4 = tpu.iota {dimensions = array<i32: 1>} : vector<256x256xi32>
    %add3A = arith.addi %iota3A, %iota3A_4 : vector<256x256xi32>
    %eq3A = arith.constant 255 : i32
    %eq3A_5 = vector.broadcast %eq3A : i32 to vector<256x256xi32>
    %eq3A_6 = arith.cmpi eq, %add3A, %eq3A_5 : vector<256x256xi32>
    %convert_element_type3A_7 = arith.extui %eq3A_6 : vector<256x256xi1> to vector<256x256xi32>
    %convert_element_type3A_8 = arith.sitofp %convert_element_type3A_7 : vector<256x256xi32> to vector<256x256xf32>
    %slice3A = vector.extract_strided_slice %reduce_sum3A_3 {offsets = [256, 0], sizes = [256, 128], strides = [1, 1]} : vector<512x128xf32> to vector<256x128xf32>
    %dot_general3A = arith.constant dense<0.000000e+00> : vector<256x128xf32>
    %dot_general3A_9 = tpu.matmul %convert_element_type3A_8, %slice3A, %dot_general3A {dimension_numbers = #tpu.dot_dimension_numbers<[1], [0], [0], [1], [0, 0, 1, 1], [], []>, precision = #tpu.contract_precision<fp32>, transpose_lhs_hint = false} : vector<256x256xf32>, vector<256x128xf32>, vector<256x128xf32> -> vector<256x128xf32>
    %iota3A_10 = tpu.iota {dimensions = array<i32: 0>} : vector<128x128xi32>
    %iota3A_11 = tpu.iota {dimensions = array<i32: 1>} : vector<128x128xi32>
    %add3A_12 = arith.addi %iota3A_10, %iota3A_11 : vector<128x128xi32>
    %eq3A_13 = arith.constant 127 : i32
    %eq3A_14 = vector.broadcast %eq3A_13 : i32 to vector<128x128xi32>
    %eq3A_15 = arith.cmpi eq, %add3A_12, %eq3A_14 : vector<128x128xi32>
    %convert_element_type3A_16 = arith.extui %eq3A_15 : vector<128x128xi1> to vector<128x128xi32>
    %convert_element_type3A_17 = arith.sitofp %convert_element_type3A_16 : vector<128x128xi32> to vector<128x128xf32>
    %dot_general3A_18 = arith.constant dense<0.000000e+00> : vector<256x128xf32>
    %dot_general3A_19 = tpu.matmul %dot_general3A_9, %convert_element_type3A_17, %dot_general3A_18 {dimension_numbers = #tpu.dot_dimension_numbers<[1], [0], [0], [1], [0, 0, 1, 1], [], []>, precision = #tpu.contract_precision<fp32>, transpose_lhs_hint = false} : vector<256x128xf32>, vector<128x128xf32>, vector<256x128xf32> -> vector<256x128xf32>
    %slice3A_20 = vector.extract_strided_slice %reduce_sum3A_3 {offsets = [0, 0], sizes = [256, 128], strides = [1, 1]} : vector<512x128xf32> to vector<256x128xf32>
    %concatenate3A = tpu.concatenate %dot_general3A_19, %slice3A_20 in 0 : vector<256x128xf32>, vector<256x128xf32> -> vector<512x128xf32>
    %iota3A_21 = tpu.iota {dimensions = array<i32: 0>} : vector<128x128xi32>
    %iota3A_22 = tpu.iota {dimensions = array<i32: 1>} : vector<128x128xi32>
    %le3A = arith.cmpi sle, %iota3A_21, %iota3A_22 : vector<128x128xi32>
    %convert_element_type3A_23 = arith.extui %le3A : vector<128x128xi1> to vector<128x128xi32>
    %convert_element_type3A_24 = arith.sitofp %convert_element_type3A_23 : vector<128x128xi32> to vector<128x128xf32>
    %dot_general3A_25 = arith.constant dense<0.000000e+00> : vector<512x128xf32>
    %dot_general3A_26 = tpu.matmul %concatenate3A, %convert_element_type3A_24, %dot_general3A_25 {dimension_numbers = #tpu.dot_dimension_numbers<[1], [0], [0], [1], [0, 0, 1, 1], [], []>, precision = #tpu.contract_precision<fp32>, transpose_lhs_hint = false} : vector<512x128xf32>, vector<128x128xf32>, vector<512x128xf32> -> vector<512x128xf32>
    %slice3A_27 = vector.extract_strided_slice %dot_general3A_26 {offsets = [0, 127], sizes = [512, 1], strides = [1, 1]} : vector<512x128xf32> to vector<512x1xf32>
    %iota3A_28 = tpu.iota {dimensions = array<i32: 0>} : vector<512x512xi32>
    %iota3A_29 = tpu.iota {dimensions = array<i32: 1>} : vector<512x512xi32>
    %lt3A = arith.cmpi slt, %iota3A_29, %iota3A_28 : vector<512x512xi32>
    %convert_element_type3A_30 = arith.extui %lt3A : vector<512x512xi1> to vector<512x512xi32>
    %convert_element_type3A_31 = arith.sitofp %convert_element_type3A_30 : vector<512x512xi32> to vector<512x512xf32>
    %dot_general3A_32 = arith.constant dense<0.000000e+00> : vector<512x1xf32>
    %dot_general3A_33 = tpu.matmul %convert_element_type3A_31, %slice3A_27, %dot_general3A_32 {dimension_numbers = #tpu.dot_dimension_numbers<[1], [0], [0], [1], [0, 0, 1, 1], [], []>, precision = #tpu.contract_precision<fp32>, transpose_lhs_hint = false} : vector<512x512xf32>, vector<512x1xf32>, vector<512x1xf32> -> vector<512x1xf32>
    %add3A_34 = vector.broadcast %dot_general3A_33 : vector<512x1xf32> to vector<512x128xf32>
    %add3A_35 = arith.addf %dot_general3A_26, %add3A_34 : vector<512x128xf32>
    %le3A_36 = arith.constant 4.795710e+05 : f32
    %le3A_37 = vector.broadcast %le3A_36 : f32 to vector<512x128xf32>
    %le3A_38 = arith.cmpf ole, %add3A_35, %le3A_37 : vector<512x128xf32>
    %convert_element_type3A_39 = arith.extui %le3A_38 : vector<512x128xi1> to vector<512x128xi32>
    %convert_element_type3A_40 = arith.sitofp %convert_element_type3A_39 : vector<512x128xi32> to vector<512x128xf32>
    %reduce_sum3A_41 = vector.shape_cast %convert_element_type3A_40 : vector<512x128xf32> to vector<1x512x128xf32>
    %reduce_sum3A_42 = arith.constant dense<0.000000e+00> : vector<1xf32>
    %reduce_sum3A_43 = vector.multi_reduction <add>, %reduce_sum3A_41, %reduce_sum3A_42 [1, 2] : vector<1x512x128xf32> to vector<1xf32>
    %reduce_sum3A_44 = vector.shape_cast %reduce_sum3A_43 : vector<1xf32> to vector<1x1x1xf32>
    %reduce_sum3A_45 = vector.extract %reduce_sum3A_44[0, 0, 0] : f32 from vector<1x1x1xf32>
    %convert_element_type3A_46 = arith.fptosi %reduce_sum3A_45 : f32 to i32
    %mul3A = arith.mulf %add3A_35, %convert_element_type3A_40 : vector<512x128xf32>
    %reduce_max3A = vector.shape_cast %mul3A : vector<512x128xf32> to vector<1x512x128xf32>
    %reduce_max3A_47 = arith.constant dense<0xFF800000> : vector<1xf32>
    %reduce_max3A_48 = vector.multi_reduction <maximumf>, %reduce_max3A, %reduce_max3A_47 [1, 2] : vector<1x512x128xf32> to vector<1xf32>
    %reduce_max3A_49 = vector.shape_cast %reduce_max3A_48 : vector<1xf32> to vector<1x1x1xf32>
    %reduce_max3A_50 = vector.extract %reduce_max3A_49[0, 0, 0] : f32 from vector<1x1x1xf32>
    %convert_element_type3A_51 = arith.fptosi %reduce_max3A_50 : f32 to i32
    %sub3A = arith.constant 479571 : i32
    %sub3A_52 = arith.subi %sub3A, %convert_element_type3A_51 : i32
    %le3A_53 = arith.constant 9.168080e+05 : f32
    %le3A_54 = vector.broadcast %le3A_53 : f32 to vector<512x128xf32>
    %le3A_55 = arith.cmpf ole, %add3A_35, %le3A_54 : vector<512x128xf32>
    %convert_element_type3A_56 = arith.extui %le3A_55 : vector<512x128xi1> to vector<512x128xi32>
    %convert_element_type3A_57 = arith.sitofp %convert_element_type3A_56 : vector<512x128xi32> to vector<512x128xf32>
    %reduce_sum3A_58 = vector.shape_cast %convert_element_type3A_57 : vector<512x128xf32> to vector<1x512x128xf32>
    %reduce_sum3A_59 = arith.constant dense<0.000000e+00> : vector<1xf32>
    %reduce_sum3A_60 = vector.multi_reduction <add>, %reduce_sum3A_58, %reduce_sum3A_59 [1, 2] : vector<1x512x128xf32> to vector<1xf32>
    %reduce_sum3A_61 = vector.shape_cast %reduce_sum3A_60 : vector<1xf32> to vector<1x1x1xf32>
    %reduce_sum3A_62 = vector.extract %reduce_sum3A_61[0, 0, 0] : f32 from vector<1x1x1xf32>
    %convert_element_type3A_63 = arith.fptosi %reduce_sum3A_62 : f32 to i32
    %mul3A_64 = arith.mulf %add3A_35, %convert_element_type3A_57 : vector<512x128xf32>
    %reduce_max3A_65 = vector.shape_cast %mul3A_64 : vector<512x128xf32> to vector<1x512x128xf32>
    %reduce_max3A_66 = arith.constant dense<0xFF800000> : vector<1xf32>
    %reduce_max3A_67 = vector.multi_reduction <maximumf>, %reduce_max3A_65, %reduce_max3A_66 [1, 2] : vector<1x512x128xf32> to vector<1xf32>
    %reduce_max3A_68 = vector.shape_cast %reduce_max3A_67 : vector<1xf32> to vector<1x1x1xf32>
    %reduce_max3A_69 = vector.extract %reduce_max3A_68[0, 0, 0] : f32 from vector<1x1x1xf32>
    %convert_element_type3A_70 = arith.fptosi %reduce_max3A_69 : f32 to i32
    %sub3A_71 = arith.constant 916808 : i32
    %sub3A_72 = arith.subi %sub3A_71, %convert_element_type3A_70 : i32
    %ne3A = arith.cmpi ne, %convert_element_type3A_63, %convert_element_type3A_46 : i32
    %convert_element_type3A_73 = arith.extui %ne3A : i1 to i32
    %le3A_74 = arith.constant 0x49A093B0 : f32
    %le3A_75 = vector.broadcast %le3A_74 : f32 to vector<512x128xf32>
    %le3A_76 = arith.cmpf ole, %add3A_35, %le3A_75 : vector<512x128xf32>
    %convert_element_type3A_77 = arith.extui %le3A_76 : vector<512x128xi1> to vector<512x128xi32>
    %convert_element_type3A_78 = arith.sitofp %convert_element_type3A_77 : vector<512x128xi32> to vector<512x128xf32>
    %reduce_sum3A_79 = vector.shape_cast %convert_element_type3A_78 : vector<512x128xf32> to vector<1x512x128xf32>
    %reduce_sum3A_80 = arith.constant dense<0.000000e+00> : vector<1xf32>
    %reduce_sum3A_81 = vector.multi_reduction <add>, %reduce_sum3A_79, %reduce_sum3A_80 [1, 2] : vector<1x512x128xf32> to vector<1xf32>
    %reduce_sum3A_82 = vector.shape_cast %reduce_sum3A_81 : vector<1xf32> to vector<1x1x1xf32>
    %reduce_sum3A_83 = vector.extract %reduce_sum3A_82[0, 0, 0] : f32 from vector<1x1x1xf32>
    %convert_element_type3A_84 = arith.fptosi %reduce_sum3A_83 : f32 to i32
    %mul3A_85 = arith.mulf %add3A_35, %convert_element_type3A_78 : vector<512x128xf32>
    %reduce_max3A_86 = vector.shape_cast %mul3A_85 : vector<512x128xf32> to vector<1x512x128xf32>
    %reduce_max3A_87 = arith.constant dense<0xFF800000> : vector<1xf32>
    %reduce_max3A_88 = vector.multi_reduction <maximumf>, %reduce_max3A_86, %reduce_max3A_87 [1, 2] : vector<1x512x128xf32> to vector<1xf32>
    %reduce_max3A_89 = vector.shape_cast %reduce_max3A_88 : vector<1xf32> to vector<1x1x1xf32>
    %reduce_max3A_90 = vector.extract %reduce_max3A_89[0, 0, 0] : f32 from vector<1x1x1xf32>
    %convert_element_type3A_91 = arith.fptosi %reduce_max3A_90 : f32 to i32
    %sub3A_92 = arith.constant 1315446 : i32
    %sub3A_93 = arith.subi %sub3A_92, %convert_element_type3A_91 : i32
    %ne3A_94 = arith.cmpi ne, %convert_element_type3A_84, %convert_element_type3A_63 : i32
    %convert_element_type3A_95 = arith.extui %ne3A_94 : i1 to i32
    %le3A_96 = arith.constant 0x49CCF170 : f32
    %le3A_97 = vector.broadcast %le3A_96 : f32 to vector<512x128xf32>
    %le3A_98 = arith.cmpf ole, %add3A_35, %le3A_97 : vector<512x128xf32>
    %convert_element_type3A_99 = arith.extui %le3A_98 : vector<512x128xi1> to vector<512x128xi32>
    %convert_element_type3A_100 = arith.sitofp %convert_element_type3A_99 : vector<512x128xi32> to vector<512x128xf32>
    %reduce_sum3A_101 = vector.shape_cast %convert_element_type3A_100 : vector<512x128xf32> to vector<1x512x128xf32>
    %reduce_sum3A_102 = arith.constant dense<0.000000e+00> : vector<1xf32>
    %reduce_sum3A_103 = vector.multi_reduction <add>, %reduce_sum3A_101, %reduce_sum3A_102 [1, 2] : vector<1x512x128xf32> to vector<1xf32>
    %reduce_sum3A_104 = vector.shape_cast %reduce_sum3A_103 : vector<1xf32> to vector<1x1x1xf32>
    %reduce_sum3A_105 = vector.extract %reduce_sum3A_104[0, 0, 0] : f32 from vector<1x1x1xf32>
    %convert_element_type3A_106 = arith.fptosi %reduce_sum3A_105 : f32 to i32
    %mul3A_107 = arith.mulf %add3A_35, %convert_element_type3A_100 : vector<512x128xf32>
    %reduce_max3A_108 = vector.shape_cast %mul3A_107 : vector<512x128xf32> to vector<1x512x128xf32>
    %reduce_max3A_109 = arith.constant dense<0xFF800000> : vector<1xf32>
    %reduce_max3A_110 = vector.multi_reduction <maximumf>, %reduce_max3A_108, %reduce_max3A_109 [1, 2] : vector<1x512x128xf32> to vector<1xf32>
    %reduce_max3A_111 = vector.shape_cast %reduce_max3A_110 : vector<1xf32> to vector<1x1x1xf32>
    %reduce_max3A_112 = vector.extract %reduce_max3A_111[0, 0, 0] : f32 from vector<1x1x1xf32>
    %convert_element_type3A_113 = arith.fptosi %reduce_max3A_112 : f32 to i32
    %sub3A_114 = arith.constant 1678894 : i32
    %sub3A_115 = arith.subi %sub3A_114, %convert_element_type3A_113 : i32
    %ne3A_116 = arith.cmpi ne, %convert_element_type3A_106, %convert_element_type3A_84 : i32
    %convert_element_type3A_117 = arith.extui %ne3A_116 : i1 to i32
    %le3A_118 = arith.constant 0x49F56488 : f32
    %le3A_119 = vector.broadcast %le3A_118 : f32 to vector<512x128xf32>
    %le3A_120 = arith.cmpf ole, %add3A_35, %le3A_119 : vector<512x128xf32>
    %convert_element_type3A_121 = arith.extui %le3A_120 : vector<512x128xi1> to vector<512x128xi32>
    %convert_element_type3A_122 = arith.sitofp %convert_element_type3A_121 : vector<512x128xi32> to vector<512x128xf32>
    %reduce_sum3A_123 = vector.shape_cast %convert_element_type3A_122 : vector<512x128xf32> to vector<1x512x128xf32>
    %reduce_sum3A_124 = arith.constant dense<0.000000e+00> : vector<1xf32>
    %reduce_sum3A_125 = vector.multi_reduction <add>, %reduce_sum3A_123, %reduce_sum3A_124 [1, 2] : vector<1x512x128xf32> to vector<1xf32>
    %reduce_sum3A_126 = vector.shape_cast %reduce_sum3A_125 : vector<1xf32> to vector<1x1x1xf32>
    %reduce_sum3A_127 = vector.extract %reduce_sum3A_126[0, 0, 0] : f32 from vector<1x1x1xf32>
    %convert_element_type3A_128 = arith.fptosi %reduce_sum3A_127 : f32 to i32
    %mul3A_129 = arith.mulf %add3A_35, %convert_element_type3A_122 : vector<512x128xf32>
    %reduce_max3A_130 = vector.shape_cast %mul3A_129 : vector<512x128xf32> to vector<1x512x128xf32>
    %reduce_max3A_131 = arith.constant dense<0xFF800000> : vector<1xf32>
    %reduce_max3A_132 = vector.multi_reduction <maximumf>, %reduce_max3A_130, %reduce_max3A_131 [1, 2] : vector<1x512x128xf32> to vector<1xf32>
    %reduce_max3A_133 = vector.shape_cast %reduce_max3A_132 : vector<1xf32> to vector<1x1x1xf32>
    %reduce_max3A_134 = vector.extract %reduce_max3A_133[0, 0, 0] : f32 from vector<1x1x1xf32>
    %convert_element_type3A_135 = arith.fptosi %reduce_max3A_134 : f32 to i32
    %sub3A_136 = arith.constant 2010257 : i32
    %sub3A_137 = arith.subi %sub3A_136, %convert_element_type3A_135 : i32
    %ne3A_138 = arith.cmpi ne, %convert_element_type3A_128, %convert_element_type3A_106 : i32
    %convert_element_type3A_139 = arith.extui %ne3A_138 : i1 to i32
    %le3A_140 = arith.constant 0x4A0D22C0 : f32
    %le3A_141 = vector.broadcast %le3A_140 : f32 to vector<512x128xf32>
    %le3A_142 = arith.cmpf ole, %add3A_35, %le3A_141 : vector<512x128xf32>
    %convert_element_type3A_143 = arith.extui %le3A_142 : vector<512x128xi1> to vector<512x128xi32>
    %convert_element_type3A_144 = arith.sitofp %convert_element_type3A_143 : vector<512x128xi32> to vector<512x128xf32>
    %reduce_sum3A_145 = vector.shape_cast %convert_element_type3A_144 : vector<512x128xf32> to vector<1x512x128xf32>
    %reduce_sum3A_146 = arith.constant dense<0.000000e+00> : vector<1xf32>
    %reduce_sum3A_147 = vector.multi_reduction <add>, %reduce_sum3A_145, %reduce_sum3A_146 [1, 2] : vector<1x512x128xf32> to vector<1xf32>
    %reduce_sum3A_148 = vector.shape_cast %reduce_sum3A_147 : vector<1xf32> to vector<1x1x1xf32>
    %reduce_sum3A_149 = vector.extract %reduce_sum3A_148[0, 0, 0] : f32 from vector<1x1x1xf32>
    %convert_element_type3A_150 = arith.fptosi %reduce_sum3A_149 : f32 to i32
    %mul3A_151 = arith.mulf %add3A_35, %convert_element_type3A_144 : vector<512x128xf32>
    %reduce_max3A_152 = vector.shape_cast %mul3A_151 : vector<512x128xf32> to vector<1x512x128xf32>
    %reduce_max3A_153 = arith.constant dense<0xFF800000> : vector<1xf32>
    %reduce_max3A_154 = vector.multi_reduction <maximumf>, %reduce_max3A_152, %reduce_max3A_153 [1, 2] : vector<1x512x128xf32> to vector<1xf32>
    %reduce_max3A_155 = vector.shape_cast %reduce_max3A_154 : vector<1xf32> to vector<1x1x1xf32>
    %reduce_max3A_156 = vector.extract %reduce_max3A_155[0, 0, 0] : f32 from vector<1x1x1xf32>
    %convert_element_type3A_157 = arith.fptosi %reduce_max3A_156 : f32 to i32
    %sub3A_158 = arith.constant 2312368 : i32
    %sub3A_159 = arith.subi %sub3A_158, %convert_element_type3A_157 : i32
    %ne3A_160 = arith.cmpi ne, %convert_element_type3A_150, %convert_element_type3A_128 : i32
    %convert_element_type3A_161 = arith.extui %ne3A_160 : i1 to i32
    %le3A_162 = arith.constant 2.587810e+06 : f32
    %le3A_163 = vector.broadcast %le3A_162 : f32 to vector<512x128xf32>
    %le3A_164 = arith.cmpf ole, %add3A_35, %le3A_163 : vector<512x128xf32>
    %convert_element_type3A_165 = arith.extui %le3A_164 : vector<512x128xi1> to vector<512x128xi32>
    %convert_element_type3A_166 = arith.sitofp %convert_element_type3A_165 : vector<512x128xi32> to vector<512x128xf32>
    %reduce_sum3A_167 = vector.shape_cast %convert_element_type3A_166 : vector<512x128xf32> to vector<1x512x128xf32>
    %reduce_sum3A_168 = arith.constant dense<0.000000e+00> : vector<1xf32>
    %reduce_sum3A_169 = vector.multi_reduction <add>, %reduce_sum3A_167, %reduce_sum3A_168 [1, 2] : vector<1x512x128xf32> to vector<1xf32>
    %reduce_sum3A_170 = vector.shape_cast %reduce_sum3A_169 : vector<1xf32> to vector<1x1x1xf32>
    %reduce_sum3A_171 = vector.extract %reduce_sum3A_170[0, 0, 0] : f32 from vector<1x1x1xf32>
    %convert_element_type3A_172 = arith.fptosi %reduce_sum3A_171 : f32 to i32
    %mul3A_173 = arith.mulf %add3A_35, %convert_element_type3A_166 : vector<512x128xf32>
    %reduce_max3A_174 = vector.shape_cast %mul3A_173 : vector<512x128xf32> to vector<1x512x128xf32>
    %reduce_max3A_175 = arith.constant dense<0xFF800000> : vector<1xf32>
    %reduce_max3A_176 = vector.multi_reduction <maximumf>, %reduce_max3A_174, %reduce_max3A_175 [1, 2] : vector<1x512x128xf32> to vector<1xf32>
    %reduce_max3A_177 = vector.shape_cast %reduce_max3A_176 : vector<1xf32> to vector<1x1x1xf32>
    %reduce_max3A_178 = vector.extract %reduce_max3A_177[0, 0, 0] : f32 from vector<1x1x1xf32>
    %convert_element_type3A_179 = arith.fptosi %reduce_max3A_178 : f32 to i32
    %sub3A_180 = arith.constant 2587810 : i32
    %sub3A_181 = arith.subi %sub3A_180, %convert_element_type3A_179 : i32
    %ne3A_182 = arith.cmpi ne, %convert_element_type3A_172, %convert_element_type3A_150 : i32
    %convert_element_type3A_183 = arith.extui %ne3A_182 : i1 to i32
    %le3A_184 = arith.constant 0x4A2D4660 : f32
    %le3A_185 = vector.broadcast %le3A_184 : f32 to vector<512x128xf32>
    %le3A_186 = arith.cmpf ole, %add3A_35, %le3A_185 : vector<512x128xf32>
    %convert_element_type3A_187 = arith.extui %le3A_186 : vector<512x128xi1> to vector<512x128xi32>
    %convert_element_type3A_188 = arith.sitofp %convert_element_type3A_187 : vector<512x128xi32> to vector<512x128xf32>
    %reduce_sum3A_189 = vector.shape_cast %convert_element_type3A_188 : vector<512x128xf32> to vector<1x512x128xf32>
    %reduce_sum3A_190 = arith.constant dense<0.000000e+00> : vector<1xf32>
    %reduce_sum3A_191 = vector.multi_reduction <add>, %reduce_sum3A_189, %reduce_sum3A_190 [1, 2] : vector<1x512x128xf32> to vector<1xf32>
    %reduce_sum3A_192 = vector.shape_cast %reduce_sum3A_191 : vector<1xf32> to vector<1x1x1xf32>
    %reduce_sum3A_193 = vector.extract %reduce_sum3A_192[0, 0, 0] : f32 from vector<1x1x1xf32>
    %convert_element_type3A_194 = arith.fptosi %reduce_sum3A_193 : f32 to i32
    %mul3A_195 = arith.mulf %add3A_35, %convert_element_type3A_188 : vector<512x128xf32>
    %reduce_max3A_196 = vector.shape_cast %mul3A_195 : vector<512x128xf32> to vector<1x512x128xf32>
    %reduce_max3A_197 = arith.constant dense<0xFF800000> : vector<1xf32>
    %reduce_max3A_198 = vector.multi_reduction <maximumf>, %reduce_max3A_196, %reduce_max3A_197 [1, 2] : vector<1x512x128xf32> to vector<1xf32>
    %reduce_max3A_199 = vector.shape_cast %reduce_max3A_198 : vector<1xf32> to vector<1x1x1xf32>
    %reduce_max3A_200 = vector.extract %reduce_max3A_199[0, 0, 0] : f32 from vector<1x1x1xf32>
    %convert_element_type3A_201 = arith.fptosi %reduce_max3A_200 : f32 to i32
    %sub3A_202 = arith.constant 2838936 : i32
    %sub3A_203 = arith.subi %sub3A_202, %convert_element_type3A_201 : i32
    %ne3A_204 = arith.cmpi ne, %convert_element_type3A_194, %convert_element_type3A_172 : i32
    %convert_element_type3A_205 = arith.extui %ne3A_204 : i1 to i32
    %le3A_206 = arith.constant 0x4A3B3FD8 : f32
    %le3A_207 = vector.broadcast %le3A_206 : f32 to vector<512x128xf32>
    %le3A_208 = arith.cmpf ole, %add3A_35, %le3A_207 : vector<512x128xf32>
    %convert_element_type3A_209 = arith.extui %le3A_208 : vector<512x128xi1> to vector<512x128xi32>
    %convert_element_type3A_210 = arith.sitofp %convert_element_type3A_209 : vector<512x128xi32> to vector<512x128xf32>
    %reduce_sum3A_211 = vector.shape_cast %convert_element_type3A_210 : vector<512x128xf32> to vector<1x512x128xf32>
    %reduce_sum3A_212 = arith.constant dense<0.000000e+00> : vector<1xf32>
    %reduce_sum3A_213 = vector.multi_reduction <add>, %reduce_sum3A_211, %reduce_sum3A_212 [1, 2] : vector<1x512x128xf32> to vector<1xf32>
    %reduce_sum3A_214 = vector.shape_cast %reduce_sum3A_213 : vector<1xf32> to vector<1x1x1xf32>
    %reduce_sum3A_215 = vector.extract %reduce_sum3A_214[0, 0, 0] : f32 from vector<1x1x1xf32>
    %convert_element_type3A_216 = arith.fptosi %reduce_sum3A_215 : f32 to i32
    %mul3A_217 = arith.mulf %add3A_35, %convert_element_type3A_210 : vector<512x128xf32>
    %reduce_max3A_218 = vector.shape_cast %mul3A_217 : vector<512x128xf32> to vector<1x512x128xf32>
    %reduce_max3A_219 = arith.constant dense<0xFF800000> : vector<1xf32>
    %reduce_max3A_220 = vector.multi_reduction <maximumf>, %reduce_max3A_218, %reduce_max3A_219 [1, 2] : vector<1x512x128xf32> to vector<1xf32>
    %reduce_max3A_221 = vector.shape_cast %reduce_max3A_220 : vector<1xf32> to vector<1x1x1xf32>
    %reduce_max3A_222 = vector.extract %reduce_max3A_221[0, 0, 0] : f32 from vector<1x1x1xf32>
    %convert_element_type3A_223 = arith.fptosi %reduce_max3A_222 : f32 to i32
    %sub3A_224 = arith.constant 3067894 : i32
    %sub3A_225 = arith.subi %sub3A_224, %convert_element_type3A_223 : i32
    %ne3A_226 = arith.cmpi ne, %convert_element_type3A_216, %convert_element_type3A_194 : i32
    %convert_element_type3A_227 = arith.extui %ne3A_226 : i1 to i32
    %le3A_228 = arith.constant 0x4A47FD7C : f32
    %le3A_229 = vector.broadcast %le3A_228 : f32 to vector<512x128xf32>
    %le3A_230 = arith.cmpf ole, %add3A_35, %le3A_229 : vector<512x128xf32>
    %convert_element_type3A_231 = arith.extui %le3A_230 : vector<512x128xi1> to vector<512x128xi32>
    %convert_element_type3A_232 = arith.sitofp %convert_element_type3A_231 : vector<512x128xi32> to vector<512x128xf32>
    %reduce_sum3A_233 = vector.shape_cast %convert_element_type3A_232 : vector<512x128xf32> to vector<1x512x128xf32>
    %reduce_sum3A_234 = arith.constant dense<0.000000e+00> : vector<1xf32>
    %reduce_sum3A_235 = vector.multi_reduction <add>, %reduce_sum3A_233, %reduce_sum3A_234 [1, 2] : vector<1x512x128xf32> to vector<1xf32>
    %reduce_sum3A_236 = vector.shape_cast %reduce_sum3A_235 : vector<1xf32> to vector<1x1x1xf32>
    %reduce_sum3A_237 = vector.extract %reduce_sum3A_236[0, 0, 0] : f32 from vector<1x1x1xf32>
    %convert_element_type3A_238 = arith.fptosi %reduce_sum3A_237 : f32 to i32
    %mul3A_239 = arith.mulf %add3A_35, %convert_element_type3A_232 : vector<512x128xf32>
    %reduce_max3A_240 = vector.shape_cast %mul3A_239 : vector<512x128xf32> to vector<1x512x128xf32>
    %reduce_max3A_241 = arith.constant dense<0xFF800000> : vector<1xf32>
    %reduce_max3A_242 = vector.multi_reduction <maximumf>, %reduce_max3A_240, %reduce_max3A_241 [1, 2] : vector<1x512x128xf32> to vector<1xf32>
    %reduce_max3A_243 = vector.shape_cast %reduce_max3A_242 : vector<1xf32> to vector<1x1x1xf32>
    %reduce_max3A_244 = vector.extract %reduce_max3A_243[0, 0, 0] : f32 from vector<1x1x1xf32>
    %convert_element_type3A_245 = arith.fptosi %reduce_max3A_244 : f32 to i32
    %sub3A_246 = arith.constant 3276639 : i32
    %sub3A_247 = arith.subi %sub3A_246, %convert_element_type3A_245 : i32
    %ne3A_248 = arith.cmpi ne, %convert_element_type3A_238, %convert_element_type3A_216 : i32
    %convert_element_type3A_249 = arith.extui %ne3A_248 : i1 to i32
    %le3A_250 = arith.constant 0x4A539B38 : f32
    %le3A_251 = vector.broadcast %le3A_250 : f32 to vector<512x128xf32>
    %le3A_252 = arith.cmpf ole, %add3A_35, %le3A_251 : vector<512x128xf32>
    %convert_element_type3A_253 = arith.extui %le3A_252 : vector<512x128xi1> to vector<512x128xi32>
    %convert_element_type3A_254 = arith.sitofp %convert_element_type3A_253 : vector<512x128xi32> to vector<512x128xf32>
    %reduce_sum3A_255 = vector.shape_cast %convert_element_type3A_254 : vector<512x128xf32> to vector<1x512x128xf32>
    %reduce_sum3A_256 = arith.constant dense<0.000000e+00> : vector<1xf32>
    %reduce_sum3A_257 = vector.multi_reduction <add>, %reduce_sum3A_255, %reduce_sum3A_256 [1, 2] : vector<1x512x128xf32> to vector<1xf32>
    %reduce_sum3A_258 = vector.shape_cast %reduce_sum3A_257 : vector<1xf32> to vector<1x1x1xf32>
    %reduce_sum3A_259 = vector.extract %reduce_sum3A_258[0, 0, 0] : f32 from vector<1x1x1xf32>
    %convert_element_type3A_260 = arith.fptosi %reduce_sum3A_259 : f32 to i32
    %mul3A_261 = arith.mulf %add3A_35, %convert_element_type3A_254 : vector<512x128xf32>
    %reduce_max3A_262 = vector.shape_cast %mul3A_261 : vector<512x128xf32> to vector<1x512x128xf32>
    %reduce_max3A_263 = arith.constant dense<0xFF800000> : vector<1xf32>
    %reduce_max3A_264 = vector.multi_reduction <maximumf>, %reduce_max3A_262, %reduce_max3A_263 [1, 2] : vector<1x512x128xf32> to vector<1xf32>
    %reduce_max3A_265 = vector.shape_cast %reduce_max3A_264 : vector<1xf32> to vector<1x1x1xf32>
    %reduce_max3A_266 = vector.extract %reduce_max3A_265[0, 0, 0] : f32 from vector<1x1x1xf32>
    %convert_element_type3A_267 = arith.fptosi %reduce_max3A_266 : f32 to i32
    %sub3A_268 = arith.constant 3466958 : i32
    %sub3A_269 = arith.subi %sub3A_268, %convert_element_type3A_267 : i32
    %ne3A_270 = arith.cmpi ne, %convert_element_type3A_260, %convert_element_type3A_238 : i32
    %convert_element_type3A_271 = arith.extui %ne3A_270 : i1 to i32
    %le3A_272 = arith.constant 0x4A5E326C : f32
    %le3A_273 = vector.broadcast %le3A_272 : f32 to vector<512x128xf32>
    %le3A_274 = arith.cmpf ole, %add3A_35, %le3A_273 : vector<512x128xf32>
    %convert_element_type3A_275 = arith.extui %le3A_274 : vector<512x128xi1> to vector<512x128xi32>
    %convert_element_type3A_276 = arith.sitofp %convert_element_type3A_275 : vector<512x128xi32> to vector<512x128xf32>
    %reduce_sum3A_277 = vector.shape_cast %convert_element_type3A_276 : vector<512x128xf32> to vector<1x512x128xf32>
    %reduce_sum3A_278 = arith.constant dense<0.000000e+00> : vector<1xf32>
    %reduce_sum3A_279 = vector.multi_reduction <add>, %reduce_sum3A_277, %reduce_sum3A_278 [1, 2] : vector<1x512x128xf32> to vector<1xf32>
    %reduce_sum3A_280 = vector.shape_cast %reduce_sum3A_279 : vector<1xf32> to vector<1x1x1xf32>
    %reduce_sum3A_281 = vector.extract %reduce_sum3A_280[0, 0, 0] : f32 from vector<1x1x1xf32>
    %convert_element_type3A_282 = arith.fptosi %reduce_sum3A_281 : f32 to i32
    %mul3A_283 = arith.mulf %add3A_35, %convert_element_type3A_276 : vector<512x128xf32>
    %reduce_max3A_284 = vector.shape_cast %mul3A_283 : vector<512x128xf32> to vector<1x512x128xf32>
    %reduce_max3A_285 = arith.constant dense<0xFF800000> : vector<1xf32>
    %reduce_max3A_286 = vector.multi_reduction <maximumf>, %reduce_max3A_284, %reduce_max3A_285 [1, 2] : vector<1x512x128xf32> to vector<1xf32>
    %reduce_max3A_287 = vector.shape_cast %reduce_max3A_286 : vector<1xf32> to vector<1x1x1xf32>
    %reduce_max3A_288 = vector.extract %reduce_max3A_287[0, 0, 0] : f32 from vector<1x1x1xf32>
    %convert_element_type3A_289 = arith.fptosi %reduce_max3A_288 : f32 to i32
    %sub3A_290 = arith.constant 3640475 : i32
    %sub3A_291 = arith.subi %sub3A_290, %convert_element_type3A_289 : i32
    %ne3A_292 = arith.cmpi ne, %convert_element_type3A_282, %convert_element_type3A_260 : i32
    %convert_element_type3A_293 = arith.extui %ne3A_292 : i1 to i32
    %le3A_294 = arith.constant 0x4A67DA4C : f32
    %le3A_295 = vector.broadcast %le3A_294 : f32 to vector<512x128xf32>
    %le3A_296 = arith.cmpf ole, %add3A_35, %le3A_295 : vector<512x128xf32>
    %convert_element_type3A_297 = arith.extui %le3A_296 : vector<512x128xi1> to vector<512x128xi32>
    %convert_element_type3A_298 = arith.sitofp %convert_element_type3A_297 : vector<512x128xi32> to vector<512x128xf32>
    %reduce_sum3A_299 = vector.shape_cast %convert_element_type3A_298 : vector<512x128xf32> to vector<1x512x128xf32>
    %reduce_sum3A_300 = arith.constant dense<0.000000e+00> : vector<1xf32>
    %reduce_sum3A_301 = vector.multi_reduction <add>, %reduce_sum3A_299, %reduce_sum3A_300 [1, 2] : vector<1x512x128xf32> to vector<1xf32>
    %reduce_sum3A_302 = vector.shape_cast %reduce_sum3A_301 : vector<1xf32> to vector<1x1x1xf32>
    %reduce_sum3A_303 = vector.extract %reduce_sum3A_302[0, 0, 0] : f32 from vector<1x1x1xf32>
    %convert_element_type3A_304 = arith.fptosi %reduce_sum3A_303 : f32 to i32
    %mul3A_305 = arith.mulf %add3A_35, %convert_element_type3A_298 : vector<512x128xf32>
    %reduce_max3A_306 = vector.shape_cast %mul3A_305 : vector<512x128xf32> to vector<1x512x128xf32>
    %reduce_max3A_307 = arith.constant dense<0xFF800000> : vector<1xf32>
    %reduce_max3A_308 = vector.multi_reduction <maximumf>, %reduce_max3A_306, %reduce_max3A_307 [1, 2] : vector<1x512x128xf32> to vector<1xf32>
    %reduce_max3A_309 = vector.shape_cast %reduce_max3A_308 : vector<1xf32> to vector<1x1x1xf32>
    %reduce_max3A_310 = vector.extract %reduce_max3A_309[0, 0, 0] : f32 from vector<1x1x1xf32>
    %convert_element_type3A_311 = arith.fptosi %reduce_max3A_310 : f32 to i32
    %sub3A_312 = arith.constant 3798675 : i32
    %sub3A_313 = arith.subi %sub3A_312, %convert_element_type3A_311 : i32
    %ne3A_314 = arith.cmpi ne, %convert_element_type3A_304, %convert_element_type3A_282 : i32
    %convert_element_type3A_315 = arith.extui %ne3A_314 : i1 to i32
    %le3A_316 = arith.constant 0x4A70A7F4 : f32
    %le3A_317 = vector.broadcast %le3A_316 : f32 to vector<512x128xf32>
    %le3A_318 = arith.cmpf ole, %add3A_35, %le3A_317 : vector<512x128xf32>
    %convert_element_type3A_319 = arith.extui %le3A_318 : vector<512x128xi1> to vector<512x128xi32>
    %convert_element_type3A_320 = arith.sitofp %convert_element_type3A_319 : vector<512x128xi32> to vector<512x128xf32>
    %reduce_sum3A_321 = vector.shape_cast %convert_element_type3A_320 : vector<512x128xf32> to vector<1x512x128xf32>
    %reduce_sum3A_322 = arith.constant dense<0.000000e+00> : vector<1xf32>
    %reduce_sum3A_323 = vector.multi_reduction <add>, %reduce_sum3A_321, %reduce_sum3A_322 [1, 2] : vector<1x512x128xf32> to vector<1xf32>
    %reduce_sum3A_324 = vector.shape_cast %reduce_sum3A_323 : vector<1xf32> to vector<1x1x1xf32>
    %reduce_sum3A_325 = vector.extract %reduce_sum3A_324[0, 0, 0] : f32 from vector<1x1x1xf32>
    %convert_element_type3A_326 = arith.fptosi %reduce_sum3A_325 : f32 to i32
    %mul3A_327 = arith.mulf %add3A_35, %convert_element_type3A_320 : vector<512x128xf32>
    %reduce_max3A_328 = vector.shape_cast %mul3A_327 : vector<512x128xf32> to vector<1x512x128xf32>
    %reduce_max3A_329 = arith.constant dense<0xFF800000> : vector<1xf32>
    %reduce_max3A_330 = vector.multi_reduction <maximumf>, %reduce_max3A_328, %reduce_max3A_329 [1, 2] : vector<1x512x128xf32> to vector<1xf32>
    %reduce_max3A_331 = vector.shape_cast %reduce_max3A_330 : vector<1xf32> to vector<1x1x1xf32>
    %reduce_max3A_332 = vector.extract %reduce_max3A_331[0, 0, 0] : f32 from vector<1x1x1xf32>
    %convert_element_type3A_333 = arith.fptosi %reduce_max3A_332 : f32 to i32
    %sub3A_334 = arith.constant 3942909 : i32
    %sub3A_335 = arith.subi %sub3A_334, %convert_element_type3A_333 : i32
    %ne3A_336 = arith.cmpi ne, %convert_element_type3A_326, %convert_element_type3A_304 : i32
    %convert_element_type3A_337 = arith.extui %ne3A_336 : i1 to i32
    %le3A_338 = arith.constant 0x4A78AEAC : f32
    %le3A_339 = vector.broadcast %le3A_338 : f32 to vector<512x128xf32>
    %le3A_340 = arith.cmpf ole, %add3A_35, %le3A_339 : vector<512x128xf32>
    %convert_element_type3A_341 = arith.extui %le3A_340 : vector<512x128xi1> to vector<512x128xi32>
    %convert_element_type3A_342 = arith.sitofp %convert_element_type3A_341 : vector<512x128xi32> to vector<512x128xf32>
    %reduce_sum3A_343 = vector.shape_cast %convert_element_type3A_342 : vector<512x128xf32> to vector<1x512x128xf32>
    %reduce_sum3A_344 = arith.constant dense<0.000000e+00> : vector<1xf32>
    %reduce_sum3A_345 = vector.multi_reduction <add>, %reduce_sum3A_343, %reduce_sum3A_344 [1, 2] : vector<1x512x128xf32> to vector<1xf32>
    %reduce_sum3A_346 = vector.shape_cast %reduce_sum3A_345 : vector<1xf32> to vector<1x1x1xf32>
    %reduce_sum3A_347 = vector.extract %reduce_sum3A_346[0, 0, 0] : f32 from vector<1x1x1xf32>
    %convert_element_type3A_348 = arith.fptosi %reduce_sum3A_347 : f32 to i32
    %mul3A_349 = arith.mulf %add3A_35, %convert_element_type3A_342 : vector<512x128xf32>
    %reduce_max3A_350 = vector.shape_cast %mul3A_349 : vector<512x128xf32> to vector<1x512x128xf32>
    %reduce_max3A_351 = arith.constant dense<0xFF800000> : vector<1xf32>
    %reduce_max3A_352 = vector.multi_reduction <maximumf>, %reduce_max3A_350, %reduce_max3A_351 [1, 2] : vector<1x512x128xf32> to vector<1xf32>
    %reduce_max3A_353 = vector.shape_cast %reduce_max3A_352 : vector<1xf32> to vector<1x1x1xf32>
    %reduce_max3A_354 = vector.extract %reduce_max3A_353[0, 0, 0] : f32 from vector<1x1x1xf32>
    %convert_element_type3A_355 = arith.fptosi %reduce_max3A_354 : f32 to i32
    %sub3A_356 = arith.constant 4074411 : i32
    %sub3A_357 = arith.subi %sub3A_356, %convert_element_type3A_355 : i32
    %ne3A_358 = arith.cmpi ne, %convert_element_type3A_348, %convert_element_type3A_326 : i32
    %convert_element_type3A_359 = arith.extui %ne3A_358 : i1 to i32
    %add3A_360 = arith.constant 0 : i32
    %add3A_361 = arith.constant 1 : i32
    %add3A_362 = arith.addi %add3A_360, %add3A_361 : i32
    %add3A_363 = arith.addi %add3A_362, %convert_element_type3A_73 : i32
    %add3A_364 = arith.addi %add3A_363, %convert_element_type3A_95 : i32
    %add3A_365 = arith.addi %add3A_364, %convert_element_type3A_117 : i32
    %add3A_366 = arith.addi %add3A_365, %convert_element_type3A_139 : i32
    %add3A_367 = arith.addi %add3A_366, %convert_element_type3A_161 : i32
    %add3A_368 = arith.addi %add3A_367, %convert_element_type3A_183 : i32
    %add3A_369 = arith.addi %add3A_368, %convert_element_type3A_205 : i32
    %add3A_370 = arith.addi %add3A_369, %convert_element_type3A_227 : i32
    %add3A_371 = arith.addi %add3A_370, %convert_element_type3A_249 : i32
    %add3A_372 = arith.addi %add3A_371, %convert_element_type3A_271 : i32
    %add3A_373 = arith.addi %add3A_372, %convert_element_type3A_293 : i32
    %add3A_374 = arith.addi %add3A_373, %convert_element_type3A_315 : i32
    %add3A_375 = arith.addi %add3A_374, %convert_element_type3A_337 : i32
    %add3A_376 = arith.addi %add3A_375, %convert_element_type3A_359 : i32
    %iota3A_377 = tpu.iota {dimensions = array<i32: 0>} : vector<512x128xi32>
    %iota3A_378 = tpu.iota {dimensions = array<i32: 1>} : vector<512x128xi32>
    %mul3A_379 = arith.constant 128 : i32
    %mul3A_380 = vector.broadcast %mul3A_379 : i32 to vector<512x128xi32>
    %mul3A_381 = arith.muli %iota3A_377, %mul3A_380 : vector<512x128xi32>
    %add3A_382 = arith.addi %mul3A_381, %iota3A_378 : vector<512x128xi32>
    %broadcast_in_dim3A = arith.constant false
    %broadcast_in_dim3A_383 = vector.broadcast %broadcast_in_dim3A : i1 to vector<512x128xi1>
    %broadcast_in_dim3A_384 = arith.constant 0 : i32
    %broadcast_in_dim3A_385 = vector.broadcast %broadcast_in_dim3A_384 : i32 to vector<512x128xi32>
    %eq3A_386 = vector.broadcast %convert_element_type3A_46 : i32 to vector<512x128xi32>
    %eq3A_387 = arith.cmpi eq, %add3A_382, %eq3A_386 : vector<512x128xi32>
    %or3A = arith.ori %broadcast_in_dim3A_383, %eq3A_387 : vector<512x128xi1>
    %ge3A = vector.broadcast %convert_element_type3A_46 : i32 to vector<512x128xi32>
    %ge3A_388 = arith.cmpi sge, %add3A_382, %ge3A : vector<512x128xi32>
    %convert_element_type3A_389 = arith.extui %ge3A_388 : vector<512x128xi1> to vector<512x128xi32>
    %mul3A_390 = arith.constant 1 : i32
    %mul3A_391 = vector.broadcast %mul3A_390 : i32 to vector<512x128xi32>
    %mul3A_392 = arith.muli %mul3A_391, %convert_element_type3A_389 : vector<512x128xi32>
    %add3A_393 = arith.addi %broadcast_in_dim3A_385, %mul3A_392 : vector<512x128xi32>
    %eq3A_394 = vector.broadcast %convert_element_type3A_63 : i32 to vector<512x128xi32>
    %eq3A_395 = arith.cmpi eq, %add3A_382, %eq3A_394 : vector<512x128xi32>
    %or3A_396 = arith.ori %or3A, %eq3A_395 : vector<512x128xi1>
    %ge3A_397 = vector.broadcast %convert_element_type3A_63 : i32 to vector<512x128xi32>
    %ge3A_398 = arith.cmpi sge, %add3A_382, %ge3A_397 : vector<512x128xi32>
    %convert_element_type3A_399 = arith.extui %ge3A_398 : vector<512x128xi1> to vector<512x128xi32>
    %mul3A_400 = vector.broadcast %convert_element_type3A_73 : i32 to vector<512x128xi32>
    %mul3A_401 = arith.muli %mul3A_400, %convert_element_type3A_399 : vector<512x128xi32>
    %add3A_402 = arith.addi %add3A_393, %mul3A_401 : vector<512x128xi32>
    %eq3A_403 = vector.broadcast %convert_element_type3A_84 : i32 to vector<512x128xi32>
    %eq3A_404 = arith.cmpi eq, %add3A_382, %eq3A_403 : vector<512x128xi32>
    %or3A_405 = arith.ori %or3A_396, %eq3A_404 : vector<512x128xi1>
    %ge3A_406 = vector.broadcast %convert_element_type3A_84 : i32 to vector<512x128xi32>
    %ge3A_407 = arith.cmpi sge, %add3A_382, %ge3A_406 : vector<512x128xi32>
    %convert_element_type3A_408 = arith.extui %ge3A_407 : vector<512x128xi1> to vector<512x128xi32>
    %mul3A_409 = vector.broadcast %convert_element_type3A_95 : i32 to vector<512x128xi32>
    %mul3A_410 = arith.muli %mul3A_409, %convert_element_type3A_408 : vector<512x128xi32>
    %add3A_411 = arith.addi %add3A_402, %mul3A_410 : vector<512x128xi32>
    %eq3A_412 = vector.broadcast %convert_element_type3A_106 : i32 to vector<512x128xi32>
    %eq3A_413 = arith.cmpi eq, %add3A_382, %eq3A_412 : vector<512x128xi32>
    %or3A_414 = arith.ori %or3A_405, %eq3A_413 : vector<512x128xi1>
    %ge3A_415 = vector.broadcast %convert_element_type3A_106 : i32 to vector<512x128xi32>
    %ge3A_416 = arith.cmpi sge, %add3A_382, %ge3A_415 : vector<512x128xi32>
    %convert_element_type3A_417 = arith.extui %ge3A_416 : vector<512x128xi1> to vector<512x128xi32>
    %mul3A_418 = vector.broadcast %convert_element_type3A_117 : i32 to vector<512x128xi32>
    %mul3A_419 = arith.muli %mul3A_418, %convert_element_type3A_417 : vector<512x128xi32>
    %add3A_420 = arith.addi %add3A_411, %mul3A_419 : vector<512x128xi32>
    %eq3A_421 = vector.broadcast %convert_element_type3A_128 : i32 to vector<512x128xi32>
    %eq3A_422 = arith.cmpi eq, %add3A_382, %eq3A_421 : vector<512x128xi32>
    %or3A_423 = arith.ori %or3A_414, %eq3A_422 : vector<512x128xi1>
    %ge3A_424 = vector.broadcast %convert_element_type3A_128 : i32 to vector<512x128xi32>
    %ge3A_425 = arith.cmpi sge, %add3A_382, %ge3A_424 : vector<512x128xi32>
    %convert_element_type3A_426 = arith.extui %ge3A_425 : vector<512x128xi1> to vector<512x128xi32>
    %mul3A_427 = vector.broadcast %convert_element_type3A_139 : i32 to vector<512x128xi32>
    %mul3A_428 = arith.muli %mul3A_427, %convert_element_type3A_426 : vector<512x128xi32>
    %add3A_429 = arith.addi %add3A_420, %mul3A_428 : vector<512x128xi32>
    %eq3A_430 = vector.broadcast %convert_element_type3A_150 : i32 to vector<512x128xi32>
    %eq3A_431 = arith.cmpi eq, %add3A_382, %eq3A_430 : vector<512x128xi32>
    %or3A_432 = arith.ori %or3A_423, %eq3A_431 : vector<512x128xi1>
    %ge3A_433 = vector.broadcast %convert_element_type3A_150 : i32 to vector<512x128xi32>
    %ge3A_434 = arith.cmpi sge, %add3A_382, %ge3A_433 : vector<512x128xi32>
    %convert_element_type3A_435 = arith.extui %ge3A_434 : vector<512x128xi1> to vector<512x128xi32>
    %mul3A_436 = vector.broadcast %convert_element_type3A_161 : i32 to vector<512x128xi32>
    %mul3A_437 = arith.muli %mul3A_436, %convert_element_type3A_435 : vector<512x128xi32>
    %add3A_438 = arith.addi %add3A_429, %mul3A_437 : vector<512x128xi32>
    %eq3A_439 = vector.broadcast %convert_element_type3A_172 : i32 to vector<512x128xi32>
    %eq3A_440 = arith.cmpi eq, %add3A_382, %eq3A_439 : vector<512x128xi32>
    %or3A_441 = arith.ori %or3A_432, %eq3A_440 : vector<512x128xi1>
    %ge3A_442 = vector.broadcast %convert_element_type3A_172 : i32 to vector<512x128xi32>
    %ge3A_443 = arith.cmpi sge, %add3A_382, %ge3A_442 : vector<512x128xi32>
    %convert_element_type3A_444 = arith.extui %ge3A_443 : vector<512x128xi1> to vector<512x128xi32>
    %mul3A_445 = vector.broadcast %convert_element_type3A_183 : i32 to vector<512x128xi32>
    %mul3A_446 = arith.muli %mul3A_445, %convert_element_type3A_444 : vector<512x128xi32>
    %add3A_447 = arith.addi %add3A_438, %mul3A_446 : vector<512x128xi32>
    %eq3A_448 = vector.broadcast %convert_element_type3A_194 : i32 to vector<512x128xi32>
    %eq3A_449 = arith.cmpi eq, %add3A_382, %eq3A_448 : vector<512x128xi32>
    %or3A_450 = arith.ori %or3A_441, %eq3A_449 : vector<512x128xi1>
    %ge3A_451 = vector.broadcast %convert_element_type3A_194 : i32 to vector<512x128xi32>
    %ge3A_452 = arith.cmpi sge, %add3A_382, %ge3A_451 : vector<512x128xi32>
    %convert_element_type3A_453 = arith.extui %ge3A_452 : vector<512x128xi1> to vector<512x128xi32>
    %mul3A_454 = vector.broadcast %convert_element_type3A_205 : i32 to vector<512x128xi32>
    %mul3A_455 = arith.muli %mul3A_454, %convert_element_type3A_453 : vector<512x128xi32>
    %add3A_456 = arith.addi %add3A_447, %mul3A_455 : vector<512x128xi32>
    %eq3A_457 = vector.broadcast %convert_element_type3A_216 : i32 to vector<512x128xi32>
    %eq3A_458 = arith.cmpi eq, %add3A_382, %eq3A_457 : vector<512x128xi32>
    %or3A_459 = arith.ori %or3A_450, %eq3A_458 : vector<512x128xi1>
    %ge3A_460 = vector.broadcast %convert_element_type3A_216 : i32 to vector<512x128xi32>
    %ge3A_461 = arith.cmpi sge, %add3A_382, %ge3A_460 : vector<512x128xi32>
    %convert_element_type3A_462 = arith.extui %ge3A_461 : vector<512x128xi1> to vector<512x128xi32>
    %mul3A_463 = vector.broadcast %convert_element_type3A_227 : i32 to vector<512x128xi32>
    %mul3A_464 = arith.muli %mul3A_463, %convert_element_type3A_462 : vector<512x128xi32>
    %add3A_465 = arith.addi %add3A_456, %mul3A_464 : vector<512x128xi32>
    %eq3A_466 = vector.broadcast %convert_element_type3A_238 : i32 to vector<512x128xi32>
    %eq3A_467 = arith.cmpi eq, %add3A_382, %eq3A_466 : vector<512x128xi32>
    %or3A_468 = arith.ori %or3A_459, %eq3A_467 : vector<512x128xi1>
    %ge3A_469 = vector.broadcast %convert_element_type3A_238 : i32 to vector<512x128xi32>
    %ge3A_470 = arith.cmpi sge, %add3A_382, %ge3A_469 : vector<512x128xi32>
    %convert_element_type3A_471 = arith.extui %ge3A_470 : vector<512x128xi1> to vector<512x128xi32>
    %mul3A_472 = vector.broadcast %convert_element_type3A_249 : i32 to vector<512x128xi32>
    %mul3A_473 = arith.muli %mul3A_472, %convert_element_type3A_471 : vector<512x128xi32>
    %add3A_474 = arith.addi %add3A_465, %mul3A_473 : vector<512x128xi32>
    %eq3A_475 = vector.broadcast %convert_element_type3A_260 : i32 to vector<512x128xi32>
    %eq3A_476 = arith.cmpi eq, %add3A_382, %eq3A_475 : vector<512x128xi32>
    %or3A_477 = arith.ori %or3A_468, %eq3A_476 : vector<512x128xi1>
    %ge3A_478 = vector.broadcast %convert_element_type3A_260 : i32 to vector<512x128xi32>
    %ge3A_479 = arith.cmpi sge, %add3A_382, %ge3A_478 : vector<512x128xi32>
    %convert_element_type3A_480 = arith.extui %ge3A_479 : vector<512x128xi1> to vector<512x128xi32>
    %mul3A_481 = vector.broadcast %convert_element_type3A_271 : i32 to vector<512x128xi32>
    %mul3A_482 = arith.muli %mul3A_481, %convert_element_type3A_480 : vector<512x128xi32>
    %add3A_483 = arith.addi %add3A_474, %mul3A_482 : vector<512x128xi32>
    %eq3A_484 = vector.broadcast %convert_element_type3A_282 : i32 to vector<512x128xi32>
    %eq3A_485 = arith.cmpi eq, %add3A_382, %eq3A_484 : vector<512x128xi32>
    %or3A_486 = arith.ori %or3A_477, %eq3A_485 : vector<512x128xi1>
    %ge3A_487 = vector.broadcast %convert_element_type3A_282 : i32 to vector<512x128xi32>
    %ge3A_488 = arith.cmpi sge, %add3A_382, %ge3A_487 : vector<512x128xi32>
    %convert_element_type3A_489 = arith.extui %ge3A_488 : vector<512x128xi1> to vector<512x128xi32>
    %mul3A_490 = vector.broadcast %convert_element_type3A_293 : i32 to vector<512x128xi32>
    %mul3A_491 = arith.muli %mul3A_490, %convert_element_type3A_489 : vector<512x128xi32>
    %add3A_492 = arith.addi %add3A_483, %mul3A_491 : vector<512x128xi32>
    %eq3A_493 = vector.broadcast %convert_element_type3A_304 : i32 to vector<512x128xi32>
    %eq3A_494 = arith.cmpi eq, %add3A_382, %eq3A_493 : vector<512x128xi32>
    %or3A_495 = arith.ori %or3A_486, %eq3A_494 : vector<512x128xi1>
    %ge3A_496 = vector.broadcast %convert_element_type3A_304 : i32 to vector<512x128xi32>
    %ge3A_497 = arith.cmpi sge, %add3A_382, %ge3A_496 : vector<512x128xi32>
    %convert_element_type3A_498 = arith.extui %ge3A_497 : vector<512x128xi1> to vector<512x128xi32>
    %mul3A_499 = vector.broadcast %convert_element_type3A_315 : i32 to vector<512x128xi32>
    %mul3A_500 = arith.muli %mul3A_499, %convert_element_type3A_498 : vector<512x128xi32>
    %add3A_501 = arith.addi %add3A_492, %mul3A_500 : vector<512x128xi32>
    %eq3A_502 = vector.broadcast %convert_element_type3A_326 : i32 to vector<512x128xi32>
    %eq3A_503 = arith.cmpi eq, %add3A_382, %eq3A_502 : vector<512x128xi32>
    %or3A_504 = arith.ori %or3A_495, %eq3A_503 : vector<512x128xi1>
    %ge3A_505 = vector.broadcast %convert_element_type3A_326 : i32 to vector<512x128xi32>
    %ge3A_506 = arith.cmpi sge, %add3A_382, %ge3A_505 : vector<512x128xi32>
    %convert_element_type3A_507 = arith.extui %ge3A_506 : vector<512x128xi1> to vector<512x128xi32>
    %mul3A_508 = vector.broadcast %convert_element_type3A_337 : i32 to vector<512x128xi32>
    %mul3A_509 = arith.muli %mul3A_508, %convert_element_type3A_507 : vector<512x128xi32>
    %add3A_510 = arith.addi %add3A_501, %mul3A_509 : vector<512x128xi32>
    %eq3A_511 = vector.broadcast %convert_element_type3A_348 : i32 to vector<512x128xi32>
    %eq3A_512 = arith.cmpi eq, %add3A_382, %eq3A_511 : vector<512x128xi32>
    %or3A_513 = arith.ori %or3A_504, %eq3A_512 : vector<512x128xi1>
    %ge3A_514 = vector.broadcast %convert_element_type3A_348 : i32 to vector<512x128xi32>
    %ge3A_515 = arith.cmpi sge, %add3A_382, %ge3A_514 : vector<512x128xi32>
    %convert_element_type3A_516 = arith.extui %ge3A_515 : vector<512x128xi1> to vector<512x128xi32>
    %mul3A_517 = vector.broadcast %convert_element_type3A_359 : i32 to vector<512x128xi32>
    %mul3A_518 = arith.muli %mul3A_517, %convert_element_type3A_516 : vector<512x128xi32>
    %add3A_519 = arith.addi %add3A_510, %mul3A_518 : vector<512x128xi32>
    %mul3A_520 = arith.constant 65536 : i32
    %mul3A_521 = vector.broadcast %mul3A_520 : i32 to vector<512x128xi32>
    %mul3A_522 = arith.muli %add3A_519, %mul3A_521 : vector<512x128xi32>
    %jit3A = arith.constant 0 : i32
    %broadcast_in_dim3A_523 = vector.broadcast %jit3A : i32 to vector<512x128xi32>
    %select_n3A = arith.select %or3A_513, %mul3A_522, %broadcast_in_dim3A_523 : vector<512x128xi1>, vector<512x128xi32>
    %iota3A_524 = tpu.iota {dimensions = array<i32: 0>} : vector<256x256xi32>
    %iota3A_525 = tpu.iota {dimensions = array<i32: 1>} : vector<256x256xi32>
    %add3A_526 = arith.addi %iota3A_524, %iota3A_525 : vector<256x256xi32>
    %eq3A_527 = arith.constant 255 : i32
    %eq3A_528 = vector.broadcast %eq3A_527 : i32 to vector<256x256xi32>
    %eq3A_529 = arith.cmpi eq, %add3A_526, %eq3A_528 : vector<256x256xi32>
    %convert_element_type3A_530 = arith.extui %eq3A_529 : vector<256x256xi1> to vector<256x256xi32>
    %convert_element_type3A_531 = arith.sitofp %convert_element_type3A_530 : vector<256x256xi32> to vector<256x256xf32>
    %slice3A_532 = vector.extract_strided_slice %select_n3A {offsets = [0, 0], sizes = [256, 128], strides = [1, 1]} : vector<512x128xi32> to vector<256x128xi32>
    %convert_element_type3A_533 = arith.sitofp %slice3A_532 : vector<256x128xi32> to vector<256x128xf32>
    %dot_general3A_534 = arith.constant dense<0.000000e+00> : vector<256x128xf32>
    %dot_general3A_535 = tpu.matmul %convert_element_type3A_531, %convert_element_type3A_533, %dot_general3A_534 {dimension_numbers = #tpu.dot_dimension_numbers<[1], [0], [0], [1], [0, 0, 1, 1], [], []>, precision = #tpu.contract_precision<fp32>, transpose_lhs_hint = false} : vector<256x256xf32>, vector<256x128xf32>, vector<256x128xf32> -> vector<256x128xf32>
    %iota3A_536 = tpu.iota {dimensions = array<i32: 0>} : vector<128x128xi32>
    %iota3A_537 = tpu.iota {dimensions = array<i32: 1>} : vector<128x128xi32>
    %add3A_538 = arith.addi %iota3A_536, %iota3A_537 : vector<128x128xi32>
    %eq3A_539 = arith.constant 127 : i32
    %eq3A_540 = vector.broadcast %eq3A_539 : i32 to vector<128x128xi32>
    %eq3A_541 = arith.cmpi eq, %add3A_538, %eq3A_540 : vector<128x128xi32>
    %convert_element_type3A_542 = arith.extui %eq3A_541 : vector<128x128xi1> to vector<128x128xi32>
    %convert_element_type3A_543 = arith.sitofp %convert_element_type3A_542 : vector<128x128xi32> to vector<128x128xf32>
    %dot_general3A_544 = arith.constant dense<0.000000e+00> : vector<256x128xf32>
    %dot_general3A_545 = tpu.matmul %dot_general3A_535, %convert_element_type3A_543, %dot_general3A_544 {dimension_numbers = #tpu.dot_dimension_numbers<[1], [0], [0], [1], [0, 0, 1, 1], [], []>, precision = #tpu.contract_precision<fp32>, transpose_lhs_hint = false} : vector<256x128xf32>, vector<128x128xf32>, vector<256x128xf32> -> vector<256x128xf32>
    %convert_element_type3A_546 = arith.fptosi %dot_general3A_545 : vector<256x128xf32> to vector<256x128xi32>
    %slice3A_547 = vector.extract_strided_slice %select_n3A {offsets = [256, 0], sizes = [256, 128], strides = [1, 1]} : vector<512x128xi32> to vector<256x128xi32>
    %concatenate3A_548 = tpu.concatenate %slice3A_547, %convert_element_type3A_546 in 0 : vector<256x128xi32>, vector<256x128xi32> -> vector<512x128xi32>
    %swap3A = arith.constant 0 : index
    %swap3A_549 = arith.constant 0 : index
    %swap3A_550 = vector.load %arg1[%swap3A, %swap3A_549] : memref<512x128xi32, #tpu.memory_space<vmem>>, vector<512x128xi32>
    tpu.vector_store %arg1[%swap3A, %swap3A_549], %concatenate3A_548 {strides = array<i32>} : memref<512x128xi32, #tpu.memory_space<vmem>>, vector<512x128xi32>,
    %iota3A_551 = tpu.iota {dimensions = array<i32: 0>} : vector<8x128xi32>
    %iota3A_552 = tpu.iota {dimensions = array<i32: 1>} : vector<8x128xi32>
    %broadcast_in_dim3A_553 = arith.constant 0 : i32
    %broadcast_in_dim3A_554 = vector.broadcast %broadcast_in_dim3A_553 : i32 to vector<8x128xi32>
    %eq3A_555 = arith.constant 0 : i32
    %eq3A_556 = vector.broadcast %eq3A_555 : i32 to vector<8x128xi32>
    %eq3A_557 = arith.cmpi eq, %iota3A_552, %eq3A_556 : vector<8x128xi32>
    %eq3A_558 = arith.constant 0 : i32
    %eq3A_559 = vector.broadcast %eq3A_558 : i32 to vector<8x128xi32>
    %eq3A_560 = arith.cmpi eq, %iota3A_551, %eq3A_559 : vector<8x128xi32>
    %and3A = arith.andi %eq3A_560, %eq3A_557 : vector<8x128xi1>
    %jit3A_561 = arith.constant 0 : i32
    %broadcast_in_dim3A_562 = vector.broadcast %sub3A_52 : i32 to vector<8x128xi32>
    %broadcast_in_dim3A_563 = vector.broadcast %jit3A_561 : i32 to vector<8x128xi32>
    %select_n3A_564 = arith.select %and3A, %broadcast_in_dim3A_562, %broadcast_in_dim3A_563 : vector<8x128xi1>, vector<8x128xi32>
    %add3A_565 = arith.addi %broadcast_in_dim3A_554, %select_n3A_564 : vector<8x128xi32>
    %eq3A_566 = arith.constant 1 : i32
    %eq3A_567 = vector.broadcast %eq3A_566 : i32 to vector<8x128xi32>
    %eq3A_568 = arith.cmpi eq, %iota3A_551, %eq3A_567 : vector<8x128xi32>
    %and3A_569 = arith.andi %eq3A_568, %eq3A_557 : vector<8x128xi1>
    %jit3A_570 = arith.constant 0 : i32
    %broadcast_in_dim3A_571 = vector.broadcast %add3A_362 : i32 to vector<8x128xi32>
    %broadcast_in_dim3A_572 = vector.broadcast %jit3A_570 : i32 to vector<8x128xi32>
    %select_n3A_573 = arith.select %and3A_569, %broadcast_in_dim3A_571, %broadcast_in_dim3A_572 : vector<8x128xi1>, vector<8x128xi32>
    %add3A_574 = arith.addi %add3A_565, %select_n3A_573 : vector<8x128xi32>
    %eq3A_575 = arith.constant 2 : i32
    %eq3A_576 = vector.broadcast %eq3A_575 : i32 to vector<8x128xi32>
    %eq3A_577 = arith.cmpi eq, %iota3A_551, %eq3A_576 : vector<8x128xi32>
    %and3A_578 = arith.andi %eq3A_577, %eq3A_557 : vector<8x128xi1>
    %jit3A_579 = arith.constant 0 : i32
    %broadcast_in_dim3A_580 = vector.broadcast %convert_element_type3A_46 : i32 to vector<8x128xi32>
    %broadcast_in_dim3A_581 = vector.broadcast %jit3A_579 : i32 to vector<8x128xi32>
    %select_n3A_582 = arith.select %and3A_578, %broadcast_in_dim3A_580, %broadcast_in_dim3A_581 : vector<8x128xi1>, vector<8x128xi32>
    %add3A_583 = arith.addi %add3A_574, %select_n3A_582 : vector<8x128xi32>
    %eq3A_584 = arith.constant 1 : i32
    %eq3A_585 = vector.broadcast %eq3A_584 : i32 to vector<8x128xi32>
    %eq3A_586 = arith.cmpi eq, %iota3A_552, %eq3A_585 : vector<8x128xi32>
    %eq3A_587 = arith.constant 0 : i32
    %eq3A_588 = vector.broadcast %eq3A_587 : i32 to vector<8x128xi32>
    %eq3A_589 = arith.cmpi eq, %iota3A_551, %eq3A_588 : vector<8x128xi32>
    %and3A_590 = arith.andi %eq3A_589, %eq3A_586 : vector<8x128xi1>
    %jit3A_591 = arith.constant 0 : i32
    %broadcast_in_dim3A_592 = vector.broadcast %sub3A_72 : i32 to vector<8x128xi32>
    %broadcast_in_dim3A_593 = vector.broadcast %jit3A_591 : i32 to vector<8x128xi32>
    %select_n3A_594 = arith.select %and3A_590, %broadcast_in_dim3A_592, %broadcast_in_dim3A_593 : vector<8x128xi1>, vector<8x128xi32>
    %add3A_595 = arith.addi %add3A_583, %select_n3A_594 : vector<8x128xi32>
    %eq3A_596 = arith.constant 1 : i32
    %eq3A_597 = vector.broadcast %eq3A_596 : i32 to vector<8x128xi32>
    %eq3A_598 = arith.cmpi eq, %iota3A_551, %eq3A_597 : vector<8x128xi32>
    %and3A_599 = arith.andi %eq3A_598, %eq3A_586 : vector<8x128xi1>
    %jit3A_600 = arith.constant 0 : i32
    %broadcast_in_dim3A_601 = vector.broadcast %add3A_363 : i32 to vector<8x128xi32>
    %broadcast_in_dim3A_602 = vector.broadcast %jit3A_600 : i32 to vector<8x128xi32>
    %select_n3A_603 = arith.select %and3A_599, %broadcast_in_dim3A_601, %broadcast_in_dim3A_602 : vector<8x128xi1>, vector<8x128xi32>
    %add3A_604 = arith.addi %add3A_595, %select_n3A_603 : vector<8x128xi32>
    %eq3A_605 = arith.constant 2 : i32
    %eq3A_606 = vector.broadcast %eq3A_605 : i32 to vector<8x128xi32>
    %eq3A_607 = arith.cmpi eq, %iota3A_551, %eq3A_606 : vector<8x128xi32>
    %and3A_608 = arith.andi %eq3A_607, %eq3A_586 : vector<8x128xi1>
    %jit3A_609 = arith.constant 0 : i32
    %broadcast_in_dim3A_610 = vector.broadcast %convert_element_type3A_63 : i32 to vector<8x128xi32>
    %broadcast_in_dim3A_611 = vector.broadcast %jit3A_609 : i32 to vector<8x128xi32>
    %select_n3A_612 = arith.select %and3A_608, %broadcast_in_dim3A_610, %broadcast_in_dim3A_611 : vector<8x128xi1>, vector<8x128xi32>
    %add3A_613 = arith.addi %add3A_604, %select_n3A_612 : vector<8x128xi32>
    %eq3A_614 = arith.constant 2 : i32
    %eq3A_615 = vector.broadcast %eq3A_614 : i32 to vector<8x128xi32>
    %eq3A_616 = arith.cmpi eq, %iota3A_552, %eq3A_615 : vector<8x128xi32>
    %eq3A_617 = arith.constant 0 : i32
    %eq3A_618 = vector.broadcast %eq3A_617 : i32 to vector<8x128xi32>
    %eq3A_619 = arith.cmpi eq, %iota3A_551, %eq3A_618 : vector<8x128xi32>
    %and3A_620 = arith.andi %eq3A_619, %eq3A_616 : vector<8x128xi1>
    %jit3A_621 = arith.constant 0 : i32
    %broadcast_in_dim3A_622 = vector.broadcast %sub3A_93 : i32 to vector<8x128xi32>
    %broadcast_in_dim3A_623 = vector.broadcast %jit3A_621 : i32 to vector<8x128xi32>
    %select_n3A_624 = arith.select %and3A_620, %broadcast_in_dim3A_622, %broadcast_in_dim3A_623 : vector<8x128xi1>, vector<8x128xi32>
    %add3A_625 = arith.addi %add3A_613, %select_n3A_624 : vector<8x128xi32>
    %eq3A_626 = arith.constant 1 : i32
    %eq3A_627 = vector.broadcast %eq3A_626 : i32 to vector<8x128xi32>
    %eq3A_628 = arith.cmpi eq, %iota3A_551, %eq3A_627 : vector<8x128xi32>
    %and3A_629 = arith.andi %eq3A_628, %eq3A_616 : vector<8x128xi1>
    %jit3A_630 = arith.constant 0 : i32
    %broadcast_in_dim3A_631 = vector.broadcast %add3A_364 : i32 to vector<8x128xi32>
    %broadcast_in_dim3A_632 = vector.broadcast %jit3A_630 : i32 to vector<8x128xi32>
    %select_n3A_633 = arith.select %and3A_629, %broadcast_in_dim3A_631, %broadcast_in_dim3A_632 : vector<8x128xi1>, vector<8x128xi32>
    %add3A_634 = arith.addi %add3A_625, %select_n3A_633 : vector<8x128xi32>
    %eq3A_635 = arith.constant 2 : i32
    %eq3A_636 = vector.broadcast %eq3A_635 : i32 to vector<8x128xi32>
    %eq3A_637 = arith.cmpi eq, %iota3A_551, %eq3A_636 : vector<8x128xi32>
    %and3A_638 = arith.andi %eq3A_637, %eq3A_616 : vector<8x128xi1>
    %jit3A_639 = arith.constant 0 : i32
    %broadcast_in_dim3A_640 = vector.broadcast %convert_element_type3A_84 : i32 to vector<8x128xi32>
    %broadcast_in_dim3A_641 = vector.broadcast %jit3A_639 : i32 to vector<8x128xi32>
    %select_n3A_642 = arith.select %and3A_638, %broadcast_in_dim3A_640, %broadcast_in_dim3A_641 : vector<8x128xi1>, vector<8x128xi32>
    %add3A_643 = arith.addi %add3A_634, %select_n3A_642 : vector<8x128xi32>
    %eq3A_644 = arith.constant 3 : i32
    %eq3A_645 = vector.broadcast %eq3A_644 : i32 to vector<8x128xi32>
    %eq3A_646 = arith.cmpi eq, %iota3A_552, %eq3A_645 : vector<8x128xi32>
    %eq3A_647 = arith.constant 0 : i32
    %eq3A_648 = vector.broadcast %eq3A_647 : i32 to vector<8x128xi32>
    %eq3A_649 = arith.cmpi eq, %iota3A_551, %eq3A_648 : vector<8x128xi32>
    %and3A_650 = arith.andi %eq3A_649, %eq3A_646 : vector<8x128xi1>
    %jit3A_651 = arith.constant 0 : i32
    %broadcast_in_dim3A_652 = vector.broadcast %sub3A_115 : i32 to vector<8x128xi32>
    %broadcast_in_dim3A_653 = vector.broadcast %jit3A_651 : i32 to vector<8x128xi32>
    %select_n3A_654 = arith.select %and3A_650, %broadcast_in_dim3A_652, %broadcast_in_dim3A_653 : vector<8x128xi1>, vector<8x128xi32>
    %add3A_655 = arith.addi %add3A_643, %select_n3A_654 : vector<8x128xi32>
    %eq3A_656 = arith.constant 1 : i32
    %eq3A_657 = vector.broadcast %eq3A_656 : i32 to vector<8x128xi32>
    %eq3A_658 = arith.cmpi eq, %iota3A_551, %eq3A_657 : vector<8x128xi32>
    %and3A_659 = arith.andi %eq3A_658, %eq3A_646 : vector<8x128xi1>
    %jit3A_660 = arith.constant 0 : i32
    %broadcast_in_dim3A_661 = vector.broadcast %add3A_365 : i32 to vector<8x128xi32>
    %broadcast_in_dim3A_662 = vector.broadcast %jit3A_660 : i32 to vector<8x128xi32>
    %select_n3A_663 = arith.select %and3A_659, %broadcast_in_dim3A_661, %broadcast_in_dim3A_662 : vector<8x128xi1>, vector<8x128xi32>
    %add3A_664 = arith.addi %add3A_655, %select_n3A_663 : vector<8x128xi32>
    %eq3A_665 = arith.constant 2 : i32
    %eq3A_666 = vector.broadcast %eq3A_665 : i32 to vector<8x128xi32>
    %eq3A_667 = arith.cmpi eq, %iota3A_551, %eq3A_666 : vector<8x128xi32>
    %and3A_668 = arith.andi %eq3A_667, %eq3A_646 : vector<8x128xi1>
    %jit3A_669 = arith.constant 0 : i32
    %broadcast_in_dim3A_670 = vector.broadcast %convert_element_type3A_106 : i32 to vector<8x128xi32>
    %broadcast_in_dim3A_671 = vector.broadcast %jit3A_669 : i32 to vector<8x128xi32>
    %select_n3A_672 = arith.select %and3A_668, %broadcast_in_dim3A_670, %broadcast_in_dim3A_671 : vector<8x128xi1>, vector<8x128xi32>
    %add3A_673 = arith.addi %add3A_664, %select_n3A_672 : vector<8x128xi32>
    %eq3A_674 = arith.constant 4 : i32
    %eq3A_675 = vector.broadcast %eq3A_674 : i32 to vector<8x128xi32>
    %eq3A_676 = arith.cmpi eq, %iota3A_552, %eq3A_675 : vector<8x128xi32>
    %eq3A_677 = arith.constant 0 : i32
    %eq3A_678 = vector.broadcast %eq3A_677 : i32 to vector<8x128xi32>
    %eq3A_679 = arith.cmpi eq, %iota3A_551, %eq3A_678 : vector<8x128xi32>
    %and3A_680 = arith.andi %eq3A_679, %eq3A_676 : vector<8x128xi1>
    %jit3A_681 = arith.constant 0 : i32
    %broadcast_in_dim3A_682 = vector.broadcast %sub3A_137 : i32 to vector<8x128xi32>
    %broadcast_in_dim3A_683 = vector.broadcast %jit3A_681 : i32 to vector<8x128xi32>
    %select_n3A_684 = arith.select %and3A_680, %broadcast_in_dim3A_682, %broadcast_in_dim3A_683 : vector<8x128xi1>, vector<8x128xi32>
    %add3A_685 = arith.addi %add3A_673, %select_n3A_684 : vector<8x128xi32>
    %eq3A_686 = arith.constant 1 : i32
    %eq3A_687 = vector.broadcast %eq3A_686 : i32 to vector<8x128xi32>
    %eq3A_688 = arith.cmpi eq, %iota3A_551, %eq3A_687 : vector<8x128xi32>
    %and3A_689 = arith.andi %eq3A_688, %eq3A_676 : vector<8x128xi1>
    %jit3A_690 = arith.constant 0 : i32
    %broadcast_in_dim3A_691 = vector.broadcast %add3A_366 : i32 to vector<8x128xi32>
    %broadcast_in_dim3A_692 = vector.broadcast %jit3A_690 : i32 to vector<8x128xi32>
    %select_n3A_693 = arith.select %and3A_689, %broadcast_in_dim3A_691, %broadcast_in_dim3A_692 : vector<8x128xi1>, vector<8x128xi32>
    %add3A_694 = arith.addi %add3A_685, %select_n3A_693 : vector<8x128xi32>
    %eq3A_695 = arith.constant 2 : i32
    %eq3A_696 = vector.broadcast %eq3A_695 : i32 to vector<8x128xi32>
    %eq3A_697 = arith.cmpi eq, %iota3A_551, %eq3A_696 : vector<8x128xi32>
    %and3A_698 = arith.andi %eq3A_697, %eq3A_676 : vector<8x128xi1>
    %jit3A_699 = arith.constant 0 : i32
    %broadcast_in_dim3A_700 = vector.broadcast %convert_element_type3A_128 : i32 to vector<8x128xi32>
    %broadcast_in_dim3A_701 = vector.broadcast %jit3A_699 : i32 to vector<8x128xi32>
    %select_n3A_702 = arith.select %and3A_698, %broadcast_in_dim3A_700, %broadcast_in_dim3A_701 : vector<8x128xi1>, vector<8x128xi32>
    %add3A_703 = arith.addi %add3A_694, %select_n3A_702 : vector<8x128xi32>
    %eq3A_704 = arith.constant 5 : i32
    %eq3A_705 = vector.broadcast %eq3A_704 : i32 to vector<8x128xi32>
    %eq3A_706 = arith.cmpi eq, %iota3A_552, %eq3A_705 : vector<8x128xi32>
    %eq3A_707 = arith.constant 0 : i32
    %eq3A_708 = vector.broadcast %eq3A_707 : i32 to vector<8x128xi32>
    %eq3A_709 = arith.cmpi eq, %iota3A_551, %eq3A_708 : vector<8x128xi32>
    %and3A_710 = arith.andi %eq3A_709, %eq3A_706 : vector<8x128xi1>
    %jit3A_711 = arith.constant 0 : i32
    %broadcast_in_dim3A_712 = vector.broadcast %sub3A_159 : i32 to vector<8x128xi32>
    %broadcast_in_dim3A_713 = vector.broadcast %jit3A_711 : i32 to vector<8x128xi32>
    %select_n3A_714 = arith.select %and3A_710, %broadcast_in_dim3A_712, %broadcast_in_dim3A_713 : vector<8x128xi1>, vector<8x128xi32>
    %add3A_715 = arith.addi %add3A_703, %select_n3A_714 : vector<8x128xi32>
    %eq3A_716 = arith.constant 1 : i32
    %eq3A_717 = vector.broadcast %eq3A_716 : i32 to vector<8x128xi32>
    %eq3A_718 = arith.cmpi eq, %iota3A_551, %eq3A_717 : vector<8x128xi32>
    %and3A_719 = arith.andi %eq3A_718, %eq3A_706 : vector<8x128xi1>
    %jit3A_720 = arith.constant 0 : i32
    %broadcast_in_dim3A_721 = vector.broadcast %add3A_367 : i32 to vector<8x128xi32>
    %broadcast_in_dim3A_722 = vector.broadcast %jit3A_720 : i32 to vector<8x128xi32>
    %select_n3A_723 = arith.select %and3A_719, %broadcast_in_dim3A_721, %broadcast_in_dim3A_722 : vector<8x128xi1>, vector<8x128xi32>
    %add3A_724 = arith.addi %add3A_715, %select_n3A_723 : vector<8x128xi32>
    %eq3A_725 = arith.constant 2 : i32
    %eq3A_726 = vector.broadcast %eq3A_725 : i32 to vector<8x128xi32>
    %eq3A_727 = arith.cmpi eq, %iota3A_551, %eq3A_726 : vector<8x128xi32>
    %and3A_728 = arith.andi %eq3A_727, %eq3A_706 : vector<8x128xi1>
    %jit3A_729 = arith.constant 0 : i32
    %broadcast_in_dim3A_730 = vector.broadcast %convert_element_type3A_150 : i32 to vector<8x128xi32>
    %broadcast_in_dim3A_731 = vector.broadcast %jit3A_729 : i32 to vector<8x128xi32>
    %select_n3A_732 = arith.select %and3A_728, %broadcast_in_dim3A_730, %broadcast_in_dim3A_731 : vector<8x128xi1>, vector<8x128xi32>
    %add3A_733 = arith.addi %add3A_724, %select_n3A_732 : vector<8x128xi32>
    %eq3A_734 = arith.constant 6 : i32
    %eq3A_735 = vector.broadcast %eq3A_734 : i32 to vector<8x128xi32>
    %eq3A_736 = arith.cmpi eq, %iota3A_552, %eq3A_735 : vector<8x128xi32>
    %eq3A_737 = arith.constant 0 : i32
    %eq3A_738 = vector.broadcast %eq3A_737 : i32 to vector<8x128xi32>
    %eq3A_739 = arith.cmpi eq, %iota3A_551, %eq3A_738 : vector<8x128xi32>
    %and3A_740 = arith.andi %eq3A_739, %eq3A_736 : vector<8x128xi1>
    %jit3A_741 = arith.constant 0 : i32
    %broadcast_in_dim3A_742 = vector.broadcast %sub3A_181 : i32 to vector<8x128xi32>
    %broadcast_in_dim3A_743 = vector.broadcast %jit3A_741 : i32 to vector<8x128xi32>
    %select_n3A_744 = arith.select %and3A_740, %broadcast_in_dim3A_742, %broadcast_in_dim3A_743 : vector<8x128xi1>, vector<8x128xi32>
    %add3A_745 = arith.addi %add3A_733, %select_n3A_744 : vector<8x128xi32>
    %eq3A_746 = arith.constant 1 : i32
    %eq3A_747 = vector.broadcast %eq3A_746 : i32 to vector<8x128xi32>
    %eq3A_748 = arith.cmpi eq, %iota3A_551, %eq3A_747 : vector<8x128xi32>
    %and3A_749 = arith.andi %eq3A_748, %eq3A_736 : vector<8x128xi1>
    %jit3A_750 = arith.constant 0 : i32
    %broadcast_in_dim3A_751 = vector.broadcast %add3A_368 : i32 to vector<8x128xi32>
    %broadcast_in_dim3A_752 = vector.broadcast %jit3A_750 : i32 to vector<8x128xi32>
    %select_n3A_753 = arith.select %and3A_749, %broadcast_in_dim3A_751, %broadcast_in_dim3A_752 : vector<8x128xi1>, vector<8x128xi32>
    %add3A_754 = arith.addi %add3A_745, %select_n3A_753 : vector<8x128xi32>
    %eq3A_755 = arith.constant 2 : i32
    %eq3A_756 = vector.broadcast %eq3A_755 : i32 to vector<8x128xi32>
    %eq3A_757 = arith.cmpi eq, %iota3A_551, %eq3A_756 : vector<8x128xi32>
    %and3A_758 = arith.andi %eq3A_757, %eq3A_736 : vector<8x128xi1>
    %jit3A_759 = arith.constant 0 : i32
    %broadcast_in_dim3A_760 = vector.broadcast %convert_element_type3A_172 : i32 to vector<8x128xi32>
    %broadcast_in_dim3A_761 = vector.broadcast %jit3A_759 : i32 to vector<8x128xi32>
    %select_n3A_762 = arith.select %and3A_758, %broadcast_in_dim3A_760, %broadcast_in_dim3A_761 : vector<8x128xi1>, vector<8x128xi32>
    %add3A_763 = arith.addi %add3A_754, %select_n3A_762 : vector<8x128xi32>
    %eq3A_764 = arith.constant 7 : i32
    %eq3A_765 = vector.broadcast %eq3A_764 : i32 to vector<8x128xi32>
    %eq3A_766 = arith.cmpi eq, %iota3A_552, %eq3A_765 : vector<8x128xi32>
    %eq3A_767 = arith.constant 0 : i32
    %eq3A_768 = vector.broadcast %eq3A_767 : i32 to vector<8x128xi32>
    %eq3A_769 = arith.cmpi eq, %iota3A_551, %eq3A_768 : vector<8x128xi32>
    %and3A_770 = arith.andi %eq3A_769, %eq3A_766 : vector<8x128xi1>
    %jit3A_771 = arith.constant 0 : i32
    %broadcast_in_dim3A_772 = vector.broadcast %sub3A_203 : i32 to vector<8x128xi32>
    %broadcast_in_dim3A_773 = vector.broadcast %jit3A_771 : i32 to vector<8x128xi32>
    %select_n3A_774 = arith.select %and3A_770, %broadcast_in_dim3A_772, %broadcast_in_dim3A_773 : vector<8x128xi1>, vector<8x128xi32>
    %add3A_775 = arith.addi %add3A_763, %select_n3A_774 : vector<8x128xi32>
    %eq3A_776 = arith.constant 1 : i32
    %eq3A_777 = vector.broadcast %eq3A_776 : i32 to vector<8x128xi32>
    %eq3A_778 = arith.cmpi eq, %iota3A_551, %eq3A_777 : vector<8x128xi32>
    %and3A_779 = arith.andi %eq3A_778, %eq3A_766 : vector<8x128xi1>
    %jit3A_780 = arith.constant 0 : i32
    %broadcast_in_dim3A_781 = vector.broadcast %add3A_369 : i32 to vector<8x128xi32>
    %broadcast_in_dim3A_782 = vector.broadcast %jit3A_780 : i32 to vector<8x128xi32>
    %select_n3A_783 = arith.select %and3A_779, %broadcast_in_dim3A_781, %broadcast_in_dim3A_782 : vector<8x128xi1>, vector<8x128xi32>
    %add3A_784 = arith.addi %add3A_775, %select_n3A_783 : vector<8x128xi32>
    %eq3A_785 = arith.constant 2 : i32
    %eq3A_786 = vector.broadcast %eq3A_785 : i32 to vector<8x128xi32>
    %eq3A_787 = arith.cmpi eq, %iota3A_551, %eq3A_786 : vector<8x128xi32>
    %and3A_788 = arith.andi %eq3A_787, %eq3A_766 : vector<8x128xi1>
    %jit3A_789 = arith.constant 0 : i32
    %broadcast_in_dim3A_790 = vector.broadcast %convert_element_type3A_194 : i32 to vector<8x128xi32>
    %broadcast_in_dim3A_791 = vector.broadcast %jit3A_789 : i32 to vector<8x128xi32>
    %select_n3A_792 = arith.select %and3A_788, %broadcast_in_dim3A_790, %broadcast_in_dim3A_791 : vector<8x128xi1>, vector<8x128xi32>
    %add3A_793 = arith.addi %add3A_784, %select_n3A_792 : vector<8x128xi32>
    %eq3A_794 = arith.constant 8 : i32
    %eq3A_795 = vector.broadcast %eq3A_794 : i32 to vector<8x128xi32>
    %eq3A_796 = arith.cmpi eq, %iota3A_552, %eq3A_795 : vector<8x128xi32>
    %eq3A_797 = arith.constant 0 : i32
    %eq3A_798 = vector.broadcast %eq3A_797 : i32 to vector<8x128xi32>
    %eq3A_799 = arith.cmpi eq, %iota3A_551, %eq3A_798 : vector<8x128xi32>
    %and3A_800 = arith.andi %eq3A_799, %eq3A_796 : vector<8x128xi1>
    %jit3A_801 = arith.constant 0 : i32
    %broadcast_in_dim3A_802 = vector.broadcast %sub3A_225 : i32 to vector<8x128xi32>
    %broadcast_in_dim3A_803 = vector.broadcast %jit3A_801 : i32 to vector<8x128xi32>
    %select_n3A_804 = arith.select %and3A_800, %broadcast_in_dim3A_802, %broadcast_in_dim3A_803 : vector<8x128xi1>, vector<8x128xi32>
    %add3A_805 = arith.addi %add3A_793, %select_n3A_804 : vector<8x128xi32>
    %eq3A_806 = arith.constant 1 : i32
    %eq3A_807 = vector.broadcast %eq3A_806 : i32 to vector<8x128xi32>
    %eq3A_808 = arith.cmpi eq, %iota3A_551, %eq3A_807 : vector<8x128xi32>
    %and3A_809 = arith.andi %eq3A_808, %eq3A_796 : vector<8x128xi1>
    %jit3A_810 = arith.constant 0 : i32
    %broadcast_in_dim3A_811 = vector.broadcast %add3A_370 : i32 to vector<8x128xi32>
    %broadcast_in_dim3A_812 = vector.broadcast %jit3A_810 : i32 to vector<8x128xi32>
    %select_n3A_813 = arith.select %and3A_809, %broadcast_in_dim3A_811, %broadcast_in_dim3A_812 : vector<8x128xi1>, vector<8x128xi32>
    %add3A_814 = arith.addi %add3A_805, %select_n3A_813 : vector<8x128xi32>
    %eq3A_815 = arith.constant 2 : i32
    %eq3A_816 = vector.broadcast %eq3A_815 : i32 to vector<8x128xi32>
    %eq3A_817 = arith.cmpi eq, %iota3A_551, %eq3A_816 : vector<8x128xi32>
    %and3A_818 = arith.andi %eq3A_817, %eq3A_796 : vector<8x128xi1>
    %jit3A_819 = arith.constant 0 : i32
    %broadcast_in_dim3A_820 = vector.broadcast %convert_element_type3A_216 : i32 to vector<8x128xi32>
    %broadcast_in_dim3A_821 = vector.broadcast %jit3A_819 : i32 to vector<8x128xi32>
    %select_n3A_822 = arith.select %and3A_818, %broadcast_in_dim3A_820, %broadcast_in_dim3A_821 : vector<8x128xi1>, vector<8x128xi32>
    %add3A_823 = arith.addi %add3A_814, %select_n3A_822 : vector<8x128xi32>
    %eq3A_824 = arith.constant 9 : i32
    %eq3A_825 = vector.broadcast %eq3A_824 : i32 to vector<8x128xi32>
    %eq3A_826 = arith.cmpi eq, %iota3A_552, %eq3A_825 : vector<8x128xi32>
    %eq3A_827 = arith.constant 0 : i32
    %eq3A_828 = vector.broadcast %eq3A_827 : i32 to vector<8x128xi32>
    %eq3A_829 = arith.cmpi eq, %iota3A_551, %eq3A_828 : vector<8x128xi32>
    %and3A_830 = arith.andi %eq3A_829, %eq3A_826 : vector<8x128xi1>
    %jit3A_831 = arith.constant 0 : i32
    %broadcast_in_dim3A_832 = vector.broadcast %sub3A_247 : i32 to vector<8x128xi32>
    %broadcast_in_dim3A_833 = vector.broadcast %jit3A_831 : i32 to vector<8x128xi32>
    %select_n3A_834 = arith.select %and3A_830, %broadcast_in_dim3A_832, %broadcast_in_dim3A_833 : vector<8x128xi1>, vector<8x128xi32>
    %add3A_835 = arith.addi %add3A_823, %select_n3A_834 : vector<8x128xi32>
    %eq3A_836 = arith.constant 1 : i32
    %eq3A_837 = vector.broadcast %eq3A_836 : i32 to vector<8x128xi32>
    %eq3A_838 = arith.cmpi eq, %iota3A_551, %eq3A_837 : vector<8x128xi32>
    %and3A_839 = arith.andi %eq3A_838, %eq3A_826 : vector<8x128xi1>
    %jit3A_840 = arith.constant 0 : i32
    %broadcast_in_dim3A_841 = vector.broadcast %add3A_371 : i32 to vector<8x128xi32>
    %broadcast_in_dim3A_842 = vector.broadcast %jit3A_840 : i32 to vector<8x128xi32>
    %select_n3A_843 = arith.select %and3A_839, %broadcast_in_dim3A_841, %broadcast_in_dim3A_842 : vector<8x128xi1>, vector<8x128xi32>
    %add3A_844 = arith.addi %add3A_835, %select_n3A_843 : vector<8x128xi32>
    %eq3A_845 = arith.constant 2 : i32
    %eq3A_846 = vector.broadcast %eq3A_845 : i32 to vector<8x128xi32>
    %eq3A_847 = arith.cmpi eq, %iota3A_551, %eq3A_846 : vector<8x128xi32>
    %and3A_848 = arith.andi %eq3A_847, %eq3A_826 : vector<8x128xi1>
    %jit3A_849 = arith.constant 0 : i32
    %broadcast_in_dim3A_850 = vector.broadcast %convert_element_type3A_238 : i32 to vector<8x128xi32>
    %broadcast_in_dim3A_851 = vector.broadcast %jit3A_849 : i32 to vector<8x128xi32>
    %select_n3A_852 = arith.select %and3A_848, %broadcast_in_dim3A_850, %broadcast_in_dim3A_851 : vector<8x128xi1>, vector<8x128xi32>
    %add3A_853 = arith.addi %add3A_844, %select_n3A_852 : vector<8x128xi32>
    %eq3A_854 = arith.constant 10 : i32
    %eq3A_855 = vector.broadcast %eq3A_854 : i32 to vector<8x128xi32>
    %eq3A_856 = arith.cmpi eq, %iota3A_552, %eq3A_855 : vector<8x128xi32>
    %eq3A_857 = arith.constant 0 : i32
    %eq3A_858 = vector.broadcast %eq3A_857 : i32 to vector<8x128xi32>
    %eq3A_859 = arith.cmpi eq, %iota3A_551, %eq3A_858 : vector<8x128xi32>
    %and3A_860 = arith.andi %eq3A_859, %eq3A_856 : vector<8x128xi1>
    %jit3A_861 = arith.constant 0 : i32
    %broadcast_in_dim3A_862 = vector.broadcast %sub3A_269 : i32 to vector<8x128xi32>
    %broadcast_in_dim3A_863 = vector.broadcast %jit3A_861 : i32 to vector<8x128xi32>
    %select_n3A_864 = arith.select %and3A_860, %broadcast_in_dim3A_862, %broadcast_in_dim3A_863 : vector<8x128xi1>, vector<8x128xi32>
    %add3A_865 = arith.addi %add3A_853, %select_n3A_864 : vector<8x128xi32>
    %eq3A_866 = arith.constant 1 : i32
    %eq3A_867 = vector.broadcast %eq3A_866 : i32 to vector<8x128xi32>
    %eq3A_868 = arith.cmpi eq, %iota3A_551, %eq3A_867 : vector<8x128xi32>
    %and3A_869 = arith.andi %eq3A_868, %eq3A_856 : vector<8x128xi1>
    %jit3A_870 = arith.constant 0 : i32
    %broadcast_in_dim3A_871 = vector.broadcast %add3A_372 : i32 to vector<8x128xi32>
    %broadcast_in_dim3A_872 = vector.broadcast %jit3A_870 : i32 to vector<8x128xi32>
    %select_n3A_873 = arith.select %and3A_869, %broadcast_in_dim3A_871, %broadcast_in_dim3A_872 : vector<8x128xi1>, vector<8x128xi32>
    %add3A_874 = arith.addi %add3A_865, %select_n3A_873 : vector<8x128xi32>
    %eq3A_875 = arith.constant 2 : i32
    %eq3A_876 = vector.broadcast %eq3A_875 : i32 to vector<8x128xi32>
    %eq3A_877 = arith.cmpi eq, %iota3A_551, %eq3A_876 : vector<8x128xi32>
    %and3A_878 = arith.andi %eq3A_877, %eq3A_856 : vector<8x128xi1>
    %jit3A_879 = arith.constant 0 : i32
    %broadcast_in_dim3A_880 = vector.broadcast %convert_element_type3A_260 : i32 to vector<8x128xi32>
    %broadcast_in_dim3A_881 = vector.broadcast %jit3A_879 : i32 to vector<8x128xi32>
    %select_n3A_882 = arith.select %and3A_878, %broadcast_in_dim3A_880, %broadcast_in_dim3A_881 : vector<8x128xi1>, vector<8x128xi32>
    %add3A_883 = arith.addi %add3A_874, %select_n3A_882 : vector<8x128xi32>
    %eq3A_884 = arith.constant 11 : i32
    %eq3A_885 = vector.broadcast %eq3A_884 : i32 to vector<8x128xi32>
    %eq3A_886 = arith.cmpi eq, %iota3A_552, %eq3A_885 : vector<8x128xi32>
    %eq3A_887 = arith.constant 0 : i32
    %eq3A_888 = vector.broadcast %eq3A_887 : i32 to vector<8x128xi32>
    %eq3A_889 = arith.cmpi eq, %iota3A_551, %eq3A_888 : vector<8x128xi32>
    %and3A_890 = arith.andi %eq3A_889, %eq3A_886 : vector<8x128xi1>
    %jit3A_891 = arith.constant 0 : i32
    %broadcast_in_dim3A_892 = vector.broadcast %sub3A_291 : i32 to vector<8x128xi32>
    %broadcast_in_dim3A_893 = vector.broadcast %jit3A_891 : i32 to vector<8x128xi32>
    %select_n3A_894 = arith.select %and3A_890, %broadcast_in_dim3A_892, %broadcast_in_dim3A_893 : vector<8x128xi1>, vector<8x128xi32>
    %add3A_895 = arith.addi %add3A_883, %select_n3A_894 : vector<8x128xi32>
    %eq3A_896 = arith.constant 1 : i32
    %eq3A_897 = vector.broadcast %eq3A_896 : i32 to vector<8x128xi32>
    %eq3A_898 = arith.cmpi eq, %iota3A_551, %eq3A_897 : vector<8x128xi32>
    %and3A_899 = arith.andi %eq3A_898, %eq3A_886 : vector<8x128xi1>
    %jit3A_900 = arith.constant 0 : i32
    %broadcast_in_dim3A_901 = vector.broadcast %add3A_373 : i32 to vector<8x128xi32>
    %broadcast_in_dim3A_902 = vector.broadcast %jit3A_900 : i32 to vector<8x128xi32>
    %select_n3A_903 = arith.select %and3A_899, %broadcast_in_dim3A_901, %broadcast_in_dim3A_902 : vector<8x128xi1>, vector<8x128xi32>
    %add3A_904 = arith.addi %add3A_895, %select_n3A_903 : vector<8x128xi32>
    %eq3A_905 = arith.constant 2 : i32
    %eq3A_906 = vector.broadcast %eq3A_905 : i32 to vector<8x128xi32>
    %eq3A_907 = arith.cmpi eq, %iota3A_551, %eq3A_906 : vector<8x128xi32>
    %and3A_908 = arith.andi %eq3A_907, %eq3A_886 : vector<8x128xi1>
    %jit3A_909 = arith.constant 0 : i32
    %broadcast_in_dim3A_910 = vector.broadcast %convert_element_type3A_282 : i32 to vector<8x128xi32>
    %broadcast_in_dim3A_911 = vector.broadcast %jit3A_909 : i32 to vector<8x128xi32>
    %select_n3A_912 = arith.select %and3A_908, %broadcast_in_dim3A_910, %broadcast_in_dim3A_911 : vector<8x128xi1>, vector<8x128xi32>
    %add3A_913 = arith.addi %add3A_904, %select_n3A_912 : vector<8x128xi32>
    %eq3A_914 = arith.constant 12 : i32
    %eq3A_915 = vector.broadcast %eq3A_914 : i32 to vector<8x128xi32>
    %eq3A_916 = arith.cmpi eq, %iota3A_552, %eq3A_915 : vector<8x128xi32>
    %eq3A_917 = arith.constant 0 : i32
    %eq3A_918 = vector.broadcast %eq3A_917 : i32 to vector<8x128xi32>
    %eq3A_919 = arith.cmpi eq, %iota3A_551, %eq3A_918 : vector<8x128xi32>
    %and3A_920 = arith.andi %eq3A_919, %eq3A_916 : vector<8x128xi1>
    %jit3A_921 = arith.constant 0 : i32
    %broadcast_in_dim3A_922 = vector.broadcast %sub3A_313 : i32 to vector<8x128xi32>
    %broadcast_in_dim3A_923 = vector.broadcast %jit3A_921 : i32 to vector<8x128xi32>
    %select_n3A_924 = arith.select %and3A_920, %broadcast_in_dim3A_922, %broadcast_in_dim3A_923 : vector<8x128xi1>, vector<8x128xi32>
    %add3A_925 = arith.addi %add3A_913, %select_n3A_924 : vector<8x128xi32>
    %eq3A_926 = arith.constant 1 : i32
    %eq3A_927 = vector.broadcast %eq3A_926 : i32 to vector<8x128xi32>
    %eq3A_928 = arith.cmpi eq, %iota3A_551, %eq3A_927 : vector<8x128xi32>
    %and3A_929 = arith.andi %eq3A_928, %eq3A_916 : vector<8x128xi1>
    %jit3A_930 = arith.constant 0 : i32
    %broadcast_in_dim3A_931 = vector.broadcast %add3A_374 : i32 to vector<8x128xi32>
    %broadcast_in_dim3A_932 = vector.broadcast %jit3A_930 : i32 to vector<8x128xi32>
    %select_n3A_933 = arith.select %and3A_929, %broadcast_in_dim3A_931, %broadcast_in_dim3A_932 : vector<8x128xi1>, vector<8x128xi32>
    %add3A_934 = arith.addi %add3A_925, %select_n3A_933 : vector<8x128xi32>
    %eq3A_935 = arith.constant 2 : i32
    %eq3A_936 = vector.broadcast %eq3A_935 : i32 to vector<8x128xi32>
    %eq3A_937 = arith.cmpi eq, %iota3A_551, %eq3A_936 : vector<8x128xi32>
    %and3A_938 = arith.andi %eq3A_937, %eq3A_916 : vector<8x128xi1>
    %jit3A_939 = arith.constant 0 : i32
    %broadcast_in_dim3A_940 = vector.broadcast %convert_element_type3A_304 : i32 to vector<8x128xi32>
    %broadcast_in_dim3A_941 = vector.broadcast %jit3A_939 : i32 to vector<8x128xi32>
    %select_n3A_942 = arith.select %and3A_938, %broadcast_in_dim3A_940, %broadcast_in_dim3A_941 : vector<8x128xi1>, vector<8x128xi32>
    %add3A_943 = arith.addi %add3A_934, %select_n3A_942 : vector<8x128xi32>
    %eq3A_944 = arith.constant 13 : i32
    %eq3A_945 = vector.broadcast %eq3A_944 : i32 to vector<8x128xi32>
    %eq3A_946 = arith.cmpi eq, %iota3A_552, %eq3A_945 : vector<8x128xi32>
    %eq3A_947 = arith.constant 0 : i32
    %eq3A_948 = vector.broadcast %eq3A_947 : i32 to vector<8x128xi32>
    %eq3A_949 = arith.cmpi eq, %iota3A_551, %eq3A_948 : vector<8x128xi32>
    %and3A_950 = arith.andi %eq3A_949, %eq3A_946 : vector<8x128xi1>
    %jit3A_951 = arith.constant 0 : i32
    %broadcast_in_dim3A_952 = vector.broadcast %sub3A_335 : i32 to vector<8x128xi32>
    %broadcast_in_dim3A_953 = vector.broadcast %jit3A_951 : i32 to vector<8x128xi32>
    %select_n3A_954 = arith.select %and3A_950, %broadcast_in_dim3A_952, %broadcast_in_dim3A_953 : vector<8x128xi1>, vector<8x128xi32>
    %add3A_955 = arith.addi %add3A_943, %select_n3A_954 : vector<8x128xi32>
    %eq3A_956 = arith.constant 1 : i32
    %eq3A_957 = vector.broadcast %eq3A_956 : i32 to vector<8x128xi32>
    %eq3A_958 = arith.cmpi eq, %iota3A_551, %eq3A_957 : vector<8x128xi32>
    %and3A_959 = arith.andi %eq3A_958, %eq3A_946 : vector<8x128xi1>
    %jit3A_960 = arith.constant 0 : i32
    %broadcast_in_dim3A_961 = vector.broadcast %add3A_375 : i32 to vector<8x128xi32>
    %broadcast_in_dim3A_962 = vector.broadcast %jit3A_960 : i32 to vector<8x128xi32>
    %select_n3A_963 = arith.select %and3A_959, %broadcast_in_dim3A_961, %broadcast_in_dim3A_962 : vector<8x128xi1>, vector<8x128xi32>
    %add3A_964 = arith.addi %add3A_955, %select_n3A_963 : vector<8x128xi32>
    %eq3A_965 = arith.constant 2 : i32
    %eq3A_966 = vector.broadcast %eq3A_965 : i32 to vector<8x128xi32>
    %eq3A_967 = arith.cmpi eq, %iota3A_551, %eq3A_966 : vector<8x128xi32>
    %and3A_968 = arith.andi %eq3A_967, %eq3A_946 : vector<8x128xi1>
    %jit3A_969 = arith.constant 0 : i32
    %broadcast_in_dim3A_970 = vector.broadcast %convert_element_type3A_326 : i32 to vector<8x128xi32>
    %broadcast_in_dim3A_971 = vector.broadcast %jit3A_969 : i32 to vector<8x128xi32>
    %select_n3A_972 = arith.select %and3A_968, %broadcast_in_dim3A_970, %broadcast_in_dim3A_971 : vector<8x128xi1>, vector<8x128xi32>
    %add3A_973 = arith.addi %add3A_964, %select_n3A_972 : vector<8x128xi32>
    %eq3A_974 = arith.constant 14 : i32
    %eq3A_975 = vector.broadcast %eq3A_974 : i32 to vector<8x128xi32>
    %eq3A_976 = arith.cmpi eq, %iota3A_552, %eq3A_975 : vector<8x128xi32>
    %eq3A_977 = arith.constant 0 : i32
    %eq3A_978 = vector.broadcast %eq3A_977 : i32 to vector<8x128xi32>
    %eq3A_979 = arith.cmpi eq, %iota3A_551, %eq3A_978 : vector<8x128xi32>
    %and3A_980 = arith.andi %eq3A_979, %eq3A_976 : vector<8x128xi1>
    %jit3A_981 = arith.constant 0 : i32
    %broadcast_in_dim3A_982 = vector.broadcast %sub3A_357 : i32 to vector<8x128xi32>
    %broadcast_in_dim3A_983 = vector.broadcast %jit3A_981 : i32 to vector<8x128xi32>
    %select_n3A_984 = arith.select %and3A_980, %broadcast_in_dim3A_982, %broadcast_in_dim3A_983 : vector<8x128xi1>, vector<8x128xi32>
    %add3A_985 = arith.addi %add3A_973, %select_n3A_984 : vector<8x128xi32>
    %eq3A_986 = arith.constant 1 : i32
    %eq3A_987 = vector.broadcast %eq3A_986 : i32 to vector<8x128xi32>
    %eq3A_988 = arith.cmpi eq, %iota3A_551, %eq3A_987 : vector<8x128xi32>
    %and3A_989 = arith.andi %eq3A_988, %eq3A_976 : vector<8x128xi1>
    %jit3A_990 = arith.constant 0 : i32
    %broadcast_in_dim3A_991 = vector.broadcast %add3A_376 : i32 to vector<8x128xi32>
    %broadcast_in_dim3A_992 = vector.broadcast %jit3A_990 : i32 to vector<8x128xi32>
    %select_n3A_993 = arith.select %and3A_989, %broadcast_in_dim3A_991, %broadcast_in_dim3A_992 : vector<8x128xi1>, vector<8x128xi32>
    %add3A_994 = arith.addi %add3A_985, %select_n3A_993 : vector<8x128xi32>
    %eq3A_995 = arith.constant 2 : i32
    %eq3A_996 = vector.broadcast %eq3A_995 : i32 to vector<8x128xi32>
    %eq3A_997 = arith.cmpi eq, %iota3A_551, %eq3A_996 : vector<8x128xi32>
    %and3A_998 = arith.andi %eq3A_997, %eq3A_976 : vector<8x128xi1>
    %jit3A_999 = arith.constant 0 : i32
    %broadcast_in_dim3A_1000 = vector.broadcast %convert_element_type3A_348 : i32 to vector<8x128xi32>
    %broadcast_in_dim3A_1001 = vector.broadcast %jit3A_999 : i32 to vector<8x128xi32>
    %select_n3A_1002 = arith.select %and3A_998, %broadcast_in_dim3A_1000, %broadcast_in_dim3A_1001 : vector<8x128xi1>, vector<8x128xi32>
    %add3A_1003 = arith.addi %add3A_994, %select_n3A_1002 : vector<8x128xi32>
    %swap3A_1004 = arith.constant 0 : index
    %swap3A_1005 = arith.constant 0 : index
    %swap3A_1006 = vector.load %arg2[%swap3A_1004, %swap3A_1005] : memref<8x128xi32, #tpu.memory_space<vmem>>, vector<8x128xi32>
    tpu.vector_store %arg2[%swap3A_1004, %swap3A_1005], %add3A_1003 {strides = array<i32>} : memref<8x128xi32, #tpu.memory_space<vmem>>, vector<8x128xi32>,
    return
  }
}

module attributes {stable_mosaic.version = 14 : i64} {
  func.func @_find3_body(%arg0: memref<32x4096xi32, #tpu.memory_space<vmem>>, %arg1: memref<8x128xi32, #tpu.memory_space<vmem>>, %arg2: memref<1x128xf32, #tpu.memory_space<vmem>>) attributes {dimension_semantics = [], scalar_prefetch = 0 : i64, scratch_operands = 0 : i64, tpu.core_type = #tpu.core_type<tc>} {
    %get3A = arith.constant 0 : index
    %get3A_0 = arith.constant 0 : index
    %get3A_1 = vector.load %arg0[%get3A, %get3A_0] : memref<32x4096xi32, #tpu.memory_space<vmem>>, vector<32x4096xi32>
    %convert_element_type3A = arith.sitofp %get3A_1 : vector<32x4096xi32> to vector<32x4096xf32>
    %reduce_sum3A = arith.constant dense<0.000000e+00> : vector<4096xf32>
    %reduce_sum3A_2 = vector.multi_reduction <add>, %convert_element_type3A, %reduce_sum3A [0] : vector<32x4096xf32> to vector<4096xf32>
    %broadcast_in_dim3A = vector.shape_cast %reduce_sum3A_2 : vector<4096xf32> to vector<1x4096xf32>
    %slice3A = vector.extract_strided_slice %broadcast_in_dim3A {offsets = [0, 0], sizes = [1, 256], strides = [1, 1]} : vector<1x4096xf32> to vector<1x256xf32>
    %slice3A_3 = vector.extract_strided_slice %broadcast_in_dim3A {offsets = [0, 256], sizes = [1, 256], strides = [1, 1]} : vector<1x4096xf32> to vector<1x256xf32>
    %slice3A_4 = vector.extract_strided_slice %broadcast_in_dim3A {offsets = [0, 512], sizes = [1, 256], strides = [1, 1]} : vector<1x4096xf32> to vector<1x256xf32>
    %slice3A_5 = vector.extract_strided_slice %broadcast_in_dim3A {offsets = [0, 768], sizes = [1, 256], strides = [1, 1]} : vector<1x4096xf32> to vector<1x256xf32>
    %slice3A_6 = vector.extract_strided_slice %broadcast_in_dim3A {offsets = [0, 1024], sizes = [1, 256], strides = [1, 1]} : vector<1x4096xf32> to vector<1x256xf32>
    %slice3A_7 = vector.extract_strided_slice %broadcast_in_dim3A {offsets = [0, 1280], sizes = [1, 256], strides = [1, 1]} : vector<1x4096xf32> to vector<1x256xf32>
    %slice3A_8 = vector.extract_strided_slice %broadcast_in_dim3A {offsets = [0, 1536], sizes = [1, 256], strides = [1, 1]} : vector<1x4096xf32> to vector<1x256xf32>
    %slice3A_9 = vector.extract_strided_slice %broadcast_in_dim3A {offsets = [0, 1792], sizes = [1, 256], strides = [1, 1]} : vector<1x4096xf32> to vector<1x256xf32>
    %slice3A_10 = vector.extract_strided_slice %broadcast_in_dim3A {offsets = [0, 2048], sizes = [1, 256], strides = [1, 1]} : vector<1x4096xf32> to vector<1x256xf32>
    %slice3A_11 = vector.extract_strided_slice %broadcast_in_dim3A {offsets = [0, 2304], sizes = [1, 256], strides = [1, 1]} : vector<1x4096xf32> to vector<1x256xf32>
    %slice3A_12 = vector.extract_strided_slice %broadcast_in_dim3A {offsets = [0, 2560], sizes = [1, 256], strides = [1, 1]} : vector<1x4096xf32> to vector<1x256xf32>
    %slice3A_13 = vector.extract_strided_slice %broadcast_in_dim3A {offsets = [0, 2816], sizes = [1, 256], strides = [1, 1]} : vector<1x4096xf32> to vector<1x256xf32>
    %slice3A_14 = vector.extract_strided_slice %broadcast_in_dim3A {offsets = [0, 3072], sizes = [1, 256], strides = [1, 1]} : vector<1x4096xf32> to vector<1x256xf32>
    %slice3A_15 = vector.extract_strided_slice %broadcast_in_dim3A {offsets = [0, 3328], sizes = [1, 256], strides = [1, 1]} : vector<1x4096xf32> to vector<1x256xf32>
    %slice3A_16 = vector.extract_strided_slice %broadcast_in_dim3A {offsets = [0, 3584], sizes = [1, 256], strides = [1, 1]} : vector<1x4096xf32> to vector<1x256xf32>
    %slice3A_17 = vector.extract_strided_slice %broadcast_in_dim3A {offsets = [0, 3840], sizes = [1, 256], strides = [1, 1]} : vector<1x4096xf32> to vector<1x256xf32>
    %concatenate3A = tpu.concatenate %slice3A, %slice3A_3, %slice3A_4, %slice3A_5, %slice3A_6, %slice3A_7, %slice3A_8, %slice3A_9, %slice3A_10, %slice3A_11, %slice3A_12, %slice3A_13, %slice3A_14, %slice3A_15, %slice3A_16, %slice3A_17 in 0 : vector<1x256xf32>, vector<1x256xf32>, vector<1x256xf32>, vector<1x256xf32>, vector<1x256xf32>, vector<1x256xf32>, vector<1x256xf32>, vector<1x256xf32>, vector<1x256xf32>, vector<1x256xf32>, vector<1x256xf32>, vector<1x256xf32>, vector<1x256xf32>, vector<1x256xf32>, vector<1x256xf32>, vector<1x256xf32> -> vector<16x256xf32>
    %iota3A = tpu.iota {dimensions = array<i32: 0>} : vector<256x256xi32>
    %iota3A_18 = tpu.iota {dimensions = array<i32: 1>} : vector<256x256xi32>
    %le3A = arith.cmpi sle, %iota3A, %iota3A_18 : vector<256x256xi32>
    %convert_element_type3A_19 = arith.extui %le3A : vector<256x256xi1> to vector<256x256xi32>
    %convert_element_type3A_20 = arith.sitofp %convert_element_type3A_19 : vector<256x256xi32> to vector<256x256xf32>
    %dot_general3A = arith.constant dense<0.000000e+00> : vector<16x256xf32>
    %dot_general3A_21 = tpu.matmul %concatenate3A, %convert_element_type3A_20, %dot_general3A {dimension_numbers = #tpu.dot_dimension_numbers<[1], [0], [0], [1], [0, 0, 1, 1], [], []>, precision = #tpu.contract_precision<fp32>, transpose_lhs_hint = false} : vector<16x256xf32>, vector<256x256xf32>, vector<16x256xf32> -> vector<16x256xf32>
    %iota3A_22 = tpu.iota {dimensions = array<i32: 0>} : vector<16x256xi32>
    %iota3A_23 = tpu.iota {dimensions = array<i32: 1>} : vector<1x128xi32>
    %broadcast_in_dim3A_24 = arith.constant 0 : i32
    %broadcast_in_dim3A_25 = vector.broadcast %broadcast_in_dim3A_24 : i32 to vector<1x128xi32>
    %get3A_26 = arith.constant 0 : index
    %get3A_27 = arith.constant 0 : index
    %get3A_28 = vector.load %arg1[%get3A_26, %get3A_27] : memref<8x128xi32, #tpu.memory_space<vmem>>, vector<1x1xi32>
    %get3A_29 = vector.extract %get3A_28[0, 0] : i32 from vector<1x1xi32>
    %get3A_30 = arith.constant 1 : index
    %get3A_31 = arith.constant 0 : index
    %get3A_32 = vector.load %arg1[%get3A_30, %get3A_31] : memref<8x128xi32, #tpu.memory_space<vmem>>, vector<1x1xi32>
    %get3A_33 = vector.extract %get3A_32[0, 0] : i32 from vector<1x1xi32>
    %get3A_34 = arith.constant 2 : index
    %get3A_35 = arith.constant 0 : index
    %get3A_36 = vector.load %arg1[%get3A_34, %get3A_35] : memref<8x128xi32, #tpu.memory_space<vmem>>, vector<1x1xi32>
    %get3A_37 = vector.extract %get3A_36[0, 0] : i32 from vector<1x1xi32>
    %get3A_38 = arith.constant 3 : index
    %get3A_39 = arith.constant 0 : index
    %get3A_40 = vector.load %arg1[%get3A_38, %get3A_39] : memref<8x128xi32, #tpu.memory_space<vmem>>, vector<1x1xi32>
    %get3A_41 = vector.extract %get3A_40[0, 0] : i32 from vector<1x1xi32>
    %eq3A = vector.broadcast %get3A_33 : i32 to vector<16x256xi32>
    %eq3A_42 = arith.cmpi eq, %iota3A_22, %eq3A : vector<16x256xi32>
    %convert_element_type3A_43 = arith.extui %eq3A_42 : vector<16x256xi1> to vector<16x256xi32>
    %convert_element_type3A_44 = arith.sitofp %convert_element_type3A_43 : vector<16x256xi32> to vector<16x256xf32>
    %mul3A = arith.mulf %dot_general3A_21, %convert_element_type3A_44 : vector<16x256xf32>
    %convert_element_type3A_45 = arith.sitofp %get3A_29 : i32 to f32
    %le3A_46 = vector.broadcast %convert_element_type3A_45 : f32 to vector<16x256xf32>
    %le3A_47 = arith.cmpf ole, %mul3A, %le3A_46 : vector<16x256xf32>
    %convert_element_type3A_48 = arith.extui %le3A_47 : vector<16x256xi1> to vector<16x256xi32>
    %convert_element_type3A_49 = arith.sitofp %convert_element_type3A_48 : vector<16x256xi32> to vector<16x256xf32>
    %mul3A_50 = arith.mulf %convert_element_type3A_49, %convert_element_type3A_44 : vector<16x256xf32>
    %reduce_sum3A_51 = vector.shape_cast %mul3A_50 : vector<16x256xf32> to vector<1x16x256xf32>
    %reduce_sum3A_52 = arith.constant dense<0.000000e+00> : vector<1xf32>
    %reduce_sum3A_53 = vector.multi_reduction <add>, %reduce_sum3A_51, %reduce_sum3A_52 [1, 2] : vector<1x16x256xf32> to vector<1xf32>
    %reduce_sum3A_54 = vector.shape_cast %reduce_sum3A_53 : vector<1xf32> to vector<1x1x1xf32>
    %reduce_sum3A_55 = vector.extract %reduce_sum3A_54[0, 0, 0] : f32 from vector<1x1x1xf32>
    %convert_element_type3A_56 = arith.fptosi %reduce_sum3A_55 : f32 to i32
    %sub3A = arith.constant 32768 : i32
    %sub3A_57 = arith.subi %get3A_37, %sub3A : i32
    %mul3A_58 = arith.constant 65536 : i32
    %mul3A_59 = arith.muli %sub3A_57, %mul3A_58 : i32
    %mul3A_60 = arith.constant 256 : i32
    %mul3A_61 = arith.muli %get3A_41, %mul3A_60 : i32
    %add3A = arith.addi %mul3A_59, %mul3A_61 : i32
    %add3A_62 = arith.addi %add3A, %convert_element_type3A_56 : i32
    %eq3A_63 = arith.constant 0 : i32
    %eq3A_64 = vector.broadcast %eq3A_63 : i32 to vector<1x128xi32>
    %eq3A_65 = arith.cmpi eq, %iota3A_23, %eq3A_64 : vector<1x128xi32>
    %jit3A = arith.constant 0 : i32
    %broadcast_in_dim3A_66 = vector.broadcast %add3A_62 : i32 to vector<1x128xi32>
    %broadcast_in_dim3A_67 = vector.broadcast %jit3A : i32 to vector<1x128xi32>
    %select_n3A = arith.select %eq3A_65, %broadcast_in_dim3A_66, %broadcast_in_dim3A_67 : vector<1x128xi1>, vector<1x128xi32>
    %add3A_68 = arith.addi %broadcast_in_dim3A_25, %select_n3A : vector<1x128xi32>
    %get3A_69 = arith.constant 0 : index
    %get3A_70 = arith.constant 1 : index
    %get3A_71 = vector.load %arg1[%get3A_69, %get3A_70] : memref<8x128xi32, #tpu.memory_space<vmem>>, vector<1x1xi32>
    %get3A_72 = vector.extract %get3A_71[0, 0] : i32 from vector<1x1xi32>
    %get3A_73 = arith.constant 1 : index
    %get3A_74 = arith.constant 1 : index
    %get3A_75 = vector.load %arg1[%get3A_73, %get3A_74] : memref<8x128xi32, #tpu.memory_space<vmem>>, vector<1x1xi32>
    %get3A_76 = vector.extract %get3A_75[0, 0] : i32 from vector<1x1xi32>
    %get3A_77 = arith.constant 2 : index
    %get3A_78 = arith.constant 1 : index
    %get3A_79 = vector.load %arg1[%get3A_77, %get3A_78] : memref<8x128xi32, #tpu.memory_space<vmem>>, vector<1x1xi32>
    %get3A_80 = vector.extract %get3A_79[0, 0] : i32 from vector<1x1xi32>
    %get3A_81 = arith.constant 3 : index
    %get3A_82 = arith.constant 1 : index
    %get3A_83 = vector.load %arg1[%get3A_81, %get3A_82] : memref<8x128xi32, #tpu.memory_space<vmem>>, vector<1x1xi32>
    %get3A_84 = vector.extract %get3A_83[0, 0] : i32 from vector<1x1xi32>
    %eq3A_85 = vector.broadcast %get3A_76 : i32 to vector<16x256xi32>
    %eq3A_86 = arith.cmpi eq, %iota3A_22, %eq3A_85 : vector<16x256xi32>
    %convert_element_type3A_87 = arith.extui %eq3A_86 : vector<16x256xi1> to vector<16x256xi32>
    %convert_element_type3A_88 = arith.sitofp %convert_element_type3A_87 : vector<16x256xi32> to vector<16x256xf32>
    %mul3A_89 = arith.mulf %dot_general3A_21, %convert_element_type3A_88 : vector<16x256xf32>
    %convert_element_type3A_90 = arith.sitofp %get3A_72 : i32 to f32
    %le3A_91 = vector.broadcast %convert_element_type3A_90 : f32 to vector<16x256xf32>
    %le3A_92 = arith.cmpf ole, %mul3A_89, %le3A_91 : vector<16x256xf32>
    %convert_element_type3A_93 = arith.extui %le3A_92 : vector<16x256xi1> to vector<16x256xi32>
    %convert_element_type3A_94 = arith.sitofp %convert_element_type3A_93 : vector<16x256xi32> to vector<16x256xf32>
    %mul3A_95 = arith.mulf %convert_element_type3A_94, %convert_element_type3A_88 : vector<16x256xf32>
    %reduce_sum3A_96 = vector.shape_cast %mul3A_95 : vector<16x256xf32> to vector<1x16x256xf32>
    %reduce_sum3A_97 = arith.constant dense<0.000000e+00> : vector<1xf32>
    %reduce_sum3A_98 = vector.multi_reduction <add>, %reduce_sum3A_96, %reduce_sum3A_97 [1, 2] : vector<1x16x256xf32> to vector<1xf32>
    %reduce_sum3A_99 = vector.shape_cast %reduce_sum3A_98 : vector<1xf32> to vector<1x1x1xf32>
    %reduce_sum3A_100 = vector.extract %reduce_sum3A_99[0, 0, 0] : f32 from vector<1x1x1xf32>
    %convert_element_type3A_101 = arith.fptosi %reduce_sum3A_100 : f32 to i32
    %sub3A_102 = arith.constant 32768 : i32
    %sub3A_103 = arith.subi %get3A_80, %sub3A_102 : i32
    %mul3A_104 = arith.constant 65536 : i32
    %mul3A_105 = arith.muli %sub3A_103, %mul3A_104 : i32
    %mul3A_106 = arith.constant 256 : i32
    %mul3A_107 = arith.muli %get3A_84, %mul3A_106 : i32
    %add3A_108 = arith.addi %mul3A_105, %mul3A_107 : i32
    %add3A_109 = arith.addi %add3A_108, %convert_element_type3A_101 : i32
    %eq3A_110 = arith.constant 1 : i32
    %eq3A_111 = vector.broadcast %eq3A_110 : i32 to vector<1x128xi32>
    %eq3A_112 = arith.cmpi eq, %iota3A_23, %eq3A_111 : vector<1x128xi32>
    %jit3A_113 = arith.constant 0 : i32
    %broadcast_in_dim3A_114 = vector.broadcast %add3A_109 : i32 to vector<1x128xi32>
    %broadcast_in_dim3A_115 = vector.broadcast %jit3A_113 : i32 to vector<1x128xi32>
    %select_n3A_116 = arith.select %eq3A_112, %broadcast_in_dim3A_114, %broadcast_in_dim3A_115 : vector<1x128xi1>, vector<1x128xi32>
    %add3A_117 = arith.addi %add3A_68, %select_n3A_116 : vector<1x128xi32>
    %get3A_118 = arith.constant 0 : index
    %get3A_119 = arith.constant 2 : index
    %get3A_120 = vector.load %arg1[%get3A_118, %get3A_119] : memref<8x128xi32, #tpu.memory_space<vmem>>, vector<1x1xi32>
    %get3A_121 = vector.extract %get3A_120[0, 0] : i32 from vector<1x1xi32>
    %get3A_122 = arith.constant 1 : index
    %get3A_123 = arith.constant 2 : index
    %get3A_124 = vector.load %arg1[%get3A_122, %get3A_123] : memref<8x128xi32, #tpu.memory_space<vmem>>, vector<1x1xi32>
    %get3A_125 = vector.extract %get3A_124[0, 0] : i32 from vector<1x1xi32>
    %get3A_126 = arith.constant 2 : index
    %get3A_127 = arith.constant 2 : index
    %get3A_128 = vector.load %arg1[%get3A_126, %get3A_127] : memref<8x128xi32, #tpu.memory_space<vmem>>, vector<1x1xi32>
    %get3A_129 = vector.extract %get3A_128[0, 0] : i32 from vector<1x1xi32>
    %get3A_130 = arith.constant 3 : index
    %get3A_131 = arith.constant 2 : index
    %get3A_132 = vector.load %arg1[%get3A_130, %get3A_131] : memref<8x128xi32, #tpu.memory_space<vmem>>, vector<1x1xi32>
    %get3A_133 = vector.extract %get3A_132[0, 0] : i32 from vector<1x1xi32>
    %eq3A_134 = vector.broadcast %get3A_125 : i32 to vector<16x256xi32>
    %eq3A_135 = arith.cmpi eq, %iota3A_22, %eq3A_134 : vector<16x256xi32>
    %convert_element_type3A_136 = arith.extui %eq3A_135 : vector<16x256xi1> to vector<16x256xi32>
    %convert_element_type3A_137 = arith.sitofp %convert_element_type3A_136 : vector<16x256xi32> to vector<16x256xf32>
    %mul3A_138 = arith.mulf %dot_general3A_21, %convert_element_type3A_137 : vector<16x256xf32>
    %convert_element_type3A_139 = arith.sitofp %get3A_121 : i32 to f32
    %le3A_140 = vector.broadcast %convert_element_type3A_139 : f32 to vector<16x256xf32>
    %le3A_141 = arith.cmpf ole, %mul3A_138, %le3A_140 : vector<16x256xf32>
    %convert_element_type3A_142 = arith.extui %le3A_141 : vector<16x256xi1> to vector<16x256xi32>
    %convert_element_type3A_143 = arith.sitofp %convert_element_type3A_142 : vector<16x256xi32> to vector<16x256xf32>
    %mul3A_144 = arith.mulf %convert_element_type3A_143, %convert_element_type3A_137 : vector<16x256xf32>
    %reduce_sum3A_145 = vector.shape_cast %mul3A_144 : vector<16x256xf32> to vector<1x16x256xf32>
    %reduce_sum3A_146 = arith.constant dense<0.000000e+00> : vector<1xf32>
    %reduce_sum3A_147 = vector.multi_reduction <add>, %reduce_sum3A_145, %reduce_sum3A_146 [1, 2] : vector<1x16x256xf32> to vector<1xf32>
    %reduce_sum3A_148 = vector.shape_cast %reduce_sum3A_147 : vector<1xf32> to vector<1x1x1xf32>
    %reduce_sum3A_149 = vector.extract %reduce_sum3A_148[0, 0, 0] : f32 from vector<1x1x1xf32>
    %convert_element_type3A_150 = arith.fptosi %reduce_sum3A_149 : f32 to i32
    %sub3A_151 = arith.constant 32768 : i32
    %sub3A_152 = arith.subi %get3A_129, %sub3A_151 : i32
    %mul3A_153 = arith.constant 65536 : i32
    %mul3A_154 = arith.muli %sub3A_152, %mul3A_153 : i32
    %mul3A_155 = arith.constant 256 : i32
    %mul3A_156 = arith.muli %get3A_133, %mul3A_155 : i32
    %add3A_157 = arith.addi %mul3A_154, %mul3A_156 : i32
    %add3A_158 = arith.addi %add3A_157, %convert_element_type3A_150 : i32
    %eq3A_159 = arith.constant 2 : i32
    %eq3A_160 = vector.broadcast %eq3A_159 : i32 to vector<1x128xi32>
    %eq3A_161 = arith.cmpi eq, %iota3A_23, %eq3A_160 : vector<1x128xi32>
    %jit3A_162 = arith.constant 0 : i32
    %broadcast_in_dim3A_163 = vector.broadcast %add3A_158 : i32 to vector<1x128xi32>
    %broadcast_in_dim3A_164 = vector.broadcast %jit3A_162 : i32 to vector<1x128xi32>
    %select_n3A_165 = arith.select %eq3A_161, %broadcast_in_dim3A_163, %broadcast_in_dim3A_164 : vector<1x128xi1>, vector<1x128xi32>
    %add3A_166 = arith.addi %add3A_117, %select_n3A_165 : vector<1x128xi32>
    %get3A_167 = arith.constant 0 : index
    %get3A_168 = arith.constant 3 : index
    %get3A_169 = vector.load %arg1[%get3A_167, %get3A_168] : memref<8x128xi32, #tpu.memory_space<vmem>>, vector<1x1xi32>
    %get3A_170 = vector.extract %get3A_169[0, 0] : i32 from vector<1x1xi32>
    %get3A_171 = arith.constant 1 : index
    %get3A_172 = arith.constant 3 : index
    %get3A_173 = vector.load %arg1[%get3A_171, %get3A_172] : memref<8x128xi32, #tpu.memory_space<vmem>>, vector<1x1xi32>
    %get3A_174 = vector.extract %get3A_173[0, 0] : i32 from vector<1x1xi32>
    %get3A_175 = arith.constant 2 : index
    %get3A_176 = arith.constant 3 : index
    %get3A_177 = vector.load %arg1[%get3A_175, %get3A_176] : memref<8x128xi32, #tpu.memory_space<vmem>>, vector<1x1xi32>
    %get3A_178 = vector.extract %get3A_177[0, 0] : i32 from vector<1x1xi32>
    %get3A_179 = arith.constant 3 : index
    %get3A_180 = arith.constant 3 : index
    %get3A_181 = vector.load %arg1[%get3A_179, %get3A_180] : memref<8x128xi32, #tpu.memory_space<vmem>>, vector<1x1xi32>
    %get3A_182 = vector.extract %get3A_181[0, 0] : i32 from vector<1x1xi32>
    %eq3A_183 = vector.broadcast %get3A_174 : i32 to vector<16x256xi32>
    %eq3A_184 = arith.cmpi eq, %iota3A_22, %eq3A_183 : vector<16x256xi32>
    %convert_element_type3A_185 = arith.extui %eq3A_184 : vector<16x256xi1> to vector<16x256xi32>
    %convert_element_type3A_186 = arith.sitofp %convert_element_type3A_185 : vector<16x256xi32> to vector<16x256xf32>
    %mul3A_187 = arith.mulf %dot_general3A_21, %convert_element_type3A_186 : vector<16x256xf32>
    %convert_element_type3A_188 = arith.sitofp %get3A_170 : i32 to f32
    %le3A_189 = vector.broadcast %convert_element_type3A_188 : f32 to vector<16x256xf32>
    %le3A_190 = arith.cmpf ole, %mul3A_187, %le3A_189 : vector<16x256xf32>
    %convert_element_type3A_191 = arith.extui %le3A_190 : vector<16x256xi1> to vector<16x256xi32>
    %convert_element_type3A_192 = arith.sitofp %convert_element_type3A_191 : vector<16x256xi32> to vector<16x256xf32>
    %mul3A_193 = arith.mulf %convert_element_type3A_192, %convert_element_type3A_186 : vector<16x256xf32>
    %reduce_sum3A_194 = vector.shape_cast %mul3A_193 : vector<16x256xf32> to vector<1x16x256xf32>
    %reduce_sum3A_195 = arith.constant dense<0.000000e+00> : vector<1xf32>
    %reduce_sum3A_196 = vector.multi_reduction <add>, %reduce_sum3A_194, %reduce_sum3A_195 [1, 2] : vector<1x16x256xf32> to vector<1xf32>
    %reduce_sum3A_197 = vector.shape_cast %reduce_sum3A_196 : vector<1xf32> to vector<1x1x1xf32>
    %reduce_sum3A_198 = vector.extract %reduce_sum3A_197[0, 0, 0] : f32 from vector<1x1x1xf32>
    %convert_element_type3A_199 = arith.fptosi %reduce_sum3A_198 : f32 to i32
    %sub3A_200 = arith.constant 32768 : i32
    %sub3A_201 = arith.subi %get3A_178, %sub3A_200 : i32
    %mul3A_202 = arith.constant 65536 : i32
    %mul3A_203 = arith.muli %sub3A_201, %mul3A_202 : i32
    %mul3A_204 = arith.constant 256 : i32
    %mul3A_205 = arith.muli %get3A_182, %mul3A_204 : i32
    %add3A_206 = arith.addi %mul3A_203, %mul3A_205 : i32
    %add3A_207 = arith.addi %add3A_206, %convert_element_type3A_199 : i32
    %eq3A_208 = arith.constant 3 : i32
    %eq3A_209 = vector.broadcast %eq3A_208 : i32 to vector<1x128xi32>
    %eq3A_210 = arith.cmpi eq, %iota3A_23, %eq3A_209 : vector<1x128xi32>
    %jit3A_211 = arith.constant 0 : i32
    %broadcast_in_dim3A_212 = vector.broadcast %add3A_207 : i32 to vector<1x128xi32>
    %broadcast_in_dim3A_213 = vector.broadcast %jit3A_211 : i32 to vector<1x128xi32>
    %select_n3A_214 = arith.select %eq3A_210, %broadcast_in_dim3A_212, %broadcast_in_dim3A_213 : vector<1x128xi1>, vector<1x128xi32>
    %add3A_215 = arith.addi %add3A_166, %select_n3A_214 : vector<1x128xi32>
    %get3A_216 = arith.constant 0 : index
    %get3A_217 = arith.constant 4 : index
    %get3A_218 = vector.load %arg1[%get3A_216, %get3A_217] : memref<8x128xi32, #tpu.memory_space<vmem>>, vector<1x1xi32>
    %get3A_219 = vector.extract %get3A_218[0, 0] : i32 from vector<1x1xi32>
    %get3A_220 = arith.constant 1 : index
    %get3A_221 = arith.constant 4 : index
    %get3A_222 = vector.load %arg1[%get3A_220, %get3A_221] : memref<8x128xi32, #tpu.memory_space<vmem>>, vector<1x1xi32>
    %get3A_223 = vector.extract %get3A_222[0, 0] : i32 from vector<1x1xi32>
    %get3A_224 = arith.constant 2 : index
    %get3A_225 = arith.constant 4 : index
    %get3A_226 = vector.load %arg1[%get3A_224, %get3A_225] : memref<8x128xi32, #tpu.memory_space<vmem>>, vector<1x1xi32>
    %get3A_227 = vector.extract %get3A_226[0, 0] : i32 from vector<1x1xi32>
    %get3A_228 = arith.constant 3 : index
    %get3A_229 = arith.constant 4 : index
    %get3A_230 = vector.load %arg1[%get3A_228, %get3A_229] : memref<8x128xi32, #tpu.memory_space<vmem>>, vector<1x1xi32>
    %get3A_231 = vector.extract %get3A_230[0, 0] : i32 from vector<1x1xi32>
    %eq3A_232 = vector.broadcast %get3A_223 : i32 to vector<16x256xi32>
    %eq3A_233 = arith.cmpi eq, %iota3A_22, %eq3A_232 : vector<16x256xi32>
    %convert_element_type3A_234 = arith.extui %eq3A_233 : vector<16x256xi1> to vector<16x256xi32>
    %convert_element_type3A_235 = arith.sitofp %convert_element_type3A_234 : vector<16x256xi32> to vector<16x256xf32>
    %mul3A_236 = arith.mulf %dot_general3A_21, %convert_element_type3A_235 : vector<16x256xf32>
    %convert_element_type3A_237 = arith.sitofp %get3A_219 : i32 to f32
    %le3A_238 = vector.broadcast %convert_element_type3A_237 : f32 to vector<16x256xf32>
    %le3A_239 = arith.cmpf ole, %mul3A_236, %le3A_238 : vector<16x256xf32>
    %convert_element_type3A_240 = arith.extui %le3A_239 : vector<16x256xi1> to vector<16x256xi32>
    %convert_element_type3A_241 = arith.sitofp %convert_element_type3A_240 : vector<16x256xi32> to vector<16x256xf32>
    %mul3A_242 = arith.mulf %convert_element_type3A_241, %convert_element_type3A_235 : vector<16x256xf32>
    %reduce_sum3A_243 = vector.shape_cast %mul3A_242 : vector<16x256xf32> to vector<1x16x256xf32>
    %reduce_sum3A_244 = arith.constant dense<0.000000e+00> : vector<1xf32>
    %reduce_sum3A_245 = vector.multi_reduction <add>, %reduce_sum3A_243, %reduce_sum3A_244 [1, 2] : vector<1x16x256xf32> to vector<1xf32>
    %reduce_sum3A_246 = vector.shape_cast %reduce_sum3A_245 : vector<1xf32> to vector<1x1x1xf32>
    %reduce_sum3A_247 = vector.extract %reduce_sum3A_246[0, 0, 0] : f32 from vector<1x1x1xf32>
    %convert_element_type3A_248 = arith.fptosi %reduce_sum3A_247 : f32 to i32
    %sub3A_249 = arith.constant 32768 : i32
    %sub3A_250 = arith.subi %get3A_227, %sub3A_249 : i32
    %mul3A_251 = arith.constant 65536 : i32
    %mul3A_252 = arith.muli %sub3A_250, %mul3A_251 : i32
    %mul3A_253 = arith.constant 256 : i32
    %mul3A_254 = arith.muli %get3A_231, %mul3A_253 : i32
    %add3A_255 = arith.addi %mul3A_252, %mul3A_254 : i32
    %add3A_256 = arith.addi %add3A_255, %convert_element_type3A_248 : i32
    %eq3A_257 = arith.constant 4 : i32
    %eq3A_258 = vector.broadcast %eq3A_257 : i32 to vector<1x128xi32>
    %eq3A_259 = arith.cmpi eq, %iota3A_23, %eq3A_258 : vector<1x128xi32>
    %jit3A_260 = arith.constant 0 : i32
    %broadcast_in_dim3A_261 = vector.broadcast %add3A_256 : i32 to vector<1x128xi32>
    %broadcast_in_dim3A_262 = vector.broadcast %jit3A_260 : i32 to vector<1x128xi32>
    %select_n3A_263 = arith.select %eq3A_259, %broadcast_in_dim3A_261, %broadcast_in_dim3A_262 : vector<1x128xi1>, vector<1x128xi32>
    %add3A_264 = arith.addi %add3A_215, %select_n3A_263 : vector<1x128xi32>
    %get3A_265 = arith.constant 0 : index
    %get3A_266 = arith.constant 5 : index
    %get3A_267 = vector.load %arg1[%get3A_265, %get3A_266] : memref<8x128xi32, #tpu.memory_space<vmem>>, vector<1x1xi32>
    %get3A_268 = vector.extract %get3A_267[0, 0] : i32 from vector<1x1xi32>
    %get3A_269 = arith.constant 1 : index
    %get3A_270 = arith.constant 5 : index
    %get3A_271 = vector.load %arg1[%get3A_269, %get3A_270] : memref<8x128xi32, #tpu.memory_space<vmem>>, vector<1x1xi32>
    %get3A_272 = vector.extract %get3A_271[0, 0] : i32 from vector<1x1xi32>
    %get3A_273 = arith.constant 2 : index
    %get3A_274 = arith.constant 5 : index
    %get3A_275 = vector.load %arg1[%get3A_273, %get3A_274] : memref<8x128xi32, #tpu.memory_space<vmem>>, vector<1x1xi32>
    %get3A_276 = vector.extract %get3A_275[0, 0] : i32 from vector<1x1xi32>
    %get3A_277 = arith.constant 3 : index
    %get3A_278 = arith.constant 5 : index
    %get3A_279 = vector.load %arg1[%get3A_277, %get3A_278] : memref<8x128xi32, #tpu.memory_space<vmem>>, vector<1x1xi32>
    %get3A_280 = vector.extract %get3A_279[0, 0] : i32 from vector<1x1xi32>
    %eq3A_281 = vector.broadcast %get3A_272 : i32 to vector<16x256xi32>
    %eq3A_282 = arith.cmpi eq, %iota3A_22, %eq3A_281 : vector<16x256xi32>
    %convert_element_type3A_283 = arith.extui %eq3A_282 : vector<16x256xi1> to vector<16x256xi32>
    %convert_element_type3A_284 = arith.sitofp %convert_element_type3A_283 : vector<16x256xi32> to vector<16x256xf32>
    %mul3A_285 = arith.mulf %dot_general3A_21, %convert_element_type3A_284 : vector<16x256xf32>
    %convert_element_type3A_286 = arith.sitofp %get3A_268 : i32 to f32
    %le3A_287 = vector.broadcast %convert_element_type3A_286 : f32 to vector<16x256xf32>
    %le3A_288 = arith.cmpf ole, %mul3A_285, %le3A_287 : vector<16x256xf32>
    %convert_element_type3A_289 = arith.extui %le3A_288 : vector<16x256xi1> to vector<16x256xi32>
    %convert_element_type3A_290 = arith.sitofp %convert_element_type3A_289 : vector<16x256xi32> to vector<16x256xf32>
    %mul3A_291 = arith.mulf %convert_element_type3A_290, %convert_element_type3A_284 : vector<16x256xf32>
    %reduce_sum3A_292 = vector.shape_cast %mul3A_291 : vector<16x256xf32> to vector<1x16x256xf32>
    %reduce_sum3A_293 = arith.constant dense<0.000000e+00> : vector<1xf32>
    %reduce_sum3A_294 = vector.multi_reduction <add>, %reduce_sum3A_292, %reduce_sum3A_293 [1, 2] : vector<1x16x256xf32> to vector<1xf32>
    %reduce_sum3A_295 = vector.shape_cast %reduce_sum3A_294 : vector<1xf32> to vector<1x1x1xf32>
    %reduce_sum3A_296 = vector.extract %reduce_sum3A_295[0, 0, 0] : f32 from vector<1x1x1xf32>
    %convert_element_type3A_297 = arith.fptosi %reduce_sum3A_296 : f32 to i32
    %sub3A_298 = arith.constant 32768 : i32
    %sub3A_299 = arith.subi %get3A_276, %sub3A_298 : i32
    %mul3A_300 = arith.constant 65536 : i32
    %mul3A_301 = arith.muli %sub3A_299, %mul3A_300 : i32
    %mul3A_302 = arith.constant 256 : i32
    %mul3A_303 = arith.muli %get3A_280, %mul3A_302 : i32
    %add3A_304 = arith.addi %mul3A_301, %mul3A_303 : i32
    %add3A_305 = arith.addi %add3A_304, %convert_element_type3A_297 : i32
    %eq3A_306 = arith.constant 5 : i32
    %eq3A_307 = vector.broadcast %eq3A_306 : i32 to vector<1x128xi32>
    %eq3A_308 = arith.cmpi eq, %iota3A_23, %eq3A_307 : vector<1x128xi32>
    %jit3A_309 = arith.constant 0 : i32
    %broadcast_in_dim3A_310 = vector.broadcast %add3A_305 : i32 to vector<1x128xi32>
    %broadcast_in_dim3A_311 = vector.broadcast %jit3A_309 : i32 to vector<1x128xi32>
    %select_n3A_312 = arith.select %eq3A_308, %broadcast_in_dim3A_310, %broadcast_in_dim3A_311 : vector<1x128xi1>, vector<1x128xi32>
    %add3A_313 = arith.addi %add3A_264, %select_n3A_312 : vector<1x128xi32>
    %get3A_314 = arith.constant 0 : index
    %get3A_315 = arith.constant 6 : index
    %get3A_316 = vector.load %arg1[%get3A_314, %get3A_315] : memref<8x128xi32, #tpu.memory_space<vmem>>, vector<1x1xi32>
    %get3A_317 = vector.extract %get3A_316[0, 0] : i32 from vector<1x1xi32>
    %get3A_318 = arith.constant 1 : index
    %get3A_319 = arith.constant 6 : index
    %get3A_320 = vector.load %arg1[%get3A_318, %get3A_319] : memref<8x128xi32, #tpu.memory_space<vmem>>, vector<1x1xi32>
    %get3A_321 = vector.extract %get3A_320[0, 0] : i32 from vector<1x1xi32>
    %get3A_322 = arith.constant 2 : index
    %get3A_323 = arith.constant 6 : index
    %get3A_324 = vector.load %arg1[%get3A_322, %get3A_323] : memref<8x128xi32, #tpu.memory_space<vmem>>, vector<1x1xi32>
    %get3A_325 = vector.extract %get3A_324[0, 0] : i32 from vector<1x1xi32>
    %get3A_326 = arith.constant 3 : index
    %get3A_327 = arith.constant 6 : index
    %get3A_328 = vector.load %arg1[%get3A_326, %get3A_327] : memref<8x128xi32, #tpu.memory_space<vmem>>, vector<1x1xi32>
    %get3A_329 = vector.extract %get3A_328[0, 0] : i32 from vector<1x1xi32>
    %eq3A_330 = vector.broadcast %get3A_321 : i32 to vector<16x256xi32>
    %eq3A_331 = arith.cmpi eq, %iota3A_22, %eq3A_330 : vector<16x256xi32>
    %convert_element_type3A_332 = arith.extui %eq3A_331 : vector<16x256xi1> to vector<16x256xi32>
    %convert_element_type3A_333 = arith.sitofp %convert_element_type3A_332 : vector<16x256xi32> to vector<16x256xf32>
    %mul3A_334 = arith.mulf %dot_general3A_21, %convert_element_type3A_333 : vector<16x256xf32>
    %convert_element_type3A_335 = arith.sitofp %get3A_317 : i32 to f32
    %le3A_336 = vector.broadcast %convert_element_type3A_335 : f32 to vector<16x256xf32>
    %le3A_337 = arith.cmpf ole, %mul3A_334, %le3A_336 : vector<16x256xf32>
    %convert_element_type3A_338 = arith.extui %le3A_337 : vector<16x256xi1> to vector<16x256xi32>
    %convert_element_type3A_339 = arith.sitofp %convert_element_type3A_338 : vector<16x256xi32> to vector<16x256xf32>
    %mul3A_340 = arith.mulf %convert_element_type3A_339, %convert_element_type3A_333 : vector<16x256xf32>
    %reduce_sum3A_341 = vector.shape_cast %mul3A_340 : vector<16x256xf32> to vector<1x16x256xf32>
    %reduce_sum3A_342 = arith.constant dense<0.000000e+00> : vector<1xf32>
    %reduce_sum3A_343 = vector.multi_reduction <add>, %reduce_sum3A_341, %reduce_sum3A_342 [1, 2] : vector<1x16x256xf32> to vector<1xf32>
    %reduce_sum3A_344 = vector.shape_cast %reduce_sum3A_343 : vector<1xf32> to vector<1x1x1xf32>
    %reduce_sum3A_345 = vector.extract %reduce_sum3A_344[0, 0, 0] : f32 from vector<1x1x1xf32>
    %convert_element_type3A_346 = arith.fptosi %reduce_sum3A_345 : f32 to i32
    %sub3A_347 = arith.constant 32768 : i32
    %sub3A_348 = arith.subi %get3A_325, %sub3A_347 : i32
    %mul3A_349 = arith.constant 65536 : i32
    %mul3A_350 = arith.muli %sub3A_348, %mul3A_349 : i32
    %mul3A_351 = arith.constant 256 : i32
    %mul3A_352 = arith.muli %get3A_329, %mul3A_351 : i32
    %add3A_353 = arith.addi %mul3A_350, %mul3A_352 : i32
    %add3A_354 = arith.addi %add3A_353, %convert_element_type3A_346 : i32
    %eq3A_355 = arith.constant 6 : i32
    %eq3A_356 = vector.broadcast %eq3A_355 : i32 to vector<1x128xi32>
    %eq3A_357 = arith.cmpi eq, %iota3A_23, %eq3A_356 : vector<1x128xi32>
    %jit3A_358 = arith.constant 0 : i32
    %broadcast_in_dim3A_359 = vector.broadcast %add3A_354 : i32 to vector<1x128xi32>
    %broadcast_in_dim3A_360 = vector.broadcast %jit3A_358 : i32 to vector<1x128xi32>
    %select_n3A_361 = arith.select %eq3A_357, %broadcast_in_dim3A_359, %broadcast_in_dim3A_360 : vector<1x128xi1>, vector<1x128xi32>
    %add3A_362 = arith.addi %add3A_313, %select_n3A_361 : vector<1x128xi32>
    %get3A_363 = arith.constant 0 : index
    %get3A_364 = arith.constant 7 : index
    %get3A_365 = vector.load %arg1[%get3A_363, %get3A_364] : memref<8x128xi32, #tpu.memory_space<vmem>>, vector<1x1xi32>
    %get3A_366 = vector.extract %get3A_365[0, 0] : i32 from vector<1x1xi32>
    %get3A_367 = arith.constant 1 : index
    %get3A_368 = arith.constant 7 : index
    %get3A_369 = vector.load %arg1[%get3A_367, %get3A_368] : memref<8x128xi32, #tpu.memory_space<vmem>>, vector<1x1xi32>
    %get3A_370 = vector.extract %get3A_369[0, 0] : i32 from vector<1x1xi32>
    %get3A_371 = arith.constant 2 : index
    %get3A_372 = arith.constant 7 : index
    %get3A_373 = vector.load %arg1[%get3A_371, %get3A_372] : memref<8x128xi32, #tpu.memory_space<vmem>>, vector<1x1xi32>
    %get3A_374 = vector.extract %get3A_373[0, 0] : i32 from vector<1x1xi32>
    %get3A_375 = arith.constant 3 : index
    %get3A_376 = arith.constant 7 : index
    %get3A_377 = vector.load %arg1[%get3A_375, %get3A_376] : memref<8x128xi32, #tpu.memory_space<vmem>>, vector<1x1xi32>
    %get3A_378 = vector.extract %get3A_377[0, 0] : i32 from vector<1x1xi32>
    %eq3A_379 = vector.broadcast %get3A_370 : i32 to vector<16x256xi32>
    %eq3A_380 = arith.cmpi eq, %iota3A_22, %eq3A_379 : vector<16x256xi32>
    %convert_element_type3A_381 = arith.extui %eq3A_380 : vector<16x256xi1> to vector<16x256xi32>
    %convert_element_type3A_382 = arith.sitofp %convert_element_type3A_381 : vector<16x256xi32> to vector<16x256xf32>
    %mul3A_383 = arith.mulf %dot_general3A_21, %convert_element_type3A_382 : vector<16x256xf32>
    %convert_element_type3A_384 = arith.sitofp %get3A_366 : i32 to f32
    %le3A_385 = vector.broadcast %convert_element_type3A_384 : f32 to vector<16x256xf32>
    %le3A_386 = arith.cmpf ole, %mul3A_383, %le3A_385 : vector<16x256xf32>
    %convert_element_type3A_387 = arith.extui %le3A_386 : vector<16x256xi1> to vector<16x256xi32>
    %convert_element_type3A_388 = arith.sitofp %convert_element_type3A_387 : vector<16x256xi32> to vector<16x256xf32>
    %mul3A_389 = arith.mulf %convert_element_type3A_388, %convert_element_type3A_382 : vector<16x256xf32>
    %reduce_sum3A_390 = vector.shape_cast %mul3A_389 : vector<16x256xf32> to vector<1x16x256xf32>
    %reduce_sum3A_391 = arith.constant dense<0.000000e+00> : vector<1xf32>
    %reduce_sum3A_392 = vector.multi_reduction <add>, %reduce_sum3A_390, %reduce_sum3A_391 [1, 2] : vector<1x16x256xf32> to vector<1xf32>
    %reduce_sum3A_393 = vector.shape_cast %reduce_sum3A_392 : vector<1xf32> to vector<1x1x1xf32>
    %reduce_sum3A_394 = vector.extract %reduce_sum3A_393[0, 0, 0] : f32 from vector<1x1x1xf32>
    %convert_element_type3A_395 = arith.fptosi %reduce_sum3A_394 : f32 to i32
    %sub3A_396 = arith.constant 32768 : i32
    %sub3A_397 = arith.subi %get3A_374, %sub3A_396 : i32
    %mul3A_398 = arith.constant 65536 : i32
    %mul3A_399 = arith.muli %sub3A_397, %mul3A_398 : i32
    %mul3A_400 = arith.constant 256 : i32
    %mul3A_401 = arith.muli %get3A_378, %mul3A_400 : i32
    %add3A_402 = arith.addi %mul3A_399, %mul3A_401 : i32
    %add3A_403 = arith.addi %add3A_402, %convert_element_type3A_395 : i32
    %eq3A_404 = arith.constant 7 : i32
    %eq3A_405 = vector.broadcast %eq3A_404 : i32 to vector<1x128xi32>
    %eq3A_406 = arith.cmpi eq, %iota3A_23, %eq3A_405 : vector<1x128xi32>
    %jit3A_407 = arith.constant 0 : i32
    %broadcast_in_dim3A_408 = vector.broadcast %add3A_403 : i32 to vector<1x128xi32>
    %broadcast_in_dim3A_409 = vector.broadcast %jit3A_407 : i32 to vector<1x128xi32>
    %select_n3A_410 = arith.select %eq3A_406, %broadcast_in_dim3A_408, %broadcast_in_dim3A_409 : vector<1x128xi1>, vector<1x128xi32>
    %add3A_411 = arith.addi %add3A_362, %select_n3A_410 : vector<1x128xi32>
    %get3A_412 = arith.constant 0 : index
    %get3A_413 = arith.constant 8 : index
    %get3A_414 = vector.load %arg1[%get3A_412, %get3A_413] : memref<8x128xi32, #tpu.memory_space<vmem>>, vector<1x1xi32>
    %get3A_415 = vector.extract %get3A_414[0, 0] : i32 from vector<1x1xi32>
    %get3A_416 = arith.constant 1 : index
    %get3A_417 = arith.constant 8 : index
    %get3A_418 = vector.load %arg1[%get3A_416, %get3A_417] : memref<8x128xi32, #tpu.memory_space<vmem>>, vector<1x1xi32>
    %get3A_419 = vector.extract %get3A_418[0, 0] : i32 from vector<1x1xi32>
    %get3A_420 = arith.constant 2 : index
    %get3A_421 = arith.constant 8 : index
    %get3A_422 = vector.load %arg1[%get3A_420, %get3A_421] : memref<8x128xi32, #tpu.memory_space<vmem>>, vector<1x1xi32>
    %get3A_423 = vector.extract %get3A_422[0, 0] : i32 from vector<1x1xi32>
    %get3A_424 = arith.constant 3 : index
    %get3A_425 = arith.constant 8 : index
    %get3A_426 = vector.load %arg1[%get3A_424, %get3A_425] : memref<8x128xi32, #tpu.memory_space<vmem>>, vector<1x1xi32>
    %get3A_427 = vector.extract %get3A_426[0, 0] : i32 from vector<1x1xi32>
    %eq3A_428 = vector.broadcast %get3A_419 : i32 to vector<16x256xi32>
    %eq3A_429 = arith.cmpi eq, %iota3A_22, %eq3A_428 : vector<16x256xi32>
    %convert_element_type3A_430 = arith.extui %eq3A_429 : vector<16x256xi1> to vector<16x256xi32>
    %convert_element_type3A_431 = arith.sitofp %convert_element_type3A_430 : vector<16x256xi32> to vector<16x256xf32>
    %mul3A_432 = arith.mulf %dot_general3A_21, %convert_element_type3A_431 : vector<16x256xf32>
    %convert_element_type3A_433 = arith.sitofp %get3A_415 : i32 to f32
    %le3A_434 = vector.broadcast %convert_element_type3A_433 : f32 to vector<16x256xf32>
    %le3A_435 = arith.cmpf ole, %mul3A_432, %le3A_434 : vector<16x256xf32>
    %convert_element_type3A_436 = arith.extui %le3A_435 : vector<16x256xi1> to vector<16x256xi32>
    %convert_element_type3A_437 = arith.sitofp %convert_element_type3A_436 : vector<16x256xi32> to vector<16x256xf32>
    %mul3A_438 = arith.mulf %convert_element_type3A_437, %convert_element_type3A_431 : vector<16x256xf32>
    %reduce_sum3A_439 = vector.shape_cast %mul3A_438 : vector<16x256xf32> to vector<1x16x256xf32>
    %reduce_sum3A_440 = arith.constant dense<0.000000e+00> : vector<1xf32>
    %reduce_sum3A_441 = vector.multi_reduction <add>, %reduce_sum3A_439, %reduce_sum3A_440 [1, 2] : vector<1x16x256xf32> to vector<1xf32>
    %reduce_sum3A_442 = vector.shape_cast %reduce_sum3A_441 : vector<1xf32> to vector<1x1x1xf32>
    %reduce_sum3A_443 = vector.extract %reduce_sum3A_442[0, 0, 0] : f32 from vector<1x1x1xf32>
    %convert_element_type3A_444 = arith.fptosi %reduce_sum3A_443 : f32 to i32
    %sub3A_445 = arith.constant 32768 : i32
    %sub3A_446 = arith.subi %get3A_423, %sub3A_445 : i32
    %mul3A_447 = arith.constant 65536 : i32
    %mul3A_448 = arith.muli %sub3A_446, %mul3A_447 : i32
    %mul3A_449 = arith.constant 256 : i32
    %mul3A_450 = arith.muli %get3A_427, %mul3A_449 : i32
    %add3A_451 = arith.addi %mul3A_448, %mul3A_450 : i32
    %add3A_452 = arith.addi %add3A_451, %convert_element_type3A_444 : i32
    %eq3A_453 = arith.constant 8 : i32
    %eq3A_454 = vector.broadcast %eq3A_453 : i32 to vector<1x128xi32>
    %eq3A_455 = arith.cmpi eq, %iota3A_23, %eq3A_454 : vector<1x128xi32>
    %jit3A_456 = arith.constant 0 : i32
    %broadcast_in_dim3A_457 = vector.broadcast %add3A_452 : i32 to vector<1x128xi32>
    %broadcast_in_dim3A_458 = vector.broadcast %jit3A_456 : i32 to vector<1x128xi32>
    %select_n3A_459 = arith.select %eq3A_455, %broadcast_in_dim3A_457, %broadcast_in_dim3A_458 : vector<1x128xi1>, vector<1x128xi32>
    %add3A_460 = arith.addi %add3A_411, %select_n3A_459 : vector<1x128xi32>
    %get3A_461 = arith.constant 0 : index
    %get3A_462 = arith.constant 9 : index
    %get3A_463 = vector.load %arg1[%get3A_461, %get3A_462] : memref<8x128xi32, #tpu.memory_space<vmem>>, vector<1x1xi32>
    %get3A_464 = vector.extract %get3A_463[0, 0] : i32 from vector<1x1xi32>
    %get3A_465 = arith.constant 1 : index
    %get3A_466 = arith.constant 9 : index
    %get3A_467 = vector.load %arg1[%get3A_465, %get3A_466] : memref<8x128xi32, #tpu.memory_space<vmem>>, vector<1x1xi32>
    %get3A_468 = vector.extract %get3A_467[0, 0] : i32 from vector<1x1xi32>
    %get3A_469 = arith.constant 2 : index
    %get3A_470 = arith.constant 9 : index
    %get3A_471 = vector.load %arg1[%get3A_469, %get3A_470] : memref<8x128xi32, #tpu.memory_space<vmem>>, vector<1x1xi32>
    %get3A_472 = vector.extract %get3A_471[0, 0] : i32 from vector<1x1xi32>
    %get3A_473 = arith.constant 3 : index
    %get3A_474 = arith.constant 9 : index
    %get3A_475 = vector.load %arg1[%get3A_473, %get3A_474] : memref<8x128xi32, #tpu.memory_space<vmem>>, vector<1x1xi32>
    %get3A_476 = vector.extract %get3A_475[0, 0] : i32 from vector<1x1xi32>
    %eq3A_477 = vector.broadcast %get3A_468 : i32 to vector<16x256xi32>
    %eq3A_478 = arith.cmpi eq, %iota3A_22, %eq3A_477 : vector<16x256xi32>
    %convert_element_type3A_479 = arith.extui %eq3A_478 : vector<16x256xi1> to vector<16x256xi32>
    %convert_element_type3A_480 = arith.sitofp %convert_element_type3A_479 : vector<16x256xi32> to vector<16x256xf32>
    %mul3A_481 = arith.mulf %dot_general3A_21, %convert_element_type3A_480 : vector<16x256xf32>
    %convert_element_type3A_482 = arith.sitofp %get3A_464 : i32 to f32
    %le3A_483 = vector.broadcast %convert_element_type3A_482 : f32 to vector<16x256xf32>
    %le3A_484 = arith.cmpf ole, %mul3A_481, %le3A_483 : vector<16x256xf32>
    %convert_element_type3A_485 = arith.extui %le3A_484 : vector<16x256xi1> to vector<16x256xi32>
    %convert_element_type3A_486 = arith.sitofp %convert_element_type3A_485 : vector<16x256xi32> to vector<16x256xf32>
    %mul3A_487 = arith.mulf %convert_element_type3A_486, %convert_element_type3A_480 : vector<16x256xf32>
    %reduce_sum3A_488 = vector.shape_cast %mul3A_487 : vector<16x256xf32> to vector<1x16x256xf32>
    %reduce_sum3A_489 = arith.constant dense<0.000000e+00> : vector<1xf32>
    %reduce_sum3A_490 = vector.multi_reduction <add>, %reduce_sum3A_488, %reduce_sum3A_489 [1, 2] : vector<1x16x256xf32> to vector<1xf32>
    %reduce_sum3A_491 = vector.shape_cast %reduce_sum3A_490 : vector<1xf32> to vector<1x1x1xf32>
    %reduce_sum3A_492 = vector.extract %reduce_sum3A_491[0, 0, 0] : f32 from vector<1x1x1xf32>
    %convert_element_type3A_493 = arith.fptosi %reduce_sum3A_492 : f32 to i32
    %sub3A_494 = arith.constant 32768 : i32
    %sub3A_495 = arith.subi %get3A_472, %sub3A_494 : i32
    %mul3A_496 = arith.constant 65536 : i32
    %mul3A_497 = arith.muli %sub3A_495, %mul3A_496 : i32
    %mul3A_498 = arith.constant 256 : i32
    %mul3A_499 = arith.muli %get3A_476, %mul3A_498 : i32
    %add3A_500 = arith.addi %mul3A_497, %mul3A_499 : i32
    %add3A_501 = arith.addi %add3A_500, %convert_element_type3A_493 : i32
    %eq3A_502 = arith.constant 9 : i32
    %eq3A_503 = vector.broadcast %eq3A_502 : i32 to vector<1x128xi32>
    %eq3A_504 = arith.cmpi eq, %iota3A_23, %eq3A_503 : vector<1x128xi32>
    %jit3A_505 = arith.constant 0 : i32
    %broadcast_in_dim3A_506 = vector.broadcast %add3A_501 : i32 to vector<1x128xi32>
    %broadcast_in_dim3A_507 = vector.broadcast %jit3A_505 : i32 to vector<1x128xi32>
    %select_n3A_508 = arith.select %eq3A_504, %broadcast_in_dim3A_506, %broadcast_in_dim3A_507 : vector<1x128xi1>, vector<1x128xi32>
    %add3A_509 = arith.addi %add3A_460, %select_n3A_508 : vector<1x128xi32>
    %get3A_510 = arith.constant 0 : index
    %get3A_511 = arith.constant 10 : index
    %get3A_512 = vector.load %arg1[%get3A_510, %get3A_511] : memref<8x128xi32, #tpu.memory_space<vmem>>, vector<1x1xi32>
    %get3A_513 = vector.extract %get3A_512[0, 0] : i32 from vector<1x1xi32>
    %get3A_514 = arith.constant 1 : index
    %get3A_515 = arith.constant 10 : index
    %get3A_516 = vector.load %arg1[%get3A_514, %get3A_515] : memref<8x128xi32, #tpu.memory_space<vmem>>, vector<1x1xi32>
    %get3A_517 = vector.extract %get3A_516[0, 0] : i32 from vector<1x1xi32>
    %get3A_518 = arith.constant 2 : index
    %get3A_519 = arith.constant 10 : index
    %get3A_520 = vector.load %arg1[%get3A_518, %get3A_519] : memref<8x128xi32, #tpu.memory_space<vmem>>, vector<1x1xi32>
    %get3A_521 = vector.extract %get3A_520[0, 0] : i32 from vector<1x1xi32>
    %get3A_522 = arith.constant 3 : index
    %get3A_523 = arith.constant 10 : index
    %get3A_524 = vector.load %arg1[%get3A_522, %get3A_523] : memref<8x128xi32, #tpu.memory_space<vmem>>, vector<1x1xi32>
    %get3A_525 = vector.extract %get3A_524[0, 0] : i32 from vector<1x1xi32>
    %eq3A_526 = vector.broadcast %get3A_517 : i32 to vector<16x256xi32>
    %eq3A_527 = arith.cmpi eq, %iota3A_22, %eq3A_526 : vector<16x256xi32>
    %convert_element_type3A_528 = arith.extui %eq3A_527 : vector<16x256xi1> to vector<16x256xi32>
    %convert_element_type3A_529 = arith.sitofp %convert_element_type3A_528 : vector<16x256xi32> to vector<16x256xf32>
    %mul3A_530 = arith.mulf %dot_general3A_21, %convert_element_type3A_529 : vector<16x256xf32>
    %convert_element_type3A_531 = arith.sitofp %get3A_513 : i32 to f32
    %le3A_532 = vector.broadcast %convert_element_type3A_531 : f32 to vector<16x256xf32>
    %le3A_533 = arith.cmpf ole, %mul3A_530, %le3A_532 : vector<16x256xf32>
    %convert_element_type3A_534 = arith.extui %le3A_533 : vector<16x256xi1> to vector<16x256xi32>
    %convert_element_type3A_535 = arith.sitofp %convert_element_type3A_534 : vector<16x256xi32> to vector<16x256xf32>
    %mul3A_536 = arith.mulf %convert_element_type3A_535, %convert_element_type3A_529 : vector<16x256xf32>
    %reduce_sum3A_537 = vector.shape_cast %mul3A_536 : vector<16x256xf32> to vector<1x16x256xf32>
    %reduce_sum3A_538 = arith.constant dense<0.000000e+00> : vector<1xf32>
    %reduce_sum3A_539 = vector.multi_reduction <add>, %reduce_sum3A_537, %reduce_sum3A_538 [1, 2] : vector<1x16x256xf32> to vector<1xf32>
    %reduce_sum3A_540 = vector.shape_cast %reduce_sum3A_539 : vector<1xf32> to vector<1x1x1xf32>
    %reduce_sum3A_541 = vector.extract %reduce_sum3A_540[0, 0, 0] : f32 from vector<1x1x1xf32>
    %convert_element_type3A_542 = arith.fptosi %reduce_sum3A_541 : f32 to i32
    %sub3A_543 = arith.constant 32768 : i32
    %sub3A_544 = arith.subi %get3A_521, %sub3A_543 : i32
    %mul3A_545 = arith.constant 65536 : i32
    %mul3A_546 = arith.muli %sub3A_544, %mul3A_545 : i32
    %mul3A_547 = arith.constant 256 : i32
    %mul3A_548 = arith.muli %get3A_525, %mul3A_547 : i32
    %add3A_549 = arith.addi %mul3A_546, %mul3A_548 : i32
    %add3A_550 = arith.addi %add3A_549, %convert_element_type3A_542 : i32
    %eq3A_551 = arith.constant 10 : i32
    %eq3A_552 = vector.broadcast %eq3A_551 : i32 to vector<1x128xi32>
    %eq3A_553 = arith.cmpi eq, %iota3A_23, %eq3A_552 : vector<1x128xi32>
    %jit3A_554 = arith.constant 0 : i32
    %broadcast_in_dim3A_555 = vector.broadcast %add3A_550 : i32 to vector<1x128xi32>
    %broadcast_in_dim3A_556 = vector.broadcast %jit3A_554 : i32 to vector<1x128xi32>
    %select_n3A_557 = arith.select %eq3A_553, %broadcast_in_dim3A_555, %broadcast_in_dim3A_556 : vector<1x128xi1>, vector<1x128xi32>
    %add3A_558 = arith.addi %add3A_509, %select_n3A_557 : vector<1x128xi32>
    %get3A_559 = arith.constant 0 : index
    %get3A_560 = arith.constant 11 : index
    %get3A_561 = vector.load %arg1[%get3A_559, %get3A_560] : memref<8x128xi32, #tpu.memory_space<vmem>>, vector<1x1xi32>
    %get3A_562 = vector.extract %get3A_561[0, 0] : i32 from vector<1x1xi32>
    %get3A_563 = arith.constant 1 : index
    %get3A_564 = arith.constant 11 : index
    %get3A_565 = vector.load %arg1[%get3A_563, %get3A_564] : memref<8x128xi32, #tpu.memory_space<vmem>>, vector<1x1xi32>
    %get3A_566 = vector.extract %get3A_565[0, 0] : i32 from vector<1x1xi32>
    %get3A_567 = arith.constant 2 : index
    %get3A_568 = arith.constant 11 : index
    %get3A_569 = vector.load %arg1[%get3A_567, %get3A_568] : memref<8x128xi32, #tpu.memory_space<vmem>>, vector<1x1xi32>
    %get3A_570 = vector.extract %get3A_569[0, 0] : i32 from vector<1x1xi32>
    %get3A_571 = arith.constant 3 : index
    %get3A_572 = arith.constant 11 : index
    %get3A_573 = vector.load %arg1[%get3A_571, %get3A_572] : memref<8x128xi32, #tpu.memory_space<vmem>>, vector<1x1xi32>
    %get3A_574 = vector.extract %get3A_573[0, 0] : i32 from vector<1x1xi32>
    %eq3A_575 = vector.broadcast %get3A_566 : i32 to vector<16x256xi32>
    %eq3A_576 = arith.cmpi eq, %iota3A_22, %eq3A_575 : vector<16x256xi32>
    %convert_element_type3A_577 = arith.extui %eq3A_576 : vector<16x256xi1> to vector<16x256xi32>
    %convert_element_type3A_578 = arith.sitofp %convert_element_type3A_577 : vector<16x256xi32> to vector<16x256xf32>
    %mul3A_579 = arith.mulf %dot_general3A_21, %convert_element_type3A_578 : vector<16x256xf32>
    %convert_element_type3A_580 = arith.sitofp %get3A_562 : i32 to f32
    %le3A_581 = vector.broadcast %convert_element_type3A_580 : f32 to vector<16x256xf32>
    %le3A_582 = arith.cmpf ole, %mul3A_579, %le3A_581 : vector<16x256xf32>
    %convert_element_type3A_583 = arith.extui %le3A_582 : vector<16x256xi1> to vector<16x256xi32>
    %convert_element_type3A_584 = arith.sitofp %convert_element_type3A_583 : vector<16x256xi32> to vector<16x256xf32>
    %mul3A_585 = arith.mulf %convert_element_type3A_584, %convert_element_type3A_578 : vector<16x256xf32>
    %reduce_sum3A_586 = vector.shape_cast %mul3A_585 : vector<16x256xf32> to vector<1x16x256xf32>
    %reduce_sum3A_587 = arith.constant dense<0.000000e+00> : vector<1xf32>
    %reduce_sum3A_588 = vector.multi_reduction <add>, %reduce_sum3A_586, %reduce_sum3A_587 [1, 2] : vector<1x16x256xf32> to vector<1xf32>
    %reduce_sum3A_589 = vector.shape_cast %reduce_sum3A_588 : vector<1xf32> to vector<1x1x1xf32>
    %reduce_sum3A_590 = vector.extract %reduce_sum3A_589[0, 0, 0] : f32 from vector<1x1x1xf32>
    %convert_element_type3A_591 = arith.fptosi %reduce_sum3A_590 : f32 to i32
    %sub3A_592 = arith.constant 32768 : i32
    %sub3A_593 = arith.subi %get3A_570, %sub3A_592 : i32
    %mul3A_594 = arith.constant 65536 : i32
    %mul3A_595 = arith.muli %sub3A_593, %mul3A_594 : i32
    %mul3A_596 = arith.constant 256 : i32
    %mul3A_597 = arith.muli %get3A_574, %mul3A_596 : i32
    %add3A_598 = arith.addi %mul3A_595, %mul3A_597 : i32
    %add3A_599 = arith.addi %add3A_598, %convert_element_type3A_591 : i32
    %eq3A_600 = arith.constant 11 : i32
    %eq3A_601 = vector.broadcast %eq3A_600 : i32 to vector<1x128xi32>
    %eq3A_602 = arith.cmpi eq, %iota3A_23, %eq3A_601 : vector<1x128xi32>
    %jit3A_603 = arith.constant 0 : i32
    %broadcast_in_dim3A_604 = vector.broadcast %add3A_599 : i32 to vector<1x128xi32>
    %broadcast_in_dim3A_605 = vector.broadcast %jit3A_603 : i32 to vector<1x128xi32>
    %select_n3A_606 = arith.select %eq3A_602, %broadcast_in_dim3A_604, %broadcast_in_dim3A_605 : vector<1x128xi1>, vector<1x128xi32>
    %add3A_607 = arith.addi %add3A_558, %select_n3A_606 : vector<1x128xi32>
    %get3A_608 = arith.constant 0 : index
    %get3A_609 = arith.constant 12 : index
    %get3A_610 = vector.load %arg1[%get3A_608, %get3A_609] : memref<8x128xi32, #tpu.memory_space<vmem>>, vector<1x1xi32>
    %get3A_611 = vector.extract %get3A_610[0, 0] : i32 from vector<1x1xi32>
    %get3A_612 = arith.constant 1 : index
    %get3A_613 = arith.constant 12 : index
    %get3A_614 = vector.load %arg1[%get3A_612, %get3A_613] : memref<8x128xi32, #tpu.memory_space<vmem>>, vector<1x1xi32>
    %get3A_615 = vector.extract %get3A_614[0, 0] : i32 from vector<1x1xi32>
    %get3A_616 = arith.constant 2 : index
    %get3A_617 = arith.constant 12 : index
    %get3A_618 = vector.load %arg1[%get3A_616, %get3A_617] : memref<8x128xi32, #tpu.memory_space<vmem>>, vector<1x1xi32>
    %get3A_619 = vector.extract %get3A_618[0, 0] : i32 from vector<1x1xi32>
    %get3A_620 = arith.constant 3 : index
    %get3A_621 = arith.constant 12 : index
    %get3A_622 = vector.load %arg1[%get3A_620, %get3A_621] : memref<8x128xi32, #tpu.memory_space<vmem>>, vector<1x1xi32>
    %get3A_623 = vector.extract %get3A_622[0, 0] : i32 from vector<1x1xi32>
    %eq3A_624 = vector.broadcast %get3A_615 : i32 to vector<16x256xi32>
    %eq3A_625 = arith.cmpi eq, %iota3A_22, %eq3A_624 : vector<16x256xi32>
    %convert_element_type3A_626 = arith.extui %eq3A_625 : vector<16x256xi1> to vector<16x256xi32>
    %convert_element_type3A_627 = arith.sitofp %convert_element_type3A_626 : vector<16x256xi32> to vector<16x256xf32>
    %mul3A_628 = arith.mulf %dot_general3A_21, %convert_element_type3A_627 : vector<16x256xf32>
    %convert_element_type3A_629 = arith.sitofp %get3A_611 : i32 to f32
    %le3A_630 = vector.broadcast %convert_element_type3A_629 : f32 to vector<16x256xf32>
    %le3A_631 = arith.cmpf ole, %mul3A_628, %le3A_630 : vector<16x256xf32>
    %convert_element_type3A_632 = arith.extui %le3A_631 : vector<16x256xi1> to vector<16x256xi32>
    %convert_element_type3A_633 = arith.sitofp %convert_element_type3A_632 : vector<16x256xi32> to vector<16x256xf32>
    %mul3A_634 = arith.mulf %convert_element_type3A_633, %convert_element_type3A_627 : vector<16x256xf32>
    %reduce_sum3A_635 = vector.shape_cast %mul3A_634 : vector<16x256xf32> to vector<1x16x256xf32>
    %reduce_sum3A_636 = arith.constant dense<0.000000e+00> : vector<1xf32>
    %reduce_sum3A_637 = vector.multi_reduction <add>, %reduce_sum3A_635, %reduce_sum3A_636 [1, 2] : vector<1x16x256xf32> to vector<1xf32>
    %reduce_sum3A_638 = vector.shape_cast %reduce_sum3A_637 : vector<1xf32> to vector<1x1x1xf32>
    %reduce_sum3A_639 = vector.extract %reduce_sum3A_638[0, 0, 0] : f32 from vector<1x1x1xf32>
    %convert_element_type3A_640 = arith.fptosi %reduce_sum3A_639 : f32 to i32
    %sub3A_641 = arith.constant 32768 : i32
    %sub3A_642 = arith.subi %get3A_619, %sub3A_641 : i32
    %mul3A_643 = arith.constant 65536 : i32
    %mul3A_644 = arith.muli %sub3A_642, %mul3A_643 : i32
    %mul3A_645 = arith.constant 256 : i32
    %mul3A_646 = arith.muli %get3A_623, %mul3A_645 : i32
    %add3A_647 = arith.addi %mul3A_644, %mul3A_646 : i32
    %add3A_648 = arith.addi %add3A_647, %convert_element_type3A_640 : i32
    %eq3A_649 = arith.constant 12 : i32
    %eq3A_650 = vector.broadcast %eq3A_649 : i32 to vector<1x128xi32>
    %eq3A_651 = arith.cmpi eq, %iota3A_23, %eq3A_650 : vector<1x128xi32>
    %jit3A_652 = arith.constant 0 : i32
    %broadcast_in_dim3A_653 = vector.broadcast %add3A_648 : i32 to vector<1x128xi32>
    %broadcast_in_dim3A_654 = vector.broadcast %jit3A_652 : i32 to vector<1x128xi32>
    %select_n3A_655 = arith.select %eq3A_651, %broadcast_in_dim3A_653, %broadcast_in_dim3A_654 : vector<1x128xi1>, vector<1x128xi32>
    %add3A_656 = arith.addi %add3A_607, %select_n3A_655 : vector<1x128xi32>
    %get3A_657 = arith.constant 0 : index
    %get3A_658 = arith.constant 13 : index
    %get3A_659 = vector.load %arg1[%get3A_657, %get3A_658] : memref<8x128xi32, #tpu.memory_space<vmem>>, vector<1x1xi32>
    %get3A_660 = vector.extract %get3A_659[0, 0] : i32 from vector<1x1xi32>
    %get3A_661 = arith.constant 1 : index
    %get3A_662 = arith.constant 13 : index
    %get3A_663 = vector.load %arg1[%get3A_661, %get3A_662] : memref<8x128xi32, #tpu.memory_space<vmem>>, vector<1x1xi32>
    %get3A_664 = vector.extract %get3A_663[0, 0] : i32 from vector<1x1xi32>
    %get3A_665 = arith.constant 2 : index
    %get3A_666 = arith.constant 13 : index
    %get3A_667 = vector.load %arg1[%get3A_665, %get3A_666] : memref<8x128xi32, #tpu.memory_space<vmem>>, vector<1x1xi32>
    %get3A_668 = vector.extract %get3A_667[0, 0] : i32 from vector<1x1xi32>
    %get3A_669 = arith.constant 3 : index
    %get3A_670 = arith.constant 13 : index
    %get3A_671 = vector.load %arg1[%get3A_669, %get3A_670] : memref<8x128xi32, #tpu.memory_space<vmem>>, vector<1x1xi32>
    %get3A_672 = vector.extract %get3A_671[0, 0] : i32 from vector<1x1xi32>
    %eq3A_673 = vector.broadcast %get3A_664 : i32 to vector<16x256xi32>
    %eq3A_674 = arith.cmpi eq, %iota3A_22, %eq3A_673 : vector<16x256xi32>
    %convert_element_type3A_675 = arith.extui %eq3A_674 : vector<16x256xi1> to vector<16x256xi32>
    %convert_element_type3A_676 = arith.sitofp %convert_element_type3A_675 : vector<16x256xi32> to vector<16x256xf32>
    %mul3A_677 = arith.mulf %dot_general3A_21, %convert_element_type3A_676 : vector<16x256xf32>
    %convert_element_type3A_678 = arith.sitofp %get3A_660 : i32 to f32
    %le3A_679 = vector.broadcast %convert_element_type3A_678 : f32 to vector<16x256xf32>
    %le3A_680 = arith.cmpf ole, %mul3A_677, %le3A_679 : vector<16x256xf32>
    %convert_element_type3A_681 = arith.extui %le3A_680 : vector<16x256xi1> to vector<16x256xi32>
    %convert_element_type3A_682 = arith.sitofp %convert_element_type3A_681 : vector<16x256xi32> to vector<16x256xf32>
    %mul3A_683 = arith.mulf %convert_element_type3A_682, %convert_element_type3A_676 : vector<16x256xf32>
    %reduce_sum3A_684 = vector.shape_cast %mul3A_683 : vector<16x256xf32> to vector<1x16x256xf32>
    %reduce_sum3A_685 = arith.constant dense<0.000000e+00> : vector<1xf32>
    %reduce_sum3A_686 = vector.multi_reduction <add>, %reduce_sum3A_684, %reduce_sum3A_685 [1, 2] : vector<1x16x256xf32> to vector<1xf32>
    %reduce_sum3A_687 = vector.shape_cast %reduce_sum3A_686 : vector<1xf32> to vector<1x1x1xf32>
    %reduce_sum3A_688 = vector.extract %reduce_sum3A_687[0, 0, 0] : f32 from vector<1x1x1xf32>
    %convert_element_type3A_689 = arith.fptosi %reduce_sum3A_688 : f32 to i32
    %sub3A_690 = arith.constant 32768 : i32
    %sub3A_691 = arith.subi %get3A_668, %sub3A_690 : i32
    %mul3A_692 = arith.constant 65536 : i32
    %mul3A_693 = arith.muli %sub3A_691, %mul3A_692 : i32
    %mul3A_694 = arith.constant 256 : i32
    %mul3A_695 = arith.muli %get3A_672, %mul3A_694 : i32
    %add3A_696 = arith.addi %mul3A_693, %mul3A_695 : i32
    %add3A_697 = arith.addi %add3A_696, %convert_element_type3A_689 : i32
    %eq3A_698 = arith.constant 13 : i32
    %eq3A_699 = vector.broadcast %eq3A_698 : i32 to vector<1x128xi32>
    %eq3A_700 = arith.cmpi eq, %iota3A_23, %eq3A_699 : vector<1x128xi32>
    %jit3A_701 = arith.constant 0 : i32
    %broadcast_in_dim3A_702 = vector.broadcast %add3A_697 : i32 to vector<1x128xi32>
    %broadcast_in_dim3A_703 = vector.broadcast %jit3A_701 : i32 to vector<1x128xi32>
    %select_n3A_704 = arith.select %eq3A_700, %broadcast_in_dim3A_702, %broadcast_in_dim3A_703 : vector<1x128xi1>, vector<1x128xi32>
    %add3A_705 = arith.addi %add3A_656, %select_n3A_704 : vector<1x128xi32>
    %get3A_706 = arith.constant 0 : index
    %get3A_707 = arith.constant 14 : index
    %get3A_708 = vector.load %arg1[%get3A_706, %get3A_707] : memref<8x128xi32, #tpu.memory_space<vmem>>, vector<1x1xi32>
    %get3A_709 = vector.extract %get3A_708[0, 0] : i32 from vector<1x1xi32>
    %get3A_710 = arith.constant 1 : index
    %get3A_711 = arith.constant 14 : index
    %get3A_712 = vector.load %arg1[%get3A_710, %get3A_711] : memref<8x128xi32, #tpu.memory_space<vmem>>, vector<1x1xi32>
    %get3A_713 = vector.extract %get3A_712[0, 0] : i32 from vector<1x1xi32>
    %get3A_714 = arith.constant 2 : index
    %get3A_715 = arith.constant 14 : index
    %get3A_716 = vector.load %arg1[%get3A_714, %get3A_715] : memref<8x128xi32, #tpu.memory_space<vmem>>, vector<1x1xi32>
    %get3A_717 = vector.extract %get3A_716[0, 0] : i32 from vector<1x1xi32>
    %get3A_718 = arith.constant 3 : index
    %get3A_719 = arith.constant 14 : index
    %get3A_720 = vector.load %arg1[%get3A_718, %get3A_719] : memref<8x128xi32, #tpu.memory_space<vmem>>, vector<1x1xi32>
    %get3A_721 = vector.extract %get3A_720[0, 0] : i32 from vector<1x1xi32>
    %eq3A_722 = vector.broadcast %get3A_713 : i32 to vector<16x256xi32>
    %eq3A_723 = arith.cmpi eq, %iota3A_22, %eq3A_722 : vector<16x256xi32>
    %convert_element_type3A_724 = arith.extui %eq3A_723 : vector<16x256xi1> to vector<16x256xi32>
    %convert_element_type3A_725 = arith.sitofp %convert_element_type3A_724 : vector<16x256xi32> to vector<16x256xf32>
    %mul3A_726 = arith.mulf %dot_general3A_21, %convert_element_type3A_725 : vector<16x256xf32>
    %convert_element_type3A_727 = arith.sitofp %get3A_709 : i32 to f32
    %le3A_728 = vector.broadcast %convert_element_type3A_727 : f32 to vector<16x256xf32>
    %le3A_729 = arith.cmpf ole, %mul3A_726, %le3A_728 : vector<16x256xf32>
    %convert_element_type3A_730 = arith.extui %le3A_729 : vector<16x256xi1> to vector<16x256xi32>
    %convert_element_type3A_731 = arith.sitofp %convert_element_type3A_730 : vector<16x256xi32> to vector<16x256xf32>
    %mul3A_732 = arith.mulf %convert_element_type3A_731, %convert_element_type3A_725 : vector<16x256xf32>
    %reduce_sum3A_733 = vector.shape_cast %mul3A_732 : vector<16x256xf32> to vector<1x16x256xf32>
    %reduce_sum3A_734 = arith.constant dense<0.000000e+00> : vector<1xf32>
    %reduce_sum3A_735 = vector.multi_reduction <add>, %reduce_sum3A_733, %reduce_sum3A_734 [1, 2] : vector<1x16x256xf32> to vector<1xf32>
    %reduce_sum3A_736 = vector.shape_cast %reduce_sum3A_735 : vector<1xf32> to vector<1x1x1xf32>
    %reduce_sum3A_737 = vector.extract %reduce_sum3A_736[0, 0, 0] : f32 from vector<1x1x1xf32>
    %convert_element_type3A_738 = arith.fptosi %reduce_sum3A_737 : f32 to i32
    %sub3A_739 = arith.constant 32768 : i32
    %sub3A_740 = arith.subi %get3A_717, %sub3A_739 : i32
    %mul3A_741 = arith.constant 65536 : i32
    %mul3A_742 = arith.muli %sub3A_740, %mul3A_741 : i32
    %mul3A_743 = arith.constant 256 : i32
    %mul3A_744 = arith.muli %get3A_721, %mul3A_743 : i32
    %add3A_745 = arith.addi %mul3A_742, %mul3A_744 : i32
    %add3A_746 = arith.addi %add3A_745, %convert_element_type3A_738 : i32
    %eq3A_747 = arith.constant 14 : i32
    %eq3A_748 = vector.broadcast %eq3A_747 : i32 to vector<1x128xi32>
    %eq3A_749 = arith.cmpi eq, %iota3A_23, %eq3A_748 : vector<1x128xi32>
    %jit3A_750 = arith.constant 0 : i32
    %broadcast_in_dim3A_751 = vector.broadcast %add3A_746 : i32 to vector<1x128xi32>
    %broadcast_in_dim3A_752 = vector.broadcast %jit3A_750 : i32 to vector<1x128xi32>
    %select_n3A_753 = arith.select %eq3A_749, %broadcast_in_dim3A_751, %broadcast_in_dim3A_752 : vector<1x128xi1>, vector<1x128xi32>
    %add3A_754 = arith.addi %add3A_705, %select_n3A_753 : vector<1x128xi32>
    %shift_right_arithmetic3A = arith.constant 31 : i32
    %shift_right_arithmetic3A_755 = vector.broadcast %shift_right_arithmetic3A : i32 to vector<1x128xi32>
    %shift_right_arithmetic3A_756 = arith.shrsi %add3A_754, %shift_right_arithmetic3A_755 : vector<1x128xi32>
    %and3A = arith.constant 2147483647 : i32
    %and3A_757 = vector.broadcast %and3A : i32 to vector<1x128xi32>
    %and3A_758 = arith.andi %shift_right_arithmetic3A_756, %and3A_757 : vector<1x128xi32>
    %xor3A = arith.xori %add3A_754, %and3A_758 : vector<1x128xi32>
    %bitcast_convert_type3A = tpu.bitcast %xor3A : vector<1x128xi32> -> vector<1x128xf32>
    %swap3A = arith.constant 0 : index
    %swap3A_759 = arith.constant 0 : index
    %swap3A_760 = vector.load %arg2[%swap3A, %swap3A_759] : memref<1x128xf32, #tpu.memory_space<vmem>>, vector<1x128xf32>
    tpu.vector_store %arg2[%swap3A, %swap3A_759], %bitcast_convert_type3A {strides = array<i32>} : memref<1x128xf32, #tpu.memory_space<vmem>>, vector<1x128xf32>,
    return
  }
}

module attributes {stable_mosaic.version = 14 : i64} {
  func.func @_classify_body(%arg0: i32, %arg1: memref<512x1024xf32, #tpu.memory_space<vmem>>, %arg2: memref<1x128xf32, #tpu.memory_space<vmem>>, %arg3: memref<512x1024xi32, #tpu.memory_space<vmem>>) attributes {dimension_semantics = [#tpu.dimension_semantics<arbitrary>], iteration_bounds = array<i64: 8>, scalar_prefetch = 0 : i64, scratch_operands = 0 : i64, tpu.core_type = #tpu.core_type<tc>, window_params = [{transform_indices = @transform_0, window_bounds = array<i64: 512, 1024>}, {pipeline_mode = #tpu.pipeline_mode<synchronous>, transform_indices = @transform_1, window_bounds = array<i64: 1, 128>}, {transform_indices = @transform_2, window_bounds = array<i64: 512, 1024>}]} {
    %get3A = arith.constant 0 : index
    %get3A_0 = arith.constant 0 : index
    %get3A_1 = vector.load %arg1[%get3A, %get3A_0] : memref<512x1024xf32, #tpu.memory_space<vmem>>, vector<512x1024xf32>
    %broadcast_in_dim3A = arith.constant 0 : i32
    %broadcast_in_dim3A_2 = vector.broadcast %broadcast_in_dim3A : i32 to vector<512x1024xi32>
    %get3A_3 = arith.constant 0 : index
    %get3A_4 = arith.constant 0 : index
    %get3A_5 = vector.load %arg2[%get3A_3, %get3A_4] : memref<1x128xf32, #tpu.memory_space<vmem>>, vector<1x1xf32>
    %get3A_6 = vector.extract %get3A_5[0, 0] : f32 from vector<1x1xf32>
    %gt3A = vector.broadcast %get3A_6 : f32 to vector<512x1024xf32>
    %gt3A_7 = arith.cmpf ogt, %get3A_1, %gt3A : vector<512x1024xf32>
    %convert_element_type3A = arith.extui %gt3A_7 : vector<512x1024xi1> to vector<512x1024xi32>
    %add3A = arith.addi %broadcast_in_dim3A_2, %convert_element_type3A : vector<512x1024xi32>
    %get3A_8 = arith.constant 0 : index
    %get3A_9 = arith.constant 1 : index
    %get3A_10 = vector.load %arg2[%get3A_8, %get3A_9] : memref<1x128xf32, #tpu.memory_space<vmem>>, vector<1x1xf32>
    %get3A_11 = vector.extract %get3A_10[0, 0] : f32 from vector<1x1xf32>
    %gt3A_12 = vector.broadcast %get3A_11 : f32 to vector<512x1024xf32>
    %gt3A_13 = arith.cmpf ogt, %get3A_1, %gt3A_12 : vector<512x1024xf32>
    %convert_element_type3A_14 = arith.extui %gt3A_13 : vector<512x1024xi1> to vector<512x1024xi32>
    %add3A_15 = arith.addi %add3A, %convert_element_type3A_14 : vector<512x1024xi32>
    %get3A_16 = arith.constant 0 : index
    %get3A_17 = arith.constant 2 : index
    %get3A_18 = vector.load %arg2[%get3A_16, %get3A_17] : memref<1x128xf32, #tpu.memory_space<vmem>>, vector<1x1xf32>
    %get3A_19 = vector.extract %get3A_18[0, 0] : f32 from vector<1x1xf32>
    %gt3A_20 = vector.broadcast %get3A_19 : f32 to vector<512x1024xf32>
    %gt3A_21 = arith.cmpf ogt, %get3A_1, %gt3A_20 : vector<512x1024xf32>
    %convert_element_type3A_22 = arith.extui %gt3A_21 : vector<512x1024xi1> to vector<512x1024xi32>
    %add3A_23 = arith.addi %add3A_15, %convert_element_type3A_22 : vector<512x1024xi32>
    %get3A_24 = arith.constant 0 : index
    %get3A_25 = arith.constant 3 : index
    %get3A_26 = vector.load %arg2[%get3A_24, %get3A_25] : memref<1x128xf32, #tpu.memory_space<vmem>>, vector<1x1xf32>
    %get3A_27 = vector.extract %get3A_26[0, 0] : f32 from vector<1x1xf32>
    %gt3A_28 = vector.broadcast %get3A_27 : f32 to vector<512x1024xf32>
    %gt3A_29 = arith.cmpf ogt, %get3A_1, %gt3A_28 : vector<512x1024xf32>
    %convert_element_type3A_30 = arith.extui %gt3A_29 : vector<512x1024xi1> to vector<512x1024xi32>
    %add3A_31 = arith.addi %add3A_23, %convert_element_type3A_30 : vector<512x1024xi32>
    %get3A_32 = arith.constant 0 : index
    %get3A_33 = arith.constant 4 : index
    %get3A_34 = vector.load %arg2[%get3A_32, %get3A_33] : memref<1x128xf32, #tpu.memory_space<vmem>>, vector<1x1xf32>
    %get3A_35 = vector.extract %get3A_34[0, 0] : f32 from vector<1x1xf32>
    %gt3A_36 = vector.broadcast %get3A_35 : f32 to vector<512x1024xf32>
    %gt3A_37 = arith.cmpf ogt, %get3A_1, %gt3A_36 : vector<512x1024xf32>
    %convert_element_type3A_38 = arith.extui %gt3A_37 : vector<512x1024xi1> to vector<512x1024xi32>
    %add3A_39 = arith.addi %add3A_31, %convert_element_type3A_38 : vector<512x1024xi32>
    %get3A_40 = arith.constant 0 : index
    %get3A_41 = arith.constant 5 : index
    %get3A_42 = vector.load %arg2[%get3A_40, %get3A_41] : memref<1x128xf32, #tpu.memory_space<vmem>>, vector<1x1xf32>
    %get3A_43 = vector.extract %get3A_42[0, 0] : f32 from vector<1x1xf32>
    %gt3A_44 = vector.broadcast %get3A_43 : f32 to vector<512x1024xf32>
    %gt3A_45 = arith.cmpf ogt, %get3A_1, %gt3A_44 : vector<512x1024xf32>
    %convert_element_type3A_46 = arith.extui %gt3A_45 : vector<512x1024xi1> to vector<512x1024xi32>
    %add3A_47 = arith.addi %add3A_39, %convert_element_type3A_46 : vector<512x1024xi32>
    %get3A_48 = arith.constant 0 : index
    %get3A_49 = arith.constant 6 : index
    %get3A_50 = vector.load %arg2[%get3A_48, %get3A_49] : memref<1x128xf32, #tpu.memory_space<vmem>>, vector<1x1xf32>
    %get3A_51 = vector.extract %get3A_50[0, 0] : f32 from vector<1x1xf32>
    %gt3A_52 = vector.broadcast %get3A_51 : f32 to vector<512x1024xf32>
    %gt3A_53 = arith.cmpf ogt, %get3A_1, %gt3A_52 : vector<512x1024xf32>
    %convert_element_type3A_54 = arith.extui %gt3A_53 : vector<512x1024xi1> to vector<512x1024xi32>
    %add3A_55 = arith.addi %add3A_47, %convert_element_type3A_54 : vector<512x1024xi32>
    %get3A_56 = arith.constant 0 : index
    %get3A_57 = arith.constant 7 : index
    %get3A_58 = vector.load %arg2[%get3A_56, %get3A_57] : memref<1x128xf32, #tpu.memory_space<vmem>>, vector<1x1xf32>
    %get3A_59 = vector.extract %get3A_58[0, 0] : f32 from vector<1x1xf32>
    %gt3A_60 = vector.broadcast %get3A_59 : f32 to vector<512x1024xf32>
    %gt3A_61 = arith.cmpf ogt, %get3A_1, %gt3A_60 : vector<512x1024xf32>
    %convert_element_type3A_62 = arith.extui %gt3A_61 : vector<512x1024xi1> to vector<512x1024xi32>
    %add3A_63 = arith.addi %add3A_55, %convert_element_type3A_62 : vector<512x1024xi32>
    %get3A_64 = arith.constant 0 : index
    %get3A_65 = arith.constant 8 : index
    %get3A_66 = vector.load %arg2[%get3A_64, %get3A_65] : memref<1x128xf32, #tpu.memory_space<vmem>>, vector<1x1xf32>
    %get3A_67 = vector.extract %get3A_66[0, 0] : f32 from vector<1x1xf32>
    %gt3A_68 = vector.broadcast %get3A_67 : f32 to vector<512x1024xf32>
    %gt3A_69 = arith.cmpf ogt, %get3A_1, %gt3A_68 : vector<512x1024xf32>
    %convert_element_type3A_70 = arith.extui %gt3A_69 : vector<512x1024xi1> to vector<512x1024xi32>
    %add3A_71 = arith.addi %add3A_63, %convert_element_type3A_70 : vector<512x1024xi32>
    %get3A_72 = arith.constant 0 : index
    %get3A_73 = arith.constant 9 : index
    %get3A_74 = vector.load %arg2[%get3A_72, %get3A_73] : memref<1x128xf32, #tpu.memory_space<vmem>>, vector<1x1xf32>
    %get3A_75 = vector.extract %get3A_74[0, 0] : f32 from vector<1x1xf32>
    %gt3A_76 = vector.broadcast %get3A_75 : f32 to vector<512x1024xf32>
    %gt3A_77 = arith.cmpf ogt, %get3A_1, %gt3A_76 : vector<512x1024xf32>
    %convert_element_type3A_78 = arith.extui %gt3A_77 : vector<512x1024xi1> to vector<512x1024xi32>
    %add3A_79 = arith.addi %add3A_71, %convert_element_type3A_78 : vector<512x1024xi32>
    %get3A_80 = arith.constant 0 : index
    %get3A_81 = arith.constant 10 : index
    %get3A_82 = vector.load %arg2[%get3A_80, %get3A_81] : memref<1x128xf32, #tpu.memory_space<vmem>>, vector<1x1xf32>
    %get3A_83 = vector.extract %get3A_82[0, 0] : f32 from vector<1x1xf32>
    %gt3A_84 = vector.broadcast %get3A_83 : f32 to vector<512x1024xf32>
    %gt3A_85 = arith.cmpf ogt, %get3A_1, %gt3A_84 : vector<512x1024xf32>
    %convert_element_type3A_86 = arith.extui %gt3A_85 : vector<512x1024xi1> to vector<512x1024xi32>
    %add3A_87 = arith.addi %add3A_79, %convert_element_type3A_86 : vector<512x1024xi32>
    %get3A_88 = arith.constant 0 : index
    %get3A_89 = arith.constant 11 : index
    %get3A_90 = vector.load %arg2[%get3A_88, %get3A_89] : memref<1x128xf32, #tpu.memory_space<vmem>>, vector<1x1xf32>
    %get3A_91 = vector.extract %get3A_90[0, 0] : f32 from vector<1x1xf32>
    %gt3A_92 = vector.broadcast %get3A_91 : f32 to vector<512x1024xf32>
    %gt3A_93 = arith.cmpf ogt, %get3A_1, %gt3A_92 : vector<512x1024xf32>
    %convert_element_type3A_94 = arith.extui %gt3A_93 : vector<512x1024xi1> to vector<512x1024xi32>
    %add3A_95 = arith.addi %add3A_87, %convert_element_type3A_94 : vector<512x1024xi32>
    %get3A_96 = arith.constant 0 : index
    %get3A_97 = arith.constant 12 : index
    %get3A_98 = vector.load %arg2[%get3A_96, %get3A_97] : memref<1x128xf32, #tpu.memory_space<vmem>>, vector<1x1xf32>
    %get3A_99 = vector.extract %get3A_98[0, 0] : f32 from vector<1x1xf32>
    %gt3A_100 = vector.broadcast %get3A_99 : f32 to vector<512x1024xf32>
    %gt3A_101 = arith.cmpf ogt, %get3A_1, %gt3A_100 : vector<512x1024xf32>
    %convert_element_type3A_102 = arith.extui %gt3A_101 : vector<512x1024xi1> to vector<512x1024xi32>
    %add3A_103 = arith.addi %add3A_95, %convert_element_type3A_102 : vector<512x1024xi32>
    %get3A_104 = arith.constant 0 : index
    %get3A_105 = arith.constant 13 : index
    %get3A_106 = vector.load %arg2[%get3A_104, %get3A_105] : memref<1x128xf32, #tpu.memory_space<vmem>>, vector<1x1xf32>
    %get3A_107 = vector.extract %get3A_106[0, 0] : f32 from vector<1x1xf32>
    %gt3A_108 = vector.broadcast %get3A_107 : f32 to vector<512x1024xf32>
    %gt3A_109 = arith.cmpf ogt, %get3A_1, %gt3A_108 : vector<512x1024xf32>
    %convert_element_type3A_110 = arith.extui %gt3A_109 : vector<512x1024xi1> to vector<512x1024xi32>
    %add3A_111 = arith.addi %add3A_103, %convert_element_type3A_110 : vector<512x1024xi32>
    %get3A_112 = arith.constant 0 : index
    %get3A_113 = arith.constant 14 : index
    %get3A_114 = vector.load %arg2[%get3A_112, %get3A_113] : memref<1x128xf32, #tpu.memory_space<vmem>>, vector<1x1xf32>
    %get3A_115 = vector.extract %get3A_114[0, 0] : f32 from vector<1x1xf32>
    %gt3A_116 = vector.broadcast %get3A_115 : f32 to vector<512x1024xf32>
    %gt3A_117 = arith.cmpf ogt, %get3A_1, %gt3A_116 : vector<512x1024xf32>
    %convert_element_type3A_118 = arith.extui %gt3A_117 : vector<512x1024xi1> to vector<512x1024xi32>
    %add3A_119 = arith.addi %add3A_111, %convert_element_type3A_118 : vector<512x1024xi32>
    %swap3A = arith.constant 0 : index
    %swap3A_120 = arith.constant 0 : index
    %swap3A_121 = vector.load %arg3[%swap3A, %swap3A_120] : memref<512x1024xi32, #tpu.memory_space<vmem>>, vector<512x1024xi32>
    tpu.vector_store %arg3[%swap3A, %swap3A_120], %add3A_119 {strides = array<i32>} : memref<512x1024xi32, #tpu.memory_space<vmem>>, vector<512x1024xi32>,
    return
  }
  func.func @transform_0(%arg0: i32) -> (i32, i32) {
    %c0_i32 = arith.constant 0 : i32
    %c0_i32_0 = arith.constant 0 : i32
    return %arg0, %c0_i32 : i32, i32
  }
  func.func @transform_1(%arg0: i32) -> (i32, i32) {
    %c0_i32 = arith.constant 0 : i32
    %c0_i32_0 = arith.constant 0 : i32
    %c0_i32_1 = arith.constant 0 : i32
    return %c0_i32, %c0_i32_0 : i32, i32
  }
  func.func @transform_2(%arg0: i32) -> (i32, i32) {
    %c0_i32 = arith.constant 0 : i32
    %c0_i32_0 = arith.constant 0 : i32
    return %arg0, %c0_i32 : i32, i32
  }
}

</mosaic_0001>

<sc_bundles>
// kernel: kernel.12.cloned.1.call-start
scs
__scs_entry_jumppad:
0x0: {  	(pc) =	sbr.rel $0x88, $3  }
0x1: {  	(tag) =	ssettag $0x0;
	lr =	simm.s32 $0x1  }
0x2: {  	[smem:$0x3FA0] =	sst lr;
	_ =	strace $0xD0000000  }
0x3: {  	_ = 	snop  }
0x4: {  	_ = 	snop  }
0x5: {  	_ = 	snop  }
0x6: {  	_ = 	snop  }
0x7: {  	_ = 	snop  }
__scs_overlays_trampoline_lowered:
0x8: {  	[smem:$0x3FAF] =	sst s0  }
0x9: {  	[smem:$0x3FB0] =	sst s1  }
0xa: {  	[smem:$0x3FB1] =	sst s2  }
0xb: {  	[smem:$0x3FB2] =	sst s3  }
0xc: {  	[smem:$0x3FB3] =	sst s4  }
0xd: {  	[smem:$0x3FB4] =	sst s5  }
0xe: {  	[smem:$0x3FB5] =	sst s6  }
0xf: {  	[smem:$0x3FB6] =	sst s7  }
0x10: {  	[smem:$0x3FB7] =	sst s8  }
0x11: {  	[smem:$0x3FB8] =	sst s9;
	s0 =	simm.s32 @!p0 $0x0  }
0x12: {  	s1 =	sld [smem:$0x3F9E];
	s0 =	simm.s32 @p0 $0x1  }
0x13: {  	[smem:$0x3FB9] =	sst s0;
	s0 =	simm.s32 @!p1 $0x0  }
0x14: {  	s2 =	sld [smem:$0x3F9D];
	s0 =	simm.s32 @p1 $0x1  }
0x15: {  	[smem:$0x3FBA] =	sst s0;
	s0 =	simm.s32 @!p2 $0x0  }
0x16: {  	s3 =	sld [smem:$0x3FDB];
	s0 =	simm.s32 @p2 $0x1  }
0x17: {  	s4 =	simm.s32 $0x1BF5;
	[smem:$0x3FBC] =	sst s0  }
0x18: {  	s0 =	sld [smem:$0x3F9F];
	_ =	swait.ge [sflag:s4], $0x0  }
0x19: {  	s7 =	sld [smem:$0x3FA0]  }
0x1a: {  	s8 =	sadd.s32 $0xFFFFE003, lr  }
0x1b: {  	s9 =	sadd.s32 $0xFFFFFEF7, lr;
	s5 =	simm.s32 $0xFFFFFFFF;
	p2 =	slt.u32 s8, $0xFFFFF086  }
0x1c: {  	p1 =	slt.u32 s9, $0xF7A;
	s5 =	simm.s32 @!p2 $0x0  }
0x1d: {  	s5 =	simm.s32 @p1 $0x1;
	p0 =	seq.s32 s7, s2  }
0x1e: {  	s7 =	smul.u32 @!p0 $0xF7A, s2;
	p2 =	seq.s32 @!p0 s5, $0x0  }
0x1f: {  	s9 =	smul.u32 $0xF7A, s1;
	s8 =	simm.s32 @!p0 $0x1BF5;
	p2 =	por !p2, p0  }
0x20: {  	[sflag:s8] =	ssyncset.s32 @!p0 $0xFFFFF086;
	s6 =	sadd.s32 @!p0 s3, s7;
	s7 =	simm.s32 @!p0 $0x108  }
0x21: {  	s3 =	sadd.s32 s3, s9;
	s6 =	sadd.s32 @!p0 $0x88, s6;
	s7 =	simm.s32 @p2 $0x1082  }
0x22: {  	[simem:s7], [sflag:s8] =	dma.local @!p0 [hbm:s6], $0xF7A  }
0x23: {  	s9 =	sor.u32 $0xD0000000, s2;
	s6 =	simm.s32 $0x108;
	_ =	swait.ge @!p0 [sflag:s8], $0x0  }
0x24: {  	s3 =	sadd.s32 $0x88, s3;
	s6 =	simm.s32 @!p1 $0x1082;
	[sflag:s4] =	ssyncset.s32 $0xFFFFF086  }
0x25: {  	[simem:s6], [sflag:s4] =	dma.local [hbm:s3], $0xF7A  }
0x26: {  	[smem:$0x3FA0] =	sst s1;
	(tag) =	ssettag s2;
	_ =	strace s9  }
0x27: {  	s1 =	sld [smem:$0x3FB0]  }
0x28: {  	s2 =	sld [smem:$0x3FB1]  }
0x29: {  	s4 =	sld [smem:$0x3FB3]  }
0x2a: {  	p0 =	seq.s32 s5, $0x0;
	s5 =	sld [smem:$0x3FB4]  }
0x2b: {  	s6 =	sld [smem:$0x3FB5]  }
0x2c: {  	s7 =	sld [smem:$0x3FB6]  }
0x2d: {  	s3 =	simm.s32 $0x108;
	s8 =	sld [smem:$0x3FB7]  }
0x2e: {  	s3 =	simm.s32 @!p0 $0x1082;
	s9 =	sld [smem:$0x3FB8]  }
0x2f: {  	lr =	sadd.s32 s0, s3;
	s0 =	sld [smem:$0x3FAF]  }
0x30: {  	s3 =	sld [smem:$0x3FB2]  }
0x31: {  	[smem:$0x3FBB] =	sst s10  }
0x32: {  	s10 =	sld [smem:$0x3FB9];
	_ =	sdelay $0x3  }
0x33: {  	p0 =	seq.s32 s10, $0x1;
	s10 =	sld [smem:$0x3FBB];
	_ =	sdelay $0x3  }
0x34: {  	[smem:$0x3FBB] =	sst s10  }
0x35: {  	s10 =	sld [smem:$0x3FBA];
	_ =	sdelay $0x3  }
0x36: {  	p1 =	seq.s32 s10, $0x1;
	s10 =	sld [smem:$0x3FBB];
	_ =	sdelay $0x3  }
0x37: {  	[smem:$0x3FBB] =	sst s10  }
0x38: {  	s10 =	sld [smem:$0x3FBC]  }
0x39: {  	_ = 	snop;
	(pc) =	sbr.ind lr, $3  }
0x3a: {  	_ = 	snop  }
0x3b: {  	_ = 	snop  }
0x3c: {  	p2 =	seq.s32 s10, $0x1;
	s10 =	sld [smem:$0x3FBB]  }
0x3d: {  	_ =	shalt  }
0x3e: {  	_ =	shalt  }
0x3f: {  	_ =	shalt  }
0x40: {  	_ =	shalt  }
0x41: {  	_ =	shalt  }
0x42: {  	_ =	shalt  }
0x43: {  	_ =	shalt  }
0x44: {  	_ =	shalt  }
0x45: {  	_ =	shalt  }
0x46: {  	_ =	shalt  }
0x47: {  	_ =	shalt  }
0x48: {  	_ =	shalt  }
0x49: {  	_ =	shalt  }
0x4a: {  	_ =	shalt  }
0x4b: {  	_ =	shalt  }
0x4c: {  	_ =	shalt  }
0x4d: {  	_ =	shalt  }
0x4e: {  	_ =	shalt  }
0x4f: {  	_ =	shalt  }
0x50: {  	_ =	shalt  }
0x51: {  	_ =	shalt  }
0x52: {  	_ =	shalt  }
0x53: {  	_ =	shalt  }
0x54: {  	_ =	shalt  }
0x55: {  	_ =	shalt  }
0x56: {  	_ =	shalt  }
0x57: {  	_ =	shalt  }
0x58: {  	_ =	shalt  }
0x59: {  	_ =	shalt  }
0x5a: {  	_ =	shalt  }
0x5b: {  	_ =	shalt  }
0x5c: {  	_ =	shalt  }
0x5d: {  	_ =	shalt  }
0x5e: {  	_ =	shalt  }
0x5f: {  	_ =	shalt  }
0x60: {  	_ =	shalt  }
0x61: {  	_ =	shalt  }
0x62: {  	_ =	shalt  }
0x63: {  	_ =	shalt  }
0x64: {  	_ =	shalt  }
0x65: {  	_ =	shalt  }
0x66: {  	_ =	shalt  }
0x67: {  	_ =	shalt  }
0x68: {  	_ =	shalt  }
0x69: {  	_ =	shalt  }
0x6a: {  	_ =	shalt  }
0x6b: {  	_ =	shalt  }
0x6c: {  	_ =	shalt  }
0x6d: {  	_ =	shalt  }
0x6e: {  	_ =	shalt  }
0x6f: {  	_ =	shalt  }
0x70: {  	_ =	shalt  }
0x71: {  	_ =	shalt  }
0x72: {  	_ =	shalt  }
0x73: {  	_ =	shalt  }
0x74: {  	_ =	shalt  }
0x75: {  	_ =	shalt  }
0x76: {  	_ =	shalt  }
0x77: {  	_ =	shalt  }
0x78: {  	_ =	shalt  }
0x79: {  	_ =	shalt  }
0x7a: {  	_ =	shalt  }
0x7b: {  	_ =	shalt  }
0x7c: {  	_ =	shalt  }
0x7d: {  	_ =	shalt  }
0x7e: {  	_ =	shalt  }
0x7f: {  	_ =	shalt  }
0x80: {  	_ =	shalt  }
0x81: {  	_ =	shalt  }
0x82: {  	_ =	shalt  }
0x83: {  	_ =	shalt  }
0x84: {  	_ =	shalt  }
0x85: {  	_ =	shalt  }
0x86: {  	_ =	shalt  }
0x87: {  	_ =	shalt  }
.Lfunc_end0:
.L_simem_size_0:
called_computation.1_lowered:
.L_overlay_start_0:
0x88: {  	s2 =	sld [smem:$0x3FD9]  }
0x89: {  	s3 =	sld [smem:$0x3FFE];
	_ =	sdelay $0x1  }
0x8a: {  	s1 =	srdreg.scid  }
0x8b: {  	s0 =	sand.u32 $0x1, s1  }
0x8c: {  	s17 =	sshll.u32 s0, $0xA;
	s2 =	sadd.s32 s3, s2  }
0x8d: {  	s2 =	sadd.s32 s2, s17  }
0x8e: {  	[smem:$0x3FC7] =	sst s2  }
0x8f: {  	_ = 	snop  }
0x90: {  	s2 =	sld [smem:$0x3FC9]  }
0x91: {  	s18 =	sld [smem:$0x3FD0];
	(tm) =	ssettm $0x1  }
0x92: {  	s4 =	sld [smem:$0x3FFB];
	_ =	sdelay $0x3  }
0x93: {  	_ =	strace s4  }
0x94: {  	s4 =	sld [smem:$0x3FFC];
	_ =	sdelay $0x3  }
0x95: {  	_ =	strace s4  }
0x96: {  	s4 =	sld [smem:$0x3FFD];
	_ =	sdelay $0x3  }
0x97: {  	_ =	strace s4  }
0x98: {  	_ =	strace $0x8FFFFFFF  }
0x99: {  	s19 =	sld [smem:$0x3FDB];
	_ =	sdelay $0x1  }
0x9a: {  	s5 =	simm.s32 $_scs_section_size  }
0x9b: {  	s6 =	simm.s32 $_size__tile_overlayer_lowered;
	s7 =	simm.s32 $_tile_overlayer_lowered  }
0x9c: {  	s22 =	simm.s32 $0x1BFF;
	s21 =	sshll.u32 s7, $0x1;
	s4 =	sadd.s32 s5, s19  }
0x9d: {  	s8 =	simm.s32 $0x0;
	s20 =	sshll.u32 s6, $0x1;
	s6 =	sadd.s32 s21, s4  }
0x9e: {  	[timem:s8], [sflag:s22] =	dma.local [hbm:s6], s20  }
0x9f: {  	_ =	swait.ge [sflag:s22], s20  }
0xa0: {  	s5 =	ssub.s32 $0x0, s20;
	[sflag:s22] =	ssyncset.done $0x0  }
0xa1: {  	[sflag:s22] =	ssyncadd.s32 s5;
	_ =	sdelay $0x1  }
0xa2: {  	s23 =	simm.s32 $0x1B8B  }
0xa3: {  	_ =	swait.ge [sflag:s23], $0x1  }
0xa4: {  	[sflag:s23] =	ssyncset.done $0x0  }
0xa5: {  	s25 =	simm.s32 $0x1B8E;
	s24 =	sld [smem:$0x3FFE];
	[sflag:s23] =	ssyncadd.s32 $0xFFFFFFFF  }
0xa6: {  	s26 =	simm.s32 $execute0_lowered;
	[smem:$0x3FD2] =	sst s25  }
0xa7: {  	s6 =	sshll.u32 s26, $0x1;
	_ =	strace $0x80000049;
	[dreg:$0x1] =	wrdreg $0xFFFFFFFF  }
0xa8: {  	s28 =	simm.s32 $_size_execute0_lowered;
	s4 =	sadd.s32 s4, s6;
	[dreg:$0x0] =	wrdreg $0x0  }
0xa9: {  	s6 =	sshll.u32 s28, $0x1;
	[dreg:$0x2] =	wrdreg s4  }
0xaa: {  	[dreg:$0x3] =	wrdreg s6  }
0xab: {  	[dreg:$0x4] =	wrdreg $0xC0  }
0xac: {  	_ =	task [dreg:s8], $0x5FFFF  }
0xad: {  	[dreg:$0x1] =	wrdreg $0xFFFFFFFF  }
0xae: {  	[dreg:$0x0] =	wrdreg $0x60  }
0xaf: {  	[dreg:$0x2] =	wrdreg s2  }
0xb0: {  	[dreg:$0x3] =	wrdreg s24  }
0xb1: {  	[dreg:$0x4] =	wrdreg s18  }
0xb2: {  	[dreg:$0x5] =	wrdreg $0x9  }
0xb3: {  	_ =	task.clear_ibuf [dreg:s8], $0x6FFFF;
	_ =	strace $0x90000049  }
0xb4: {  	s29 =	simm.s32 $0x9;
	_ =	strace $0x8000004B  }
0xb5: {  	_ =	swait.ge [sflag:s29], $0x1  }
0xb6: {  	[sflag:s29] =	ssyncadd.s32 $0xFFFFFFFF  }
0xb7: {  	_ =	strace $0x9000004B  }
0xb8: {  	_ =	sfence  }
0xb9: {  	s30 =	sld [smem:$0x0];
	_ =	sdelay $0x2  }
0xba: {  	s31 =	sshll.u32 s1, $0xD;
	s1 =	sshrl.u32 s1, $0x2  }
0xbb: {  	s3 =	sand.u32 $0x4000, s31;
	s1 =	sadd.s32 s1, s30  }
0xbc: {  	s0 =	sor.u32 s3, s0;
	s1 =	sshll.u32 s1, $0x11  }
0xbd: {  	s0 =	sor.u32 s1, s0  }
0xbe: {  	s0 =	sadd.s32 $0x8F2B, s0  }
0xbf: {  	[sflag:s0] =	ssyncadd.remote.s32 $0x1  }
0xc0: {  	_ =	sfence.sel $0xFFFF  }
0xc1: {  	[dreg:$0x0] =	wrdreg $0xFFFFFFFF;
	(pc) =	sbr.abs _section_cstart, $3  }
0xc2: {  	[dreg:$0x1] =	wrdreg $0xFFFFFFFF  }
0xc3: {  	_ =	task.clear_ibuf [dreg:s8], $0x2FFFF;
	_ =	strace $0x9FFFFFFF  }
0xc4: {  	(tm) =	ssettm $0x7FFFFFFF  }
0xc5: {  	_ =	shalt  }
tec
execute0_lowered:
.L_overlay_start_1:
0x0: {  	(tag) =	ssettag $0x1  }
0x1: {  	s5 =	rddreg [dreg:$0x0];
	s1 =	srdreg.scid  }
0x2: {  	s0 =	stileid.u32;
	s4 =	rddreg [dreg:$0x1]  }
0x3: {  	s7 =	rddreg [dreg:$0x2];
	s2 =	simm.s32 $0x0;
	s15 =	simm.s32 $0x17080  }
0x4: {  	s16 =	simm.s32 $0x0;
	s6 =	sand.u32 $0x1, s1;
	s1 =	rddreg [dreg:$0x3]  }
0x5: {  	s25 =	sshll.u32 s0, $0x1;
	s9 =	sshrl.u32 s0, $0x2;
	[smem:$0x7FF] =	sst s2  }
0x6: {  	s28 =	sshll.u32 s0, $0x8;
	s8 =	sor.u32 s6, s25;
	s26 =	sshll.u32 s9, $0xA  }
0x7: {  	_ =	strace $0x8000004A;
	s12 =	ssub.s32 $0x2, s6;
	s14 =	sshll.u32 s9, $0xF  }
0x8: {  	s29 =	sshll.u32 s6, $0x7;
	s9 =	sshll.u32 s9, $0x11;
	s3 =	sshll.u32 s8, $0x7  }
0x9: {  	s13 =	sshrl.u32 s12, $0x1;
	s8 =	sshll.u32 s8, $0xE;
	s30 =	sor.u32 s29, s28  }
0xa: {  	s10 =	sand.u32 $0x380, s3;
	s12 =	ssub.s32 s12, s13;
	s5 =	sadd.s32 s5, s8  }
0xb: {  	s31 =	sand.u32 $0x380, s30;
	s13 =	simm.s32 $0x80;
	s3 =	sor.u32 s26, s10  }
.Ltmp0:
0xc: {  	s10 =	sor.u32 s14, s10;
	s8 =	smax.u32 s12, $0x1;
	(pc) =	sbr.rel .LBB2_1-.Ltmp0, $4  }
0xd: {  	s9 =	sor.u32 s31, s9;
	s12 =	simm.s32 $0x12000;
	s14 =	simm.s32 $0x400  }
0xe: {  	s11 =	sshrl.u32 s3, $0x3;
	s3 =	sadd.s32 $0x2A00, s4;
	s10 =	sshrl.u32 s10, $0x3  }
0xf: {  	s11 =	sadd.s32 s11, s4;
	s4 =	sadd.s32 $0x4C00, s4;
	s6 =	sadd.s32 s7, s10  }
0x10: {  	v0 =	vimm.s32 $0x0;
	v1 =	vimm.s32 $0x1;
	s10 =	simm.s32 $0x2000;
	s7 =	sadd.s32 $0x4A00, s11;
	s11 =	simm.s32 $0x1  }
.LBB2_10:
0x11: {  	[sflag:s11] =	ssyncset.done $0x0  }
0x12: {  	[sflag:s11] =	ssyncadd.s32 $0xFFFFE000  }
.LBB2_11:
0x13: {  	s16 =	sadd.s32 $0x1, s16  }
0x14: {  	p0 =	sne.s32 s16, s8  }
.Ltmp1:
0x15: {  	_ = 	snop;
	(pc) =	sbr.rel @!p0 .LBB2_12-.Ltmp1, $1  }
0x16: {  	_ =	sdelay $0x3  }
.LBB2_1:
0x17: {  	[tilespmem:s10], [sflag:$0x1] =	stream.linear.gather [hbm4b:s3+s2], $0x10000, $0x38;
	[tilespmem:$0x17100] =	vst v63  }
0x18: {  	_ =	swait.ge [sflag:s11], $0x10000  }
0x19: {  	[sflag:s11] =	ssyncset.done $0x0  }
0x1a: {  	s17 =	simm.s32 $0x12040;
	[sflag:s11] =	ssyncadd.s32 $0xFFFF0000  }
0x1b: {  	[tilespmem:s17+$0xFFFFFFC0] =	vst v0  }
0x1c: {  	[tilespmem:s17+$0x30] =	vst v0  }
0x1d: {  	[tilespmem:s17+$0x20] =	vst v0  }
0x1e: {  	[tilespmem:s17+$0x10] =	vst v0  }
0x1f: {  	[tilespmem:s17+$0x0] =	vst v0  }
0x20: {  	[tilespmem:s17+$0xFFFFFFF0] =	vst v0  }
0x21: {  	s18 =	simm.s32 $0x0;
	[tilespmem:s17+$0xFFFFFFE0] =	vst v0  }
.LBB2_2:
0x22: {  	s18 =	sadd.s32 $0x8, s18;
	[tilespmem:s17+$0xFFFFFFD0] =	vst v0;
	s17 =	sadd.s32 $0x80, s17  }
0x23: {  	[tilespmem:s17+$0xFFFFFFC0] =	vst v0;
	p0 =	slt.u32 s18, $0xF8  }
0x24: {  	[tilespmem:s17+$0x30] =	vst v0  }
.Ltmp2:
0x25: {  	[tilespmem:s17+$0x20] =	vst v0;
	(pc) =	sbr.rel @p0 .LBB2_2-.Ltmp2, $4  }
0x26: {  	[tilespmem:s17+$0x10] =	vst v0  }
0x27: {  	[tilespmem:s17+$0x0] =	vst v0  }
0x28: {  	[tilespmem:s17+$0xFFFFFFF0] =	vst v0  }
0x29: {  	[tilespmem:s17+$0xFFFFFFE0] =	vst v0  }
0x2a: {  	[tilespmem:s17+$0xFFFFFFD0] =	vst v0;
	s18 =	simm.s32 $0x0;
	s17 =	simm.s32 $0x0  }
.LBB2_4:
0x2b: {  	s19 =	sshll.u32 s17, $0xA  }
0x2c: {  	s19 =	sadd.s32 s19, s5  }
0x2d: {  	[tilespmem:s2], [sflag:$0x1] =	stream.linear.gather [hbm4b:s19+s2], $0x2000, $0x38;
	[tilespmem:$0x17100] =	vst v63  }
0x2e: {  	_ =	swait.ge [sflag:s11], $0x2000  }
0x2f: {  	[sflag:s11] =	ssyncset.done $0x0  }
0x30: {  	s31 =	simm.s32 $0x40;
	[sflag:s11] =	ssyncadd.s32 $0xFFFFE000  }
0x31: {  	v2 =	vld [tilespmem:s31+$0xFFFFFFD0]  }
0x32: {  	v3 =	vld [tilespmem:s31+$0xFFFFFFE0]  }
0x33: {  	v5 =	vld [tilespmem:s31+$0xFFFFFFF0]  }
0x34: {  	v4 =	vld [tilespmem:s31+$0x0]  }
0x35: {  	v6 =	vld [tilespmem:s31+$0x10]  }
0x36: {  	v9 =	vld [tilespmem:s31+$0x20];
	v7 =	vshrl.u32 v2, $0x10  }
0x37: {  	v11 =	vld [tilespmem:s31+$0xFFFFFFC0];
	v8 =	vshrl.u32 v3, $0x10  }
0x38: {  	s19 =	simm.s32 $0xC0;
	v13 =	vld [tilespmem:s31+$0x30];
	v10 =	vshrl.u32 v5, $0x10  }
0x39: {  	v30 =	vld [tilespmem:s19+$0xFFFFFFC0];
	v12 =	vshrl.u32 v4, $0x10  }
0x3a: {  	v34 =	vld [tilespmem:s19+$0x30];
	v14 =	vshrl.u32 v6, $0x10  }
0x3b: {  	v15 =	vshrl.u32 v9, $0x10;
	v7 =	vld.idx.msk [tilespmem:v7+s10+$0x0], $0xffff  }
0x3c: {  	v16 =	vshrl.u32 v11, $0x10;
	v8 =	vld.idx.msk [tilespmem:v8+s10+$0x0], $0xffff  }
0x3d: {  	v22 =	vshrl.u32 v13, $0x10;
	v10 =	vld.idx.msk [tilespmem:v10+s10+$0x0], $0xffff  }
0x3e: {  	v17 =	vld.idx.msk [tilespmem:v12+s10+$0x0], $0xffff  }
0x3f: {  	v19 =	vshra.s32 v6, $0x1F;
	v20 =	vshra.s32 v9, $0x1F;
	v18 =	vld.idx.msk [tilespmem:v14+s10+$0x0], $0xffff  }
0x40: {  	v33 =	vshrl.u32 v30, $0x10;
	v41 =	vshrl.u32 v34, $0x10;
	v6 =	vxor.u32 v6, v19;
	v26 =	vld.idx.msk [tilespmem:v15+s10+$0x0], $0xffff  }
0x41: {  	v9 =	vxor.u32 v9, v20;
	v6 =	vand.u32 $0xFFFF, v6;
	v16 =	vld.idx.msk [tilespmem:v16+s10+$0x0], $0xffff;
	vm4 =	vgt.s32 v7, $0x0  }
0x42: {  	v14 =	vshra.s32 v3, $0x1F;
	v27 =	vld.idx.msk [tilespmem:v22+s10+$0x0], $0xffff;
	vm2 =	vgt.s32 v8, $0x0;
	v21 =	vsel vm4, $0x1, v0  }
0x43: {  	v3 =	vxor.u32 v3, v14;
	v14 =	vld [tilespmem:s19+$0xFFFFFFE0];
	vm3 =	vgt.s32 v10, $0x0;
	v15 =	vsel vm2, $0x1, v0;
	(xrf0) =	vadd.scan.msk.s32 $0xffff, v21  }
0x44: {  	v9 =	vand.u32 $0xFFFF, v9;
	vm8 =	vgt.s32 v17, $0x0;
	v23 =	vsel vm3, $0x1, v0;
	(xrf0) =	vadd.scan.msk.s32 $0xffff, v15  }
0x45: {  	v12 =	vshra.s32 v2, $0x1F;
	v3 =	vand.u32 $0xFFFF, v3;
	v15 =	vsel vm8, $0x1, v0;
	(xrf0) =	vadd.scan.msk.s32 $0xffff, v23  }
0x46: {  	vm0 =	vgt.s32 v18, $0x0;
	vm1 =	vgt.s32 v26, $0x0;
	vm7 =	vgt.s32 v16, $0x0;
	(xrf0) =	vadd.scan.msk.s32 $0xffff, v15  }
0x47: {  	vm6 =	vgt.s32 v27, $0x0;
	v19 =	vsel vm0, $0x1, v0;
	vm0 =	vmmov vm0  }
0x48: {  	v20 =	vsel vm7, $0x1, v0;
	vm5 =	vmmov vm4;
	v28 =	vshrl.u32 v14, $0x10  }
0x49: {  	v21 =	vshra.s32 v13, $0x1F;
	(xrf0) =	vadd.scan.msk.s32 $0xffff, v19;
	v19 =	vxor.u32 v2, v12;
	v12 =	vsel vm1, $0x1, v0;
	v2, _, _ =	vpop (xrf0)  }
0x4a: {  	v21 =	vxor.u32 v13, v21;
	v13 =	vshra.s32 v11, $0x1F;
	(v2sf) =	vpush v2, $0xF;
	v2, _, _ =	vpop (xrf0);
	(xrf0) =	vadd.scan.msk.s32 $0xffff, v12  }
0x4b: {  	v11 =	vxor.u32 v11, v13;
	v13 =	vshra.s32 v5, $0x1F;
	v12 =	vld [tilespmem:s19+$0xFFFFFFD0];
	(v2sf) =	vpush v2, $0xF;
	v2, _, _ =	vpop (xrf0);
	(xrf0) =	vadd.scan.msk.s32 $0xffff, v20  }
0x4c: {  	v61 =	vand.u32 $0xFFFF, v21;
	v11 =	vand.u32 $0xFFFF, v11;
	(v2sf) =	vpush v2, $0xF;
	v2, _, _ =	vpop (xrf0)  }
0x4d: {  	v21 =	vor.u32 v18, v6;
	v15 =	vshra.s32 v4, $0x1F;
	(v2sf) =	vpush v2, $0xF;
	v2 =	vld [tilespmem:s19+$0xFFFFFFF0]  }
0x4e: {  	v5 =	vxor.u32 v5, v13;
	v4 =	vxor.u32 v4, v15;
	v29 =	vor.u32 v16, v11;
	v15 =	vld [tilespmem:s19+$0x0]  }
0x4f: {  	v62 =	vshrl.u32 v21, $0x8;
	v35 =	vand.u32 $0xFFFF, v5;
	v16 =	vshrl.u32 v29, $0x8;
	v20 =	vld [tilespmem:s19+$0x10];
	v11, _, _ =	vpop (xrf0)  }
0x50: {  	v4 =	vand.u32 $0xFFFF, v4;
	(v2sf) =	vpush v11, $0xF;
	v24 =	vshrl.u32 v12, $0x10;
	v32, _, _ =	vpop (xrf0)  }
0x51: {  	v5 =	vand.u32 $0xFFFF, v19;
	v4 =	vor.u32 v17, v4;
	v17 =	vsel vm6, $0x1, v0;
	v13, _, _ =	vpop (xrf0)  }
0x52: {  	v23 =	vor.u32 v7, v5;
	v5 =	vld.idx.msk [tilespmem:v28+s10+$0x0], $0xffff;
	v36 =	vshrl.u32 v2, $0x10;
	(v2sf) =	vpush v13, $0xF  }
0x53: {  	vm4 =	vmmov vm2;
	vm3 =	vmmov vm3;
	v37 =	vshrl.u32 v15, $0x10;
	(xrf0) =	vadd.scan.msk.s32 $0xffff, v17;
	v11 =	vld [tilespmem:s19+$0x20]  }
0x54: {  	vm2 =	vmmov vm8;
	v19 =	vor.u32 v8, v3;
	[tilespmem:v62+s12+$0x0] =	vst.idx.add.s32.msk vm0, v1;
	v38 =	vshrl.u32 v20, $0x10  }
0x55: {  	v25 =	vshra.s32 v14, $0x1F;
	v18 =	vor.u32 v27, v61;
	v28 =	vshrl.u32 v19, $0x8;
	v7 =	vld.idx.msk [tilespmem:v24+s10+$0x0], $0xffff  }
0x56: {  	v31 =	vshrl.u32 v4, $0x8;
	[tilespmem:v16+s12+$0x0] =	vst.idx.add.s32.msk vm7, v1;
	v3 =	vshra.s32 v20, $0x1F;
	v13 =	vshra.s32 v34, $0x1F  }
0x57: {  	v40 =	vshrl.u32 v23, $0x8;
	v8 =	vxor.u32 v20, v3;
	v3 =	vxor.u32 v34, v13;
	v13 =	vld.idx.msk [tilespmem:v36+s10+$0x0], $0xffff  }
0x58: {  	p0 =	slt.s32 s18, $0x4000;
	s20 =	smov.u32 s18;
	v16 =	vor.u32 v26, v9;
	v9 =	vshra.s32 v30, $0x1F;
	v20 =	vld.idx.msk [tilespmem:v37+s10+$0x0], $0xffff;
	v39 =	vshrl.u32 v11, $0x10  }
0x59: {  	s20 =	simm.s32 @!p0 $0x4000;
	v30 =	vxor.u32 v30, v9;
	v6, _, _ =	vpop (xrf0);
	(v2sf) =	vpush v32, $0xF;
	v24 =	vor.u32 v10, v35;
	v10 =	vld.idx.msk [tilespmem:v38+s10+$0x0], $0xffff  }
0x5a: {  	[tilespmem:s20+$0x13000] =	vst.msk vm7, v29;
	vm8 =	vgt.s32 v5, $0x0;
	(v2sf) =	vpush v6, $0xF;
	vm10 =	vgt.s32 v7, $0x0  }
0x5b: {  	v22 =	vshra.s32 v12, $0x1F;
	[tilespmem:v31+s12+$0x0] =	vst.idx.add.s32.msk vm2, v1;
	v27 =	vsel vm8, $0x1, v0;
	s25 =	spop (v2sf);
	v26 =	vsel vm10, $0x1, v0  }
0x5c: {  	[tilespmem:v40+s12+$0x0] =	vst.idx.add.s32.msk vm5, v1;
	v31 =	vshrl.u32 v24, $0x8;
	s24 =	spop (v2sf);
	(xrf0) =	vadd.scan.msk.s32 $0xffff, v26;
	vm9 =	vgt.s32 v13, $0x0  }
0x5d: {  	v17 =	vshra.s32 v11, $0x1F;
	vm7 =	vgt.s32 v20, $0x0;
	v6 =	vld.idx.msk [tilespmem:v39+s10+$0x0], $0xffff;
	s23 =	spop (v2sf);
	(xrf0) =	vadd.scan.msk.s32 $0xffff, v27;
	v26 =	vsel vm9, $0x1, v0  }
0x5e: {  	v29 =	vld.idx.msk [tilespmem:v33+s10+$0x0], $0xffff;
	v32 =	vshrl.u32 v18, $0x8;
	v63 =	vsel vm7, $0x1, v0;
	vm15 =	vgt.s32 v10, $0x0;
	s22 =	spop (v2sf);
	(xrf0) =	vadd.scan.msk.s32 $0xffff, v26  }
0x5f: {  	v9 =	vld.idx.msk [tilespmem:v41+s10+$0x0], $0xffff;
	s20 =	simm.s32 $0x8;
	v33 =	vsel vm15, $0x1, v0;
	v27 =	vshra.s32 v2, $0x1F;
	s21 =	spop (v2sf);
	v26 =	vshrl.u32 v16, $0x8;
	(xrf0) =	vadd.scan.msk.s32 $0xffff, v63  }
.LBB2_5:
0x60: {  	v25 =	vxor.u32 v14, v25;
	(xrf0) =	vadd.scan.msk.s32 $0xffff, v33;
	vm13 =	vmmov vm1  }
0x61: {  	s20 =	sadd.s32 $0x8, s20;
	[tilespmem:v31+s12+$0x0] =	vst.idx.add.s32.msk vm3, v1;
	s26 =	spop (v2sf);
	vm12 =	vmmov vm6;
	vm14 =	vmmov vm0;
	vm0 =	vmmov vm15  }
0x62: {  	v30 =	vand.u32 $0xFFFF, v30;
	v31 =	vxor.u32 v12, v22;
	vm1 =	vgt.s32 v6, $0x0;
	p0 =	slt.u32 s20, $0x1F8;
	s18 =	sadd.s32 s18, s26;
	[tilespmem:v28+s12+$0x0] =	vst.idx.add.s32.msk vm4, v1  }
0x63: {  	v33 =	vxor.u32 v11, v17;
	s19 =	sadd.s32 $0x80, s19;
	vm11 =	vgt.s32 v29, $0x0;
	v11 =	vsel vm1, $0x1, v0;
	v12, _, _ =	vpop (xrf0);
	p1 =	slt.s32 s18, $0x4000;
	s25 =	sadd.s32 s18, s25;
	[tilespmem:v32+s12+$0x0] =	vst.idx.add.s32.msk vm6, v1  }
0x64: {  	v28 =	vshra.s32 v15, $0x1F;
	v22 =	vsel vm11, $0x1, v0;
	v17 =	vld [tilespmem:s19+$0x0];
	(v2sf) =	vpush v12, $0xF;
	v12, _, _ =	vpop (xrf0);
	(xrf0) =	vadd.scan.msk.s32 $0xffff, v11;
	s18 =	simm.s32 @!p1 $0x4000;
	p1 =	slt.s32 s25, $0x4000;
	s24 =	sadd.s32 s25, s24  }
0x65: {  	v11 =	vxor.u32 v15, v28;
	v14 =	vld [tilespmem:s19+$0xFFFFFFE0];
	(xrf0) =	vadd.scan.msk.s32 $0xffff, v22;
	(v2sf) =	vpush v12, $0xF;
	v15, _, _ =	vpop (xrf0);
	[tilespmem:s18+$0x13000] =	vst.msk vm5, v23;
	s25 =	simm.s32 @!p1 $0x4000;
	p1 =	slt.s32 s24, $0x4000;
	s18 =	sadd.s32 s24, s23  }
0x66: {  	v23 =	vor.u32 v29, v30;
	vm5 =	vmmov vm10;
	v12 =	vld [tilespmem:s19+$0xFFFFFFD0];
	(v2sf) =	vpush v15, $0xF;
	v15, _, _ =	vpop (xrf0);
	[tilespmem:s25+$0x13000] =	vst.msk vm4, v19;
	s24 =	simm.s32 @!p1 $0x4000;
	p1 =	slt.s32 s18, $0x4000;
	s22 =	sadd.s32 s18, s22  }
0x67: {  	v19 =	vshrl.u32 v23, $0x8;
	vm4 =	vmmov vm8;
	v29 =	vld [tilespmem:s19+$0xFFFFFFC0];
	(v2sf) =	vpush v15, $0xF;
	v15, _, _ =	vpop (xrf0);
	[tilespmem:s24+$0x13000] =	vst.msk vm3, v24;
	s18 =	simm.s32 @!p1 $0x4000;
	p1 =	slt.s32 s22, $0x4000;
	s21 =	sadd.s32 s22, s21  }
0x68: {  	v11 =	vand.u32 $0xFFFF, v11;
	vm3 =	vmmov vm9;
	v24 =	vld [tilespmem:s19+$0xFFFFFFF0];
	(v2sf) =	vpush v15, $0xF;
	[tilespmem:s18+$0x13000] =	vst.msk vm2, v4;
	s22 =	simm.s32 @!p1 $0x4000;
	p1 =	slt.s32 s21, $0x4000;
	s18 =	spop (v2sf)  }
0x69: {  	vm6 =	vgt.s32 v9, $0x0;
	v4 =	vor.u32 v20, v11;
	vm2 =	vmmov vm7;
	v30 =	vld [tilespmem:s19+$0x10];
	[tilespmem:s22+$0x13000] =	vst.msk vm14, v21;
	s22 =	sadd.s32 s21, s18;
	s21 =	simm.s32 @!p1 $0x4000;
	s18 =	spop (v2sf);
	v15 =	vmovc v17  }
0x6a: {  	v20 =	vsel vm6, $0x1, v0;
	v17 =	vand.u32 $0xFFFF, v25;
	v32 =	vshrl.u32 v4, $0x8;
	v34, _, _ =	vpop (xrf0);
	[tilespmem:v26+s12+$0x0] =	vst.idx.add.s32.msk vm13, v1;
	p1 =	slt.s32 s22, $0x4000;
	s18 =	sadd.s32 s22, s18  }
0x6b: {  	v28 =	vxor.u32 v2, v27;
	v21 =	vshrl.u32 v12, $0x10;
	v22 =	vshra.s32 v12, $0x1F;
	v11 =	vld [tilespmem:s19+$0x20];
	p2 =	slt.s32 s18, $0x4000;
	v26, _, _ =	vpop (xrf0);
	[tilespmem:s21+$0x13000] =	vst.msk vm13, v16;
	s22 =	simm.s32 @!p1 $0x4000;
	s21 =	smov.u32 s18  }
0x6c: {  	v36 =	vand.u32 $0xFFFF, v28;
	v16 =	vshrl.u32 v14, $0x10;
	v27 =	vshrl.u32 v29, $0x10;
	v35 =	vld [tilespmem:s19+$0x30];
	s21 =	simm.s32 @!p2 $0x4000;
	[tilespmem:s22+$0x13000] =	vst.msk vm12, v18  }
0x6d: {  	v25 =	vshra.s32 v14, $0x1F;
	v18 =	vshrl.u32 v24, $0x10;
	[tilespmem:v19+s12+$0x0] =	vst.idx.add.s32.msk vm11, v1;
	(v2sf) =	vpush v26, $0xF;
	v2 =	vmovc v24  }
0x6e: {  	v24 =	vshrl.u32 v15, $0x10;
	v26 =	vand.u32 $0xFFFF, v31;
	v19 =	vor.u32 v5, v17;
	(xrf0) =	vadd.scan.msk.s32 $0xffff, v20  }
0x6f: {  	v31 =	vshrl.u32 v30, $0x10;
	v20 =	vshra.s32 v30, $0x1F;
	[tilespmem:s21+$0x13000] =	vst.msk vm11, v23;
	v23 =	vor.u32 v7, v26  }
0x70: {  	v7 =	vld.idx.msk [tilespmem:v21+s10+$0x0], $0xffff;
	v26 =	vshrl.u32 v11, $0x10;
	v17 =	vshra.s32 v11, $0x1F;
	v37 =	vshrl.u32 v23, $0x8  }
0x71: {  	v28 =	vshrl.u32 v19, $0x8;
	v5 =	vld.idx.msk [tilespmem:v16+s10+$0x0], $0xffff;
	v38 =	vshrl.u32 v35, $0x10;
	v16 =	vshra.s32 v35, $0x1F  }
0x72: {  	v39 =	vld.idx.msk [tilespmem:v18+s10+$0x0], $0xffff;
	v16 =	vxor.u32 v35, v16;
	v18 =	vand.u32 $0xFFFF, v8;
	v8 =	vxor.u32 v30, v20  }
0x73: {  	v20 =	vld.idx.msk [tilespmem:v24+s10+$0x0], $0xffff;
	v24 =	vor.u32 v13, v36;
	v13 =	vand.u32 $0xFFFF, v33;
	v33 =	vand.u32 $0xFFFF, v3;
	s25 =	spop (v2sf);
	v3 =	vmovc v16  }
0x74: {  	v21 =	vor.u32 v10, v18;
	v10 =	vld.idx.msk [tilespmem:v31+s10+$0x0], $0xffff;
	v16 =	vor.u32 v6, v13;
	s24 =	spop (v2sf);
	(v2sf) =	vpush v34, $0xF;
	v6, _, _ =	vpop (xrf0)  }
0x75: {  	v13 =	vshra.s32 v29, $0x1F;
	v34 =	vshrl.u32 v21, $0x8;
	[tilespmem:v32+s12+$0x0] =	vst.idx.add.s32.msk vm2, v1;
	s23 =	spop (v2sf);
	(v2sf) =	vpush v6, $0xF  }
0x76: {  	v31 =	vshrl.u32 v24, $0x8;
	v30 =	vxor.u32 v29, v13;
	vm10 =	vgt.s32 v7, $0x0;
	v6 =	vld.idx.msk [tilespmem:v26+s10+$0x0], $0xffff;
	s22 =	spop (v2sf)  }
.Ltmp3:
0x77: {  	v18 =	vor.u32 v9, v33;
	v35 =	vsel vm10, $0x1, v0;
	vm8 =	vgt.s32 v5, $0x0;
	v9 =	vld.idx.msk [tilespmem:v38+s10+$0x0], $0xffff;
	s21 =	spop (v2sf);
	(pc) =	sbr.rel @p0 .LBB2_5-.Ltmp3, $4  }
0x78: {  	v32 =	vshrl.u32 v18, $0x8;
	v26 =	vsel vm8, $0x1, v0;
	vm9 =	vgt.s32 v39, $0x0;
	v13 =	vmovc v39;
	v29 =	vld.idx.msk [tilespmem:v27+s10+$0x0], $0xffff;
	(xrf0) =	vadd.scan.msk.s32 $0xffff, v35  }
0x79: {  	v27 =	vsel vm9, $0x1, v0;
	vm7 =	vgt.s32 v20, $0x0;
	(xrf0) =	vadd.scan.msk.s32 $0xffff, v26;
	[tilespmem:v37+s12+$0x0] =	vst.idx.add.s32.msk vm5, v1  }
0x7a: {  	v35 =	vsel vm7, $0x1, v0;
	vm15 =	vgt.s32 v10, $0x0;
	v26 =	vshrl.u32 v16, $0x8;
	(xrf0) =	vadd.scan.msk.s32 $0xffff, v27  }
0x7b: {  	v27 =	vshra.s32 v2, $0x1F;
	v33 =	vsel vm15, $0x1, v0;
	(xrf0) =	vadd.scan.msk.s32 $0xffff, v35;
	[tilespmem:v34+s12+$0x0] =	vst.idx.add.s32.msk vm0, v1  }
0x7c: {  	vm12 =	vgt.s32 v6, $0x0  }
0x7d: {  	(xrf0) =	vadd.scan.msk.s32 $0xffff, v33;
	vm13 =	vgt.s32 v29, $0x0;
	v42 =	vsel vm12, $0x1, v0  }
0x7e: {  	v34 =	vsel vm13, $0x1, v0;
	(xrf0) =	vadd.scan.msk.s32 $0xffff, v42  }
0x7f: {  	v43, _, _ =	vpop (xrf0);
	(xrf0) =	vadd.scan.msk.s32 $0xffff, v34  }
0x80: {  	vm11 =	vgt.s32 v9, $0x0;
	v44, _, _ =	vpop (xrf0)  }
0x81: {  	v50 =	vsel vm11, $0x1, v0;
	(v2sf) =	vpush v43, $0xF;
	v45, _, _ =	vpop (xrf0)  }
0x82: {  	(v2sf) =	vpush v44, $0xF;
	(xrf0) =	vadd.scan.msk.s32 $0xffff, v50;
	v46, _, _ =	vpop (xrf0)  }
0x83: {  	s19 =	spop (v2sf);
	(v2sf) =	vpush v45, $0xF;
	v47, _, _ =	vpop (xrf0)  }
0x84: {  	s18 =	sadd.s32 s18, s19;
	(v2sf) =	vpush v46, $0xF;
	v48, _, _ =	vpop (xrf0)  }
0x85: {  	[tilespmem:v31+s12+$0x0] =	vst.idx.add.s32.msk vm3, v1;
	p0 =	slt.s32 s18, $0x4000;
	s19 =	sadd.s32 s18, s25;
	(v2sf) =	vpush v47, $0xF;
	v49, _, _ =	vpop (xrf0)  }
0x86: {  	[tilespmem:v28+s12+$0x0] =	vst.idx.add.s32.msk vm4, v1;
	s18 =	simm.s32 @!p0 $0x4000;
	p0 =	slt.s32 s19, $0x4000;
	s20 =	sadd.s32 s19, s24;
	(v2sf) =	vpush v49, $0xF  }
0x87: {  	[tilespmem:s18+$0x13000] =	vst.msk vm5, v23;
	s19 =	simm.s32 @!p0 $0x4000;
	p0 =	slt.s32 s20, $0x4000;
	s18 =	sadd.s32 s20, s23  }
0x88: {  	[tilespmem:s19+$0x13000] =	vst.msk vm4, v19;
	s20 =	simm.s32 @!p0 $0x4000;
	s19 =	sadd.s32 s18, s22;
	s31 =	spop (v2sf);
	v56, _, _ =	vpop (xrf0);
	(v2sf) =	vpush v48, $0xF  }
0x89: {  	vm14 =	vmmov vm1;
	[tilespmem:s20+$0x13000] =	vst.msk vm3, v24;
	s20 =	sadd.s32 s19, s21;
	s21 =	spop (v2sf);
	(v2sf) =	vpush v56, $0xF  }
0x8a: {  	v51 =	vand.u32 $0xFFFF, v30  }
0x8b: {  	vm15 =	vmmov vm15;
	v8 =	vand.u32 $0xFFFF, v8;
	v53 =	vor.u32 v29, v51  }
0x8c: {  	v3 =	vand.u32 $0xFFFF, v3;
	v8 =	vor.u32 v10, v8;
	v54 =	vshrl.u32 v53, $0x8  }
0x8d: {  	v12 =	vxor.u32 v12, v22;
	v3 =	vor.u32 v9, v3;
	v58 =	vshrl.u32 v8, $0x8  }
0x8e: {  	[tilespmem:v32+s12+$0x0] =	vst.idx.add.s32.msk vm6, v1;
	v12 =	vand.u32 $0xFFFF, v12;
	v9 =	vshrl.u32 v3, $0x8;
	p0 =	slt.s32 s18, $0x4000  }
0x8f: {  	vm1 =	vmmov vm10;
	v2 =	vxor.u32 v2, v27;
	v7 =	vor.u32 v7, v12;
	s18 =	simm.s32 @!p0 $0x4000;
	[tilespmem:v26+s12+$0x0] =	vst.idx.add.s32.msk vm14, v1  }
0x90: {  	v2 =	vand.u32 $0xFFFF, v2;
	v12 =	vshrl.u32 v7, $0x8;
	[tilespmem:s18+$0x13000] =	vst.msk vm2, v4;
	s22 =	spop (v2sf)  }
0x91: {  	v14 =	vxor.u32 v14, v25;
	vm9 =	vmmov vm9;
	v2 =	vor.u32 v13, v2;
	p0 =	slt.s32 s19, $0x4000;
	[tilespmem:v54+s12+$0x0] =	vst.idx.add.s32.msk vm13, v1;
	s23 =	spop (v2sf)  }
0x92: {  	s17 =	sadd.s32 $0x1, s17;
	v57 =	vand.u32 $0xFFFF, v14;
	v59 =	vshrl.u32 v2, $0x8;
	s19 =	simm.s32 @!p0 $0x4000;
	[tilespmem:v58+s12+$0x0] =	vst.idx.add.s32.msk vm15, v1;
	s25 =	spop (v2sf)  }
0x93: {  	vm0 =	vmmov vm0;
	vm8 =	vmmov vm8;
	v5 =	vor.u32 v5, v57;
	p0 =	slt.s32 s20, $0x4000;
	[tilespmem:v9+s12+$0x0] =	vst.idx.add.s32.msk vm11, v1;
	s18 =	sadd.s32 s20, s31;
	s26 =	spop (v2sf)  }
0x94: {  	v60 =	vshrl.u32 v5, $0x8;
	[tilespmem:s19+$0x13000] =	vst.msk vm0, v21;
	s20 =	simm.s32 @!p0 $0x4000;
	p0 =	slt.s32 s18, $0x4000;
	s28 =	spop (v2sf)  }
0x95: {  	v11 =	vxor.u32 v11, v17;
	[tilespmem:v12+s12+$0x0] =	vst.idx.add.s32.msk vm1, v1;
	s19 =	sadd.s32 s18, s21;
	s18 =	simm.s32 @!p0 $0x4000;
	s29 =	spop (v2sf)  }
0x96: {  	v52 =	vshra.s32 v15, $0x1F;
	v61 =	vand.u32 $0xFFFF, v11;
	[tilespmem:s20+$0x13000] =	vst.msk vm14, v16;
	p0 =	slt.s32 s19, $0x4000;
	s20 =	smov.u32 s19;
	s19 =	sadd.s32 s19, s29  }
0x97: {  	vm6 =	vmmov vm6;
	v15 =	vxor.u32 v15, v52;
	v62 =	vor.u32 v6, v61;
	[tilespmem:v59+s12+$0x0] =	vst.idx.add.s32.msk vm9, v1;
	s20 =	simm.s32 @!p0 $0x4000;
	s30 =	spop (v2sf);
	s21 =	sadd.s32 s19, s22  }
0x98: {  	v15 =	vand.u32 $0xFFFF, v15;
	v63 =	vshrl.u32 v62, $0x8;
	[tilespmem:s18+$0x13000] =	vst.msk vm6, v18;
	p0 =	slt.s32 s19, $0x4000;
	s31 =	spop (v2sf);
	s18 =	sadd.s32 s21, s23  }
0x99: {  	v55 =	vor.u32 v20, v15;
	[tilespmem:v60+s12+$0x0] =	vst.idx.add.s32.msk vm8, v1;
	p1 =	slt.s32 s21, $0x4000;
	s19 =	simm.s32 @!p0 $0x4000;
	s22 =	sadd.s32 s18, s25  }
0x9a: {  	v15 =	vshrl.u32 v55, $0x8;
	s21 =	simm.s32 @!p1 $0x4000;
	[tilespmem:s19+$0x13000] =	vst.msk vm1, v7;
	p0 =	slt.s32 s18, $0x4000;
	s19 =	sadd.s32 s22, s26  }
0x9b: {  	[tilespmem:s20+$0x13000] =	vst.msk vm13, v53;
	s18 =	simm.s32 @!p0 $0x4000;
	p0 =	slt.s32 s19, $0x4000;
	s20 =	sadd.s32 s19, s28  }
0x9c: {  	[tilespmem:s21+$0x13000] =	vst.msk vm8, v5;
	s19 =	simm.s32 @!p0 $0x4000;
	p0 =	slt.s32 s20, $0x4000;
	s21 =	sadd.s32 s20, s30  }
0x9d: {  	[tilespmem:v63+s12+$0x0] =	vst.idx.add.s32.msk vm12, v1;
	p1 =	slt.s32 s22, $0x4000;
	s20 =	simm.s32 @!p0 $0x4000;
	p0 =	slt.s32 s21, $0x4000  }
0x9e: {  	[tilespmem:s18+$0x13000] =	vst.msk vm9, v2;
	s18 =	sadd.s32 s21, s31;
	s21 =	simm.s32 @!p0 $0x4000;
	p0 =	sne.s32 s17, $0x10  }
.Ltmp4:
0x9f: {  	vm10 =	vmmov vm7;
	[tilespmem:v15+s12+$0x0] =	vst.idx.add.s32.msk vm7, v1;
	s22 =	simm.s32 @!p1 $0x4000;
	(pc) =	sbr.rel @p0 .LBB2_4-.Ltmp4, $4  }
0xa0: {  	vm14 =	vmmov vm15;
	[tilespmem:s22+$0x13000] =	vst.msk vm10, v55  }
0xa1: {  	vm13 =	vmmov vm12;
	[tilespmem:s19+$0x13000] =	vst.msk vm14, v8  }
0xa2: {  	vm15 =	vmmov vm11;
	[tilespmem:s20+$0x13000] =	vst.msk vm13, v62  }
0xa3: {  	[tilespmem:s21+$0x13000] =	vst.msk vm15, v3  }
0xa4: {  	[hbm4b:s6+s13] =	stream.strided.scatter [tilespmem:s12], [sflag:$0x1], $0x1000, s14, s13, $0x38;
	[tilespmem:$0x17100] =	vst v63  }
0xa5: {  	p0 =	slt.s32 s18, $0x4000  }
0xa6: {  	v2 =	vmov s18;
	p1 =	slt.s32 s18, $0xFFFFE002;
	s18 =	simm.s32 @!p0 $0x4000  }
0xa7: {  	s17 =	sadd.s32 $0x1FFF, s18  }
0xa8: {  	s18 =	sand.u32 $0x1FFF, s17  }
0xa9: {  	s31 =	sshra.s32 s17, $0x1F;
	p6 =	sne.s32 s18, $0x0  }
0xaa: {  	s18 =	sshrl.u32 s31, $0x13;
	p0 =	por !p1, !p6  }
0xab: {  	s17 =	sadd.s32 s18, s17;
	s18 =	simm.s32 $0x1;
	p0 =	por !p0, !p0  }
0xac: {  	_ =	swait.ge [sflag:s11], $0x1000;
	s17 =	sshra.s32 s17, $0xD;
	s18 =	simm.s32 @!p0 $0x0  }
0xad: {  	[sflag:s11] =	ssyncset.done $0x0;
	s18 =	ssub.s32 s17, s18  }
0xae: {  	[sflag:s11] =	ssyncadd.s32 $0xFFFFF000;
	p0 =	slt.s32 s18, $0x1  }
.Ltmp5:
0xaf: {  	[tilespmem:$0x17080] =	vst v2;
	(pc) =	sbr.rel @p0 .LBB2_11-.Ltmp5, $4  }
0xb0: {  	[hbm4b:s7+s2] =	stream.linear.scatter [tilespmem:s15], [sflag:$0x1], $0x80, $0x38;
	[tilespmem:$0x17100] =	vst v63  }
0xb1: {  	_ =	swait.ge [sflag:s11], $0x80  }
0xb2: {  	[sflag:s11] =	ssyncset.done $0x0  }
0xb3: {  	[sflag:s11] =	ssyncadd.s32 $0xFFFFFF80;
	s17 =	simm.s32 $0x13000  }
0xb4: {  	p0 =	sne.s32 s18, $0x1  }
.Ltmp6:
0xb5: {  	_ = 	snop;
	(pc) =	sbr.rel @!p0 .LBB2_10-.Ltmp6, $4  }
0xb6: {  	s19 =	sshrl.u32 s9, $0x3  }
0xb7: {  	s19 =	sadd.s32 s4, s19  }
0xb8: {  	[hbm4b:s19+s13] =	stream.strided.scatter [tilespmem:s17], [sflag:$0x1], $0x2000, s14, s13, $0x38;
	[tilespmem:$0x17100] =	vst v63  }
0xb9: {  	s18 =	sadd.s32 $0xFFFFFFFF, s18;
	s19 =	sadd.s32 $0x10000, s9;
	_ =	swait.ge [sflag:s11], $0x2000  }
.LBB2_9:
0xba: {  	s20 =	sshrl.u32 s19, $0x3  }
0xbb: {  	[sflag:s11] =	ssyncset.done $0x0;
	s17 =	sadd.s32 $0x2000, s17;
	p0 =	sne.s32 s18, $0x1  }
.Ltmp7:
0xbc: {  	s20 =	sadd.s32 s4, s20;
	[sflag:s11] =	ssyncadd.s32 $0xFFFFE000;
	(pc) =	sbr.rel @p0 .LBB2_9-.Ltmp7, $3  }
0xbd: {  	[hbm4b:s20+s13] =	stream.strided.scatter [tilespmem:s17], [sflag:$0x1], $0x2000, s14, s13, $0x38;
	[tilespmem:$0x17100] =	vst v63  }
0xbe: {  	s18 =	sadd.s32 $0xFFFFFFFF, s18;
	_ =	sdelay $0x1  }
0xbf: {  	s19 =	sadd.s32 $0x10000, s19;
	_ =	swait.ge [sflag:s11], $0x2000  }
.Ltmp8:
0xc0: {  	_ = 	snop;
	(pc) =	sbr.rel .LBB2_10-.Ltmp8, $1  }
0xc1: {  	_ =	sdelay $0x3  }
.LBB2_12:
0xc2: {  	_ =	sfence.sel $0x180000  }
0xc3: {  	[bflag:$0x0] =	sbarrier.arrive $0xFFFF  }
0xc4: {  	p0 =	sne.s32 s0, $0x0;
	_ =	strace $0x9000004A  }
0xc5: {  	s0 =	sadd.s32 @!p0 $0x100000, s1;
	[bflag:$0x2] =	sbarrier.arrive $0xFFFF  }
0xc6: {  	[sflag:s0] =	ssyncadd.tile.s32 @!p0 $0x1;
	_ =	shalt  }
.Lfunc_end2:
_tile_overlayer_lowered:
.L_overlay_start_2:
0xc7: {  	(tag) =	ssettag $0x2  }
0xc8: {  	s0 =	rddreg [dreg:$0x0];
	s2 =	stileid.u32  }
0xc9: {  	s1 =	rddreg [dreg:$0x1];
	p0 =	sne.s32 s2, $0x0  }
0xca: {  	s3 =	rddreg [dreg:$0x2];
	[bflag:$0x3] =	sbarrier.arrive $0xFFFF;
	s2 =	simm.s32 @!p0 $0x1C01  }
0xcb: {  	[timem:s3], [sflag:s2] =	dma.local @!p0 [hbm:s0], s1  }
0xcc: {  	s0 =	simm.s32 @!p0 $0x1  }
0xcd: {  	_ =	swait.ge @!p0 [sflag:s0], s1  }
0xce: {  	s1 =	ssub.s32 @!p0 $0x0, s1;
	[sflag:s0] =	ssyncset.done @!p0 $0x0  }
0xcf: {  	[sflag:s0] =	ssyncadd.s32 @!p0 s1  }
0xd0: {  	[bflag:$0x3] =	sbarrier.arrive $0xFFFF  }
0xd1: {  	_ =	shalt  }

// kernel: kernel.15.cloned.1.call-start
scs
__scs_entry_jumppad:
0x0: {  	(pc) =	sbr.rel $0x88, $3  }
0x1: {  	(tag) =	ssettag $0x0;
	lr =	simm.s32 $0x1  }
0x2: {  	[smem:$0x3FA0] =	sst lr;
	_ =	strace $0xD0000000  }
0x3: {  	_ = 	snop  }
0x4: {  	_ = 	snop  }
0x5: {  	_ = 	snop  }
0x6: {  	_ = 	snop  }
0x7: {  	_ = 	snop  }
__scs_overlays_trampoline_lowered:
0x8: {  	[smem:$0x3FAF] =	sst s0  }
0x9: {  	[smem:$0x3FB0] =	sst s1  }
0xa: {  	[smem:$0x3FB1] =	sst s2  }
0xb: {  	[smem:$0x3FB2] =	sst s3  }
0xc: {  	[smem:$0x3FB3] =	sst s4  }
0xd: {  	[smem:$0x3FB4] =	sst s5  }
0xe: {  	[smem:$0x3FB5] =	sst s6  }
0xf: {  	[smem:$0x3FB6] =	sst s7  }
0x10: {  	[smem:$0x3FB7] =	sst s8  }
0x11: {  	[smem:$0x3FB8] =	sst s9;
	s0 =	simm.s32 @!p0 $0x0  }
0x12: {  	s1 =	sld [smem:$0x3F9E];
	s0 =	simm.s32 @p0 $0x1  }
0x13: {  	[smem:$0x3FB9] =	sst s0;
	s0 =	simm.s32 @!p1 $0x0  }
0x14: {  	s2 =	sld [smem:$0x3F9D];
	s0 =	simm.s32 @p1 $0x1  }
0x15: {  	[smem:$0x3FBA] =	sst s0;
	s0 =	simm.s32 @!p2 $0x0  }
0x16: {  	s3 =	sld [smem:$0x3FDB];
	s0 =	simm.s32 @p2 $0x1  }
0x17: {  	s4 =	simm.s32 $0x1BF5;
	[smem:$0x3FBC] =	sst s0  }
0x18: {  	s0 =	sld [smem:$0x3F9F];
	_ =	swait.ge [sflag:s4], $0x0  }
0x19: {  	s7 =	sld [smem:$0x3FA0]  }
0x1a: {  	s8 =	sadd.s32 $0xFFFFE003, lr  }
0x1b: {  	s9 =	sadd.s32 $0xFFFFFEF7, lr;
	s5 =	simm.s32 $0xFFFFFFFF;
	p2 =	slt.u32 s8, $0xFFFFF086  }
0x1c: {  	p1 =	slt.u32 s9, $0xF7A;
	s5 =	simm.s32 @!p2 $0x0  }
0x1d: {  	s5 =	simm.s32 @p1 $0x1;
	p0 =	seq.s32 s7, s2  }
0x1e: {  	s7 =	smul.u32 @!p0 $0xF7A, s2;
	p2 =	seq.s32 @!p0 s5, $0x0  }
0x1f: {  	s9 =	smul.u32 $0xF7A, s1;
	s8 =	simm.s32 @!p0 $0x1BF5;
	p2 =	por !p2, p0  }
0x20: {  	[sflag:s8] =	ssyncset.s32 @!p0 $0xFFFFF086;
	s6 =	sadd.s32 @!p0 s3, s7;
	s7 =	simm.s32 @!p0 $0x108  }
0x21: {  	s3 =	sadd.s32 s3, s9;
	s6 =	sadd.s32 @!p0 $0x88, s6;
	s7 =	simm.s32 @p2 $0x1082  }
0x22: {  	[simem:s7], [sflag:s8] =	dma.local @!p0 [hbm:s6], $0xF7A  }
0x23: {  	s9 =	sor.u32 $0xD0000000, s2;
	s6 =	simm.s32 $0x108;
	_ =	swait.ge @!p0 [sflag:s8], $0x0  }
0x24: {  	s3 =	sadd.s32 $0x88, s3;
	s6 =	simm.s32 @!p1 $0x1082;
	[sflag:s4] =	ssyncset.s32 $0xFFFFF086  }
0x25: {  	[simem:s6], [sflag:s4] =	dma.local [hbm:s3], $0xF7A  }
0x26: {  	[smem:$0x3FA0] =	sst s1;
	(tag) =	ssettag s2;
	_ =	strace s9  }
0x27: {  	s1 =	sld [smem:$0x3FB0]  }
0x28: {  	s2 =	sld [smem:$0x3FB1]  }
0x29: {  	s4 =	sld [smem:$0x3FB3]  }
0x2a: {  	p0 =	seq.s32 s5, $0x0;
	s5 =	sld [smem:$0x3FB4]  }
0x2b: {  	s6 =	sld [smem:$0x3FB5]  }
0x2c: {  	s7 =	sld [smem:$0x3FB6]  }
0x2d: {  	s3 =	simm.s32 $0x108;
	s8 =	sld [smem:$0x3FB7]  }
0x2e: {  	s3 =	simm.s32 @!p0 $0x1082;
	s9 =	sld [smem:$0x3FB8]  }
0x2f: {  	lr =	sadd.s32 s0, s3;
	s0 =	sld [smem:$0x3FAF]  }
0x30: {  	s3 =	sld [smem:$0x3FB2]  }
0x31: {  	[smem:$0x3FBB] =	sst s10  }
0x32: {  	s10 =	sld [smem:$0x3FB9];
	_ =	sdelay $0x3  }
0x33: {  	p0 =	seq.s32 s10, $0x1;
	s10 =	sld [smem:$0x3FBB];
	_ =	sdelay $0x3  }
0x34: {  	[smem:$0x3FBB] =	sst s10  }
0x35: {  	s10 =	sld [smem:$0x3FBA];
	_ =	sdelay $0x3  }
0x36: {  	p1 =	seq.s32 s10, $0x1;
	s10 =	sld [smem:$0x3FBB];
	_ =	sdelay $0x3  }
0x37: {  	[smem:$0x3FBB] =	sst s10  }
0x38: {  	s10 =	sld [smem:$0x3FBC]  }
0x39: {  	_ = 	snop;
	(pc) =	sbr.ind lr, $3  }
0x3a: {  	_ = 	snop  }
0x3b: {  	_ = 	snop  }
0x3c: {  	p2 =	seq.s32 s10, $0x1;
	s10 =	sld [smem:$0x3FBB]  }
0x3d: {  	_ =	shalt  }
0x3e: {  	_ =	shalt  }
0x3f: {  	_ =	shalt  }
0x40: {  	_ =	shalt  }
0x41: {  	_ =	shalt  }
0x42: {  	_ =	shalt  }
0x43: {  	_ =	shalt  }
0x44: {  	_ =	shalt  }
0x45: {  	_ =	shalt  }
0x46: {  	_ =	shalt  }
0x47: {  	_ =	shalt  }
0x48: {  	_ =	shalt  }
0x49: {  	_ =	shalt  }
0x4a: {  	_ =	shalt  }
0x4b: {  	_ =	shalt  }
0x4c: {  	_ =	shalt  }
0x4d: {  	_ =	shalt  }
0x4e: {  	_ =	shalt  }
0x4f: {  	_ =	shalt  }
0x50: {  	_ =	shalt  }
0x51: {  	_ =	shalt  }
0x52: {  	_ =	shalt  }
0x53: {  	_ =	shalt  }
0x54: {  	_ =	shalt  }
0x55: {  	_ =	shalt  }
0x56: {  	_ =	shalt  }
0x57: {  	_ =	shalt  }
0x58: {  	_ =	shalt  }
0x59: {  	_ =	shalt  }
0x5a: {  	_ =	shalt  }
0x5b: {  	_ =	shalt  }
0x5c: {  	_ =	shalt  }
0x5d: {  	_ =	shalt  }
0x5e: {  	_ =	shalt  }
0x5f: {  	_ =	shalt  }
0x60: {  	_ =	shalt  }
0x61: {  	_ =	shalt  }
0x62: {  	_ =	shalt  }
0x63: {  	_ =	shalt  }
0x64: {  	_ =	shalt  }
0x65: {  	_ =	shalt  }
0x66: {  	_ =	shalt  }
0x67: {  	_ =	shalt  }
0x68: {  	_ =	shalt  }
0x69: {  	_ =	shalt  }
0x6a: {  	_ =	shalt  }
0x6b: {  	_ =	shalt  }
0x6c: {  	_ =	shalt  }
0x6d: {  	_ =	shalt  }
0x6e: {  	_ =	shalt  }
0x6f: {  	_ =	shalt  }
0x70: {  	_ =	shalt  }
0x71: {  	_ =	shalt  }
0x72: {  	_ =	shalt  }
0x73: {  	_ =	shalt  }
0x74: {  	_ =	shalt  }
0x75: {  	_ =	shalt  }
0x76: {  	_ =	shalt  }
0x77: {  	_ =	shalt  }
0x78: {  	_ =	shalt  }
0x79: {  	_ =	shalt  }
0x7a: {  	_ =	shalt  }
0x7b: {  	_ =	shalt  }
0x7c: {  	_ =	shalt  }
0x7d: {  	_ =	shalt  }
0x7e: {  	_ =	shalt  }
0x7f: {  	_ =	shalt  }
0x80: {  	_ =	shalt  }
0x81: {  	_ =	shalt  }
0x82: {  	_ =	shalt  }
0x83: {  	_ =	shalt  }
0x84: {  	_ =	shalt  }
0x85: {  	_ =	shalt  }
0x86: {  	_ =	shalt  }
0x87: {  	_ =	shalt  }
.Lfunc_end0:
.L_simem_size_0:
called_computation.2_lowered:
.L_overlay_start_0:
0x88: {  	s2 =	sld [smem:$0x3FD9]  }
0x89: {  	s3 =	sld [smem:$0x3FFE];
	_ =	sdelay $0x1  }
0x8a: {  	s1 =	srdreg.scid  }
0x8b: {  	s0 =	sand.u32 $0x1, s1  }
0x8c: {  	s17 =	sshll.u32 s0, $0xA;
	s2 =	sadd.s32 s3, s2  }
0x8d: {  	s2 =	sadd.s32 s2, s17  }
0x8e: {  	[smem:$0x3FC7] =	sst s2  }
0x8f: {  	_ = 	snop  }
0x90: {  	s2 =	sld [smem:$0x3FC9];
	(tm) =	ssettm $0x1  }
0x91: {  	s18 =	sld [smem:$0x3FFB];
	_ =	sdelay $0x3  }
0x92: {  	_ =	strace s18  }
0x93: {  	s3 =	sld [smem:$0x3FFC];
	_ =	sdelay $0x3  }
0x94: {  	_ =	strace s3  }
0x95: {  	s3 =	sld [smem:$0x3FFD];
	_ =	sdelay $0x3  }
0x96: {  	_ =	strace s3  }
0x97: {  	_ =	strace $0x8FFFFFFF  }
0x98: {  	s19 =	sld [smem:$0x3FDB];
	_ =	sdelay $0x1  }
0x99: {  	s4 =	simm.s32 $_scs_section_size  }
0x9a: {  	s5 =	simm.s32 $_size__tile_overlayer_lowered;
	s6 =	simm.s32 $_tile_overlayer_lowered  }
0x9b: {  	s22 =	simm.s32 $0x1BFF;
	s21 =	sshll.u32 s6, $0x1;
	s3 =	sadd.s32 s4, s19  }
0x9c: {  	s7 =	simm.s32 $0x0;
	s20 =	sshll.u32 s5, $0x1;
	s5 =	sadd.s32 s21, s3  }
0x9d: {  	[timem:s7], [sflag:s22] =	dma.local [hbm:s5], s20  }
0x9e: {  	_ =	swait.ge [sflag:s22], s20  }
0x9f: {  	s4 =	ssub.s32 $0x0, s20;
	[sflag:s22] =	ssyncset.done $0x0  }
0xa0: {  	[sflag:s22] =	ssyncadd.s32 s4;
	_ =	sdelay $0x1  }
0xa1: {  	s23 =	simm.s32 $0x1B8B  }
0xa2: {  	_ =	swait.ge [sflag:s23], $0x1  }
0xa3: {  	[sflag:s23] =	ssyncset.done $0x0  }
0xa4: {  	s25 =	simm.s32 $0x1B8E;
	s24 =	sld [smem:$0x3FFE];
	[sflag:s23] =	ssyncadd.s32 $0xFFFFFFFF  }
0xa5: {  	s26 =	simm.s32 $execute0_lowered;
	[smem:$0x3FD2] =	sst s25  }
0xa6: {  	s5 =	sshll.u32 s26, $0x1;
	_ =	strace $0x8000004C;
	[dreg:$0x1] =	wrdreg $0xFFFFFFFF  }
0xa7: {  	s28 =	simm.s32 $_size_execute0_lowered;
	s3 =	sadd.s32 s3, s5;
	[dreg:$0x0] =	wrdreg $0x0  }
0xa8: {  	s5 =	sshll.u32 s28, $0x1;
	[dreg:$0x2] =	wrdreg s3  }
0xa9: {  	[dreg:$0x3] =	wrdreg s5  }
0xaa: {  	[dreg:$0x4] =	wrdreg $0xC0  }
0xab: {  	_ =	task [dreg:s7], $0x5FFFF  }
0xac: {  	[dreg:$0x1] =	wrdreg $0xFFFFFFFF  }
0xad: {  	[dreg:$0x0] =	wrdreg $0x60  }
0xae: {  	[dreg:$0x2] =	wrdreg s24  }
0xaf: {  	[dreg:$0x3] =	wrdreg s2  }
0xb0: {  	[dreg:$0x4] =	wrdreg $0x9  }
0xb1: {  	_ =	task.clear_ibuf [dreg:s7], $0x5FFFF;
	_ =	strace $0x9000004C  }
0xb2: {  	s29 =	simm.s32 $0x9;
	_ =	strace $0x8000004E  }
0xb3: {  	_ =	swait.ge [sflag:s29], $0x1  }
0xb4: {  	[sflag:s29] =	ssyncadd.s32 $0xFFFFFFFF  }
0xb5: {  	_ =	strace $0x9000004E  }
0xb6: {  	_ =	sfence  }
0xb7: {  	s30 =	sld [smem:$0x0];
	_ =	sdelay $0x2  }
0xb8: {  	s31 =	sshll.u32 s1, $0xD;
	s1 =	sshrl.u32 s1, $0x2  }
0xb9: {  	s3 =	sand.u32 $0x4000, s31;
	s1 =	sadd.s32 s1, s30  }
0xba: {  	s0 =	sor.u32 s3, s0;
	s1 =	sshll.u32 s1, $0x11  }
0xbb: {  	s0 =	sor.u32 s1, s0  }
0xbc: {  	s0 =	sadd.s32 $0x8F2B, s0  }
0xbd: {  	[sflag:s0] =	ssyncadd.remote.s32 $0x1  }
0xbe: {  	_ =	sfence.sel $0xFFFF  }
0xbf: {  	[dreg:$0x0] =	wrdreg $0xFFFFFFFF;
	(pc) =	sbr.abs _section_cstart, $3  }
0xc0: {  	[dreg:$0x1] =	wrdreg $0xFFFFFFFF  }
0xc1: {  	_ =	task.clear_ibuf [dreg:s7], $0x2FFFF;
	_ =	strace $0x9FFFFFFF  }
0xc2: {  	(tm) =	ssettm $0x7FFFFFFF  }
0xc3: {  	_ =	shalt  }
tec
execute0_lowered:
.L_overlay_start_1:
0x0: {  	(tag) =	ssettag $0x1  }
0x1: {  	s1 =	srdreg.scid  }
0x2: {  	s0 =	stileid.u32;
	s6 =	rddreg [dreg:$0x0]  }
0x3: {  	s7 =	rddreg [dreg:$0x1];
	s2 =	simm.s32 $0x0;
	s15 =	simm.s32 $0x400  }
0x4: {  	s16 =	simm.s32 $0x3080;
	s17 =	simm.s32 $0x6080;
	s18 =	simm.s32 $0x4080  }
0x5: {  	s19 =	simm.s32 $0x0;
	s5 =	sand.u32 $0x1, s1;
	s1 =	rddreg [dreg:$0x2]  }
0x6: {  	s29 =	sshll.u32 s0, $0x1;
	s9 =	sshrl.u32 s0, $0x2;
	[smem:$0x7FF] =	sst s2  }
0x7: {  	s8 =	sor.u32 s5, s29;
	s30 =	sshll.u32 s9, $0xA;
	_ =	strace $0x8000004D  }
0x8: {  	s12 =	sshll.u32 s9, $0xF;
	s13 =	ssub.s32 $0x2, s5;
	s5 =	sadd.s32 $0x2A00, s6  }
0x9: {  	s31 =	sshll.u32 s9, $0x11;
	s3 =	sshll.u32 s8, $0x7;
	s14 =	sshrl.u32 s13, $0x1  }
0xa: {  	s8 =	sshll.u32 s8, $0xE;
	s10 =	sand.u32 $0x380, s3;
	s13 =	ssub.s32 s13, s14  }
0xb: {  	s7 =	sadd.s32 s7, s8;
	s14 =	simm.s32 $0x80;
	s3 =	sor.u32 s30, s10  }
.Ltmp0:
0xc: {  	s12 =	sor.u32 s12, s10;
	s8 =	sor.u32 s10, s31;
	(pc) =	sbr.rel .LBB2_1-.Ltmp0, $4  }
0xd: {  	s10 =	smax.u32 s13, $0x1;
	s13 =	simm.s32 $0x2000;
	s4 =	sshrl.u32 s3, $0x3  }
0xe: {  	s3 =	sadd.s32 $0x4C00, s6;
	s12 =	sshrl.u32 s12, $0x3;
	s11 =	sadd.s32 s4, s6  }
0xf: {  	s4 =	sadd.s32 $0x14C00, s6;
	s12 =	sadd.s32 s12, s6;
	s6 =	sadd.s32 $0x4A00, s11  }
0x10: {  	v0 =	vimm.s32 $0x0;
	v1 =	vlaneseq.u32;
	v2 =	vimm.s32 $0x1;
	s9 =	sadd.s32 $0x14E00, s12;
	s11 =	simm.s32 $0x2080;
	s12 =	simm.s32 $0x1  }
.LBB2_13:
0x11: {  	s19 =	sadd.s32 $0x1, s19  }
0x12: {  	p0 =	sne.s32 s19, s10  }
.Ltmp1:
0x13: {  	_ = 	snop;
	(pc) =	sbr.rel @!p0 .LBB2_14-.Ltmp1, $4  }
0x14: {  	[hbm4b:s9+s14] =	stream.strided.scatter [tilespmem:s16], [sflag:$0x1], $0x1000, s15, s14, $0x38;
	[tilespmem:$0x16080] =	vst v63  }
0x15: {  	_ =	swait.ge [sflag:s12], $0x1000  }
0x16: {  	[sflag:s12] =	ssyncset.done $0x0  }
0x17: {  	[sflag:s12] =	ssyncadd.s32 $0xFFFFF000  }
.LBB2_1:
0x18: {  	[tilespmem:s11], [sflag:$0x1] =	stream.linear.gather [hbm4b:s4+s2], $0x1000, $0x38;
	[tilespmem:$0x16080] =	vst v63  }
0x19: {  	_ =	swait.ge [sflag:s12], $0x1000  }
0x1a: {  	[sflag:s12] =	ssyncset.done $0x0  }
0x1b: {  	s20 =	simm.s32 $0x30C0;
	[sflag:s12] =	ssyncadd.s32 $0xFFFFF000  }
0x1c: {  	[tilespmem:s20+$0xFFFFFFC0] =	vst v0  }
0x1d: {  	[tilespmem:s20+$0x30] =	vst v0  }
0x1e: {  	[tilespmem:s20+$0x20] =	vst v0  }
0x1f: {  	[tilespmem:s20+$0x10] =	vst v0  }
0x20: {  	[tilespmem:s20+$0x0] =	vst v0  }
0x21: {  	[tilespmem:s20+$0xFFFFFFF0] =	vst v0  }
0x22: {  	s21 =	simm.s32 $0x0;
	[tilespmem:s20+$0xFFFFFFE0] =	vst v0  }
.LBB2_2:
0x23: {  	s21 =	sadd.s32 $0x8, s21;
	[tilespmem:s20+$0xFFFFFFD0] =	vst v0;
	s20 =	sadd.s32 $0x80, s20  }
0x24: {  	[tilespmem:s20+$0xFFFFFFC0] =	vst v0;
	p0 =	slt.u32 s21, $0xF8  }
0x25: {  	[tilespmem:s20+$0x30] =	vst v0  }
.Ltmp2:
0x26: {  	[tilespmem:s20+$0x20] =	vst v0;
	(pc) =	sbr.rel @p0 .LBB2_2-.Ltmp2, $4  }
0x27: {  	[tilespmem:s20+$0x10] =	vst v0  }
0x28: {  	[tilespmem:s20+$0x0] =	vst v0  }
0x29: {  	[tilespmem:s20+$0xFFFFFFF0] =	vst v0  }
0x2a: {  	[tilespmem:s20+$0xFFFFFFE0] =	vst v0  }
0x2b: {  	[tilespmem:s20+$0xFFFFFFD0] =	vst v0  }
0x2c: {  	[tilespmem:s13], [sflag:$0x1] =	stream.linear.gather [hbm4b:s6+s2], $0x80, $0x38;
	[tilespmem:$0x16080] =	vst v63  }
0x2d: {  	_ =	swait.ge [sflag:s12], $0x80  }
0x2e: {  	[sflag:s12] =	ssyncset.done $0x0  }
0x2f: {  	[sflag:s12] =	ssyncadd.s32 $0xFFFFFF80  }
0x30: {  	v3 =	vld [tilespmem:$0x2000];
	_ =	sdelay $0x4  }
0x31: {  	(v2sf) =	vpush v3, $0x0;
	_ =	sdelay $0xe  }
0x32: {  	s20 =	spop (v2sf)  }
0x33: {  	p0 =	sgt.s32 s20, $0x4000  }
.Ltmp3:
0x34: {  	_ = 	snop;
	(pc) =	sbr.rel @p0 .LBB2_9-.Ltmp3, $1  }
0x35: {  	_ =	sdelay $0x3  }
0x36: {  	s21 =	sadd.s32 $0x1FFF, s20  }
0x37: {  	s22 =	sand.u32 $0x1FFF, s21  }
0x38: {  	p0 =	slt.s32 s20, $0xFFFFE002;
	s23 =	sshra.s32 s21, $0x1F;
	p1 =	sne.s32 s22, $0x0  }
0x39: {  	s31 =	sshrl.u32 s23, $0x13;
	p0 =	por !p0, !p1  }
0x3a: {  	s20 =	sadd.s32 s31, s21;
	s21 =	simm.s32 $0x1;
	p0 =	por !p0, !p0  }
0x3b: {  	s20 =	sshra.s32 s20, $0xD;
	s21 =	simm.s32 @!p0 $0x0  }
0x3c: {  	s20 =	ssub.s32 s20, s21  }
0x3d: {  	p0 =	slt.s32 s20, $0x1  }
.Ltmp4:
0x3e: {  	_ = 	snop;
	(pc) =	sbr.rel @p0 .LBB2_13-.Ltmp4, $1  }
0x3f: {  	_ =	sdelay $0x3  }
0x40: {  	v3 =	vbroadcast v3, $0x0  }
0x41: {  	s21 =	simm.s32 $0x0;
	s22 =	simm.s32 $0x70  }
.LBB2_6:
0x42: {  	s23 =	sshll.u32 s21, $0x10  }
0x43: {  	s23 =	sadd.s32 s8, s23  }
0x44: {  	s23 =	sshrl.u32 s23, $0x3  }
0x45: {  	s23 =	sadd.s32 s3, s23  }
0x46: {  	[tilespmem:s2], [sflag:$0x1] =	stream.strided.gather [hbm4b:s23+s14], $0x2000, s15, s14, $0x38;
	[tilespmem:$0x16080] =	vst v63  }
0x47: {  	_ =	swait.ge [sflag:s12], $0x2000  }
0x48: {  	[sflag:s12] =	ssyncset.done $0x0  }
0x49: {  	s28 =	simm.s32 $0x40;
	[sflag:s12] =	ssyncadd.s32 $0xFFFFE000  }
0x4a: {  	v14 =	vld [tilespmem:s28+$0x10]  }
0x4b: {  	v17 =	vld [tilespmem:s28+$0x20]  }
0x4c: {  	v18 =	vld [tilespmem:s28+$0xFFFFFFC0]  }
0x4d: {  	v4 =	vld [tilespmem:s28+$0x30]  }
0x4e: {  	v6 =	vld [tilespmem:s28+$0xFFFFFFF0]  }
0x4f: {  	v5 =	vld [tilespmem:s28+$0xFFFFFFD0];
	v7 =	vshrl.u32 v14, $0x8  }
0x50: {  	v8 =	vld [tilespmem:s28+$0xFFFFFFE0];
	v9 =	vshrl.u32 v17, $0x8;
	v10 =	vand.u32 $0xFFF, v7  }
0x51: {  	v11 =	vshrl.u32 v18, $0x8;
	v7 =	vld [tilespmem:s28+$0x0];
	v9 =	vand.u32 $0xFFF, v9  }
0x52: {  	v12 =	vshrl.u32 v4, $0x8;
	v11 =	vand.u32 $0xFFF, v11  }
0x53: {  	v13 =	vshrl.u32 v6, $0x8;
	v12 =	vand.u32 $0xFFF, v12  }
0x54: {  	v15 =	vshrl.u32 v5, $0x8;
	v13 =	vand.u32 $0xFFF, v13  }
0x55: {  	v16 =	vand.u32 $0xFFF, v15;
	v15 =	vshrl.u32 v8, $0x8;
	v22 =	vld.idx.msk [tilespmem:v10+s11+$0x0], $0xffff  }
0x56: {  	v23 =	vand.u32 $0xFFF, v15;
	v10 =	vshrl.u32 v7, $0x8;
	v24 =	vld.idx.msk [tilespmem:v9+s11+$0x0], $0xffff  }
0x57: {  	s31 =	sadd.s32 $0xFFFFFF90, s22;
	v21 =	vld.idx.msk [tilespmem:v11+s11+$0x0], $0xffff;
	v25 =	vand.u32 $0xFFF, v10  }
0x58: {  	v26 =	vor.u32 s31, v1;
	v15 =	vld.idx.msk [tilespmem:v12+s11+$0x0], $0xffff  }
0x59: {  	s24 =	sadd.s32 $0xFFFFFFE0, s22;
	s25 =	sadd.s32 $0xFFFFFFB0, s22;
	s30 =	sadd.s32 $0xFFFFFFD0, s22;
	vm1 =	vlt.s32 v26, v3;
	v14 =	vand.u32 $0xFF, v14;
	v20 =	vld.idx.msk [tilespmem:v13+s11+$0x0], $0xffff  }
0x5a: {  	s29 =	sadd.s32 $0xFFFFFFA0, s22;
	v9 =	vor.u32 s24, v1;
	v12 =	vor.u32 s25, v1;
	v13 =	vor.u32 s30, v1;
	v19 =	vld.idx.msk [tilespmem:v16+s11+$0x0], $0xffff  }
0x5b: {  	s26 =	sadd.s32 $0xFFFFFFF0, s22;
	v11 =	vor.u32 s22, v1;
	v10 =	vor.u32 s29, v1;
	v16 =	vld.idx.msk [tilespmem:v23+s11+$0x0], $0xffff;
	v23 =	vand.u32 $0xFF, v17  }
0x5c: {  	s23 =	simm.s32 $0x0;
	s25 =	simm.s32 $0xC0;
	s24 =	smov.u32 s22;
	v14 =	vadd.s32 v14, v22;
	v22 =	vand.u32 $0xFF, v18;
	v18 =	vadd.s32 v23, v24;
	v17 =	vld.idx.msk [tilespmem:v25+s11+$0x0], $0xffff  }
.LBB2_7:
0x5d: {  	v23 =	vld [tilespmem:s25+$0xFFFFFFD0];
	s23 =	sadd.s32 $0x8, s23;
	v21 =	vadd.s32 v22, v21;
	s28 =	sadd.s32 $0xFFFFFFC0, s24;
	vm0 =	vlt.s32 v13, v3;
	v13 =	vor.u32 s26, v1;
	s24 =	sadd.s32 $0x80, s24  }
0x5e: {  	v6 =	vand.u32 $0xFF, v6;
	s26 =	sadd.s32 $0xFFFFFFA0, s24;
	s29 =	sadd.s32 $0xFFFFFFE0, s24;
	v22 =	vld [tilespmem:s25+$0x20];
	p0 =	slt.u32 s23, $0x1F8;
	v24 =	vor.u32 s28, v1;
	vm3 =	vlt.s32 v13, v3  }
0x5f: {  	s28 =	sadd.s32 $0xFFFFFFD0, s24;
	v20 =	vadd.s32 v6, v20;
	v13 =	vor.u32 s26, v1;
	s26 =	sadd.s32 $0xFFFFFFB0, s24;
	v25 =	vld [tilespmem:s25+$0x10];
	vm4 =	vlt.s32 v24, v3  }
0x60: {  	vm2 =	vlt.s32 v10, v3;
	v28 =	vand.u32 $0xFF, v5;
	v24 =	vor.u32 s29, v1;
	v6 =	vld [tilespmem:s25+$0xFFFFFFF0];
	v10 =	vmovc v13  }
0x61: {  	vm5 =	vlt.s32 v9, v3;
	v19 =	vadd.s32 v28, v19;
	v27 =	vor.u32 s26, v1;
	v9 =	vmovc v24;
	v26 =	vld [tilespmem:s25+$0xFFFFFFC0]  }
0x62: {  	v13 =	vor.u32 s28, v1;
	v24 =	vor.u32 s24, v1;
	[tilespmem:v21+s16+$0x0] =	vst.idx.add.s32.msk vm1, v2;
	v21 =	vand.u32 $0xFF, v4;
	v5 =	vmovc v23  }
0x63: {  	v8 =	vand.u32 $0xFF, v8;
	vm1 =	vlt.s32 v11, v3;
	v11 =	vmovc v24;
	v4 =	vld [tilespmem:s25+$0x30];
	v15 =	vadd.s32 v21, v15  }
0x64: {  	vm6 =	vlt.s32 v12, v3;
	v7 =	vand.u32 $0xFF, v7;
	v16 =	vadd.s32 v8, v16;
	[tilespmem:v18+s16+$0x0] =	vst.idx.add.s32.msk vm3, v2  }
0x65: {  	v17 =	vadd.s32 v7, v17;
	v12 =	vmovc v27;
	v8 =	vshrl.u32 v5, $0x8;
	v18 =	vshrl.u32 v6, $0x8;
	[tilespmem:v20+s16+$0x0] =	vst.idx.add.s32.msk vm4, v2  }
0x66: {  	v23 =	vand.u32 $0xFFF, v8;
	v7 =	vshrl.u32 v25, $0x8;
	v20 =	vshrl.u32 v26, $0x8;
	[tilespmem:v19+s16+$0x0] =	vst.idx.add.s32.msk vm2, v2  }
0x67: {  	v19 =	vshrl.u32 v22, $0x8;
	[tilespmem:v14+s16+$0x0] =	vst.idx.add.s32.msk vm5, v2  }
0x68: {  	v14 =	vand.u32 $0xFFF, v7;
	v8 =	vld [tilespmem:s25+$0xFFFFFFE0]  }
0x69: {  	v19 =	vand.u32 $0xFFF, v19;
	v21 =	vshrl.u32 v4, $0x8;
	v7 =	vld [tilespmem:s25+$0x0]  }
0x6a: {  	v20 =	vand.u32 $0xFFF, v20;
	[tilespmem:v15+s16+$0x0] =	vst.idx.add.s32.msk vm1, v2  }
0x6b: {  	v15 =	vand.u32 $0xFFF, v21;
	[tilespmem:v16+s16+$0x0] =	vst.idx.add.s32.msk vm6, v2  }
0x6c: {  	v16 =	vand.u32 $0xFFF, v18;
	[tilespmem:v17+s16+$0x0] =	vst.idx.add.s32.msk vm0, v2  }
0x6d: {  	v17 =	vshrl.u32 v8, $0x8;
	v14 =	vld.idx.msk [tilespmem:v14+s11+$0x0], $0xffff  }
0x6e: {  	v17 =	vand.u32 $0xFFF, v17;
	v18 =	vshrl.u32 v7, $0x8;
	v24 =	vld.idx.msk [tilespmem:v19+s11+$0x0], $0xffff  }
0x6f: {  	v21 =	vld.idx.msk [tilespmem:v20+s11+$0x0], $0xffff;
	v18 =	vand.u32 $0xFFF, v18  }
.Ltmp5:
0x70: {  	v15 =	vld.idx.msk [tilespmem:v15+s11+$0x0], $0xffff;
	(pc) =	sbr.rel @p0 .LBB2_7-.Ltmp5, $4  }
0x71: {  	v20 =	vld.idx.msk [tilespmem:v16+s11+$0x0], $0xffff  }
0x72: {  	s26 =	sadd.s32 $0xFFFFFF90, s24;
	v19 =	vld.idx.msk [tilespmem:v23+s11+$0x0], $0xffff;
	v23 =	vand.u32 $0xFF, v25  }
0x73: {  	v25 =	vor.u32 s26, v1;
	s26 =	sadd.s32 $0xFFFFFFF0, s24;
	v16 =	vld.idx.msk [tilespmem:v17+s11+$0x0], $0xffff;
	v14 =	vadd.s32 v23, v14;
	v23 =	vand.u32 $0xFF, v22  }
0x74: {  	s25 =	sadd.s32 $0x80, s25;
	vm1 =	vlt.s32 v25, v3;
	v22 =	vand.u32 $0xFF, v26;
	v17 =	vld.idx.msk [tilespmem:v18+s11+$0x0], $0xffff;
	v18 =	vadd.s32 v23, v24  }
0x75: {  	v21 =	vadd.s32 v22, v21;
	vm4 =	vlt.s32 v9, v3  }
0x76: {  	v23 =	vor.u32 s26, v1;
	v4 =	vand.u32 $0xFF, v4;
	vm5 =	vlt.s32 v11, v3  }
0x77: {  	s23 =	sadd.s32 $0xFFFFFFC0, s24;
	vm0 =	vlt.s32 v23, v3;
	v4 =	vadd.s32 v4, v15  }
0x78: {  	vm3 =	vlt.s32 v10, v3;
	v5 =	vand.u32 $0xFF, v5;
	v62 =	vor.u32 s23, v1  }
0x79: {  	v6 =	vand.u32 $0xFF, v6;
	vm2 =	vlt.s32 v62, v3;
	v5 =	vadd.s32 v5, v19  }
0x7a: {  	v8 =	vand.u32 $0xFF, v8;
	vm15 =	vlt.s32 v12, v3;
	v6 =	vadd.s32 v6, v20;
	[tilespmem:v21+s16+$0x0] =	vst.idx.add.s32.msk vm1, v2  }
0x7b: {  	vm6 =	vlt.s32 v13, v3;
	v7 =	vand.u32 $0xFF, v7;
	s21 =	sadd.s32 $0x1, s21;
	v8 =	vadd.s32 v8, v16;
	[tilespmem:v14+s16+$0x0] =	vst.idx.add.s32.msk vm4, v2  }
0x7c: {  	p0 =	seq.s32 s21, s20;
	v63 =	vadd.s32 v7, v17;
	[tilespmem:v4+s16+$0x0] =	vst.idx.add.s32.msk vm5, v2  }
.Ltmp6:
0x7d: {  	[tilespmem:v18+s16+$0x0] =	vst.idx.add.s32.msk vm0, v2;
	(pc) =	sbr.rel @!p0 .LBB2_6-.Ltmp6, $4  }
.Ltmp7:
0x7e: {  	[tilespmem:v5+s16+$0x0] =	vst.idx.add.s32.msk vm3, v2;
	(pc) =	sbr.rel @p0 .LBB2_13-.Ltmp7, $4  }
0x7f: {  	[tilespmem:v6+s16+$0x0] =	vst.idx.add.s32.msk vm2, v2  }
0x80: {  	[tilespmem:v8+s16+$0x0] =	vst.idx.add.s32.msk vm15, v2  }
0x81: {  	s22 =	sadd.s32 $0x2000, s22;
	[tilespmem:v63+s16+$0x0] =	vst.idx.add.s32.msk vm6, v2  }
0x82: {  	_ = 	snop  }
.LBB2_9:
0x83: {  	s20 =	simm.s32 $0x0  }
0x84: {  	[tilespmem:s17], [sflag:$0x1] =	stream.linear.gather [hbm4b:s5+s20], $0x10000, $0x38;
	[tilespmem:$0x16080] =	vst v63  }
0x85: {  	_ =	swait.ge [sflag:s12], $0x10000  }
0x86: {  	[sflag:s12] =	ssyncset.done $0x0  }
0x87: {  	[sflag:s12] =	ssyncadd.s32 $0xFFFF0000  }
.LBB2_10:
0x88: {  	s21 =	sshll.u32 s20, $0xA  }
0x89: {  	s21 =	sadd.s32 s21, s7  }
0x8a: {  	[tilespmem:s18], [sflag:$0x1] =	stream.linear.gather [hbm4b:s21+s2], $0x2000, $0x38;
	[tilespmem:$0x16080] =	vst v63  }
0x8b: {  	_ =	swait.ge [sflag:s12], $0x2000  }
0x8c: {  	[sflag:s12] =	ssyncset.done $0x0  }
0x8d: {  	s31 =	simm.s32 $0x40C0;
	[sflag:s12] =	ssyncadd.s32 $0xFFFFE000  }
0x8e: {  	v3 =	vld [tilespmem:s31+$0xFFFFFFD0]  }
0x8f: {  	v4 =	vld [tilespmem:s31+$0x30]  }
0x90: {  	v5 =	vld [tilespmem:s31+$0xFFFFFFE0]  }
0x91: {  	v6 =	vld [tilespmem:s31+$0xFFFFFFF0]  }
0x92: {  	v7 =	vld [tilespmem:s31+$0x0]  }
0x93: {  	v9 =	vld [tilespmem:s31+$0x10]  }
0x94: {  	v12 =	vld [tilespmem:s31+$0xFFFFFFC0]  }
0x95: {  	v8 =	vshra.s32 v3, $0x1F;
	v10 =	vshrl.u32 v4, $0x10  }
0x96: {  	v11 =	vld [tilespmem:s31+$0x20];
	v13 =	vshrl.u32 v5, $0x10;
	v8 =	vxor.u32 v3, v8;
	v3 =	vshrl.u32 v3, $0x10  }
0x97: {  	v14 =	vshra.s32 v5, $0x1F;
	v15 =	vshra.s32 v6, $0x1F;
	v16 =	vshra.s32 v7, $0x1F  }
0x98: {  	v17 =	vshra.s32 v9, $0x1F;
	v5 =	vxor.u32 v5, v14;
	v14 =	vshrl.u32 v6, $0x10  }
0x99: {  	v19 =	vshra.s32 v12, $0x1F;
	v6 =	vxor.u32 v6, v15;
	v15 =	vshrl.u32 v7, $0x10  }
0x9a: {  	v20 =	vshrl.u32 v12, $0x10;
	v21 =	vshra.s32 v4, $0x1F;
	v18 =	vld.idx.msk [tilespmem:v10+s17+$0x0], $0xffff;
	v10 =	vshrl.u32 v9, $0x10  }
0x9b: {  	v7 =	vxor.u32 v7, v16;
	v16 =	vshrl.u32 v11, $0x10;
	v12 =	vxor.u32 v12, v19;
	v3 =	vld.idx.msk [tilespmem:v3+s17+$0x0], $0xffff  }
0x9c: {  	v4 =	vxor.u32 v4, v21;
	v8 =	vand.u32 $0xFFFF, v8;
	v12 =	vand.u32 $0xFFFF, v12;
	v13 =	vld.idx.msk [tilespmem:v13+s17+$0x0], $0xffff  }
0x9d: {  	v5 =	vand.u32 $0xFFFF, v5;
	v9 =	vxor.u32 v9, v17;
	v17 =	vshra.s32 v11, $0x1F;
	v14 =	vld.idx.msk [tilespmem:v14+s17+$0x0], $0xffff  }
0x9e: {  	v4 =	vand.u32 $0xFFFF, v4;
	v6 =	vand.u32 $0xFFFF, v6;
	v11 =	vxor.u32 v11, v17;
	v17 =	vld.idx.msk [tilespmem:v15+s17+$0x0], $0xffff  }
0x9f: {  	v7 =	vand.u32 $0xFFFF, v7;
	v19 =	vld.idx.msk [tilespmem:v10+s17+$0x0], $0xffff;
	v15 =	vor.u32 v18, v4;
	v4 =	vand.u32 $0xFFFF, v9  }
0xa0: {  	v16 =	vld.idx.msk [tilespmem:v16+s17+$0x0], $0xffff;
	v9 =	vand.u32 $0xFFFF, v11;
	v10 =	vshrl.u32 v15, $0x8;
	v8 =	vor.u32 v3, v8  }
0xa1: {  	v11 =	vld.idx.msk [tilespmem:v20+s17+$0x0], $0xffff;
	v5 =	vor.u32 v13, v5;
	v10 =	vand.u32 $0xFFF, v10;
	v62 =	vshrl.u32 v8, $0x8  }
0xa2: {  	v63 =	vshrl.u32 v5, $0x8;
	v6 =	vor.u32 v14, v6;
	v20 =	vand.u32 $0xFFF, v62  }
0xa3: {  	v23 =	vor.u32 v17, v7;
	v21 =	vand.u32 $0xFFF, v63;
	v22 =	vshrl.u32 v6, $0x8  }
0xa4: {  	v7 =	vshrl.u32 v23, $0x8;
	v22 =	vand.u32 $0xFFF, v22;
	v4 =	vor.u32 v19, v4  }
0xa5: {  	v25 =	vor.u32 v16, v9;
	v24 =	vand.u32 $0xFFF, v7;
	v7 =	vshrl.u32 v4, $0x8  }
0xa6: {  	v9 =	vor.u32 v11, v12;
	v26 =	vld.idx.msk [tilespmem:v10+s11+$0x0], $0xffff;
	v27 =	vand.u32 $0xFFF, v7;
	v7 =	vshrl.u32 v25, $0x8  }
0xa7: {  	vm7 =	vgt.s32 v18, $0x0;
	v10 =	vshrl.u32 v9, $0x8;
	v20 =	vld.idx.msk [tilespmem:v20+s11+$0x0], $0xffff;
	v28 =	vand.u32 $0xFFF, v7  }
0xa8: {  	vm5 =	vgt.s32 v13, $0x0;
	vm0 =	vgt.s32 v3, $0x0;
	v30 =	vand.u32 $0xFFF, v10;
	v7 =	vld.idx.msk [tilespmem:v21+s11+$0x0], $0xffff  }
0xa9: {  	vm3 =	vgt.s32 v14, $0x0;
	vm4 =	vgt.s32 v17, $0x0;
	vm1 =	vgt.s32 v16, $0x0;
	v10 =	vld.idx.msk [tilespmem:v22+s11+$0x0], $0xffff  }
0xaa: {  	v29 =	vand.u32 $0xFF, v8;
	vm6 =	vgt.s32 v11, $0x0;
	v11 =	vand.u32 $0xFF, v15;
	v12 =	vld.idx.msk [tilespmem:v24+s11+$0x0], $0xffff  }
0xab: {  	v6 =	vand.u32 $0xFF, v6;
	v8 =	vand.u32 $0xFF, v23;
	v13 =	vld.idx.msk [tilespmem:v27+s11+$0x0], $0xffff;
	v15 =	vadd.s32 v26, v11  }
0xac: {  	vm2 =	vgt.s32 v19, $0x0;
	v3 =	vand.u32 $0xFF, v9;
	v9 =	vand.u32 $0xFF, v5;
	v14 =	vld.idx.msk [tilespmem:v28+s11+$0x0], $0xffff  }
0xad: {  	s22 =	simm.s32 $0x4140;
	s21 =	simm.s32 $0x0;
	v5 =	vand.u32 $0xFF, v4;
	v4 =	vand.u32 $0xFF, v25;
	v16 =	vld.idx.msk [tilespmem:v30+s11+$0x0], $0xffff;
	v11 =	vadd.s32 v20, v29  }
.LBB2_11:
0xae: {  	v17 =	vld [tilespmem:s22+$0x30];
	s21 =	sadd.s32 $0x8, s21;
	v7 =	vadd.s32 v7, v9  }
0xaf: {  	v6 =	vadd.s32 v10, v6;
	v9 =	vld [tilespmem:s22+$0xFFFFFFD0];
	p0 =	slt.u32 s21, $0x1F8  }
0xb0: {  	v8 =	vadd.s32 v12, v8;
	[tilespmem:v15+s16+$0x0] =	vst.idx.add.s32.msk vm7, v2  }
0xb1: {  	v5 =	vadd.s32 v13, v5;
	v10 =	vld [tilespmem:s22+$0xFFFFFFE0]  }
0xb2: {  	v4 =	vadd.s32 v14, v4;
	v12 =	vld [tilespmem:s22+$0xFFFFFFF0]  }
0xb3: {  	v3 =	vadd.s32 v16, v3;
	v13 =	vld [tilespmem:s22+$0x0];
	v14 =	vshrl.u32 v17, $0x10  }
0xb4: {  	v15 =	vshrl.u32 v9, $0x10;
	v16 =	vshra.s32 v9, $0x1F;
	v18 =	vld [tilespmem:s22+$0x10]  }
0xb5: {  	v9 =	vxor.u32 v9, v16;
	v16 =	vld [tilespmem:s22+$0x20]  }
0xb6: {  	v19 =	vld [tilespmem:s22+$0xFFFFFFC0];
	v9 =	vand.u32 $0xFFFF, v9;
	v20 =	vshrl.u32 v10, $0x10;
	v21 =	vshra.s32 v10, $0x1F  }
0xb7: {  	v10 =	vxor.u32 v10, v21;
	v21 =	vshrl.u32 v12, $0x10;
	v22 =	vshra.s32 v12, $0x1F;
	[tilespmem:v11+s16+$0x0] =	vst.idx.add.s32.msk vm0, v2  }
0xb8: {  	v11 =	vxor.u32 v12, v22;
	v12 =	vshrl.u32 v13, $0x10;
	v22 =	vshra.s32 v13, $0x1F;
	v14 =	vld.idx.msk [tilespmem:v14+s17+$0x0], $0xffff  }
0xb9: {  	v15 =	vld.idx.msk [tilespmem:v15+s17+$0x0], $0xffff;
	v13 =	vxor.u32 v13, v22;
	v22 =	vshrl.u32 v18, $0x10;
	v23 =	vshra.s32 v18, $0x1F  }
0xba: {  	v18 =	vxor.u32 v18, v23;
	v23 =	vshrl.u32 v16, $0x10;
	v24 =	vshra.s32 v16, $0x1F;
	[tilespmem:v3+s16+$0x0] =	vst.idx.add.s32.msk vm6, v2  }
0xbb: {  	v26 =	vshra.s32 v17, $0x1F;
	v3 =	vshrl.u32 v19, $0x10;
	v25 =	vshra.s32 v19, $0x1F;
	v20 =	vld.idx.msk [tilespmem:v20+s17+$0x0], $0xffff  }
0xbc: {  	v17 =	vxor.u32 v17, v26;
	v16 =	vxor.u32 v16, v24;
	v19 =	vxor.u32 v19, v25;
	v21 =	vld.idx.msk [tilespmem:v21+s17+$0x0], $0xffff  }
0xbd: {  	v10 =	vand.u32 $0xFFFF, v10;
	v19 =	vand.u32 $0xFFFF, v19;
	v24 =	vld.idx.msk [tilespmem:v12+s17+$0x0], $0xffff;
	v12 =	vand.u32 $0xFFFF, v17  }
0xbe: {  	v11 =	vand.u32 $0xFFFF, v11;
	v13 =	vand.u32 $0xFFFF, v13;
	v17 =	vld.idx.msk [tilespmem:v22+s17+$0x0], $0xffff;
	v22 =	vor.u32 v14, v12  }
0xbf: {  	v16 =	vand.u32 $0xFFFF, v16;
	v12 =	vand.u32 $0xFFFF, v18;
	v18 =	vld.idx.msk [tilespmem:v23+s17+$0x0], $0xffff;
	v23 =	vshrl.u32 v22, $0x8  }
0xc0: {  	vm0 =	vgt.s32 v15, $0x0;
	v25 =	vld.idx.msk [tilespmem:v3+s17+$0x0], $0xffff;
	v3 =	vor.u32 v15, v9;
	v9 =	vand.u32 $0xFFF, v23  }
0xc1: {  	v10 =	vor.u32 v20, v10;
	v15 =	vshrl.u32 v3, $0x8;
	v23 =	vand.u32 $0xFF, v3;
	[tilespmem:v7+s16+$0x0] =	vst.idx.add.s32.msk vm5, v2  }
0xc2: {  	v3 =	vshrl.u32 v10, $0x8;
	v11 =	vor.u32 v21, v11;
	v7 =	vand.u32 $0xFFF, v15;
	[tilespmem:v6+s16+$0x0] =	vst.idx.add.s32.msk vm3, v2  }
0xc3: {  	v6 =	vand.u32 $0xFFF, v3;
	v3 =	vshrl.u32 v11, $0x8;
	v13 =	vor.u32 v24, v13;
	[tilespmem:v8+s16+$0x0] =	vst.idx.add.s32.msk vm4, v2  }
0xc4: {  	v8 =	vand.u32 $0xFFF, v3;
	v3 =	vshrl.u32 v13, $0x8;
	v12 =	vor.u32 v17, v12;
	[tilespmem:v5+s16+$0x0] =	vst.idx.add.s32.msk vm2, v2  }
0xc5: {  	v15 =	vand.u32 $0xFFF, v3;
	v3 =	vshrl.u32 v12, $0x8;
	v16 =	vor.u32 v18, v16;
	v26 =	vld.idx.msk [tilespmem:v9+s11+$0x0], $0xffff  }
0xc6: {  	v5 =	vor.u32 v25, v19;
	v19 =	vand.u32 $0xFFF, v3;
	v9 =	vshrl.u32 v16, $0x8;
	[tilespmem:v4+s16+$0x0] =	vst.idx.add.s32.msk vm1, v2  }
0xc7: {  	v4 =	vshrl.u32 v5, $0x8;
	v3 =	vand.u32 $0xFF, v5;
	v28 =	vand.u32 $0xFFF, v9;
	v27 =	vld.idx.msk [tilespmem:v7+s11+$0x0], $0xffff  }
0xc8: {  	v9 =	vand.u32 $0xFF, v10;
	v29 =	vand.u32 $0xFFF, v4;
	v7 =	vld.idx.msk [tilespmem:v6+s11+$0x0], $0xffff;
	v6 =	vand.u32 $0xFF, v11  }
.Ltmp8:
0xc9: {  	v5 =	vand.u32 $0xFF, v12;
	v4 =	vand.u32 $0xFF, v16;
	v10 =	vld.idx.msk [tilespmem:v8+s11+$0x0], $0xffff;
	v8 =	vand.u32 $0xFF, v13;
	(pc) =	sbr.rel @p0 .LBB2_11-.Ltmp8, $4  }
0xca: {  	vm7 =	vgt.s32 v14, $0x0;
	vm6 =	vgt.s32 v25, $0x0;
	v11 =	vand.u32 $0xFF, v22;
	v12 =	vld.idx.msk [tilespmem:v15+s11+$0x0], $0xffff  }
0xcb: {  	vm5 =	vgt.s32 v20, $0x0;
	vm3 =	vgt.s32 v21, $0x0;
	v15 =	vadd.s32 v26, v11;
	v13 =	vld.idx.msk [tilespmem:v19+s11+$0x0], $0xffff  }
0xcc: {  	vm4 =	vgt.s32 v24, $0x0;
	vm2 =	vgt.s32 v17, $0x0;
	vm1 =	vgt.s32 v18, $0x0;
	v14 =	vld.idx.msk [tilespmem:v28+s11+$0x0], $0xffff  }
0xcd: {  	s22 =	sadd.s32 $0x80, s22;
	v11 =	vadd.s32 v27, v23;
	v16 =	vld.idx.msk [tilespmem:v29+s11+$0x0], $0xffff  }
0xce: {  	_ =	sdelay $0x1  }
0xcf: {  	v7 =	vadd.s32 v7, v9  }
0xd0: {  	v6 =	vadd.s32 v10, v6  }
0xd1: {  	v8 =	vadd.s32 v12, v8  }
0xd2: {  	[tilespmem:v15+s16+$0x0] =	vst.idx.add.s32.msk vm7, v2;
	v5 =	vadd.s32 v13, v5  }
0xd3: {  	[tilespmem:v11+s16+$0x0] =	vst.idx.add.s32.msk vm0, v2;
	s20 =	sadd.s32 $0x1, s20;
	v4 =	vadd.s32 v14, v4  }
0xd4: {  	p0 =	sne.s32 s20, $0x10;
	v3 =	vadd.s32 v16, v3;
	[tilespmem:v7+s16+$0x0] =	vst.idx.add.s32.msk vm5, v2  }
.Ltmp9:
0xd5: {  	[tilespmem:v6+s16+$0x0] =	vst.idx.add.s32.msk vm3, v2;
	(pc) =	sbr.rel @p0 .LBB2_10-.Ltmp9, $4  }
.Ltmp10:
0xd6: {  	[tilespmem:v8+s16+$0x0] =	vst.idx.add.s32.msk vm4, v2;
	(pc) =	sbr.rel @!p0 .LBB2_13-.Ltmp10, $4  }
0xd7: {  	[tilespmem:v5+s16+$0x0] =	vst.idx.add.s32.msk vm2, v2  }
0xd8: {  	[tilespmem:v4+s16+$0x0] =	vst.idx.add.s32.msk vm1, v2  }
0xd9: {  	[tilespmem:v3+s16+$0x0] =	vst.idx.add.s32.msk vm6, v2  }
0xda: {  	_ = 	snop  }
.LBB2_14:
0xdb: {  	_ =	sfence.sel $0x180000  }
0xdc: {  	[bflag:$0x0] =	sbarrier.arrive $0xFFFF  }
0xdd: {  	p0 =	sne.s32 s0, $0x0;
	_ =	strace $0x9000004D  }
0xde: {  	s0 =	sadd.s32 @!p0 $0x100000, s1;
	[bflag:$0x2] =	sbarrier.arrive $0xFFFF  }
0xdf: {  	[sflag:s0] =	ssyncadd.tile.s32 @!p0 $0x1;
	_ =	shalt  }
.Lfunc_end2:
_tile_overlayer_lowered:
.L_overlay_start_2:
0xe0: {  	(tag) =	ssettag $0x2  }
0xe1: {  	s0 =	rddreg [dreg:$0x0];
	s2 =	stileid.u32  }
0xe2: {  	s1 =	rddreg [dreg:$0x1];
	p0 =	sne.s32 s2, $0x0  }
0xe3: {  	s3 =	rddreg [dreg:$0x2];
	[bflag:$0x3] =	sbarrier.arrive $0xFFFF;
	s2 =	simm.s32 @!p0 $0x1C01  }
0xe4: {  	[timem:s3], [sflag:s2] =	dma.local @!p0 [hbm:s0], s1  }
0xe5: {  	s0 =	simm.s32 @!p0 $0x1  }
0xe6: {  	_ =	swait.ge @!p0 [sflag:s0], s1  }
0xe7: {  	s1 =	ssub.s32 @!p0 $0x0, s1;
	[sflag:s0] =	ssyncset.done @!p0 $0x0  }
0xe8: {  	[sflag:s0] =	ssyncadd.s32 @!p0 s1  }
0xe9: {  	[bflag:$0x3] =	sbarrier.arrive $0xFFFF  }
0xea: {  	_ =	shalt  }

// kernel: kernel.9.cloned.1.call-start
scs
__scs_entry_jumppad:
0x0: {  	(pc) =	sbr.rel $0x88, $3  }
0x1: {  	(tag) =	ssettag $0x0;
	lr =	simm.s32 $0x1  }
0x2: {  	[smem:$0x3FA0] =	sst lr;
	_ =	strace $0xD0000000  }
0x3: {  	_ = 	snop  }
0x4: {  	_ = 	snop  }
0x5: {  	_ = 	snop  }
0x6: {  	_ = 	snop  }
0x7: {  	_ = 	snop  }
__scs_overlays_trampoline_lowered:
0x8: {  	[smem:$0x3FAF] =	sst s0  }
0x9: {  	[smem:$0x3FB0] =	sst s1  }
0xa: {  	[smem:$0x3FB1] =	sst s2  }
0xb: {  	[smem:$0x3FB2] =	sst s3  }
0xc: {  	[smem:$0x3FB3] =	sst s4  }
0xd: {  	[smem:$0x3FB4] =	sst s5  }
0xe: {  	[smem:$0x3FB5] =	sst s6  }
0xf: {  	[smem:$0x3FB6] =	sst s7  }
0x10: {  	[smem:$0x3FB7] =	sst s8  }
0x11: {  	[smem:$0x3FB8] =	sst s9;
	s0 =	simm.s32 @!p0 $0x0  }
0x12: {  	s1 =	sld [smem:$0x3F9E];
	s0 =	simm.s32 @p0 $0x1  }
0x13: {  	[smem:$0x3FB9] =	sst s0;
	s0 =	simm.s32 @!p1 $0x0  }
0x14: {  	s2 =	sld [smem:$0x3F9D];
	s0 =	simm.s32 @p1 $0x1  }
0x15: {  	[smem:$0x3FBA] =	sst s0;
	s0 =	simm.s32 @!p2 $0x0  }
0x16: {  	s3 =	sld [smem:$0x3FDB];
	s0 =	simm.s32 @p2 $0x1  }
0x17: {  	s4 =	simm.s32 $0x1BF5;
	[smem:$0x3FBC] =	sst s0  }
0x18: {  	s0 =	sld [smem:$0x3F9F];
	_ =	swait.ge [sflag:s4], $0x0  }
0x19: {  	s7 =	sld [smem:$0x3FA0]  }
0x1a: {  	s8 =	sadd.s32 $0xFFFFE003, lr  }
0x1b: {  	s9 =	sadd.s32 $0xFFFFFEF7, lr;
	s5 =	simm.s32 $0xFFFFFFFF;
	p2 =	slt.u32 s8, $0xFFFFF086  }
0x1c: {  	p1 =	slt.u32 s9, $0xF7A;
	s5 =	simm.s32 @!p2 $0x0  }
0x1d: {  	s5 =	simm.s32 @p1 $0x1;
	p0 =	seq.s32 s7, s2  }
0x1e: {  	s7 =	smul.u32 @!p0 $0xF7A, s2;
	p2 =	seq.s32 @!p0 s5, $0x0  }
0x1f: {  	s9 =	smul.u32 $0xF7A, s1;
	s8 =	simm.s32 @!p0 $0x1BF5;
	p2 =	por !p2, p0  }
0x20: {  	[sflag:s8] =	ssyncset.s32 @!p0 $0xFFFFF086;
	s6 =	sadd.s32 @!p0 s3, s7;
	s7 =	simm.s32 @!p0 $0x108  }
0x21: {  	s3 =	sadd.s32 s3, s9;
	s6 =	sadd.s32 @!p0 $0x88, s6;
	s7 =	simm.s32 @p2 $0x1082  }
0x22: {  	[simem:s7], [sflag:s8] =	dma.local @!p0 [hbm:s6], $0xF7A  }
0x23: {  	s9 =	sor.u32 $0xD0000000, s2;
	s6 =	simm.s32 $0x108;
	_ =	swait.ge @!p0 [sflag:s8], $0x0  }
0x24: {  	s3 =	sadd.s32 $0x88, s3;
	s6 =	simm.s32 @!p1 $0x1082;
	[sflag:s4] =	ssyncset.s32 $0xFFFFF086  }
0x25: {  	[simem:s6], [sflag:s4] =	dma.local [hbm:s3], $0xF7A  }
0x26: {  	[smem:$0x3FA0] =	sst s1;
	(tag) =	ssettag s2;
	_ =	strace s9  }
0x27: {  	s1 =	sld [smem:$0x3FB0]  }
0x28: {  	s2 =	sld [smem:$0x3FB1]  }
0x29: {  	s4 =	sld [smem:$0x3FB3]  }
0x2a: {  	p0 =	seq.s32 s5, $0x0;
	s5 =	sld [smem:$0x3FB4]  }
0x2b: {  	s6 =	sld [smem:$0x3FB5]  }
0x2c: {  	s7 =	sld [smem:$0x3FB6]  }
0x2d: {  	s3 =	simm.s32 $0x108;
	s8 =	sld [smem:$0x3FB7]  }
0x2e: {  	s3 =	simm.s32 @!p0 $0x1082;
	s9 =	sld [smem:$0x3FB8]  }
0x2f: {  	lr =	sadd.s32 s0, s3;
	s0 =	sld [smem:$0x3FAF]  }
0x30: {  	s3 =	sld [smem:$0x3FB2]  }
0x31: {  	[smem:$0x3FBB] =	sst s10  }
0x32: {  	s10 =	sld [smem:$0x3FB9];
	_ =	sdelay $0x3  }
0x33: {  	p0 =	seq.s32 s10, $0x1;
	s10 =	sld [smem:$0x3FBB];
	_ =	sdelay $0x3  }
0x34: {  	[smem:$0x3FBB] =	sst s10  }
0x35: {  	s10 =	sld [smem:$0x3FBA];
	_ =	sdelay $0x3  }
0x36: {  	p1 =	seq.s32 s10, $0x1;
	s10 =	sld [smem:$0x3FBB];
	_ =	sdelay $0x3  }
0x37: {  	[smem:$0x3FBB] =	sst s10  }
0x38: {  	s10 =	sld [smem:$0x3FBC]  }
0x39: {  	_ = 	snop;
	(pc) =	sbr.ind lr, $3  }
0x3a: {  	_ = 	snop  }
0x3b: {  	_ = 	snop  }
0x3c: {  	p2 =	seq.s32 s10, $0x1;
	s10 =	sld [smem:$0x3FBB]  }
0x3d: {  	_ =	shalt  }
0x3e: {  	_ =	shalt  }
0x3f: {  	_ =	shalt  }
0x40: {  	_ =	shalt  }
0x41: {  	_ =	shalt  }
0x42: {  	_ =	shalt  }
0x43: {  	_ =	shalt  }
0x44: {  	_ =	shalt  }
0x45: {  	_ =	shalt  }
0x46: {  	_ =	shalt  }
0x47: {  	_ =	shalt  }
0x48: {  	_ =	shalt  }
0x49: {  	_ =	shalt  }
0x4a: {  	_ =	shalt  }
0x4b: {  	_ =	shalt  }
0x4c: {  	_ =	shalt  }
0x4d: {  	_ =	shalt  }
0x4e: {  	_ =	shalt  }
0x4f: {  	_ =	shalt  }
0x50: {  	_ =	shalt  }
0x51: {  	_ =	shalt  }
0x52: {  	_ =	shalt  }
0x53: {  	_ =	shalt  }
0x54: {  	_ =	shalt  }
0x55: {  	_ =	shalt  }
0x56: {  	_ =	shalt  }
0x57: {  	_ =	shalt  }
0x58: {  	_ =	shalt  }
0x59: {  	_ =	shalt  }
0x5a: {  	_ =	shalt  }
0x5b: {  	_ =	shalt  }
0x5c: {  	_ =	shalt  }
0x5d: {  	_ =	shalt  }
0x5e: {  	_ =	shalt  }
0x5f: {  	_ =	shalt  }
0x60: {  	_ =	shalt  }
0x61: {  	_ =	shalt  }
0x62: {  	_ =	shalt  }
0x63: {  	_ =	shalt  }
0x64: {  	_ =	shalt  }
0x65: {  	_ =	shalt  }
0x66: {  	_ =	shalt  }
0x67: {  	_ =	shalt  }
0x68: {  	_ =	shalt  }
0x69: {  	_ =	shalt  }
0x6a: {  	_ =	shalt  }
0x6b: {  	_ =	shalt  }
0x6c: {  	_ =	shalt  }
0x6d: {  	_ =	shalt  }
0x6e: {  	_ =	shalt  }
0x6f: {  	_ =	shalt  }
0x70: {  	_ =	shalt  }
0x71: {  	_ =	shalt  }
0x72: {  	_ =	shalt  }
0x73: {  	_ =	shalt  }
0x74: {  	_ =	shalt  }
0x75: {  	_ =	shalt  }
0x76: {  	_ =	shalt  }
0x77: {  	_ =	shalt  }
0x78: {  	_ =	shalt  }
0x79: {  	_ =	shalt  }
0x7a: {  	_ =	shalt  }
0x7b: {  	_ =	shalt  }
0x7c: {  	_ =	shalt  }
0x7d: {  	_ =	shalt  }
0x7e: {  	_ =	shalt  }
0x7f: {  	_ =	shalt  }
0x80: {  	_ =	shalt  }
0x81: {  	_ =	shalt  }
0x82: {  	_ =	shalt  }
0x83: {  	_ =	shalt  }
0x84: {  	_ =	shalt  }
0x85: {  	_ =	shalt  }
0x86: {  	_ =	shalt  }
0x87: {  	_ =	shalt  }
.Lfunc_end0:
.L_simem_size_0:
called_computation_lowered:
.L_overlay_start_0:
0x88: {  	s2 =	sld [smem:$0x3FD9]  }
0x89: {  	s3 =	sld [smem:$0x3FFE];
	_ =	sdelay $0x1  }
0x8a: {  	s1 =	srdreg.scid  }
0x8b: {  	s0 =	sand.u32 $0x1, s1  }
0x8c: {  	s18 =	sshll.u32 s0, $0xA;
	s2 =	sadd.s32 s3, s2  }
0x8d: {  	s2 =	sadd.s32 s2, s18  }
0x8e: {  	[smem:$0x3FC7] =	sst s2  }
0x8f: {  	_ = 	snop  }
0x90: {  	s2 =	sld [smem:$0x3FC9]  }
0x91: {  	s19 =	sld [smem:$0x3FD0];
	(tm) =	ssettm $0x1  }
0x92: {  	s4 =	sld [smem:$0x3FFB];
	_ =	sdelay $0x3  }
0x93: {  	_ =	strace s4  }
0x94: {  	s4 =	sld [smem:$0x3FFC];
	_ =	sdelay $0x3  }
0x95: {  	_ =	strace s4  }
0x96: {  	s4 =	sld [smem:$0x3FFD];
	_ =	sdelay $0x3  }
0x97: {  	_ =	strace s4  }
0x98: {  	_ =	strace $0x8FFFFFFF  }
0x99: {  	s20 =	sld [smem:$0x3FDB];
	_ =	sdelay $0x1  }
0x9a: {  	s5 =	simm.s32 $_scs_section_size  }
0x9b: {  	s6 =	simm.s32 $_size__tile_overlayer_lowered;
	s7 =	simm.s32 $_tile_overlayer_lowered  }
0x9c: {  	s23 =	simm.s32 $0x1BFF;
	s22 =	sshll.u32 s7, $0x1;
	s4 =	sadd.s32 s5, s20  }
0x9d: {  	s8 =	simm.s32 $0x0;
	s21 =	sshll.u32 s6, $0x1;
	s6 =	sadd.s32 s22, s4  }
0x9e: {  	[timem:s8], [sflag:s23] =	dma.local [hbm:s6], s21  }
0x9f: {  	_ =	swait.ge [sflag:s23], s21  }
0xa0: {  	s5 =	ssub.s32 $0x0, s21;
	[sflag:s23] =	ssyncset.done $0x0  }
0xa1: {  	[sflag:s23] =	ssyncadd.s32 s5;
	_ =	sdelay $0x1  }
0xa2: {  	s24 =	simm.s32 $0x1B8B  }
0xa3: {  	_ =	swait.ge [sflag:s24], $0x1  }
0xa4: {  	[sflag:s24] =	ssyncset.done $0x0  }
0xa5: {  	s25 =	simm.s32 $0x1B8E;
	[sflag:s24] =	ssyncadd.s32 $0xFFFFFFFF  }
0xa6: {  	s26 =	simm.s32 $execute0_lowered;
	[smem:$0x3FD2] =	sst s25  }
0xa7: {  	s5 =	sshll.u32 s26, $0x1;
	_ =	strace $0x80000046;
	[dreg:$0x1] =	wrdreg $0xFFFFFFFF  }
0xa8: {  	s28 =	simm.s32 $_size_execute0_lowered;
	s4 =	sadd.s32 s4, s5;
	[dreg:$0x0] =	wrdreg $0x0  }
0xa9: {  	s5 =	sshll.u32 s28, $0x1;
	[dreg:$0x2] =	wrdreg s4  }
0xaa: {  	[dreg:$0x3] =	wrdreg s5  }
0xab: {  	[dreg:$0x4] =	wrdreg $0xC0  }
0xac: {  	_ =	task [dreg:s8], $0x5FFFF  }
0xad: {  	[dreg:$0x1] =	wrdreg $0xFFFFFFFF  }
0xae: {  	[dreg:$0x0] =	wrdreg $0x60  }
0xaf: {  	[dreg:$0x2] =	wrdreg s2  }
0xb0: {  	[dreg:$0x3] =	wrdreg s19  }
0xb1: {  	[dreg:$0x4] =	wrdreg $0x9  }
0xb2: {  	_ =	task.clear_ibuf [dreg:s8], $0x5FFFF;
	_ =	strace $0x90000046  }
0xb3: {  	s29 =	simm.s32 $0x9;
	_ =	strace $0x80000048  }
0xb4: {  	_ =	swait.ge [sflag:s29], $0x1  }
0xb5: {  	[sflag:s29] =	ssyncadd.s32 $0xFFFFFFFF  }
0xb6: {  	_ =	strace $0x90000048  }
0xb7: {  	_ =	sfence  }
0xb8: {  	s30 =	sld [smem:$0x0];
	_ =	sdelay $0x2  }
0xb9: {  	s31 =	sshll.u32 s1, $0xD;
	s1 =	sshrl.u32 s1, $0x2  }
0xba: {  	s3 =	sand.u32 $0x4000, s31;
	s1 =	sadd.s32 s1, s30  }
0xbb: {  	s0 =	sor.u32 s3, s0;
	s1 =	sshll.u32 s1, $0x11  }
0xbc: {  	s0 =	sor.u32 s1, s0  }
0xbd: {  	s0 =	sadd.s32 $0x8F2B, s0  }
0xbe: {  	[sflag:s0] =	ssyncadd.remote.s32 $0x1  }
0xbf: {  	_ =	sfence.sel $0xFFFF  }
0xc0: {  	[dreg:$0x0] =	wrdreg $0xFFFFFFFF;
	(pc) =	sbr.abs _section_cstart, $3  }
0xc1: {  	[dreg:$0x1] =	wrdreg $0xFFFFFFFF  }
0xc2: {  	_ =	task.clear_ibuf [dreg:s8], $0x2FFFF;
	_ =	strace $0x9FFFFFFF  }
0xc3: {  	(tm) =	ssettm $0x7FFFFFFF  }
tec
execute0_lowered:
.L_overlay_start_1:
0x0: {  	(tag) =	ssettag $0x1  }
0x1: {  	s3 =	rddreg [dreg:$0x0]  }
0x2: {  	s4 =	rddreg [dreg:$0x1]  }
0x3: {  	s0 =	rddreg [dreg:$0x2];
	s2 =	simm.s32 $0x0  }
0x4: {  	s5 =	srdreg.scid;
	s1 =	stileid.u32;
	s10 =	simm.s32 $0x0  }
0x5: {  	[smem:$0x7FF] =	sst s2;
	s5 =	sand.u32 $0x1, s5;
	s6 =	sshll.u32 s1, $0x1  }
0x6: {  	s30 =	sshll.u32 s1, $0xE;
	_ =	strace $0x80000047;
	s7 =	ssub.s32 $0x2, s5  }
0x7: {  	s5 =	sor.u32 s5, s6;
	s6 =	sand.u32 $0x30000, s30;
	s8 =	sshrl.u32 s7, $0x1  }
0x8: {  	s9 =	sshll.u32 s5, $0x4;
	s5 =	sshll.u32 s5, $0xE;
	s4 =	sadd.s32 s4, s6  }
0x9: {  	s6 =	simm.s32 $0x1;
	s9 =	sand.u32 $0x70, s9;
	s31 =	ssub.s32 s7, s8  }
0xa: {  	s3 =	sadd.s32 s3, s5;
	s7 =	simm.s32 $0x2000;
	s8 =	simm.s32 $0x80  }
0xb: {  	v0 =	vimm.s32 $0x0;
	v1 =	vimm.s32 $0x1;
	s4 =	sadd.s32 s9, s4;
	s5 =	smax.u32 s31, $0x1;
	s9 =	simm.s32 $0x400  }
.LBB2_1:
0xc: {  	s11 =	simm.s32 $0x2040  }
0xd: {  	[tilespmem:s11+$0xFFFFFFC0] =	vst v0  }
0xe: {  	[tilespmem:s11+$0x30] =	vst v0  }
0xf: {  	[tilespmem:s11+$0x20] =	vst v0  }
0x10: {  	[tilespmem:s11+$0x10] =	vst v0  }
0x11: {  	[tilespmem:s11+$0x0] =	vst v0  }
0x12: {  	[tilespmem:s11+$0xFFFFFFF0] =	vst v0  }
0x13: {  	s12 =	simm.s32 $0x0;
	[tilespmem:s11+$0xFFFFFFE0] =	vst v0  }
.LBB2_2:
0x14: {  	s12 =	sadd.s32 $0x8, s12;
	[tilespmem:s11+$0xFFFFFFD0] =	vst v0;
	s11 =	sadd.s32 $0x80, s11  }
0x15: {  	[tilespmem:s11+$0xFFFFFFC0] =	vst v0;
	p0 =	slt.u32 s12, $0xFF8  }
0x16: {  	[tilespmem:s11+$0x30] =	vst v0  }
.Ltmp0:
0x17: {  	[tilespmem:s11+$0x20] =	vst v0;
	(pc) =	sbr.rel @p0 .LBB2_2-.Ltmp0, $4  }
0x18: {  	[tilespmem:s11+$0x10] =	vst v0  }
0x19: {  	[tilespmem:s11+$0x0] =	vst v0  }
0x1a: {  	[tilespmem:s11+$0xFFFFFFF0] =	vst v0  }
0x1b: {  	[tilespmem:s11+$0xFFFFFFE0] =	vst v0  }
0x1c: {  	[tilespmem:s11+$0xFFFFFFD0] =	vst v0;
	s11 =	simm.s32 $0x0  }
.LBB2_4:
0x1d: {  	s12 =	sshll.u32 s11, $0xA  }
0x1e: {  	s12 =	sadd.s32 s12, s3  }
0x1f: {  	[tilespmem:s2], [sflag:$0x1] =	stream.linear.gather [hbm4b:s12+s2], $0x2000, $0x38;
	[tilespmem:$0x12000] =	vst v63  }
0x20: {  	_ =	swait.ge [sflag:s6], $0x2000  }
0x21: {  	[sflag:s6] =	ssyncset.done $0x0  }
0x22: {  	s31 =	simm.s32 $0x40;
	[sflag:s6] =	ssyncadd.s32 $0xFFFFE000  }
0x23: {  	v2 =	vld [tilespmem:s31+$0x30]  }
0x24: {  	v3 =	vld [tilespmem:s31+$0xFFFFFFD0]  }
0x25: {  	v4 =	vld [tilespmem:s31+$0xFFFFFFE0]  }
0x26: {  	v5 =	vld [tilespmem:s31+$0xFFFFFFF0]  }
0x27: {  	v6 =	vld [tilespmem:s31+$0x0]  }
0x28: {  	v7 =	vld [tilespmem:s31+$0x10];
	v2 =	vshrl.u32 v2, $0x10  }
0x29: {  	v3 =	vshrl.u32 v3, $0x10  }
0x2a: {  	v4 =	vshrl.u32 v4, $0x10  }
0x2b: {  	v8 =	vld [tilespmem:s31+$0x20];
	v5 =	vshrl.u32 v5, $0x10  }
0x2c: {  	v9 =	vld [tilespmem:s31+$0xFFFFFFC0];
	v6 =	vshrl.u32 v6, $0x10  }
0x2d: {  	v7 =	vshrl.u32 v7, $0x10;
	[tilespmem:v2+s7+$0x0] =	vst.idx.add.s32.msk $0xffff, v1  }
0x2e: {  	[tilespmem:v3+s7+$0x0] =	vst.idx.add.s32.msk $0xffff, v1  }
0x2f: {  	[tilespmem:v4+s7+$0x0] =	vst.idx.add.s32.msk $0xffff, v1  }
0x30: {  	[tilespmem:v5+s7+$0x0] =	vst.idx.add.s32.msk $0xffff, v1  }
0x31: {  	[tilespmem:v6+s7+$0x0] =	vst.idx.add.s32.msk $0xffff, v1  }
0x32: {  	s13 =	simm.s32 $0xC0;
	s12 =	simm.s32 $0x0;
	v2 =	vshrl.u32 v8, $0x10;
	v3 =	vshrl.u32 v9, $0x10;
	[tilespmem:v7+s7+$0x0] =	vst.idx.add.s32.msk $0xffff, v1  }
.LBB2_5:
0x33: {  	v4 =	vld [tilespmem:s13+$0x30];
	s12 =	sadd.s32 $0x8, s12  }
0x34: {  	v5 =	vld [tilespmem:s13+$0xFFFFFFD0];
	p0 =	slt.u32 s12, $0x1F8  }
0x35: {  	v6 =	vld [tilespmem:s13+$0xFFFFFFE0]  }
0x36: {  	v7 =	vld [tilespmem:s13+$0xFFFFFFF0]  }
0x37: {  	v8 =	vld [tilespmem:s13+$0x0]  }
0x38: {  	v9 =	vld [tilespmem:s13+$0x10];
	v4 =	vshrl.u32 v4, $0x10  }
0x39: {  	v5 =	vshrl.u32 v5, $0x10;
	v10 =	vld [tilespmem:s13+$0x20]  }
0x3a: {  	v11 =	vld [tilespmem:s13+$0xFFFFFFC0];
	v6 =	vshrl.u32 v6, $0x10  }
0x3b: {  	v7 =	vshrl.u32 v7, $0x10;
	[tilespmem:v3+s7+$0x0] =	vst.idx.add.s32.msk $0xffff, v1  }
0x3c: {  	v8 =	vshrl.u32 v8, $0x10;
	[tilespmem:v2+s7+$0x0] =	vst.idx.add.s32.msk $0xffff, v1  }
0x3d: {  	v9 =	vshrl.u32 v9, $0x10;
	[tilespmem:v4+s7+$0x0] =	vst.idx.add.s32.msk $0xffff, v1  }
.Ltmp1:
0x3e: {  	[tilespmem:v5+s7+$0x0] =	vst.idx.add.s32.msk $0xffff, v1;
	v2 =	vshrl.u32 v10, $0x10;
	(pc) =	sbr.rel @p0 .LBB2_5-.Ltmp1, $4  }
0x3f: {  	v3 =	vshrl.u32 v11, $0x10;
	[tilespmem:v6+s7+$0x0] =	vst.idx.add.s32.msk $0xffff, v1  }
0x40: {  	[tilespmem:v7+s7+$0x0] =	vst.idx.add.s32.msk $0xffff, v1  }
0x41: {  	[tilespmem:v8+s7+$0x0] =	vst.idx.add.s32.msk $0xffff, v1  }
0x42: {  	s13 =	sadd.s32 $0x80, s13;
	[tilespmem:v9+s7+$0x0] =	vst.idx.add.s32.msk $0xffff, v1  }
0x43: {  	s11 =	sadd.s32 $0x1, s11  }
0x44: {  	p0 =	sne.s32 s11, $0x10  }
.Ltmp2:
0x45: {  	_ = 	snop;
	(pc) =	sbr.rel @p0 .LBB2_4-.Ltmp2, $3  }
0x46: {  	_ =	sdelay $0x1  }
0x47: {  	[tilespmem:v3+s7+$0x0] =	vst.idx.add.s32.msk $0xffff, v1  }
0x48: {  	[tilespmem:v2+s7+$0x0] =	vst.idx.add.s32.msk $0xffff, v1  }
0x49: {  	s10 =	sadd.s32 $0x1, s10  }
0x4a: {  	p0 =	sne.s32 s10, s5  }
.Ltmp3:
0x4b: {  	_ = 	snop;
	(pc) =	sbr.rel @p0 .LBB2_1-.Ltmp3, $4  }
0x4c: {  	[hbm4b:s4+s8] =	stream.strided.scatter [tilespmem:s7], [sflag:$0x1], $0x10000, s9, s8, $0x38;
	[tilespmem:$0x12000] =	vst v63  }
0x4d: {  	_ =	swait.ge [sflag:s6], $0x10000  }
0x4e: {  	[sflag:s6] =	ssyncset.done $0x0  }
0x4f: {  	[sflag:s6] =	ssyncadd.s32 $0xFFFF0000  }
0x50: {  	_ =	sfence.sel $0x180000  }
0x51: {  	[bflag:$0x0] =	sbarrier.arrive $0xFFFF  }
0x52: {  	p0 =	sne.s32 s1, $0x0;
	_ =	strace $0x90000047  }
0x53: {  	s0 =	sadd.s32 @!p0 $0x100000, s0;
	[bflag:$0x2] =	sbarrier.arrive $0xFFFF  }
0x54: {  	[sflag:s0] =	ssyncadd.tile.s32 @!p0 $0x1;
	_ =	shalt  }
.Lfunc_end2:
_tile_overlayer_lowered:
.L_overlay_start_2:
0x55: {  	(tag) =	ssettag $0x2  }
0x56: {  	s0 =	rddreg [dreg:$0x0];
	s2 =	stileid.u32  }
0x57: {  	s1 =	rddreg [dreg:$0x1];
	p0 =	sne.s32 s2, $0x0  }
0x58: {  	s3 =	rddreg [dreg:$0x2];
	[bflag:$0x3] =	sbarrier.arrive $0xFFFF;
	s2 =	simm.s32 @!p0 $0x1C01  }
0x59: {  	[timem:s3], [sflag:s2] =	dma.local @!p0 [hbm:s0], s1  }
0x5a: {  	s0 =	simm.s32 @!p0 $0x1  }
0x5b: {  	_ =	swait.ge @!p0 [sflag:s0], s1  }
0x5c: {  	s1 =	ssub.s32 @!p0 $0x0, s1;
	[sflag:s0] =	ssyncset.done @!p0 $0x0  }
0x5d: {  	[sflag:s0] =	ssyncadd.s32 @!p0 s1  }
0x5e: {  	[bflag:$0x3] =	sbarrier.arrive $0xFFFF  }
0x5f: {  	_ =	shalt  }

</sc_bundles>
